<compile_context>
chip_gen: v7x
topology: tpu7x:2x2x1
jax: 0.10.2.dev20260603
libtpu: 0.0.44.dev20260713+nightly
codegen_flags: <defaults>
</compile_context>

<pallas_src>
import functools

import jax
import jax.numpy as jnp
from jax import lax
from jax.experimental import pallas as pl
from jax.experimental.pallas import tpu as pltpu
from jax.experimental.pallas import tpu_sc as plsc

_N = 10000
_E = 320000
_D = 128
_B = 64
_C = 10

_NCORES = 2
_NSUB = 16
_NW = _NCORES * _NSUB

_NP = 10240
_CHUNK = 128
_CPT = 80
_IB = 40
_NIB = _CPT // _IB
_EP = _NW * _CPT * _CHUNK
_RPT = _NP // _NSUB

_BN = 256
_NBLK = _NP // _BN


def _sc_agg(with_deg):
    mesh = plsc.VectorSubcoreMesh(
        core_axis_name="c", subcore_axis_name="s",
        num_cores=_NCORES, num_subcores=_NSUB)

    def body(u_hbm, src_hbm, dst_hbm, *rest):
        if with_deg:
            (out_hbm, deg_hbm,
             srcv, dstv, rows, onesv, zb, agg, sdeg, sem0, sem1) = rest
        else:
            (out_hbm, srcv, dstv, rows, agg, sem0, sem1) = rest
        cid = lax.axis_index("c")
        sid = lax.axis_index("s")
        wid = cid * _NSUB + sid

        zero = jnp.zeros((16,), jnp.float32)

        def zrow(r, carry):
            for c in range(_D // 16):
                rows[0, r, c * 16:(c + 1) * 16] = zero
            return carry

        lax.fori_loop(0, _CHUNK, zrow, 0)
        base = sid * _RPT
        for k in range(_RPT // _CHUNK):
            pltpu.sync_copy(rows.at[0], agg.at[pl.ds(base + k * _CHUNK, _CHUNK)])
        if with_deg:
            def zdeg(i, carry):
                onesv[pl.ds(i * 16, 16)] = zero + 1.0
                return carry

            lax.fori_loop(0, _CHUNK // 16, zdeg, 0)

            def zdeg2(i, carry):
                zb[pl.ds(i * 16, 16)] = zero
                return carry

            lax.fori_loop(0, _RPT // 16, zdeg2, 0)
            pltpu.sync_copy(zb, sdeg.at[pl.ds(base, _RPT)])
        plsc.subcore_barrier()

        for ib in range(_NIB):
            pltpu.sync_copy(src_hbm.at[pl.ds(wid * _CPT + ib * _IB, _IB)],
                            srcv)
            pltpu.sync_copy(dst_hbm.at[pl.ds(wid * _CPT + ib * _IB, _IB)],
                            dstv)
            pltpu.async_copy(u_hbm.at[srcv.at[0]], rows.at[0], sem0)
            pltpu.async_copy(u_hbm.at[srcv.at[1]], rows.at[1], sem1)

            def step(j2, carry):
                a = 2 * j2
                pltpu.make_async_copy(
                    u_hbm.at[srcv.at[0]], rows.at[0], sem0).wait()
                pltpu.sync_copy(rows.at[0], agg.at[dstv.at[a]], add=True)
                if with_deg:
                    pltpu.sync_copy(onesv, sdeg.at[dstv.at[a]], add=True)
                na = jnp.minimum(a + 2, _IB - 1)
                pltpu.async_copy(u_hbm.at[srcv.at[na]], rows.at[0], sem0)
                b = a + 1
                pltpu.make_async_copy(
                    u_hbm.at[srcv.at[1]], rows.at[1], sem1).wait()
                pltpu.sync_copy(rows.at[1], agg.at[dstv.at[b]], add=True)
                if with_deg:
                    pltpu.sync_copy(onesv, sdeg.at[dstv.at[b]], add=True)
                nb = jnp.minimum(b + 2, _IB - 1)
                pltpu.async_copy(u_hbm.at[srcv.at[nb]], rows.at[1], sem1)
                return carry

            lax.fori_loop(0, _IB // 2, step, 0)
            pltpu.make_async_copy(u_hbm.at[srcv.at[0]], rows.at[0], sem0).wait()
            pltpu.make_async_copy(u_hbm.at[srcv.at[1]], rows.at[1], sem1).wait()
        plsc.subcore_barrier()

        pltpu.sync_copy(agg.at[pl.ds(base, _RPT)],
                        out_hbm.at[cid, pl.ds(base, _RPT)])
        if with_deg:
            pltpu.sync_copy(sdeg.at[pl.ds(base, _RPT)],
                            deg_hbm.at[cid, pl.ds(base, _RPT)])

    out_type = [jax.ShapeDtypeStruct((_NCORES, _NP, _D), jnp.float32)]
    scratch = [
        pltpu.VMEM((_IB, _CHUNK), jnp.int32),
        pltpu.VMEM((_IB, _CHUNK), jnp.int32),
        pltpu.VMEM((2, _CHUNK, _D), jnp.float32),
    ]
    if with_deg:
        out_type.append(jax.ShapeDtypeStruct((_NCORES, _NP), jnp.float32))
        scratch.append(pltpu.VMEM((_CHUNK,), jnp.float32))
        scratch.append(pltpu.VMEM((_RPT,), jnp.float32))
    scratch.append(pltpu.VMEM_SHARED((_NP, _D), jnp.float32))
    if with_deg:
        scratch.append(pltpu.VMEM_SHARED((_NP,), jnp.float32))
    scratch += [pltpu.SemaphoreType.DMA, pltpu.SemaphoreType.DMA]

    return pl.kernel(
        body,
        out_type=tuple(out_type) if with_deg else out_type[0],
        mesh=mesh,
        scratch_types=scratch,
    )



def _t0_body(x_ref, wl_ref, o_ref):
    o_ref[...] = jnp.dot(x_ref[...], wl_ref[...],
                         preferred_element_type=jnp.float32)


def _t1_body(s_ref, deg_ref, x_ref, wr_ref, b_ref, wl2_ref,
             h_ref, u_ref, dinv_ref):
    agg = s_ref[0] + s_ref[1]
    deg = deg_ref[0, 0] + deg_ref[1, 0]
    dinv = 1.0 / jnp.maximum(deg, 1.0)
    xr = jnp.dot(x_ref[...], wr_ref[...], preferred_element_type=jnp.float32)
    h = jnp.maximum(agg * dinv + xr + b_ref[...], 0.0)
    h_ref[...] = h
    u_ref[...] = jnp.dot(h, wl2_ref[...], preferred_element_type=jnp.float32)
    dinv_ref[...] = jnp.broadcast_to(dinv, (_BN, 16))


def _t2_body(s_ref, h_ref, dinv_ref, wr_ref, b_ref, wl3_ref, ho_ref, u_ref):
    s = s_ref[0] + s_ref[1]
    dinv = jnp.max(dinv_ref[...], axis=1, keepdims=True)
    hr = jnp.dot(h_ref[...], wr_ref[...], preferred_element_type=jnp.float32)
    h = jnp.maximum(s * dinv + hr + b_ref[...], 0.0)
    ho_ref[...] = h
    u_ref[...] = jnp.dot(h, wl3_ref[...], preferred_element_type=jnp.float32)


def _t3_body(s_ref, h_ref, dinv_ref, wr_ref, b_ref, brow_ref, bcol_ref,
             wa_ref, wb_ref, blin_ref, o_ref, gmax, gsum, gcnt):
    i = pl.program_id(0)
    nb = pl.num_programs(0)

    @pl.when(i == 0)
    def _init():
        gmax[...] = jnp.full((_B, 128), -jnp.inf, jnp.float32)
        gsum[...] = jnp.zeros((_B, 128), jnp.float32)
        gcnt[...] = jnp.zeros((_B, 128), jnp.float32)

    s = s_ref[0] + s_ref[1]
    dinv = jnp.max(dinv_ref[...], axis=1, keepdims=True)
    hr = jnp.dot(h_ref[...], wr_ref[...], preferred_element_type=jnp.float32)
    h3 = s * dinv + hr + b_ref[...]

    brow = brow_ref[0]
    onehot = (lax.broadcasted_iota(jnp.int32, (_B, _BN), 0)
              == brow).astype(jnp.float32)
    gsum[...] += jnp.dot(onehot, h3, preferred_element_type=jnp.float32)
    gcnt[...] += jnp.broadcast_to(
        jnp.sum(onehot, axis=1, keepdims=True), (_B, 128))

    bcol = bcol_ref[0]
    lo = jnp.min(bcol)
    hi = jnp.max(bcol)
    giota = lax.broadcasted_iota(jnp.int32, (_B, 1), 0)

    def upd(b, carry):
        m = bcol == b
        contrib = jnp.max(jnp.where(m, h3, -jnp.inf), axis=0, keepdims=True)
        sel = giota == b
        cur = gmax[...]
        gmax[...] = jnp.where(sel, jnp.maximum(cur, contrib), cur)
        return carry

    lax.fori_loop(lo, hi + 1, upd, 0)

    @pl.when(i == nb - 1)
    def _fin():
        mean = gsum[...] / jnp.maximum(gcnt[...], 1.0)
        o_ref[...] = (
            jnp.dot(gmax[...], wa_ref[...], preferred_element_type=jnp.float32)
            + jnp.dot(mean, wb_ref[...], preferred_element_type=jnp.float32)
            + blin_ref[...])


def _node_spec(w):
    return pl.BlockSpec((_BN, w), lambda i: (i, 0))


def _full_spec(shape):
    nd = len(shape)
    return pl.BlockSpec(shape, lambda i, _nd=nd: (0,) * _nd)


def _s_spec(w):
    return pl.BlockSpec((_NCORES, _BN, w), lambda i: (0, i, 0))


def kernel(x, edge_index, batch, Wl1, Wr1, b1, Wl2, Wr2, b2, Wl3, Wr3, b3,
           W_lin, b_lin):
    x_p = jnp.zeros((_NP, _D), jnp.float32).at[:_N].set(x)
    pad = _EP - _E
    pi = jnp.arange(pad, dtype=jnp.int32)
    src_rows = jnp.concatenate(
        [edge_index[0], pi % _N]).reshape(_NW * _CPT, _CHUNK)
    dst_rows = jnp.concatenate(
        [edge_index[1], _N + pi % (_NP - _N)]).reshape(_NW * _CPT, _CHUNK)
    batch_p = jnp.concatenate(
        [batch.astype(jnp.int32), jnp.full((_NP - _N,), _B, jnp.int32)])
    brow = batch_p.reshape(_NBLK, 1, _BN)
    bcol = batch_p.reshape(_NBLK, _BN, 1)
    b1r = b1.reshape(1, _D)
    b2r = b2.reshape(1, _D)
    b3r = b3.reshape(1, _D)
    blinr = b_lin.reshape(1, _C)
    wa = W_lin[:_D]
    wb = W_lin[_D:]

    u1 = pl.pallas_call(
        _t0_body,
        grid=(_NBLK,),
        in_specs=[_node_spec(_D), _full_spec((_D, _D))],
        out_specs=_node_spec(_D),
        out_shape=jax.ShapeDtypeStruct((_NP, _D), jnp.float32),
    )(x_p, Wl1)

    s1, deg = _sc_agg(True)(u1, src_rows, dst_rows)
    deg4 = deg.reshape(_NCORES, _NBLK, _BN, 1)

    h1, u2, dinv = pl.pallas_call(
        _t1_body,
        grid=(_NBLK,),
        in_specs=[_s_spec(_D),
                  pl.BlockSpec((_NCORES, 1, _BN, 1), lambda i: (0, i, 0, 0)),
                  _node_spec(_D), _full_spec((_D, _D)),
                  _full_spec((1, _D)), _full_spec((_D, _D))],
        out_specs=[_node_spec(_D), _node_spec(_D), _node_spec(16)],
        out_shape=[jax.ShapeDtypeStruct((_NP, _D), jnp.float32),
                   jax.ShapeDtypeStruct((_NP, _D), jnp.float32),
                   jax.ShapeDtypeStruct((_NP, 16), jnp.float32)],
    )(s1, deg4, x_p, Wr1, b1r, Wl2)

    s2 = _sc_agg(False)(u2, src_rows, dst_rows)

    h2, u3 = pl.pallas_call(
        _t2_body,
        grid=(_NBLK,),
        in_specs=[_s_spec(_D), _node_spec(_D), _node_spec(16),
                  _full_spec((_D, _D)), _full_spec((1, _D)),
                  _full_spec((_D, _D))],
        out_specs=[_node_spec(_D), _node_spec(_D)],
        out_shape=[jax.ShapeDtypeStruct((_NP, _D), jnp.float32),
                   jax.ShapeDtypeStruct((_NP, _D), jnp.float32)],
    )(s2, h1, dinv, Wr2, b2r, Wl3)

    s3 = _sc_agg(False)(u3, src_rows, dst_rows)

    out = pl.pallas_call(
        _t3_body,
        grid=(_NBLK,),
        in_specs=[_s_spec(_D), _node_spec(_D), _node_spec(16),
                  _full_spec((_D, _D)), _full_spec((1, _D)),
                  pl.BlockSpec((1, 1, _BN), lambda i: (i, 0, 0)),
                  pl.BlockSpec((1, _BN, 1), lambda i: (i, 0, 0)),
                  _full_spec((_D, _C)), _full_spec((_D, _C)),
                  _full_spec((1, _C))],
        out_specs=pl.BlockSpec((_B, _C), lambda i: (0, 0)),
        out_shape=jax.ShapeDtypeStruct((_B, _C), jnp.float32),
        scratch_shapes=[pltpu.VMEM((_B, 128), jnp.float32),
                        pltpu.VMEM((_B, 128), jnp.float32),
                        pltpu.VMEM((_B, 128), jnp.float32)],
    )(s3, h2, dinv, Wr3, b3r, brow, bcol, wa, wb, blinr)
    return out

# --- scband reference (transcript-rebuilt; emitter-appended) ---
"""Pipeline reference for scband-gcn-28922309771311 (READ-ONLY COPY).

The authoritative reference and input builder live on the scoring server;
editing this copy changes nothing except your own understanding.
"""

import jax, jax.numpy as jnp
import numpy as np

N = 10000
E = 320000
D = 128
H = 128
C = 10
B = 64


def setup_inputs(seed: int = 0) -> dict:
    key = jax.random.key(seed)
    ks = jax.random.split(key, 20)
    x = jax.random.normal(ks[0], (N, D), dtype=jnp.float32)
    edge_index = jax.random.randint(ks[1], (2, E), 0, N, dtype=jnp.int32)
    batch = jnp.sort(jax.random.randint(ks[2], (N,), 0, B, dtype=jnp.int32))
    def lin(k, fin, fout):
        kw, kb = jax.random.split(k)
        s = 1.0 / np.sqrt(fin)
        W = jax.random.uniform(kw, (fin, fout), jnp.float32, -s, s)
        b = jax.random.uniform(kb, (fout,), jnp.float32, -s, s)
        return W, b
    Wl1, b1 = lin(ks[3], D, H)
    Wr1, _ = lin(ks[4], D, H)
    Wl2, b2 = lin(ks[5], H, H)
    Wr2, _ = lin(ks[6], H, H)
    Wl3, b3 = lin(ks[7], H, H)
    Wr3, _ = lin(ks[8], H, H)
    W_lin, b_lin = lin(ks[9], 2 * H, C)
    return {"x": x, "edge_index": edge_index, "batch": batch,
            "Wl1": Wl1, "Wr1": Wr1, "b1": b1,
            "Wl2": Wl2, "Wr2": Wr2, "b2": b2,
            "Wl3": Wl3, "Wr3": Wr3, "b3": b3,
            "W_lin": W_lin, "b_lin": b_lin}


def _sage_conv(x, edge_index, Wl, Wr, b):
    # PyG SAGEConv with mean aggregation: lin_l(mean_{j->i} x_j) + lin_r(x_i)
    src = edge_index[0]
    dst = edge_index[1]
    msg = jnp.take(x, src, axis=0)
    agg = jax.ops.segment_sum(msg, dst, num_segments=N)
    deg = jax.ops.segment_sum(jnp.ones((edge_index.shape[1],), x.dtype), dst, num_segments=N)
    agg = agg / jnp.maximum(deg, 1.0)[:, None]
    return agg @ Wl + b + x @ Wr


def reference(x, edge_index, batch, Wl1, Wr1, b1, Wl2, Wr2, b2, Wl3, Wr3, b3, W_lin, b_lin):
    h = jax.nn.relu(_sage_conv(x, edge_index, Wl1, Wr1, b1))
    h = jax.nn.relu(_sage_conv(h, edge_index, Wl2, Wr2, b2))
    h = _sage_conv(h, edge_index, Wl3, Wr3, b3)
    h_max = jax.ops.segment_max(h, batch, num_segments=B)
    counts = jax.ops.segment_sum(jnp.ones((N,), h.dtype), batch, num_segments=B)
    h_mean = jax.ops.segment_sum(h, batch, num_segments=B) / jnp.maximum(counts, 1.0)[:, None]
    g = jnp.concatenate([h_max, h_mean], axis=1)
    # dropout p=0.5 is identity in eval mode
    return g @ W_lin + b_lin

if __name__ == "__main__":
    import jax
    _d = setup_inputs()
    print(jax.jit(kernel)(*tuple(_d.values())))

</pallas_src>

<mosaic_0001>
#map = affine_map<(d0, d1) -> (0, 0)>
#map1 = affine_map<(d0, d1) -> (0, 0, 0)>
module attributes {stable_mosaic.version = 14 : i64} {
  func.func @body(%arg0: i32, %arg1: i32, %arg2: memref<10240x128xf32, #tpu.memory_space<hbm>>, %arg3: memref<2560x128xi32, #tpu.memory_space<hbm>>, %arg4: memref<2560x128xi32, #tpu.memory_space<hbm>>, %arg5: memref<2x10240x128xf32, #tpu.memory_space<hbm>>, %arg6: memref<40x128xi32, #tpu.memory_space<vmem>>, %arg7: memref<40x128xi32, #tpu.memory_space<vmem>>, %arg8: memref<2x128x128xf32, #tpu.memory_space<vmem>>, %arg9: memref<10240x128xf32, #tpu.memory_space<vmem_shared>>, %arg10: memref<!tpu.dma_semaphore, #tpu.memory_space<semaphore_mem>>, %arg11: memref<!tpu.dma_semaphore, #tpu.memory_space<semaphore_mem>>) attributes {dimension_semantics = [#tpu.dimension_semantics<core_parallel>, #tpu.dimension_semantics<subcore_parallel>], iteration_bounds = array<i64: 2, 16>, scalar_prefetch = 0 : i64, scratch_operands = 6 : i64, tpu.core_type = #tpu.core_type<sc_vector_subcore>, window_params = [{transform_indices = #map}, {transform_indices = #map}, {transform_indices = #map}, {transform_indices = #map1}]} {
    %mul3A = arith.constant 16 : i32
    %mul3A_0 = arith.muli %arg0, %mul3A : i32
    %add3A = arith.addi %mul3A_0, %arg1 : i32
    %broadcast_in_dim3A = arith.constant 0.000000e+00 : f32
    %broadcast_in_dim3A_1 = vector.broadcast %broadcast_in_dim3A : f32 to vector<16xf32>
    %scan3A = arith.constant 0 : i32
    %scan3A_2 = arith.constant 0 : i32
    %scan3A_3 = arith.constant 128 : i32
    %scan3A_4 = arith.addi %scan3A_2, %scan3A_3 : i32
    %scan3A_5 = arith.constant 1 : i32
    scf.for %scan3A_146 = %scan3A_2 to %scan3A_4 step %scan3A_5  : i32 {
      %swap3A = arith.constant 0 : i32
      %swap3A_147 = arith.index_cast %swap3A : i32 to index
      %swap3A_148 = arith.index_cast %scan3A_146 : i32 to index
      %swap3A_149 = arith.constant 0 : index
      %swap3A_150 = tpu.vector_load %arg8[%swap3A_147, %swap3A_148, %swap3A_149] {strides = array<i32>} : memref<2x128x128xf32, #tpu.memory_space<vmem>>, vector<1x1x16xf32>,
      %swap3A_151 = vector.shape_cast %swap3A_150 : vector<1x1x16xf32> to vector<16xf32>
      %swap3A_152 = vector.shape_cast %broadcast_in_dim3A_1 : vector<16xf32> to vector<1x1x16xf32>
      tpu.vector_store %arg8[%swap3A_147, %swap3A_148, %swap3A_149], %swap3A_152 {strides = array<i32>} : memref<2x128x128xf32, #tpu.memory_space<vmem>>, vector<1x1x16xf32>,
      %swap3A_153 = arith.constant 0 : i32
      %swap3A_154 = arith.index_cast %swap3A_153 : i32 to index
      %swap3A_155 = arith.index_cast %scan3A_146 : i32 to index
      %swap3A_156 = arith.constant 16 : index
      %swap3A_157 = tpu.vector_load %arg8[%swap3A_154, %swap3A_155, %swap3A_156] {strides = array<i32>} : memref<2x128x128xf32, #tpu.memory_space<vmem>>, vector<1x1x16xf32>,
      %swap3A_158 = vector.shape_cast %swap3A_157 : vector<1x1x16xf32> to vector<16xf32>
      %swap3A_159 = vector.shape_cast %broadcast_in_dim3A_1 : vector<16xf32> to vector<1x1x16xf32>
      tpu.vector_store %arg8[%swap3A_154, %swap3A_155, %swap3A_156], %swap3A_159 {strides = array<i32>} : memref<2x128x128xf32, #tpu.memory_space<vmem>>, vector<1x1x16xf32>,
      %swap3A_160 = arith.constant 0 : i32
      %swap3A_161 = arith.index_cast %swap3A_160 : i32 to index
      %swap3A_162 = arith.index_cast %scan3A_146 : i32 to index
      %swap3A_163 = arith.constant 32 : index
      %swap3A_164 = tpu.vector_load %arg8[%swap3A_161, %swap3A_162, %swap3A_163] {strides = array<i32>} : memref<2x128x128xf32, #tpu.memory_space<vmem>>, vector<1x1x16xf32>,
      %swap3A_165 = vector.shape_cast %swap3A_164 : vector<1x1x16xf32> to vector<16xf32>
      %swap3A_166 = vector.shape_cast %broadcast_in_dim3A_1 : vector<16xf32> to vector<1x1x16xf32>
      tpu.vector_store %arg8[%swap3A_161, %swap3A_162, %swap3A_163], %swap3A_166 {strides = array<i32>} : memref<2x128x128xf32, #tpu.memory_space<vmem>>, vector<1x1x16xf32>,
      %swap3A_167 = arith.constant 0 : i32
      %swap3A_168 = arith.index_cast %swap3A_167 : i32 to index
      %swap3A_169 = arith.index_cast %scan3A_146 : i32 to index
      %swap3A_170 = arith.constant 48 : index
      %swap3A_171 = tpu.vector_load %arg8[%swap3A_168, %swap3A_169, %swap3A_170] {strides = array<i32>} : memref<2x128x128xf32, #tpu.memory_space<vmem>>, vector<1x1x16xf32>,
      %swap3A_172 = vector.shape_cast %swap3A_171 : vector<1x1x16xf32> to vector<16xf32>
      %swap3A_173 = vector.shape_cast %broadcast_in_dim3A_1 : vector<16xf32> to vector<1x1x16xf32>
      tpu.vector_store %arg8[%swap3A_168, %swap3A_169, %swap3A_170], %swap3A_173 {strides = array<i32>} : memref<2x128x128xf32, #tpu.memory_space<vmem>>, vector<1x1x16xf32>,
      %swap3A_174 = arith.constant 0 : i32
      %swap3A_175 = arith.index_cast %swap3A_174 : i32 to index
      %swap3A_176 = arith.index_cast %scan3A_146 : i32 to index
      %swap3A_177 = arith.constant 64 : index
      %swap3A_178 = tpu.vector_load %arg8[%swap3A_175, %swap3A_176, %swap3A_177] {strides = array<i32>} : memref<2x128x128xf32, #tpu.memory_space<vmem>>, vector<1x1x16xf32>,
      %swap3A_179 = vector.shape_cast %swap3A_178 : vector<1x1x16xf32> to vector<16xf32>
      %swap3A_180 = vector.shape_cast %broadcast_in_dim3A_1 : vector<16xf32> to vector<1x1x16xf32>
      tpu.vector_store %arg8[%swap3A_175, %swap3A_176, %swap3A_177], %swap3A_180 {strides = array<i32>} : memref<2x128x128xf32, #tpu.memory_space<vmem>>, vector<1x1x16xf32>,
      %swap3A_181 = arith.constant 0 : i32
      %swap3A_182 = arith.index_cast %swap3A_181 : i32 to index
      %swap3A_183 = arith.index_cast %scan3A_146 : i32 to index
      %swap3A_184 = arith.constant 80 : index
      %swap3A_185 = tpu.vector_load %arg8[%swap3A_182, %swap3A_183, %swap3A_184] {strides = array<i32>} : memref<2x128x128xf32, #tpu.memory_space<vmem>>, vector<1x1x16xf32>,
      %swap3A_186 = vector.shape_cast %swap3A_185 : vector<1x1x16xf32> to vector<16xf32>
      %swap3A_187 = vector.shape_cast %broadcast_in_dim3A_1 : vector<16xf32> to vector<1x1x16xf32>
      tpu.vector_store %arg8[%swap3A_182, %swap3A_183, %swap3A_184], %swap3A_187 {strides = array<i32>} : memref<2x128x128xf32, #tpu.memory_space<vmem>>, vector<1x1x16xf32>,
      %swap3A_188 = arith.constant 0 : i32
      %swap3A_189 = arith.index_cast %swap3A_188 : i32 to index
      %swap3A_190 = arith.index_cast %scan3A_146 : i32 to index
      %swap3A_191 = arith.constant 96 : index
      %swap3A_192 = tpu.vector_load %arg8[%swap3A_189, %swap3A_190, %swap3A_191] {strides = array<i32>} : memref<2x128x128xf32, #tpu.memory_space<vmem>>, vector<1x1x16xf32>,
      %swap3A_193 = vector.shape_cast %swap3A_192 : vector<1x1x16xf32> to vector<16xf32>
      %swap3A_194 = vector.shape_cast %broadcast_in_dim3A_1 : vector<16xf32> to vector<1x1x16xf32>
      tpu.vector_store %arg8[%swap3A_189, %swap3A_190, %swap3A_191], %swap3A_194 {strides = array<i32>} : memref<2x128x128xf32, #tpu.memory_space<vmem>>, vector<1x1x16xf32>,
      %swap3A_195 = arith.constant 0 : i32
      %swap3A_196 = arith.index_cast %swap3A_195 : i32 to index
      %swap3A_197 = arith.index_cast %scan3A_146 : i32 to index
      %swap3A_198 = arith.constant 112 : index
      %swap3A_199 = tpu.vector_load %arg8[%swap3A_196, %swap3A_197, %swap3A_198] {strides = array<i32>} : memref<2x128x128xf32, #tpu.memory_space<vmem>>, vector<1x1x16xf32>,
      %swap3A_200 = vector.shape_cast %swap3A_199 : vector<1x1x16xf32> to vector<16xf32>
      %swap3A_201 = vector.shape_cast %broadcast_in_dim3A_1 : vector<16xf32> to vector<1x1x16xf32>
      tpu.vector_store %arg8[%swap3A_196, %swap3A_197, %swap3A_198], %swap3A_201 {strides = array<i32>} : memref<2x128x128xf32, #tpu.memory_space<vmem>>, vector<1x1x16xf32>,
    }
    %scan3A_6 = arith.constant 128 : i32
    %mul3A_7 = arith.constant 640 : i32
    %mul3A_8 = arith.muli %arg1, %mul3A_7 : i32
    %add3A_9 = arith.constant 0 : i32
    %add3A_10 = arith.addi %mul3A_8, %add3A_9 : i32
    %run_scoped3A = arith.constant 0 : i32
    "tpu.region"() ({
      %run_scoped3A_146 = tpu.sem_alloc : memref<!tpu.dma_semaphore, #tpu.memory_space<semaphore_mem>>
      %dma_start3A_147 = arith.constant 0 : i32
      %dma_start3A_148 = arith.constant 0 : i32
      %dma_start3A_149 = tpu.memref_slice %arg8[%run_scoped3A, %dma_start3A_147, %dma_start3A_148] : memref<2x128x128xf32, #tpu.memory_space<vmem>> -> memref<1x128x128xf32, #tpu.memory_space<vmem>>
      %dma_start3A_150 = tpu.memref_squeeze %dma_start3A_149 : memref<1x128x128xf32, #tpu.memory_space<vmem>> -> memref<128x128xf32, #tpu.memory_space<vmem>>
      %dma_start3A_151 = arith.constant 0 : i32
      %dma_start3A_152 = tpu.memref_slice %arg9[%add3A_10, %dma_start3A_151] : memref<10240x128xf32, #tpu.memory_space<vmem_shared>> -> memref<128x128xf32, #tpu.memory_space<vmem_shared>>
      %dma_start3A_153 = arith.constant 0 : i32
      %dma_start3A_154 = tpu.memref_slice %arg9[%add3A_10, %dma_start3A_153] : memref<10240x128xf32, #tpu.memory_space<vmem_shared>> -> memref<128x128xf32, #tpu.memory_space<vmem_shared>>
      %dma_start3A_155 = arith.constant 0 : i32
      %dma_start3A_156 = arith.constant 0 : i32
      %dma_start3A_157 = tpu.memref_slice %arg8[%run_scoped3A, %dma_start3A_155, %dma_start3A_156] : memref<2x128x128xf32, #tpu.memory_space<vmem>> -> memref<1x128x128xf32, #tpu.memory_space<vmem>>
      %dma_start3A_158 = tpu.memref_squeeze %dma_start3A_157 : memref<1x128x128xf32, #tpu.memory_space<vmem>> -> memref<128x128xf32, #tpu.memory_space<vmem>>
      tpu.enqueue_dma source(%dma_start3A_158 : memref<128x128xf32, #tpu.memory_space<vmem>>) target(%dma_start3A_154 : memref<128x128xf32, #tpu.memory_space<vmem_shared>>) target_semaphore(%run_scoped3A_146 : memref<!tpu.dma_semaphore, #tpu.memory_space<semaphore_mem>>)
      %dma_wait3A_159 = arith.constant 0 : i32
      %dma_wait3A_160 = arith.constant 0 : i32
      %dma_wait3A_161 = tpu.memref_slice %arg8[%run_scoped3A, %dma_wait3A_159, %dma_wait3A_160] : memref<2x128x128xf32, #tpu.memory_space<vmem>> -> memref<1x128x128xf32, #tpu.memory_space<vmem>>
      %dma_wait3A_162 = tpu.memref_squeeze %dma_wait3A_161 : memref<1x128x128xf32, #tpu.memory_space<vmem>> -> memref<128x128xf32, #tpu.memory_space<vmem>>
      %dma_wait3A_163 = arith.constant 0 : i32
      %dma_wait3A_164 = tpu.memref_slice %arg9[%add3A_10, %dma_wait3A_163] : memref<10240x128xf32, #tpu.memory_space<vmem_shared>> -> memref<128x128xf32, #tpu.memory_space<vmem_shared>>
      %dma_wait3A_165 = arith.constant 0 : i32
      %dma_wait3A_166 = tpu.memref_slice %arg9[%add3A_10, %dma_wait3A_165] : memref<10240x128xf32, #tpu.memory_space<vmem_shared>> -> memref<128x128xf32, #tpu.memory_space<vmem_shared>>
      %dma_wait3A_167 = arith.constant 0 : i32
      %dma_wait3A_168 = arith.constant 0 : i32
      %dma_wait3A_169 = tpu.memref_slice %arg8[%run_scoped3A, %dma_wait3A_167, %dma_wait3A_168] : memref<2x128x128xf32, #tpu.memory_space<vmem>> -> memref<1x128x128xf32, #tpu.memory_space<vmem>>
      %dma_wait3A_170 = tpu.memref_squeeze %dma_wait3A_169 : memref<1x128x128xf32, #tpu.memory_space<vmem>> -> memref<128x128xf32, #tpu.memory_space<vmem>>
      tpu.wait_dma2 semaphore(%run_scoped3A_146 : memref<!tpu.dma_semaphore, #tpu.memory_space<semaphore_mem>>) src(%dma_wait3A_170 : memref<128x128xf32, #tpu.memory_space<vmem>>) dst(%dma_wait3A_166 : memref<128x128xf32, #tpu.memory_space<vmem_shared>>)
      tpu.yield
    }) : () -> ()
    %add3A_11 = arith.constant 128 : i32
    %add3A_12 = arith.addi %mul3A_8, %add3A_11 : i32
    %run_scoped3A_13 = arith.constant 0 : i32
    "tpu.region"() ({
      %run_scoped3A_146 = tpu.sem_alloc : memref<!tpu.dma_semaphore, #tpu.memory_space<semaphore_mem>>
      %dma_start3A_147 = arith.constant 0 : i32
      %dma_start3A_148 = arith.constant 0 : i32
      %dma_start3A_149 = tpu.memref_slice %arg8[%run_scoped3A_13, %dma_start3A_147, %dma_start3A_148] : memref<2x128x128xf32, #tpu.memory_space<vmem>> -> memref<1x128x128xf32, #tpu.memory_space<vmem>>
      %dma_start3A_150 = tpu.memref_squeeze %dma_start3A_149 : memref<1x128x128xf32, #tpu.memory_space<vmem>> -> memref<128x128xf32, #tpu.memory_space<vmem>>
      %dma_start3A_151 = arith.constant 0 : i32
      %dma_start3A_152 = tpu.memref_slice %arg9[%add3A_12, %dma_start3A_151] : memref<10240x128xf32, #tpu.memory_space<vmem_shared>> -> memref<128x128xf32, #tpu.memory_space<vmem_shared>>
      %dma_start3A_153 = arith.constant 0 : i32
      %dma_start3A_154 = tpu.memref_slice %arg9[%add3A_12, %dma_start3A_153] : memref<10240x128xf32, #tpu.memory_space<vmem_shared>> -> memref<128x128xf32, #tpu.memory_space<vmem_shared>>
      %dma_start3A_155 = arith.constant 0 : i32
      %dma_start3A_156 = arith.constant 0 : i32
      %dma_start3A_157 = tpu.memref_slice %arg8[%run_scoped3A_13, %dma_start3A_155, %dma_start3A_156] : memref<2x128x128xf32, #tpu.memory_space<vmem>> -> memref<1x128x128xf32, #tpu.memory_space<vmem>>
      %dma_start3A_158 = tpu.memref_squeeze %dma_start3A_157 : memref<1x128x128xf32, #tpu.memory_space<vmem>> -> memref<128x128xf32, #tpu.memory_space<vmem>>
      tpu.enqueue_dma source(%dma_start3A_158 : memref<128x128xf32, #tpu.memory_space<vmem>>) target(%dma_start3A_154 : memref<128x128xf32, #tpu.memory_space<vmem_shared>>) target_semaphore(%run_scoped3A_146 : memref<!tpu.dma_semaphore, #tpu.memory_space<semaphore_mem>>)
      %dma_wait3A_159 = arith.constant 0 : i32
      %dma_wait3A_160 = arith.constant 0 : i32
      %dma_wait3A_161 = tpu.memref_slice %arg8[%run_scoped3A_13, %dma_wait3A_159, %dma_wait3A_160] : memref<2x128x128xf32, #tpu.memory_space<vmem>> -> memref<1x128x128xf32, #tpu.memory_space<vmem>>
      %dma_wait3A_162 = tpu.memref_squeeze %dma_wait3A_161 : memref<1x128x128xf32, #tpu.memory_space<vmem>> -> memref<128x128xf32, #tpu.memory_space<vmem>>
      %dma_wait3A_163 = arith.constant 0 : i32
      %dma_wait3A_164 = tpu.memref_slice %arg9[%add3A_12, %dma_wait3A_163] : memref<10240x128xf32, #tpu.memory_space<vmem_shared>> -> memref<128x128xf32, #tpu.memory_space<vmem_shared>>
      %dma_wait3A_165 = arith.constant 0 : i32
      %dma_wait3A_166 = tpu.memref_slice %arg9[%add3A_12, %dma_wait3A_165] : memref<10240x128xf32, #tpu.memory_space<vmem_shared>> -> memref<128x128xf32, #tpu.memory_space<vmem_shared>>
      %dma_wait3A_167 = arith.constant 0 : i32
      %dma_wait3A_168 = arith.constant 0 : i32
      %dma_wait3A_169 = tpu.memref_slice %arg8[%run_scoped3A_13, %dma_wait3A_167, %dma_wait3A_168] : memref<2x128x128xf32, #tpu.memory_space<vmem>> -> memref<1x128x128xf32, #tpu.memory_space<vmem>>
      %dma_wait3A_170 = tpu.memref_squeeze %dma_wait3A_169 : memref<1x128x128xf32, #tpu.memory_space<vmem>> -> memref<128x128xf32, #tpu.memory_space<vmem>>
      tpu.wait_dma2 semaphore(%run_scoped3A_146 : memref<!tpu.dma_semaphore, #tpu.memory_space<semaphore_mem>>) src(%dma_wait3A_170 : memref<128x128xf32, #tpu.memory_space<vmem>>) dst(%dma_wait3A_166 : memref<128x128xf32, #tpu.memory_space<vmem_shared>>)
      tpu.yield
    }) : () -> ()
    %add3A_14 = arith.constant 256 : i32
    %add3A_15 = arith.addi %mul3A_8, %add3A_14 : i32
    %run_scoped3A_16 = arith.constant 0 : i32
    "tpu.region"() ({
      %run_scoped3A_146 = tpu.sem_alloc : memref<!tpu.dma_semaphore, #tpu.memory_space<semaphore_mem>>
      %dma_start3A_147 = arith.constant 0 : i32
      %dma_start3A_148 = arith.constant 0 : i32
      %dma_start3A_149 = tpu.memref_slice %arg8[%run_scoped3A_16, %dma_start3A_147, %dma_start3A_148] : memref<2x128x128xf32, #tpu.memory_space<vmem>> -> memref<1x128x128xf32, #tpu.memory_space<vmem>>
      %dma_start3A_150 = tpu.memref_squeeze %dma_start3A_149 : memref<1x128x128xf32, #tpu.memory_space<vmem>> -> memref<128x128xf32, #tpu.memory_space<vmem>>
      %dma_start3A_151 = arith.constant 0 : i32
      %dma_start3A_152 = tpu.memref_slice %arg9[%add3A_15, %dma_start3A_151] : memref<10240x128xf32, #tpu.memory_space<vmem_shared>> -> memref<128x128xf32, #tpu.memory_space<vmem_shared>>
      %dma_start3A_153 = arith.constant 0 : i32
      %dma_start3A_154 = tpu.memref_slice %arg9[%add3A_15, %dma_start3A_153] : memref<10240x128xf32, #tpu.memory_space<vmem_shared>> -> memref<128x128xf32, #tpu.memory_space<vmem_shared>>
      %dma_start3A_155 = arith.constant 0 : i32
      %dma_start3A_156 = arith.constant 0 : i32
      %dma_start3A_157 = tpu.memref_slice %arg8[%run_scoped3A_16, %dma_start3A_155, %dma_start3A_156] : memref<2x128x128xf32, #tpu.memory_space<vmem>> -> memref<1x128x128xf32, #tpu.memory_space<vmem>>
      %dma_start3A_158 = tpu.memref_squeeze %dma_start3A_157 : memref<1x128x128xf32, #tpu.memory_space<vmem>> -> memref<128x128xf32, #tpu.memory_space<vmem>>
      tpu.enqueue_dma source(%dma_start3A_158 : memref<128x128xf32, #tpu.memory_space<vmem>>) target(%dma_start3A_154 : memref<128x128xf32, #tpu.memory_space<vmem_shared>>) target_semaphore(%run_scoped3A_146 : memref<!tpu.dma_semaphore, #tpu.memory_space<semaphore_mem>>)
      %dma_wait3A_159 = arith.constant 0 : i32
      %dma_wait3A_160 = arith.constant 0 : i32
      %dma_wait3A_161 = tpu.memref_slice %arg8[%run_scoped3A_16, %dma_wait3A_159, %dma_wait3A_160] : memref<2x128x128xf32, #tpu.memory_space<vmem>> -> memref<1x128x128xf32, #tpu.memory_space<vmem>>
      %dma_wait3A_162 = tpu.memref_squeeze %dma_wait3A_161 : memref<1x128x128xf32, #tpu.memory_space<vmem>> -> memref<128x128xf32, #tpu.memory_space<vmem>>
      %dma_wait3A_163 = arith.constant 0 : i32
      %dma_wait3A_164 = tpu.memref_slice %arg9[%add3A_15, %dma_wait3A_163] : memref<10240x128xf32, #tpu.memory_space<vmem_shared>> -> memref<128x128xf32, #tpu.memory_space<vmem_shared>>
      %dma_wait3A_165 = arith.constant 0 : i32
      %dma_wait3A_166 = tpu.memref_slice %arg9[%add3A_15, %dma_wait3A_165] : memref<10240x128xf32, #tpu.memory_space<vmem_shared>> -> memref<128x128xf32, #tpu.memory_space<vmem_shared>>
      %dma_wait3A_167 = arith.constant 0 : i32
      %dma_wait3A_168 = arith.constant 0 : i32
      %dma_wait3A_169 = tpu.memref_slice %arg8[%run_scoped3A_16, %dma_wait3A_167, %dma_wait3A_168] : memref<2x128x128xf32, #tpu.memory_space<vmem>> -> memref<1x128x128xf32, #tpu.memory_space<vmem>>
      %dma_wait3A_170 = tpu.memref_squeeze %dma_wait3A_169 : memref<1x128x128xf32, #tpu.memory_space<vmem>> -> memref<128x128xf32, #tpu.memory_space<vmem>>
      tpu.wait_dma2 semaphore(%run_scoped3A_146 : memref<!tpu.dma_semaphore, #tpu.memory_space<semaphore_mem>>) src(%dma_wait3A_170 : memref<128x128xf32, #tpu.memory_space<vmem>>) dst(%dma_wait3A_166 : memref<128x128xf32, #tpu.memory_space<vmem_shared>>)
      tpu.yield
    }) : () -> ()
    %add3A_17 = arith.constant 384 : i32
    %add3A_18 = arith.addi %mul3A_8, %add3A_17 : i32
    %run_scoped3A_19 = arith.constant 0 : i32
    "tpu.region"() ({
      %run_scoped3A_146 = tpu.sem_alloc : memref<!tpu.dma_semaphore, #tpu.memory_space<semaphore_mem>>
      %dma_start3A_147 = arith.constant 0 : i32
      %dma_start3A_148 = arith.constant 0 : i32
      %dma_start3A_149 = tpu.memref_slice %arg8[%run_scoped3A_19, %dma_start3A_147, %dma_start3A_148] : memref<2x128x128xf32, #tpu.memory_space<vmem>> -> memref<1x128x128xf32, #tpu.memory_space<vmem>>
      %dma_start3A_150 = tpu.memref_squeeze %dma_start3A_149 : memref<1x128x128xf32, #tpu.memory_space<vmem>> -> memref<128x128xf32, #tpu.memory_space<vmem>>
      %dma_start3A_151 = arith.constant 0 : i32
      %dma_start3A_152 = tpu.memref_slice %arg9[%add3A_18, %dma_start3A_151] : memref<10240x128xf32, #tpu.memory_space<vmem_shared>> -> memref<128x128xf32, #tpu.memory_space<vmem_shared>>
      %dma_start3A_153 = arith.constant 0 : i32
      %dma_start3A_154 = tpu.memref_slice %arg9[%add3A_18, %dma_start3A_153] : memref<10240x128xf32, #tpu.memory_space<vmem_shared>> -> memref<128x128xf32, #tpu.memory_space<vmem_shared>>
      %dma_start3A_155 = arith.constant 0 : i32
      %dma_start3A_156 = arith.constant 0 : i32
      %dma_start3A_157 = tpu.memref_slice %arg8[%run_scoped3A_19, %dma_start3A_155, %dma_start3A_156] : memref<2x128x128xf32, #tpu.memory_space<vmem>> -> memref<1x128x128xf32, #tpu.memory_space<vmem>>
      %dma_start3A_158 = tpu.memref_squeeze %dma_start3A_157 : memref<1x128x128xf32, #tpu.memory_space<vmem>> -> memref<128x128xf32, #tpu.memory_space<vmem>>
      tpu.enqueue_dma source(%dma_start3A_158 : memref<128x128xf32, #tpu.memory_space<vmem>>) target(%dma_start3A_154 : memref<128x128xf32, #tpu.memory_space<vmem_shared>>) target_semaphore(%run_scoped3A_146 : memref<!tpu.dma_semaphore, #tpu.memory_space<semaphore_mem>>)
      %dma_wait3A_159 = arith.constant 0 : i32
      %dma_wait3A_160 = arith.constant 0 : i32
      %dma_wait3A_161 = tpu.memref_slice %arg8[%run_scoped3A_19, %dma_wait3A_159, %dma_wait3A_160] : memref<2x128x128xf32, #tpu.memory_space<vmem>> -> memref<1x128x128xf32, #tpu.memory_space<vmem>>
      %dma_wait3A_162 = tpu.memref_squeeze %dma_wait3A_161 : memref<1x128x128xf32, #tpu.memory_space<vmem>> -> memref<128x128xf32, #tpu.memory_space<vmem>>
      %dma_wait3A_163 = arith.constant 0 : i32
      %dma_wait3A_164 = tpu.memref_slice %arg9[%add3A_18, %dma_wait3A_163] : memref<10240x128xf32, #tpu.memory_space<vmem_shared>> -> memref<128x128xf32, #tpu.memory_space<vmem_shared>>
      %dma_wait3A_165 = arith.constant 0 : i32
      %dma_wait3A_166 = tpu.memref_slice %arg9[%add3A_18, %dma_wait3A_165] : memref<10240x128xf32, #tpu.memory_space<vmem_shared>> -> memref<128x128xf32, #tpu.memory_space<vmem_shared>>
      %dma_wait3A_167 = arith.constant 0 : i32
      %dma_wait3A_168 = arith.constant 0 : i32
      %dma_wait3A_169 = tpu.memref_slice %arg8[%run_scoped3A_19, %dma_wait3A_167, %dma_wait3A_168] : memref<2x128x128xf32, #tpu.memory_space<vmem>> -> memref<1x128x128xf32, #tpu.memory_space<vmem>>
      %dma_wait3A_170 = tpu.memref_squeeze %dma_wait3A_169 : memref<1x128x128xf32, #tpu.memory_space<vmem>> -> memref<128x128xf32, #tpu.memory_space<vmem>>
      tpu.wait_dma2 semaphore(%run_scoped3A_146 : memref<!tpu.dma_semaphore, #tpu.memory_space<semaphore_mem>>) src(%dma_wait3A_170 : memref<128x128xf32, #tpu.memory_space<vmem>>) dst(%dma_wait3A_166 : memref<128x128xf32, #tpu.memory_space<vmem_shared>>)
      tpu.yield
    }) : () -> ()
    %add3A_20 = arith.constant 512 : i32
    %add3A_21 = arith.addi %mul3A_8, %add3A_20 : i32
    %run_scoped3A_22 = arith.constant 0 : i32
    "tpu.region"() ({
      %run_scoped3A_146 = tpu.sem_alloc : memref<!tpu.dma_semaphore, #tpu.memory_space<semaphore_mem>>
      %dma_start3A_147 = arith.constant 0 : i32
      %dma_start3A_148 = arith.constant 0 : i32
      %dma_start3A_149 = tpu.memref_slice %arg8[%run_scoped3A_22, %dma_start3A_147, %dma_start3A_148] : memref<2x128x128xf32, #tpu.memory_space<vmem>> -> memref<1x128x128xf32, #tpu.memory_space<vmem>>
      %dma_start3A_150 = tpu.memref_squeeze %dma_start3A_149 : memref<1x128x128xf32, #tpu.memory_space<vmem>> -> memref<128x128xf32, #tpu.memory_space<vmem>>
      %dma_start3A_151 = arith.constant 0 : i32
      %dma_start3A_152 = tpu.memref_slice %arg9[%add3A_21, %dma_start3A_151] : memref<10240x128xf32, #tpu.memory_space<vmem_shared>> -> memref<128x128xf32, #tpu.memory_space<vmem_shared>>
      %dma_start3A_153 = arith.constant 0 : i32
      %dma_start3A_154 = tpu.memref_slice %arg9[%add3A_21, %dma_start3A_153] : memref<10240x128xf32, #tpu.memory_space<vmem_shared>> -> memref<128x128xf32, #tpu.memory_space<vmem_shared>>
      %dma_start3A_155 = arith.constant 0 : i32
      %dma_start3A_156 = arith.constant 0 : i32
      %dma_start3A_157 = tpu.memref_slice %arg8[%run_scoped3A_22, %dma_start3A_155, %dma_start3A_156] : memref<2x128x128xf32, #tpu.memory_space<vmem>> -> memref<1x128x128xf32, #tpu.memory_space<vmem>>
      %dma_start3A_158 = tpu.memref_squeeze %dma_start3A_157 : memref<1x128x128xf32, #tpu.memory_space<vmem>> -> memref<128x128xf32, #tpu.memory_space<vmem>>
      tpu.enqueue_dma source(%dma_start3A_158 : memref<128x128xf32, #tpu.memory_space<vmem>>) target(%dma_start3A_154 : memref<128x128xf32, #tpu.memory_space<vmem_shared>>) target_semaphore(%run_scoped3A_146 : memref<!tpu.dma_semaphore, #tpu.memory_space<semaphore_mem>>)
      %dma_wait3A_159 = arith.constant 0 : i32
      %dma_wait3A_160 = arith.constant 0 : i32
      %dma_wait3A_161 = tpu.memref_slice %arg8[%run_scoped3A_22, %dma_wait3A_159, %dma_wait3A_160] : memref<2x128x128xf32, #tpu.memory_space<vmem>> -> memref<1x128x128xf32, #tpu.memory_space<vmem>>
      %dma_wait3A_162 = tpu.memref_squeeze %dma_wait3A_161 : memref<1x128x128xf32, #tpu.memory_space<vmem>> -> memref<128x128xf32, #tpu.memory_space<vmem>>
      %dma_wait3A_163 = arith.constant 0 : i32
      %dma_wait3A_164 = tpu.memref_slice %arg9[%add3A_21, %dma_wait3A_163] : memref<10240x128xf32, #tpu.memory_space<vmem_shared>> -> memref<128x128xf32, #tpu.memory_space<vmem_shared>>
      %dma_wait3A_165 = arith.constant 0 : i32
      %dma_wait3A_166 = tpu.memref_slice %arg9[%add3A_21, %dma_wait3A_165] : memref<10240x128xf32, #tpu.memory_space<vmem_shared>> -> memref<128x128xf32, #tpu.memory_space<vmem_shared>>
      %dma_wait3A_167 = arith.constant 0 : i32
      %dma_wait3A_168 = arith.constant 0 : i32
      %dma_wait3A_169 = tpu.memref_slice %arg8[%run_scoped3A_22, %dma_wait3A_167, %dma_wait3A_168] : memref<2x128x128xf32, #tpu.memory_space<vmem>> -> memref<1x128x128xf32, #tpu.memory_space<vmem>>
      %dma_wait3A_170 = tpu.memref_squeeze %dma_wait3A_169 : memref<1x128x128xf32, #tpu.memory_space<vmem>> -> memref<128x128xf32, #tpu.memory_space<vmem>>
      tpu.wait_dma2 semaphore(%run_scoped3A_146 : memref<!tpu.dma_semaphore, #tpu.memory_space<semaphore_mem>>) src(%dma_wait3A_170 : memref<128x128xf32, #tpu.memory_space<vmem>>) dst(%dma_wait3A_166 : memref<128x128xf32, #tpu.memory_space<vmem_shared>>)
      tpu.yield
    }) : () -> ()
    %barrier3A = arith.constant 0 : index
    tpu.barrier barrier_id(%barrier3A)
    %mul3A_23 = arith.constant 80 : i32
    %mul3A_24 = arith.muli %add3A, %mul3A_23 : i32
    %add3A_25 = arith.constant 0 : i32
    %add3A_26 = arith.addi %mul3A_24, %add3A_25 : i32
    "tpu.region"() ({
      %run_scoped3A_146 = tpu.sem_alloc : memref<!tpu.dma_semaphore, #tpu.memory_space<semaphore_mem>>
      %dma_start3A_147 = arith.constant 0 : i32
      %dma_start3A_148 = tpu.memref_slice %arg3[%add3A_26, %dma_start3A_147] : memref<2560x128xi32, #tpu.memory_space<hbm>> -> memref<40x128xi32, #tpu.memory_space<hbm>>
      %dma_start3A_149 = arith.constant 0 : i32
      %dma_start3A_150 = tpu.memref_slice %arg3[%add3A_26, %dma_start3A_149] : memref<2560x128xi32, #tpu.memory_space<hbm>> -> memref<40x128xi32, #tpu.memory_space<hbm>>
      tpu.enqueue_dma source(%dma_start3A_150 : memref<40x128xi32, #tpu.memory_space<hbm>>) target(%arg6 : memref<40x128xi32, #tpu.memory_space<vmem>>) target_semaphore(%run_scoped3A_146 : memref<!tpu.dma_semaphore, #tpu.memory_space<semaphore_mem>>)
      %dma_wait3A_151 = arith.constant 0 : i32
      %dma_wait3A_152 = tpu.memref_slice %arg3[%add3A_26, %dma_wait3A_151] : memref<2560x128xi32, #tpu.memory_space<hbm>> -> memref<40x128xi32, #tpu.memory_space<hbm>>
      %dma_wait3A_153 = arith.constant 0 : i32
      %dma_wait3A_154 = tpu.memref_slice %arg3[%add3A_26, %dma_wait3A_153] : memref<2560x128xi32, #tpu.memory_space<hbm>> -> memref<40x128xi32, #tpu.memory_space<hbm>>
      tpu.wait_dma2 semaphore(%run_scoped3A_146 : memref<!tpu.dma_semaphore, #tpu.memory_space<semaphore_mem>>) src(%dma_wait3A_154 : memref<40x128xi32, #tpu.memory_space<hbm>>) dst(%arg6 : memref<40x128xi32, #tpu.memory_space<vmem>>)
      tpu.yield
    }) : () -> ()
    %mul3A_27 = arith.constant 80 : i32
    %mul3A_28 = arith.muli %add3A, %mul3A_27 : i32
    %add3A_29 = arith.constant 0 : i32
    %add3A_30 = arith.addi %mul3A_28, %add3A_29 : i32
    "tpu.region"() ({
      %run_scoped3A_146 = tpu.sem_alloc : memref<!tpu.dma_semaphore, #tpu.memory_space<semaphore_mem>>
      %dma_start3A_147 = arith.constant 0 : i32
      %dma_start3A_148 = tpu.memref_slice %arg4[%add3A_30, %dma_start3A_147] : memref<2560x128xi32, #tpu.memory_space<hbm>> -> memref<40x128xi32, #tpu.memory_space<hbm>>
      %dma_start3A_149 = arith.constant 0 : i32
      %dma_start3A_150 = tpu.memref_slice %arg4[%add3A_30, %dma_start3A_149] : memref<2560x128xi32, #tpu.memory_space<hbm>> -> memref<40x128xi32, #tpu.memory_space<hbm>>
      tpu.enqueue_dma source(%dma_start3A_150 : memref<40x128xi32, #tpu.memory_space<hbm>>) target(%arg7 : memref<40x128xi32, #tpu.memory_space<vmem>>) target_semaphore(%run_scoped3A_146 : memref<!tpu.dma_semaphore, #tpu.memory_space<semaphore_mem>>)
      %dma_wait3A_151 = arith.constant 0 : i32
      %dma_wait3A_152 = tpu.memref_slice %arg4[%add3A_30, %dma_wait3A_151] : memref<2560x128xi32, #tpu.memory_space<hbm>> -> memref<40x128xi32, #tpu.memory_space<hbm>>
      %dma_wait3A_153 = arith.constant 0 : i32
      %dma_wait3A_154 = tpu.memref_slice %arg4[%add3A_30, %dma_wait3A_153] : memref<2560x128xi32, #tpu.memory_space<hbm>> -> memref<40x128xi32, #tpu.memory_space<hbm>>
      tpu.wait_dma2 semaphore(%run_scoped3A_146 : memref<!tpu.dma_semaphore, #tpu.memory_space<semaphore_mem>>) src(%dma_wait3A_154 : memref<40x128xi32, #tpu.memory_space<hbm>>) dst(%arg7 : memref<40x128xi32, #tpu.memory_space<vmem>>)
      tpu.yield
    }) : () -> ()
    %dma_start3A = arith.constant 0 : i32
    %dma_start3A_31 = arith.constant 0 : i32
    %dma_start3A_32 = arith.constant 0 : i32
    %dma_start3A_33 = arith.constant 0 : i32
    %dma_start3A_34 = tpu.memref_slice %arg8[%dma_start3A_31, %dma_start3A_32, %dma_start3A_33] : memref<2x128x128xf32, #tpu.memory_space<vmem>> -> memref<1x128x128xf32, #tpu.memory_space<vmem>>
    %dma_start3A_35 = tpu.memref_squeeze %dma_start3A_34 : memref<1x128x128xf32, #tpu.memory_space<vmem>> -> memref<128x128xf32, #tpu.memory_space<vmem>>
    %dma_start3A_36 = arith.constant 0 : i32
    %dma_start3A_37 = tpu.memref_slice %arg6[%dma_start3A, %dma_start3A_36] : memref<40x128xi32, #tpu.memory_space<vmem>> -> memref<1x128xi32, #tpu.memory_space<vmem>>
    %dma_start3A_38 = tpu.memref_squeeze %dma_start3A_37 : memref<1x128xi32, #tpu.memory_space<vmem>> -> memref<128xi32, #tpu.memory_space<vmem>>
    %dma_start3A_39 = arith.constant 0 : i32
    %dma_start3A_40 = arith.constant 0 : i32
    %dma_start3A_41 = tpu.memref_slice %arg2[%dma_start3A_39, %dma_start3A_40] : memref<10240x128xf32, #tpu.memory_space<hbm>> -> memref<10240x128xf32, #tpu.memory_space<hbm>>
    tpu.enqueue_indirect_dma source(%dma_start3A_41 : memref<10240x128xf32, #tpu.memory_space<hbm>>) target(%dma_start3A_35 : memref<128x128xf32, #tpu.memory_space<vmem>>) offsets(%dma_start3A_38 : memref<128xi32, #tpu.memory_space<vmem>>) semaphore(%arg10 : memref<!tpu.dma_semaphore, #tpu.memory_space<semaphore_mem>>)
    %dma_start3A_42 = arith.constant 1 : i32
    %dma_start3A_43 = arith.constant 1 : i32
    %dma_start3A_44 = arith.constant 0 : i32
    %dma_start3A_45 = arith.constant 0 : i32
    %dma_start3A_46 = tpu.memref_slice %arg8[%dma_start3A_43, %dma_start3A_44, %dma_start3A_45] : memref<2x128x128xf32, #tpu.memory_space<vmem>> -> memref<1x128x128xf32, #tpu.memory_space<vmem>>
    %dma_start3A_47 = tpu.memref_squeeze %dma_start3A_46 : memref<1x128x128xf32, #tpu.memory_space<vmem>> -> memref<128x128xf32, #tpu.memory_space<vmem>>
    %dma_start3A_48 = arith.constant 0 : i32
    %dma_start3A_49 = tpu.memref_slice %arg6[%dma_start3A_42, %dma_start3A_48] : memref<40x128xi32, #tpu.memory_space<vmem>> -> memref<1x128xi32, #tpu.memory_space<vmem>>
    %dma_start3A_50 = tpu.memref_squeeze %dma_start3A_49 : memref<1x128xi32, #tpu.memory_space<vmem>> -> memref<128xi32, #tpu.memory_space<vmem>>
    %dma_start3A_51 = arith.constant 0 : i32
    %dma_start3A_52 = arith.constant 0 : i32
    %dma_start3A_53 = tpu.memref_slice %arg2[%dma_start3A_51, %dma_start3A_52] : memref<10240x128xf32, #tpu.memory_space<hbm>> -> memref<10240x128xf32, #tpu.memory_space<hbm>>
    tpu.enqueue_indirect_dma source(%dma_start3A_53 : memref<10240x128xf32, #tpu.memory_space<hbm>>) target(%dma_start3A_47 : memref<128x128xf32, #tpu.memory_space<vmem>>) offsets(%dma_start3A_50 : memref<128xi32, #tpu.memory_space<vmem>>) semaphore(%arg11 : memref<!tpu.dma_semaphore, #tpu.memory_space<semaphore_mem>>)
    %scan3A_54 = arith.constant 0 : i32
    %scan3A_55 = arith.constant 0 : i32
    %scan3A_56 = arith.constant 20 : i32
    %scan3A_57 = arith.addi %scan3A_55, %scan3A_56 : i32
    %scan3A_58 = arith.constant 1 : i32
    scf.for %scan3A_146 = %scan3A_55 to %scan3A_57 step %scan3A_58  : i32 {
      %mul3A_147 = arith.constant 2 : i32
      %mul3A_148 = arith.muli %mul3A_147, %scan3A_146 : i32
      %dma_wait3A_149 = arith.constant 0 : i32
      %dma_wait3A_150 = arith.constant 0 : i32
      %dma_wait3A_151 = arith.constant 0 : i32
      %dma_wait3A_152 = arith.constant 0 : i32
      %dma_wait3A_153 = tpu.memref_slice %arg8[%dma_wait3A_150, %dma_wait3A_151, %dma_wait3A_152] : memref<2x128x128xf32, #tpu.memory_space<vmem>> -> memref<1x128x128xf32, #tpu.memory_space<vmem>>
      %dma_wait3A_154 = tpu.memref_squeeze %dma_wait3A_153 : memref<1x128x128xf32, #tpu.memory_space<vmem>> -> memref<128x128xf32, #tpu.memory_space<vmem>>
      %dma_wait3A_155 = arith.constant 0 : i32
      %dma_wait3A_156 = tpu.memref_slice %arg6[%dma_wait3A_149, %dma_wait3A_155] : memref<40x128xi32, #tpu.memory_space<vmem>> -> memref<1x128xi32, #tpu.memory_space<vmem>>
      %dma_wait3A_157 = tpu.memref_squeeze %dma_wait3A_156 : memref<1x128xi32, #tpu.memory_space<vmem>> -> memref<128xi32, #tpu.memory_space<vmem>>
      %dma_wait3A_158 = arith.constant 0 : i32
      %dma_wait3A_159 = arith.constant 0 : i32
      %dma_wait3A_160 = tpu.memref_slice %arg2[%dma_wait3A_158, %dma_wait3A_159] : memref<10240x128xf32, #tpu.memory_space<hbm>> -> memref<10240x128xf32, #tpu.memory_space<hbm>>
      tpu.wait_indirect_dma semaphore(%arg10 : memref<!tpu.dma_semaphore, #tpu.memory_space<semaphore_mem>>) src(%dma_wait3A_160 : memref<10240x128xf32, #tpu.memory_space<hbm>>) dst(%dma_wait3A_154 : memref<128x128xf32, #tpu.memory_space<vmem>>)
      %run_scoped3A_161 = arith.constant 0 : i32
      "tpu.region"() ({
        %run_scoped3A_206 = tpu.sem_alloc : memref<!tpu.dma_semaphore, #tpu.memory_space<semaphore_mem>>
        %dma_start3A_207 = arith.constant 0 : i32
        %dma_start3A_208 = arith.constant 0 : i32
        %dma_start3A_209 = tpu.memref_slice %arg8[%run_scoped3A_161, %dma_start3A_207, %dma_start3A_208] : memref<2x128x128xf32, #tpu.memory_space<vmem>> -> memref<1x128x128xf32, #tpu.memory_space<vmem>>
        %dma_start3A_210 = tpu.memref_squeeze %dma_start3A_209 : memref<1x128x128xf32, #tpu.memory_space<vmem>> -> memref<128x128xf32, #tpu.memory_space<vmem>>
        %dma_start3A_211 = arith.constant 0 : i32
        %dma_start3A_212 = tpu.memref_slice %arg7[%mul3A_148, %dma_start3A_211] : memref<40x128xi32, #tpu.memory_space<vmem>> -> memref<1x128xi32, #tpu.memory_space<vmem>>
        %dma_start3A_213 = tpu.memref_squeeze %dma_start3A_212 : memref<1x128xi32, #tpu.memory_space<vmem>> -> memref<128xi32, #tpu.memory_space<vmem>>
        %dma_start3A_214 = arith.constant 0 : i32
        %dma_start3A_215 = arith.constant 0 : i32
        %dma_start3A_216 = tpu.memref_slice %arg9[%dma_start3A_214, %dma_start3A_215] : memref<10240x128xf32, #tpu.memory_space<vmem_shared>> -> memref<10240x128xf32, #tpu.memory_space<vmem_shared>>
        tpu.enqueue_indirect_dma source(%dma_start3A_210 : memref<128x128xf32, #tpu.memory_space<vmem>>) target(%dma_start3A_216 : memref<10240x128xf32, #tpu.memory_space<vmem_shared>>) offsets(%dma_start3A_213 : memref<128xi32, #tpu.memory_space<vmem>>) semaphore(%run_scoped3A_206 : memref<!tpu.dma_semaphore, #tpu.memory_space<semaphore_mem>>) {add = true}
        %dma_wait3A_217 = arith.constant 0 : i32
        %dma_wait3A_218 = arith.constant 0 : i32
        %dma_wait3A_219 = tpu.memref_slice %arg8[%run_scoped3A_161, %dma_wait3A_217, %dma_wait3A_218] : memref<2x128x128xf32, #tpu.memory_space<vmem>> -> memref<1x128x128xf32, #tpu.memory_space<vmem>>
        %dma_wait3A_220 = tpu.memref_squeeze %dma_wait3A_219 : memref<1x128x128xf32, #tpu.memory_space<vmem>> -> memref<128x128xf32, #tpu.memory_space<vmem>>
        %dma_wait3A_221 = arith.constant 0 : i32
        %dma_wait3A_222 = tpu.memref_slice %arg7[%mul3A_148, %dma_wait3A_221] : memref<40x128xi32, #tpu.memory_space<vmem>> -> memref<1x128xi32, #tpu.memory_space<vmem>>
        %dma_wait3A_223 = tpu.memref_squeeze %dma_wait3A_222 : memref<1x128xi32, #tpu.memory_space<vmem>> -> memref<128xi32, #tpu.memory_space<vmem>>
        %dma_wait3A_224 = arith.constant 0 : i32
        %dma_wait3A_225 = arith.constant 0 : i32
        %dma_wait3A_226 = tpu.memref_slice %arg9[%dma_wait3A_224, %dma_wait3A_225] : memref<10240x128xf32, #tpu.memory_space<vmem_shared>> -> memref<10240x128xf32, #tpu.memory_space<vmem_shared>>
        tpu.wait_indirect_dma semaphore(%run_scoped3A_206 : memref<!tpu.dma_semaphore, #tpu.memory_space<semaphore_mem>>) src(%dma_wait3A_220 : memref<128x128xf32, #tpu.memory_space<vmem>>) dst(%dma_wait3A_226 : memref<10240x128xf32, #tpu.memory_space<vmem_shared>>)
        tpu.yield
      }) : () -> ()
      %add3A_162 = arith.constant 2 : i32
      %add3A_163 = arith.addi %mul3A_148, %add3A_162 : i32
      %min3A = arith.constant 39 : i32
      %min3A_164 = arith.minsi %add3A_163, %min3A : i32
      %dma_start3A_165 = arith.constant 0 : i32
      %dma_start3A_166 = arith.constant 0 : i32
      %dma_start3A_167 = arith.constant 0 : i32
      %dma_start3A_168 = tpu.memref_slice %arg8[%dma_start3A_165, %dma_start3A_166, %dma_start3A_167] : memref<2x128x128xf32, #tpu.memory_space<vmem>> -> memref<1x128x128xf32, #tpu.memory_space<vmem>>
      %dma_start3A_169 = tpu.memref_squeeze %dma_start3A_168 : memref<1x128x128xf32, #tpu.memory_space<vmem>> -> memref<128x128xf32, #tpu.memory_space<vmem>>
      %dma_start3A_170 = arith.constant 0 : i32
      %dma_start3A_171 = tpu.memref_slice %arg6[%min3A_164, %dma_start3A_170] : memref<40x128xi32, #tpu.memory_space<vmem>> -> memref<1x128xi32, #tpu.memory_space<vmem>>
      %dma_start3A_172 = tpu.memref_squeeze %dma_start3A_171 : memref<1x128xi32, #tpu.memory_space<vmem>> -> memref<128xi32, #tpu.memory_space<vmem>>
      %dma_start3A_173 = arith.constant 0 : i32
      %dma_start3A_174 = arith.constant 0 : i32
      %dma_start3A_175 = tpu.memref_slice %arg2[%dma_start3A_173, %dma_start3A_174] : memref<10240x128xf32, #tpu.memory_space<hbm>> -> memref<10240x128xf32, #tpu.memory_space<hbm>>
      tpu.enqueue_indirect_dma source(%dma_start3A_175 : memref<10240x128xf32, #tpu.memory_space<hbm>>) target(%dma_start3A_169 : memref<128x128xf32, #tpu.memory_space<vmem>>) offsets(%dma_start3A_172 : memref<128xi32, #tpu.memory_space<vmem>>) semaphore(%arg10 : memref<!tpu.dma_semaphore, #tpu.memory_space<semaphore_mem>>)
      %add3A_176 = arith.constant 1 : i32
      %add3A_177 = arith.addi %mul3A_148, %add3A_176 : i32
      %dma_wait3A_178 = arith.constant 1 : i32
      %dma_wait3A_179 = arith.constant 1 : i32
      %dma_wait3A_180 = arith.constant 0 : i32
      %dma_wait3A_181 = arith.constant 0 : i32
      %dma_wait3A_182 = tpu.memref_slice %arg8[%dma_wait3A_179, %dma_wait3A_180, %dma_wait3A_181] : memref<2x128x128xf32, #tpu.memory_space<vmem>> -> memref<1x128x128xf32, #tpu.memory_space<vmem>>
      %dma_wait3A_183 = tpu.memref_squeeze %dma_wait3A_182 : memref<1x128x128xf32, #tpu.memory_space<vmem>> -> memref<128x128xf32, #tpu.memory_space<vmem>>
      %dma_wait3A_184 = arith.constant 0 : i32
      %dma_wait3A_185 = tpu.memref_slice %arg6[%dma_wait3A_178, %dma_wait3A_184] : memref<40x128xi32, #tpu.memory_space<vmem>> -> memref<1x128xi32, #tpu.memory_space<vmem>>
      %dma_wait3A_186 = tpu.memref_squeeze %dma_wait3A_185 : memref<1x128xi32, #tpu.memory_space<vmem>> -> memref<128xi32, #tpu.memory_space<vmem>>
      %dma_wait3A_187 = arith.constant 0 : i32
      %dma_wait3A_188 = arith.constant 0 : i32
      %dma_wait3A_189 = tpu.memref_slice %arg2[%dma_wait3A_187, %dma_wait3A_188] : memref<10240x128xf32, #tpu.memory_space<hbm>> -> memref<10240x128xf32, #tpu.memory_space<hbm>>
      tpu.wait_indirect_dma semaphore(%arg11 : memref<!tpu.dma_semaphore, #tpu.memory_space<semaphore_mem>>) src(%dma_wait3A_189 : memref<10240x128xf32, #tpu.memory_space<hbm>>) dst(%dma_wait3A_183 : memref<128x128xf32, #tpu.memory_space<vmem>>)
      %run_scoped3A_190 = arith.constant 1 : i32
      "tpu.region"() ({
        %run_scoped3A_206 = tpu.sem_alloc : memref<!tpu.dma_semaphore, #tpu.memory_space<semaphore_mem>>
        %dma_start3A_207 = arith.constant 0 : i32
        %dma_start3A_208 = arith.constant 0 : i32
        %dma_start3A_209 = tpu.memref_slice %arg8[%run_scoped3A_190, %dma_start3A_207, %dma_start3A_208] : memref<2x128x128xf32, #tpu.memory_space<vmem>> -> memref<1x128x128xf32, #tpu.memory_space<vmem>>
        %dma_start3A_210 = tpu.memref_squeeze %dma_start3A_209 : memref<1x128x128xf32, #tpu.memory_space<vmem>> -> memref<128x128xf32, #tpu.memory_space<vmem>>
        %dma_start3A_211 = arith.constant 0 : i32
        %dma_start3A_212 = tpu.memref_slice %arg7[%add3A_177, %dma_start3A_211] : memref<40x128xi32, #tpu.memory_space<vmem>> -> memref<1x128xi32, #tpu.memory_space<vmem>>
        %dma_start3A_213 = tpu.memref_squeeze %dma_start3A_212 : memref<1x128xi32, #tpu.memory_space<vmem>> -> memref<128xi32, #tpu.memory_space<vmem>>
        %dma_start3A_214 = arith.constant 0 : i32
        %dma_start3A_215 = arith.constant 0 : i32
        %dma_start3A_216 = tpu.memref_slice %arg9[%dma_start3A_214, %dma_start3A_215] : memref<10240x128xf32, #tpu.memory_space<vmem_shared>> -> memref<10240x128xf32, #tpu.memory_space<vmem_shared>>
        tpu.enqueue_indirect_dma source(%dma_start3A_210 : memref<128x128xf32, #tpu.memory_space<vmem>>) target(%dma_start3A_216 : memref<10240x128xf32, #tpu.memory_space<vmem_shared>>) offsets(%dma_start3A_213 : memref<128xi32, #tpu.memory_space<vmem>>) semaphore(%run_scoped3A_206 : memref<!tpu.dma_semaphore, #tpu.memory_space<semaphore_mem>>) {add = true}
        %dma_wait3A_217 = arith.constant 0 : i32
        %dma_wait3A_218 = arith.constant 0 : i32
        %dma_wait3A_219 = tpu.memref_slice %arg8[%run_scoped3A_190, %dma_wait3A_217, %dma_wait3A_218] : memref<2x128x128xf32, #tpu.memory_space<vmem>> -> memref<1x128x128xf32, #tpu.memory_space<vmem>>
        %dma_wait3A_220 = tpu.memref_squeeze %dma_wait3A_219 : memref<1x128x128xf32, #tpu.memory_space<vmem>> -> memref<128x128xf32, #tpu.memory_space<vmem>>
        %dma_wait3A_221 = arith.constant 0 : i32
        %dma_wait3A_222 = tpu.memref_slice %arg7[%add3A_177, %dma_wait3A_221] : memref<40x128xi32, #tpu.memory_space<vmem>> -> memref<1x128xi32, #tpu.memory_space<vmem>>
        %dma_wait3A_223 = tpu.memref_squeeze %dma_wait3A_222 : memref<1x128xi32, #tpu.memory_space<vmem>> -> memref<128xi32, #tpu.memory_space<vmem>>
        %dma_wait3A_224 = arith.constant 0 : i32
        %dma_wait3A_225 = arith.constant 0 : i32
        %dma_wait3A_226 = tpu.memref_slice %arg9[%dma_wait3A_224, %dma_wait3A_225] : memref<10240x128xf32, #tpu.memory_space<vmem_shared>> -> memref<10240x128xf32, #tpu.memory_space<vmem_shared>>
        tpu.wait_indirect_dma semaphore(%run_scoped3A_206 : memref<!tpu.dma_semaphore, #tpu.memory_space<semaphore_mem>>) src(%dma_wait3A_220 : memref<128x128xf32, #tpu.memory_space<vmem>>) dst(%dma_wait3A_226 : memref<10240x128xf32, #tpu.memory_space<vmem_shared>>)
        tpu.yield
      }) : () -> ()
      %add3A_191 = arith.constant 2 : i32
      %add3A_192 = arith.addi %add3A_177, %add3A_191 : i32
      %min3A_193 = arith.constant 39 : i32
      %min3A_194 = arith.minsi %add3A_192, %min3A_193 : i32
      %dma_start3A_195 = arith.constant 1 : i32
      %dma_start3A_196 = arith.constant 0 : i32
      %dma_start3A_197 = arith.constant 0 : i32
      %dma_start3A_198 = tpu.memref_slice %arg8[%dma_start3A_195, %dma_start3A_196, %dma_start3A_197] : memref<2x128x128xf32, #tpu.memory_space<vmem>> -> memref<1x128x128xf32, #tpu.memory_space<vmem>>
      %dma_start3A_199 = tpu.memref_squeeze %dma_start3A_198 : memref<1x128x128xf32, #tpu.memory_space<vmem>> -> memref<128x128xf32, #tpu.memory_space<vmem>>
      %dma_start3A_200 = arith.constant 0 : i32
      %dma_start3A_201 = tpu.memref_slice %arg6[%min3A_194, %dma_start3A_200] : memref<40x128xi32, #tpu.memory_space<vmem>> -> memref<1x128xi32, #tpu.memory_space<vmem>>
      %dma_start3A_202 = tpu.memref_squeeze %dma_start3A_201 : memref<1x128xi32, #tpu.memory_space<vmem>> -> memref<128xi32, #tpu.memory_space<vmem>>
      %dma_start3A_203 = arith.constant 0 : i32
      %dma_start3A_204 = arith.constant 0 : i32
      %dma_start3A_205 = tpu.memref_slice %arg2[%dma_start3A_203, %dma_start3A_204] : memref<10240x128xf32, #tpu.memory_space<hbm>> -> memref<10240x128xf32, #tpu.memory_space<hbm>>
      tpu.enqueue_indirect_dma source(%dma_start3A_205 : memref<10240x128xf32, #tpu.memory_space<hbm>>) target(%dma_start3A_199 : memref<128x128xf32, #tpu.memory_space<vmem>>) offsets(%dma_start3A_202 : memref<128xi32, #tpu.memory_space<vmem>>) semaphore(%arg11 : memref<!tpu.dma_semaphore, #tpu.memory_space<semaphore_mem>>)
    }
    %scan3A_59 = arith.constant 20 : i32
    %dma_wait3A = arith.constant 0 : i32
    %dma_wait3A_60 = arith.constant 0 : i32
    %dma_wait3A_61 = arith.constant 0 : i32
    %dma_wait3A_62 = arith.constant 0 : i32
    %dma_wait3A_63 = tpu.memref_slice %arg8[%dma_wait3A_60, %dma_wait3A_61, %dma_wait3A_62] : memref<2x128x128xf32, #tpu.memory_space<vmem>> -> memref<1x128x128xf32, #tpu.memory_space<vmem>>
    %dma_wait3A_64 = tpu.memref_squeeze %dma_wait3A_63 : memref<1x128x128xf32, #tpu.memory_space<vmem>> -> memref<128x128xf32, #tpu.memory_space<vmem>>
    %dma_wait3A_65 = arith.constant 0 : i32
    %dma_wait3A_66 = tpu.memref_slice %arg6[%dma_wait3A, %dma_wait3A_65] : memref<40x128xi32, #tpu.memory_space<vmem>> -> memref<1x128xi32, #tpu.memory_space<vmem>>
    %dma_wait3A_67 = tpu.memref_squeeze %dma_wait3A_66 : memref<1x128xi32, #tpu.memory_space<vmem>> -> memref<128xi32, #tpu.memory_space<vmem>>
    %dma_wait3A_68 = arith.constant 0 : i32
    %dma_wait3A_69 = arith.constant 0 : i32
    %dma_wait3A_70 = tpu.memref_slice %arg2[%dma_wait3A_68, %dma_wait3A_69] : memref<10240x128xf32, #tpu.memory_space<hbm>> -> memref<10240x128xf32, #tpu.memory_space<hbm>>
    tpu.wait_indirect_dma semaphore(%arg10 : memref<!tpu.dma_semaphore, #tpu.memory_space<semaphore_mem>>) src(%dma_wait3A_70 : memref<10240x128xf32, #tpu.memory_space<hbm>>) dst(%dma_wait3A_64 : memref<128x128xf32, #tpu.memory_space<vmem>>)
    %dma_wait3A_71 = arith.constant 1 : i32
    %dma_wait3A_72 = arith.constant 1 : i32
    %dma_wait3A_73 = arith.constant 0 : i32
    %dma_wait3A_74 = arith.constant 0 : i32
    %dma_wait3A_75 = tpu.memref_slice %arg8[%dma_wait3A_72, %dma_wait3A_73, %dma_wait3A_74] : memref<2x128x128xf32, #tpu.memory_space<vmem>> -> memref<1x128x128xf32, #tpu.memory_space<vmem>>
    %dma_wait3A_76 = tpu.memref_squeeze %dma_wait3A_75 : memref<1x128x128xf32, #tpu.memory_space<vmem>> -> memref<128x128xf32, #tpu.memory_space<vmem>>
    %dma_wait3A_77 = arith.constant 0 : i32
    %dma_wait3A_78 = tpu.memref_slice %arg6[%dma_wait3A_71, %dma_wait3A_77] : memref<40x128xi32, #tpu.memory_space<vmem>> -> memref<1x128xi32, #tpu.memory_space<vmem>>
    %dma_wait3A_79 = tpu.memref_squeeze %dma_wait3A_78 : memref<1x128xi32, #tpu.memory_space<vmem>> -> memref<128xi32, #tpu.memory_space<vmem>>
    %dma_wait3A_80 = arith.constant 0 : i32
    %dma_wait3A_81 = arith.constant 0 : i32
    %dma_wait3A_82 = tpu.memref_slice %arg2[%dma_wait3A_80, %dma_wait3A_81] : memref<10240x128xf32, #tpu.memory_space<hbm>> -> memref<10240x128xf32, #tpu.memory_space<hbm>>
    tpu.wait_indirect_dma semaphore(%arg11 : memref<!tpu.dma_semaphore, #tpu.memory_space<semaphore_mem>>) src(%dma_wait3A_82 : memref<10240x128xf32, #tpu.memory_space<hbm>>) dst(%dma_wait3A_76 : memref<128x128xf32, #tpu.memory_space<vmem>>)
    %mul3A_83 = arith.constant 80 : i32
    %mul3A_84 = arith.muli %add3A, %mul3A_83 : i32
    %add3A_85 = arith.constant 40 : i32
    %add3A_86 = arith.addi %mul3A_84, %add3A_85 : i32
    "tpu.region"() ({
      %run_scoped3A_146 = tpu.sem_alloc : memref<!tpu.dma_semaphore, #tpu.memory_space<semaphore_mem>>
      %dma_start3A_147 = arith.constant 0 : i32
      %dma_start3A_148 = tpu.memref_slice %arg3[%add3A_86, %dma_start3A_147] : memref<2560x128xi32, #tpu.memory_space<hbm>> -> memref<40x128xi32, #tpu.memory_space<hbm>>
      %dma_start3A_149 = arith.constant 0 : i32
      %dma_start3A_150 = tpu.memref_slice %arg3[%add3A_86, %dma_start3A_149] : memref<2560x128xi32, #tpu.memory_space<hbm>> -> memref<40x128xi32, #tpu.memory_space<hbm>>
      tpu.enqueue_dma source(%dma_start3A_150 : memref<40x128xi32, #tpu.memory_space<hbm>>) target(%arg6 : memref<40x128xi32, #tpu.memory_space<vmem>>) target_semaphore(%run_scoped3A_146 : memref<!tpu.dma_semaphore, #tpu.memory_space<semaphore_mem>>)
      %dma_wait3A_151 = arith.constant 0 : i32
      %dma_wait3A_152 = tpu.memref_slice %arg3[%add3A_86, %dma_wait3A_151] : memref<2560x128xi32, #tpu.memory_space<hbm>> -> memref<40x128xi32, #tpu.memory_space<hbm>>
      %dma_wait3A_153 = arith.constant 0 : i32
      %dma_wait3A_154 = tpu.memref_slice %arg3[%add3A_86, %dma_wait3A_153] : memref<2560x128xi32, #tpu.memory_space<hbm>> -> memref<40x128xi32, #tpu.memory_space<hbm>>
      tpu.wait_dma2 semaphore(%run_scoped3A_146 : memref<!tpu.dma_semaphore, #tpu.memory_space<semaphore_mem>>) src(%dma_wait3A_154 : memref<40x128xi32, #tpu.memory_space<hbm>>) dst(%arg6 : memref<40x128xi32, #tpu.memory_space<vmem>>)
      tpu.yield
    }) : () -> ()
    %mul3A_87 = arith.constant 80 : i32
    %mul3A_88 = arith.muli %add3A, %mul3A_87 : i32
    %add3A_89 = arith.constant 40 : i32
    %add3A_90 = arith.addi %mul3A_88, %add3A_89 : i32
    "tpu.region"() ({
      %run_scoped3A_146 = tpu.sem_alloc : memref<!tpu.dma_semaphore, #tpu.memory_space<semaphore_mem>>
      %dma_start3A_147 = arith.constant 0 : i32
      %dma_start3A_148 = tpu.memref_slice %arg4[%add3A_90, %dma_start3A_147] : memref<2560x128xi32, #tpu.memory_space<hbm>> -> memref<40x128xi32, #tpu.memory_space<hbm>>
      %dma_start3A_149 = arith.constant 0 : i32
      %dma_start3A_150 = tpu.memref_slice %arg4[%add3A_90, %dma_start3A_149] : memref<2560x128xi32, #tpu.memory_space<hbm>> -> memref<40x128xi32, #tpu.memory_space<hbm>>
      tpu.enqueue_dma source(%dma_start3A_150 : memref<40x128xi32, #tpu.memory_space<hbm>>) target(%arg7 : memref<40x128xi32, #tpu.memory_space<vmem>>) target_semaphore(%run_scoped3A_146 : memref<!tpu.dma_semaphore, #tpu.memory_space<semaphore_mem>>)
      %dma_wait3A_151 = arith.constant 0 : i32
      %dma_wait3A_152 = tpu.memref_slice %arg4[%add3A_90, %dma_wait3A_151] : memref<2560x128xi32, #tpu.memory_space<hbm>> -> memref<40x128xi32, #tpu.memory_space<hbm>>
      %dma_wait3A_153 = arith.constant 0 : i32
      %dma_wait3A_154 = tpu.memref_slice %arg4[%add3A_90, %dma_wait3A_153] : memref<2560x128xi32, #tpu.memory_space<hbm>> -> memref<40x128xi32, #tpu.memory_space<hbm>>
      tpu.wait_dma2 semaphore(%run_scoped3A_146 : memref<!tpu.dma_semaphore, #tpu.memory_space<semaphore_mem>>) src(%dma_wait3A_154 : memref<40x128xi32, #tpu.memory_space<hbm>>) dst(%arg7 : memref<40x128xi32, #tpu.memory_space<vmem>>)
      tpu.yield
    }) : () -> ()
    %dma_start3A_91 = arith.constant 0 : i32
    %dma_start3A_92 = arith.constant 0 : i32
    %dma_start3A_93 = arith.constant 0 : i32
    %dma_start3A_94 = arith.constant 0 : i32
    %dma_start3A_95 = tpu.memref_slice %arg8[%dma_start3A_92, %dma_start3A_93, %dma_start3A_94] : memref<2x128x128xf32, #tpu.memory_space<vmem>> -> memref<1x128x128xf32, #tpu.memory_space<vmem>>
    %dma_start3A_96 = tpu.memref_squeeze %dma_start3A_95 : memref<1x128x128xf32, #tpu.memory_space<vmem>> -> memref<128x128xf32, #tpu.memory_space<vmem>>
    %dma_start3A_97 = arith.constant 0 : i32
    %dma_start3A_98 = tpu.memref_slice %arg6[%dma_start3A_91, %dma_start3A_97] : memref<40x128xi32, #tpu.memory_space<vmem>> -> memref<1x128xi32, #tpu.memory_space<vmem>>
    %dma_start3A_99 = tpu.memref_squeeze %dma_start3A_98 : memref<1x128xi32, #tpu.memory_space<vmem>> -> memref<128xi32, #tpu.memory_space<vmem>>
    %dma_start3A_100 = arith.constant 0 : i32
    %dma_start3A_101 = arith.constant 0 : i32
    %dma_start3A_102 = tpu.memref_slice %arg2[%dma_start3A_100, %dma_start3A_101] : memref<10240x128xf32, #tpu.memory_space<hbm>> -> memref<10240x128xf32, #tpu.memory_space<hbm>>
    tpu.enqueue_indirect_dma source(%dma_start3A_102 : memref<10240x128xf32, #tpu.memory_space<hbm>>) target(%dma_start3A_96 : memref<128x128xf32, #tpu.memory_space<vmem>>) offsets(%dma_start3A_99 : memref<128xi32, #tpu.memory_space<vmem>>) semaphore(%arg10 : memref<!tpu.dma_semaphore, #tpu.memory_space<semaphore_mem>>)
    %dma_start3A_103 = arith.constant 1 : i32
    %dma_start3A_104 = arith.constant 1 : i32
    %dma_start3A_105 = arith.constant 0 : i32
    %dma_start3A_106 = arith.constant 0 : i32
    %dma_start3A_107 = tpu.memref_slice %arg8[%dma_start3A_104, %dma_start3A_105, %dma_start3A_106] : memref<2x128x128xf32, #tpu.memory_space<vmem>> -> memref<1x128x128xf32, #tpu.memory_space<vmem>>
    %dma_start3A_108 = tpu.memref_squeeze %dma_start3A_107 : memref<1x128x128xf32, #tpu.memory_space<vmem>> -> memref<128x128xf32, #tpu.memory_space<vmem>>
    %dma_start3A_109 = arith.constant 0 : i32
    %dma_start3A_110 = tpu.memref_slice %arg6[%dma_start3A_103, %dma_start3A_109] : memref<40x128xi32, #tpu.memory_space<vmem>> -> memref<1x128xi32, #tpu.memory_space<vmem>>
    %dma_start3A_111 = tpu.memref_squeeze %dma_start3A_110 : memref<1x128xi32, #tpu.memory_space<vmem>> -> memref<128xi32, #tpu.memory_space<vmem>>
    %dma_start3A_112 = arith.constant 0 : i32
    %dma_start3A_113 = arith.constant 0 : i32
    %dma_start3A_114 = tpu.memref_slice %arg2[%dma_start3A_112, %dma_start3A_113] : memref<10240x128xf32, #tpu.memory_space<hbm>> -> memref<10240x128xf32, #tpu.memory_space<hbm>>
    tpu.enqueue_indirect_dma source(%dma_start3A_114 : memref<10240x128xf32, #tpu.memory_space<hbm>>) target(%dma_start3A_108 : memref<128x128xf32, #tpu.memory_space<vmem>>) offsets(%dma_start3A_111 : memref<128xi32, #tpu.memory_space<vmem>>) semaphore(%arg11 : memref<!tpu.dma_semaphore, #tpu.memory_space<semaphore_mem>>)
    %scan3A_115 = arith.constant 0 : i32
    %scan3A_116 = arith.constant 0 : i32
    %scan3A_117 = arith.constant 20 : i32
    %scan3A_118 = arith.addi %scan3A_116, %scan3A_117 : i32
    %scan3A_119 = arith.constant 1 : i32
    scf.for %scan3A_146 = %scan3A_116 to %scan3A_118 step %scan3A_119  : i32 {
      %mul3A_147 = arith.constant 2 : i32
      %mul3A_148 = arith.muli %mul3A_147, %scan3A_146 : i32
      %dma_wait3A_149 = arith.constant 0 : i32
      %dma_wait3A_150 = arith.constant 0 : i32
      %dma_wait3A_151 = arith.constant 0 : i32
      %dma_wait3A_152 = arith.constant 0 : i32
      %dma_wait3A_153 = tpu.memref_slice %arg8[%dma_wait3A_150, %dma_wait3A_151, %dma_wait3A_152] : memref<2x128x128xf32, #tpu.memory_space<vmem>> -> memref<1x128x128xf32, #tpu.memory_space<vmem>>
      %dma_wait3A_154 = tpu.memref_squeeze %dma_wait3A_153 : memref<1x128x128xf32, #tpu.memory_space<vmem>> -> memref<128x128xf32, #tpu.memory_space<vmem>>
      %dma_wait3A_155 = arith.constant 0 : i32
      %dma_wait3A_156 = tpu.memref_slice %arg6[%dma_wait3A_149, %dma_wait3A_155] : memref<40x128xi32, #tpu.memory_space<vmem>> -> memref<1x128xi32, #tpu.memory_space<vmem>>
      %dma_wait3A_157 = tpu.memref_squeeze %dma_wait3A_156 : memref<1x128xi32, #tpu.memory_space<vmem>> -> memref<128xi32, #tpu.memory_space<vmem>>
      %dma_wait3A_158 = arith.constant 0 : i32
      %dma_wait3A_159 = arith.constant 0 : i32
      %dma_wait3A_160 = tpu.memref_slice %arg2[%dma_wait3A_158, %dma_wait3A_159] : memref<10240x128xf32, #tpu.memory_space<hbm>> -> memref<10240x128xf32, #tpu.memory_space<hbm>>
      tpu.wait_indirect_dma semaphore(%arg10 : memref<!tpu.dma_semaphore, #tpu.memory_space<semaphore_mem>>) src(%dma_wait3A_160 : memref<10240x128xf32, #tpu.memory_space<hbm>>) dst(%dma_wait3A_154 : memref<128x128xf32, #tpu.memory_space<vmem>>)
      %run_scoped3A_161 = arith.constant 0 : i32
      "tpu.region"() ({
        %run_scoped3A_206 = tpu.sem_alloc : memref<!tpu.dma_semaphore, #tpu.memory_space<semaphore_mem>>
        %dma_start3A_207 = arith.constant 0 : i32
        %dma_start3A_208 = arith.constant 0 : i32
        %dma_start3A_209 = tpu.memref_slice %arg8[%run_scoped3A_161, %dma_start3A_207, %dma_start3A_208] : memref<2x128x128xf32, #tpu.memory_space<vmem>> -> memref<1x128x128xf32, #tpu.memory_space<vmem>>
        %dma_start3A_210 = tpu.memref_squeeze %dma_start3A_209 : memref<1x128x128xf32, #tpu.memory_space<vmem>> -> memref<128x128xf32, #tpu.memory_space<vmem>>
        %dma_start3A_211 = arith.constant 0 : i32
        %dma_start3A_212 = tpu.memref_slice %arg7[%mul3A_148, %dma_start3A_211] : memref<40x128xi32, #tpu.memory_space<vmem>> -> memref<1x128xi32, #tpu.memory_space<vmem>>
        %dma_start3A_213 = tpu.memref_squeeze %dma_start3A_212 : memref<1x128xi32, #tpu.memory_space<vmem>> -> memref<128xi32, #tpu.memory_space<vmem>>
        %dma_start3A_214 = arith.constant 0 : i32
        %dma_start3A_215 = arith.constant 0 : i32
        %dma_start3A_216 = tpu.memref_slice %arg9[%dma_start3A_214, %dma_start3A_215] : memref<10240x128xf32, #tpu.memory_space<vmem_shared>> -> memref<10240x128xf32, #tpu.memory_space<vmem_shared>>
        tpu.enqueue_indirect_dma source(%dma_start3A_210 : memref<128x128xf32, #tpu.memory_space<vmem>>) target(%dma_start3A_216 : memref<10240x128xf32, #tpu.memory_space<vmem_shared>>) offsets(%dma_start3A_213 : memref<128xi32, #tpu.memory_space<vmem>>) semaphore(%run_scoped3A_206 : memref<!tpu.dma_semaphore, #tpu.memory_space<semaphore_mem>>) {add = true}
        %dma_wait3A_217 = arith.constant 0 : i32
        %dma_wait3A_218 = arith.constant 0 : i32
        %dma_wait3A_219 = tpu.memref_slice %arg8[%run_scoped3A_161, %dma_wait3A_217, %dma_wait3A_218] : memref<2x128x128xf32, #tpu.memory_space<vmem>> -> memref<1x128x128xf32, #tpu.memory_space<vmem>>
        %dma_wait3A_220 = tpu.memref_squeeze %dma_wait3A_219 : memref<1x128x128xf32, #tpu.memory_space<vmem>> -> memref<128x128xf32, #tpu.memory_space<vmem>>
        %dma_wait3A_221 = arith.constant 0 : i32
        %dma_wait3A_222 = tpu.memref_slice %arg7[%mul3A_148, %dma_wait3A_221] : memref<40x128xi32, #tpu.memory_space<vmem>> -> memref<1x128xi32, #tpu.memory_space<vmem>>
        %dma_wait3A_223 = tpu.memref_squeeze %dma_wait3A_222 : memref<1x128xi32, #tpu.memory_space<vmem>> -> memref<128xi32, #tpu.memory_space<vmem>>
        %dma_wait3A_224 = arith.constant 0 : i32
        %dma_wait3A_225 = arith.constant 0 : i32
        %dma_wait3A_226 = tpu.memref_slice %arg9[%dma_wait3A_224, %dma_wait3A_225] : memref<10240x128xf32, #tpu.memory_space<vmem_shared>> -> memref<10240x128xf32, #tpu.memory_space<vmem_shared>>
        tpu.wait_indirect_dma semaphore(%run_scoped3A_206 : memref<!tpu.dma_semaphore, #tpu.memory_space<semaphore_mem>>) src(%dma_wait3A_220 : memref<128x128xf32, #tpu.memory_space<vmem>>) dst(%dma_wait3A_226 : memref<10240x128xf32, #tpu.memory_space<vmem_shared>>)
        tpu.yield
      }) : () -> ()
      %add3A_162 = arith.constant 2 : i32
      %add3A_163 = arith.addi %mul3A_148, %add3A_162 : i32
      %min3A = arith.constant 39 : i32
      %min3A_164 = arith.minsi %add3A_163, %min3A : i32
      %dma_start3A_165 = arith.constant 0 : i32
      %dma_start3A_166 = arith.constant 0 : i32
      %dma_start3A_167 = arith.constant 0 : i32
      %dma_start3A_168 = tpu.memref_slice %arg8[%dma_start3A_165, %dma_start3A_166, %dma_start3A_167] : memref<2x128x128xf32, #tpu.memory_space<vmem>> -> memref<1x128x128xf32, #tpu.memory_space<vmem>>
      %dma_start3A_169 = tpu.memref_squeeze %dma_start3A_168 : memref<1x128x128xf32, #tpu.memory_space<vmem>> -> memref<128x128xf32, #tpu.memory_space<vmem>>
      %dma_start3A_170 = arith.constant 0 : i32
      %dma_start3A_171 = tpu.memref_slice %arg6[%min3A_164, %dma_start3A_170] : memref<40x128xi32, #tpu.memory_space<vmem>> -> memref<1x128xi32, #tpu.memory_space<vmem>>
      %dma_start3A_172 = tpu.memref_squeeze %dma_start3A_171 : memref<1x128xi32, #tpu.memory_space<vmem>> -> memref<128xi32, #tpu.memory_space<vmem>>
      %dma_start3A_173 = arith.constant 0 : i32
      %dma_start3A_174 = arith.constant 0 : i32
      %dma_start3A_175 = tpu.memref_slice %arg2[%dma_start3A_173, %dma_start3A_174] : memref<10240x128xf32, #tpu.memory_space<hbm>> -> memref<10240x128xf32, #tpu.memory_space<hbm>>
      tpu.enqueue_indirect_dma source(%dma_start3A_175 : memref<10240x128xf32, #tpu.memory_space<hbm>>) target(%dma_start3A_169 : memref<128x128xf32, #tpu.memory_space<vmem>>) offsets(%dma_start3A_172 : memref<128xi32, #tpu.memory_space<vmem>>) semaphore(%arg10 : memref<!tpu.dma_semaphore, #tpu.memory_space<semaphore_mem>>)
      %add3A_176 = arith.constant 1 : i32
      %add3A_177 = arith.addi %mul3A_148, %add3A_176 : i32
      %dma_wait3A_178 = arith.constant 1 : i32
      %dma_wait3A_179 = arith.constant 1 : i32
      %dma_wait3A_180 = arith.constant 0 : i32
      %dma_wait3A_181 = arith.constant 0 : i32
      %dma_wait3A_182 = tpu.memref_slice %arg8[%dma_wait3A_179, %dma_wait3A_180, %dma_wait3A_181] : memref<2x128x128xf32, #tpu.memory_space<vmem>> -> memref<1x128x128xf32, #tpu.memory_space<vmem>>
      %dma_wait3A_183 = tpu.memref_squeeze %dma_wait3A_182 : memref<1x128x128xf32, #tpu.memory_space<vmem>> -> memref<128x128xf32, #tpu.memory_space<vmem>>
      %dma_wait3A_184 = arith.constant 0 : i32
      %dma_wait3A_185 = tpu.memref_slice %arg6[%dma_wait3A_178, %dma_wait3A_184] : memref<40x128xi32, #tpu.memory_space<vmem>> -> memref<1x128xi32, #tpu.memory_space<vmem>>
      %dma_wait3A_186 = tpu.memref_squeeze %dma_wait3A_185 : memref<1x128xi32, #tpu.memory_space<vmem>> -> memref<128xi32, #tpu.memory_space<vmem>>
      %dma_wait3A_187 = arith.constant 0 : i32
      %dma_wait3A_188 = arith.constant 0 : i32
      %dma_wait3A_189 = tpu.memref_slice %arg2[%dma_wait3A_187, %dma_wait3A_188] : memref<10240x128xf32, #tpu.memory_space<hbm>> -> memref<10240x128xf32, #tpu.memory_space<hbm>>
      tpu.wait_indirect_dma semaphore(%arg11 : memref<!tpu.dma_semaphore, #tpu.memory_space<semaphore_mem>>) src(%dma_wait3A_189 : memref<10240x128xf32, #tpu.memory_space<hbm>>) dst(%dma_wait3A_183 : memref<128x128xf32, #tpu.memory_space<vmem>>)
      %run_scoped3A_190 = arith.constant 1 : i32
      "tpu.region"() ({
        %run_scoped3A_206 = tpu.sem_alloc : memref<!tpu.dma_semaphore, #tpu.memory_space<semaphore_mem>>
        %dma_start3A_207 = arith.constant 0 : i32
        %dma_start3A_208 = arith.constant 0 : i32
        %dma_start3A_209 = tpu.memref_slice %arg8[%run_scoped3A_190, %dma_start3A_207, %dma_start3A_208] : memref<2x128x128xf32, #tpu.memory_space<vmem>> -> memref<1x128x128xf32, #tpu.memory_space<vmem>>
        %dma_start3A_210 = tpu.memref_squeeze %dma_start3A_209 : memref<1x128x128xf32, #tpu.memory_space<vmem>> -> memref<128x128xf32, #tpu.memory_space<vmem>>
        %dma_start3A_211 = arith.constant 0 : i32
        %dma_start3A_212 = tpu.memref_slice %arg7[%add3A_177, %dma_start3A_211] : memref<40x128xi32, #tpu.memory_space<vmem>> -> memref<1x128xi32, #tpu.memory_space<vmem>>
        %dma_start3A_213 = tpu.memref_squeeze %dma_start3A_212 : memref<1x128xi32, #tpu.memory_space<vmem>> -> memref<128xi32, #tpu.memory_space<vmem>>
        %dma_start3A_214 = arith.constant 0 : i32
        %dma_start3A_215 = arith.constant 0 : i32
        %dma_start3A_216 = tpu.memref_slice %arg9[%dma_start3A_214, %dma_start3A_215] : memref<10240x128xf32, #tpu.memory_space<vmem_shared>> -> memref<10240x128xf32, #tpu.memory_space<vmem_shared>>
        tpu.enqueue_indirect_dma source(%dma_start3A_210 : memref<128x128xf32, #tpu.memory_space<vmem>>) target(%dma_start3A_216 : memref<10240x128xf32, #tpu.memory_space<vmem_shared>>) offsets(%dma_start3A_213 : memref<128xi32, #tpu.memory_space<vmem>>) semaphore(%run_scoped3A_206 : memref<!tpu.dma_semaphore, #tpu.memory_space<semaphore_mem>>) {add = true}
        %dma_wait3A_217 = arith.constant 0 : i32
        %dma_wait3A_218 = arith.constant 0 : i32
        %dma_wait3A_219 = tpu.memref_slice %arg8[%run_scoped3A_190, %dma_wait3A_217, %dma_wait3A_218] : memref<2x128x128xf32, #tpu.memory_space<vmem>> -> memref<1x128x128xf32, #tpu.memory_space<vmem>>
        %dma_wait3A_220 = tpu.memref_squeeze %dma_wait3A_219 : memref<1x128x128xf32, #tpu.memory_space<vmem>> -> memref<128x128xf32, #tpu.memory_space<vmem>>
        %dma_wait3A_221 = arith.constant 0 : i32
        %dma_wait3A_222 = tpu.memref_slice %arg7[%add3A_177, %dma_wait3A_221] : memref<40x128xi32, #tpu.memory_space<vmem>> -> memref<1x128xi32, #tpu.memory_space<vmem>>
        %dma_wait3A_223 = tpu.memref_squeeze %dma_wait3A_222 : memref<1x128xi32, #tpu.memory_space<vmem>> -> memref<128xi32, #tpu.memory_space<vmem>>
        %dma_wait3A_224 = arith.constant 0 : i32
        %dma_wait3A_225 = arith.constant 0 : i32
        %dma_wait3A_226 = tpu.memref_slice %arg9[%dma_wait3A_224, %dma_wait3A_225] : memref<10240x128xf32, #tpu.memory_space<vmem_shared>> -> memref<10240x128xf32, #tpu.memory_space<vmem_shared>>
        tpu.wait_indirect_dma semaphore(%run_scoped3A_206 : memref<!tpu.dma_semaphore, #tpu.memory_space<semaphore_mem>>) src(%dma_wait3A_220 : memref<128x128xf32, #tpu.memory_space<vmem>>) dst(%dma_wait3A_226 : memref<10240x128xf32, #tpu.memory_space<vmem_shared>>)
        tpu.yield
      }) : () -> ()
      %add3A_191 = arith.constant 2 : i32
      %add3A_192 = arith.addi %add3A_177, %add3A_191 : i32
      %min3A_193 = arith.constant 39 : i32
      %min3A_194 = arith.minsi %add3A_192, %min3A_193 : i32
      %dma_start3A_195 = arith.constant 1 : i32
      %dma_start3A_196 = arith.constant 0 : i32
      %dma_start3A_197 = arith.constant 0 : i32
      %dma_start3A_198 = tpu.memref_slice %arg8[%dma_start3A_195, %dma_start3A_196, %dma_start3A_197] : memref<2x128x128xf32, #tpu.memory_space<vmem>> -> memref<1x128x128xf32, #tpu.memory_space<vmem>>
      %dma_start3A_199 = tpu.memref_squeeze %dma_start3A_198 : memref<1x128x128xf32, #tpu.memory_space<vmem>> -> memref<128x128xf32, #tpu.memory_space<vmem>>
      %dma_start3A_200 = arith.constant 0 : i32
      %dma_start3A_201 = tpu.memref_slice %arg6[%min3A_194, %dma_start3A_200] : memref<40x128xi32, #tpu.memory_space<vmem>> -> memref<1x128xi32, #tpu.memory_space<vmem>>
      %dma_start3A_202 = tpu.memref_squeeze %dma_start3A_201 : memref<1x128xi32, #tpu.memory_space<vmem>> -> memref<128xi32, #tpu.memory_space<vmem>>
      %dma_start3A_203 = arith.constant 0 : i32
      %dma_start3A_204 = arith.constant 0 : i32
      %dma_start3A_205 = tpu.memref_slice %arg2[%dma_start3A_203, %dma_start3A_204] : memref<10240x128xf32, #tpu.memory_space<hbm>> -> memref<10240x128xf32, #tpu.memory_space<hbm>>
      tpu.enqueue_indirect_dma source(%dma_start3A_205 : memref<10240x128xf32, #tpu.memory_space<hbm>>) target(%dma_start3A_199 : memref<128x128xf32, #tpu.memory_space<vmem>>) offsets(%dma_start3A_202 : memref<128xi32, #tpu.memory_space<vmem>>) semaphore(%arg11 : memref<!tpu.dma_semaphore, #tpu.memory_space<semaphore_mem>>)
    }
    %scan3A_120 = arith.constant 20 : i32
    %dma_wait3A_121 = arith.constant 0 : i32
    %dma_wait3A_122 = arith.constant 0 : i32
    %dma_wait3A_123 = arith.constant 0 : i32
    %dma_wait3A_124 = arith.constant 0 : i32
    %dma_wait3A_125 = tpu.memref_slice %arg8[%dma_wait3A_122, %dma_wait3A_123, %dma_wait3A_124] : memref<2x128x128xf32, #tpu.memory_space<vmem>> -> memref<1x128x128xf32, #tpu.memory_space<vmem>>
    %dma_wait3A_126 = tpu.memref_squeeze %dma_wait3A_125 : memref<1x128x128xf32, #tpu.memory_space<vmem>> -> memref<128x128xf32, #tpu.memory_space<vmem>>
    %dma_wait3A_127 = arith.constant 0 : i32
    %dma_wait3A_128 = tpu.memref_slice %arg6[%dma_wait3A_121, %dma_wait3A_127] : memref<40x128xi32, #tpu.memory_space<vmem>> -> memref<1x128xi32, #tpu.memory_space<vmem>>
    %dma_wait3A_129 = tpu.memref_squeeze %dma_wait3A_128 : memref<1x128xi32, #tpu.memory_space<vmem>> -> memref<128xi32, #tpu.memory_space<vmem>>
    %dma_wait3A_130 = arith.constant 0 : i32
    %dma_wait3A_131 = arith.constant 0 : i32
    %dma_wait3A_132 = tpu.memref_slice %arg2[%dma_wait3A_130, %dma_wait3A_131] : memref<10240x128xf32, #tpu.memory_space<hbm>> -> memref<10240x128xf32, #tpu.memory_space<hbm>>
    tpu.wait_indirect_dma semaphore(%arg10 : memref<!tpu.dma_semaphore, #tpu.memory_space<semaphore_mem>>) src(%dma_wait3A_132 : memref<10240x128xf32, #tpu.memory_space<hbm>>) dst(%dma_wait3A_126 : memref<128x128xf32, #tpu.memory_space<vmem>>)
    %dma_wait3A_133 = arith.constant 1 : i32
    %dma_wait3A_134 = arith.constant 1 : i32
    %dma_wait3A_135 = arith.constant 0 : i32
    %dma_wait3A_136 = arith.constant 0 : i32
    %dma_wait3A_137 = tpu.memref_slice %arg8[%dma_wait3A_134, %dma_wait3A_135, %dma_wait3A_136] : memref<2x128x128xf32, #tpu.memory_space<vmem>> -> memref<1x128x128xf32, #tpu.memory_space<vmem>>
    %dma_wait3A_138 = tpu.memref_squeeze %dma_wait3A_137 : memref<1x128x128xf32, #tpu.memory_space<vmem>> -> memref<128x128xf32, #tpu.memory_space<vmem>>
    %dma_wait3A_139 = arith.constant 0 : i32
    %dma_wait3A_140 = tpu.memref_slice %arg6[%dma_wait3A_133, %dma_wait3A_139] : memref<40x128xi32, #tpu.memory_space<vmem>> -> memref<1x128xi32, #tpu.memory_space<vmem>>
    %dma_wait3A_141 = tpu.memref_squeeze %dma_wait3A_140 : memref<1x128xi32, #tpu.memory_space<vmem>> -> memref<128xi32, #tpu.memory_space<vmem>>
    %dma_wait3A_142 = arith.constant 0 : i32
    %dma_wait3A_143 = arith.constant 0 : i32
    %dma_wait3A_144 = tpu.memref_slice %arg2[%dma_wait3A_142, %dma_wait3A_143] : memref<10240x128xf32, #tpu.memory_space<hbm>> -> memref<10240x128xf32, #tpu.memory_space<hbm>>
    tpu.wait_indirect_dma semaphore(%arg11 : memref<!tpu.dma_semaphore, #tpu.memory_space<semaphore_mem>>) src(%dma_wait3A_144 : memref<10240x128xf32, #tpu.memory_space<hbm>>) dst(%dma_wait3A_138 : memref<128x128xf32, #tpu.memory_space<vmem>>)
    %barrier3A_145 = arith.constant 0 : index
    tpu.barrier barrier_id(%barrier3A_145)
    "tpu.region"() ({
      %run_scoped3A_146 = tpu.sem_alloc : memref<!tpu.dma_semaphore, #tpu.memory_space<semaphore_mem>>
      %dma_start3A_147 = arith.constant 0 : i32
      %dma_start3A_148 = tpu.memref_slice %arg5[%arg0, %mul3A_8, %dma_start3A_147] : memref<2x10240x128xf32, #tpu.memory_space<hbm>> -> memref<1x640x128xf32, #tpu.memory_space<hbm>>
      %dma_start3A_149 = tpu.memref_squeeze %dma_start3A_148 : memref<1x640x128xf32, #tpu.memory_space<hbm>> -> memref<640x128xf32, #tpu.memory_space<hbm>>
      %dma_start3A_150 = arith.constant 0 : i32
      %dma_start3A_151 = tpu.memref_slice %arg9[%mul3A_8, %dma_start3A_150] : memref<10240x128xf32, #tpu.memory_space<vmem_shared>> -> memref<640x128xf32, #tpu.memory_space<vmem_shared>>
      tpu.enqueue_dma source(%dma_start3A_151 : memref<640x128xf32, #tpu.memory_space<vmem_shared>>) target(%dma_start3A_149 : memref<640x128xf32, #tpu.memory_space<hbm>>) target_semaphore(%run_scoped3A_146 : memref<!tpu.dma_semaphore, #tpu.memory_space<semaphore_mem>>)
      %dma_wait3A_152 = arith.constant 0 : i32
      %dma_wait3A_153 = tpu.memref_slice %arg5[%arg0, %mul3A_8, %dma_wait3A_152] : memref<2x10240x128xf32, #tpu.memory_space<hbm>> -> memref<1x640x128xf32, #tpu.memory_space<hbm>>
      %dma_wait3A_154 = tpu.memref_squeeze %dma_wait3A_153 : memref<1x640x128xf32, #tpu.memory_space<hbm>> -> memref<640x128xf32, #tpu.memory_space<hbm>>
      %dma_wait3A_155 = arith.constant 0 : i32
      %dma_wait3A_156 = tpu.memref_slice %arg9[%mul3A_8, %dma_wait3A_155] : memref<10240x128xf32, #tpu.memory_space<vmem_shared>> -> memref<640x128xf32, #tpu.memory_space<vmem_shared>>
      tpu.wait_dma2 semaphore(%run_scoped3A_146 : memref<!tpu.dma_semaphore, #tpu.memory_space<semaphore_mem>>) src(%dma_wait3A_156 : memref<640x128xf32, #tpu.memory_space<vmem_shared>>) dst(%dma_wait3A_154 : memref<640x128xf32, #tpu.memory_space<hbm>>)
      tpu.yield
    }) : () -> ()
    return
  }
}

#map = affine_map<(d0, d1) -> (0, 0)>
#map1 = affine_map<(d0, d1) -> (0, 0, 0)>
module attributes {stable_mosaic.version = 14 : i64} {
  func.func @body(%arg0: i32, %arg1: i32, %arg2: memref<10240x128xf32, #tpu.memory_space<hbm>>, %arg3: memref<2560x128xi32, #tpu.memory_space<hbm>>, %arg4: memref<2560x128xi32, #tpu.memory_space<hbm>>, %arg5: memref<2x10240x128xf32, #tpu.memory_space<hbm>>, %arg6: memref<40x128xi32, #tpu.memory_space<vmem>>, %arg7: memref<40x128xi32, #tpu.memory_space<vmem>>, %arg8: memref<2x128x128xf32, #tpu.memory_space<vmem>>, %arg9: memref<10240x128xf32, #tpu.memory_space<vmem_shared>>, %arg10: memref<!tpu.dma_semaphore, #tpu.memory_space<semaphore_mem>>, %arg11: memref<!tpu.dma_semaphore, #tpu.memory_space<semaphore_mem>>) attributes {dimension_semantics = [#tpu.dimension_semantics<core_parallel>, #tpu.dimension_semantics<subcore_parallel>], iteration_bounds = array<i64: 2, 16>, scalar_prefetch = 0 : i64, scratch_operands = 6 : i64, tpu.core_type = #tpu.core_type<sc_vector_subcore>, window_params = [{transform_indices = #map}, {transform_indices = #map}, {transform_indices = #map}, {transform_indices = #map1}]} {
    %mul3A = arith.constant 16 : i32
    %mul3A_0 = arith.muli %arg0, %mul3A : i32
    %add3A = arith.addi %mul3A_0, %arg1 : i32
    %broadcast_in_dim3A = arith.constant 0.000000e+00 : f32
    %broadcast_in_dim3A_1 = vector.broadcast %broadcast_in_dim3A : f32 to vector<16xf32>
    %scan3A = arith.constant 0 : i32
    %scan3A_2 = arith.constant 0 : i32
    %scan3A_3 = arith.constant 128 : i32
    %scan3A_4 = arith.addi %scan3A_2, %scan3A_3 : i32
    %scan3A_5 = arith.constant 1 : i32
    scf.for %scan3A_146 = %scan3A_2 to %scan3A_4 step %scan3A_5  : i32 {
      %swap3A = arith.constant 0 : i32
      %swap3A_147 = arith.index_cast %swap3A : i32 to index
      %swap3A_148 = arith.index_cast %scan3A_146 : i32 to index
      %swap3A_149 = arith.constant 0 : index
      %swap3A_150 = tpu.vector_load %arg8[%swap3A_147, %swap3A_148, %swap3A_149] {strides = array<i32>} : memref<2x128x128xf32, #tpu.memory_space<vmem>>, vector<1x1x16xf32>,
      %swap3A_151 = vector.shape_cast %swap3A_150 : vector<1x1x16xf32> to vector<16xf32>
      %swap3A_152 = vector.shape_cast %broadcast_in_dim3A_1 : vector<16xf32> to vector<1x1x16xf32>
      tpu.vector_store %arg8[%swap3A_147, %swap3A_148, %swap3A_149], %swap3A_152 {strides = array<i32>} : memref<2x128x128xf32, #tpu.memory_space<vmem>>, vector<1x1x16xf32>,
      %swap3A_153 = arith.constant 0 : i32
      %swap3A_154 = arith.index_cast %swap3A_153 : i32 to index
      %swap3A_155 = arith.index_cast %scan3A_146 : i32 to index
      %swap3A_156 = arith.constant 16 : index
      %swap3A_157 = tpu.vector_load %arg8[%swap3A_154, %swap3A_155, %swap3A_156] {strides = array<i32>} : memref<2x128x128xf32, #tpu.memory_space<vmem>>, vector<1x1x16xf32>,
      %swap3A_158 = vector.shape_cast %swap3A_157 : vector<1x1x16xf32> to vector<16xf32>
      %swap3A_159 = vector.shape_cast %broadcast_in_dim3A_1 : vector<16xf32> to vector<1x1x16xf32>
      tpu.vector_store %arg8[%swap3A_154, %swap3A_155, %swap3A_156], %swap3A_159 {strides = array<i32>} : memref<2x128x128xf32, #tpu.memory_space<vmem>>, vector<1x1x16xf32>,
      %swap3A_160 = arith.constant 0 : i32
      %swap3A_161 = arith.index_cast %swap3A_160 : i32 to index
      %swap3A_162 = arith.index_cast %scan3A_146 : i32 to index
      %swap3A_163 = arith.constant 32 : index
      %swap3A_164 = tpu.vector_load %arg8[%swap3A_161, %swap3A_162, %swap3A_163] {strides = array<i32>} : memref<2x128x128xf32, #tpu.memory_space<vmem>>, vector<1x1x16xf32>,
      %swap3A_165 = vector.shape_cast %swap3A_164 : vector<1x1x16xf32> to vector<16xf32>
      %swap3A_166 = vector.shape_cast %broadcast_in_dim3A_1 : vector<16xf32> to vector<1x1x16xf32>
      tpu.vector_store %arg8[%swap3A_161, %swap3A_162, %swap3A_163], %swap3A_166 {strides = array<i32>} : memref<2x128x128xf32, #tpu.memory_space<vmem>>, vector<1x1x16xf32>,
      %swap3A_167 = arith.constant 0 : i32
      %swap3A_168 = arith.index_cast %swap3A_167 : i32 to index
      %swap3A_169 = arith.index_cast %scan3A_146 : i32 to index
      %swap3A_170 = arith.constant 48 : index
      %swap3A_171 = tpu.vector_load %arg8[%swap3A_168, %swap3A_169, %swap3A_170] {strides = array<i32>} : memref<2x128x128xf32, #tpu.memory_space<vmem>>, vector<1x1x16xf32>,
      %swap3A_172 = vector.shape_cast %swap3A_171 : vector<1x1x16xf32> to vector<16xf32>
      %swap3A_173 = vector.shape_cast %broadcast_in_dim3A_1 : vector<16xf32> to vector<1x1x16xf32>
      tpu.vector_store %arg8[%swap3A_168, %swap3A_169, %swap3A_170], %swap3A_173 {strides = array<i32>} : memref<2x128x128xf32, #tpu.memory_space<vmem>>, vector<1x1x16xf32>,
      %swap3A_174 = arith.constant 0 : i32
      %swap3A_175 = arith.index_cast %swap3A_174 : i32 to index
      %swap3A_176 = arith.index_cast %scan3A_146 : i32 to index
      %swap3A_177 = arith.constant 64 : index
      %swap3A_178 = tpu.vector_load %arg8[%swap3A_175, %swap3A_176, %swap3A_177] {strides = array<i32>} : memref<2x128x128xf32, #tpu.memory_space<vmem>>, vector<1x1x16xf32>,
      %swap3A_179 = vector.shape_cast %swap3A_178 : vector<1x1x16xf32> to vector<16xf32>
      %swap3A_180 = vector.shape_cast %broadcast_in_dim3A_1 : vector<16xf32> to vector<1x1x16xf32>
      tpu.vector_store %arg8[%swap3A_175, %swap3A_176, %swap3A_177], %swap3A_180 {strides = array<i32>} : memref<2x128x128xf32, #tpu.memory_space<vmem>>, vector<1x1x16xf32>,
      %swap3A_181 = arith.constant 0 : i32
      %swap3A_182 = arith.index_cast %swap3A_181 : i32 to index
      %swap3A_183 = arith.index_cast %scan3A_146 : i32 to index
      %swap3A_184 = arith.constant 80 : index
      %swap3A_185 = tpu.vector_load %arg8[%swap3A_182, %swap3A_183, %swap3A_184] {strides = array<i32>} : memref<2x128x128xf32, #tpu.memory_space<vmem>>, vector<1x1x16xf32>,
      %swap3A_186 = vector.shape_cast %swap3A_185 : vector<1x1x16xf32> to vector<16xf32>
      %swap3A_187 = vector.shape_cast %broadcast_in_dim3A_1 : vector<16xf32> to vector<1x1x16xf32>
      tpu.vector_store %arg8[%swap3A_182, %swap3A_183, %swap3A_184], %swap3A_187 {strides = array<i32>} : memref<2x128x128xf32, #tpu.memory_space<vmem>>, vector<1x1x16xf32>,
      %swap3A_188 = arith.constant 0 : i32
      %swap3A_189 = arith.index_cast %swap3A_188 : i32 to index
      %swap3A_190 = arith.index_cast %scan3A_146 : i32 to index
      %swap3A_191 = arith.constant 96 : index
      %swap3A_192 = tpu.vector_load %arg8[%swap3A_189, %swap3A_190, %swap3A_191] {strides = array<i32>} : memref<2x128x128xf32, #tpu.memory_space<vmem>>, vector<1x1x16xf32>,
      %swap3A_193 = vector.shape_cast %swap3A_192 : vector<1x1x16xf32> to vector<16xf32>
      %swap3A_194 = vector.shape_cast %broadcast_in_dim3A_1 : vector<16xf32> to vector<1x1x16xf32>
      tpu.vector_store %arg8[%swap3A_189, %swap3A_190, %swap3A_191], %swap3A_194 {strides = array<i32>} : memref<2x128x128xf32, #tpu.memory_space<vmem>>, vector<1x1x16xf32>,
      %swap3A_195 = arith.constant 0 : i32
      %swap3A_196 = arith.index_cast %swap3A_195 : i32 to index
      %swap3A_197 = arith.index_cast %scan3A_146 : i32 to index
      %swap3A_198 = arith.constant 112 : index
      %swap3A_199 = tpu.vector_load %arg8[%swap3A_196, %swap3A_197, %swap3A_198] {strides = array<i32>} : memref<2x128x128xf32, #tpu.memory_space<vmem>>, vector<1x1x16xf32>,
      %swap3A_200 = vector.shape_cast %swap3A_199 : vector<1x1x16xf32> to vector<16xf32>
      %swap3A_201 = vector.shape_cast %broadcast_in_dim3A_1 : vector<16xf32> to vector<1x1x16xf32>
      tpu.vector_store %arg8[%swap3A_196, %swap3A_197, %swap3A_198], %swap3A_201 {strides = array<i32>} : memref<2x128x128xf32, #tpu.memory_space<vmem>>, vector<1x1x16xf32>,
    }
    %scan3A_6 = arith.constant 128 : i32
    %mul3A_7 = arith.constant 640 : i32
    %mul3A_8 = arith.muli %arg1, %mul3A_7 : i32
    %add3A_9 = arith.constant 0 : i32
    %add3A_10 = arith.addi %mul3A_8, %add3A_9 : i32
    %run_scoped3A = arith.constant 0 : i32
    "tpu.region"() ({
      %run_scoped3A_146 = tpu.sem_alloc : memref<!tpu.dma_semaphore, #tpu.memory_space<semaphore_mem>>
      %dma_start3A_147 = arith.constant 0 : i32
      %dma_start3A_148 = arith.constant 0 : i32
      %dma_start3A_149 = tpu.memref_slice %arg8[%run_scoped3A, %dma_start3A_147, %dma_start3A_148] : memref<2x128x128xf32, #tpu.memory_space<vmem>> -> memref<1x128x128xf32, #tpu.memory_space<vmem>>
      %dma_start3A_150 = tpu.memref_squeeze %dma_start3A_149 : memref<1x128x128xf32, #tpu.memory_space<vmem>> -> memref<128x128xf32, #tpu.memory_space<vmem>>
      %dma_start3A_151 = arith.constant 0 : i32
      %dma_start3A_152 = tpu.memref_slice %arg9[%add3A_10, %dma_start3A_151] : memref<10240x128xf32, #tpu.memory_space<vmem_shared>> -> memref<128x128xf32, #tpu.memory_space<vmem_shared>>
      %dma_start3A_153 = arith.constant 0 : i32
      %dma_start3A_154 = tpu.memref_slice %arg9[%add3A_10, %dma_start3A_153] : memref<10240x128xf32, #tpu.memory_space<vmem_shared>> -> memref<128x128xf32, #tpu.memory_space<vmem_shared>>
      %dma_start3A_155 = arith.constant 0 : i32
      %dma_start3A_156 = arith.constant 0 : i32
      %dma_start3A_157 = tpu.memref_slice %arg8[%run_scoped3A, %dma_start3A_155, %dma_start3A_156] : memref<2x128x128xf32, #tpu.memory_space<vmem>> -> memref<1x128x128xf32, #tpu.memory_space<vmem>>
      %dma_start3A_158 = tpu.memref_squeeze %dma_start3A_157 : memref<1x128x128xf32, #tpu.memory_space<vmem>> -> memref<128x128xf32, #tpu.memory_space<vmem>>
      tpu.enqueue_dma source(%dma_start3A_158 : memref<128x128xf32, #tpu.memory_space<vmem>>) target(%dma_start3A_154 : memref<128x128xf32, #tpu.memory_space<vmem_shared>>) target_semaphore(%run_scoped3A_146 : memref<!tpu.dma_semaphore, #tpu.memory_space<semaphore_mem>>)
      %dma_wait3A_159 = arith.constant 0 : i32
      %dma_wait3A_160 = arith.constant 0 : i32
      %dma_wait3A_161 = tpu.memref_slice %arg8[%run_scoped3A, %dma_wait3A_159, %dma_wait3A_160] : memref<2x128x128xf32, #tpu.memory_space<vmem>> -> memref<1x128x128xf32, #tpu.memory_space<vmem>>
      %dma_wait3A_162 = tpu.memref_squeeze %dma_wait3A_161 : memref<1x128x128xf32, #tpu.memory_space<vmem>> -> memref<128x128xf32, #tpu.memory_space<vmem>>
      %dma_wait3A_163 = arith.constant 0 : i32
      %dma_wait3A_164 = tpu.memref_slice %arg9[%add3A_10, %dma_wait3A_163] : memref<10240x128xf32, #tpu.memory_space<vmem_shared>> -> memref<128x128xf32, #tpu.memory_space<vmem_shared>>
      %dma_wait3A_165 = arith.constant 0 : i32
      %dma_wait3A_166 = tpu.memref_slice %arg9[%add3A_10, %dma_wait3A_165] : memref<10240x128xf32, #tpu.memory_space<vmem_shared>> -> memref<128x128xf32, #tpu.memory_space<vmem_shared>>
      %dma_wait3A_167 = arith.constant 0 : i32
      %dma_wait3A_168 = arith.constant 0 : i32
      %dma_wait3A_169 = tpu.memref_slice %arg8[%run_scoped3A, %dma_wait3A_167, %dma_wait3A_168] : memref<2x128x128xf32, #tpu.memory_space<vmem>> -> memref<1x128x128xf32, #tpu.memory_space<vmem>>
      %dma_wait3A_170 = tpu.memref_squeeze %dma_wait3A_169 : memref<1x128x128xf32, #tpu.memory_space<vmem>> -> memref<128x128xf32, #tpu.memory_space<vmem>>
      tpu.wait_dma2 semaphore(%run_scoped3A_146 : memref<!tpu.dma_semaphore, #tpu.memory_space<semaphore_mem>>) src(%dma_wait3A_170 : memref<128x128xf32, #tpu.memory_space<vmem>>) dst(%dma_wait3A_166 : memref<128x128xf32, #tpu.memory_space<vmem_shared>>)
      tpu.yield
    }) : () -> ()
    %add3A_11 = arith.constant 128 : i32
    %add3A_12 = arith.addi %mul3A_8, %add3A_11 : i32
    %run_scoped3A_13 = arith.constant 0 : i32
    "tpu.region"() ({
      %run_scoped3A_146 = tpu.sem_alloc : memref<!tpu.dma_semaphore, #tpu.memory_space<semaphore_mem>>
      %dma_start3A_147 = arith.constant 0 : i32
      %dma_start3A_148 = arith.constant 0 : i32
      %dma_start3A_149 = tpu.memref_slice %arg8[%run_scoped3A_13, %dma_start3A_147, %dma_start3A_148] : memref<2x128x128xf32, #tpu.memory_space<vmem>> -> memref<1x128x128xf32, #tpu.memory_space<vmem>>
      %dma_start3A_150 = tpu.memref_squeeze %dma_start3A_149 : memref<1x128x128xf32, #tpu.memory_space<vmem>> -> memref<128x128xf32, #tpu.memory_space<vmem>>
      %dma_start3A_151 = arith.constant 0 : i32
      %dma_start3A_152 = tpu.memref_slice %arg9[%add3A_12, %dma_start3A_151] : memref<10240x128xf32, #tpu.memory_space<vmem_shared>> -> memref<128x128xf32, #tpu.memory_space<vmem_shared>>
      %dma_start3A_153 = arith.constant 0 : i32
      %dma_start3A_154 = tpu.memref_slice %arg9[%add3A_12, %dma_start3A_153] : memref<10240x128xf32, #tpu.memory_space<vmem_shared>> -> memref<128x128xf32, #tpu.memory_space<vmem_shared>>
      %dma_start3A_155 = arith.constant 0 : i32
      %dma_start3A_156 = arith.constant 0 : i32
      %dma_start3A_157 = tpu.memref_slice %arg8[%run_scoped3A_13, %dma_start3A_155, %dma_start3A_156] : memref<2x128x128xf32, #tpu.memory_space<vmem>> -> memref<1x128x128xf32, #tpu.memory_space<vmem>>
      %dma_start3A_158 = tpu.memref_squeeze %dma_start3A_157 : memref<1x128x128xf32, #tpu.memory_space<vmem>> -> memref<128x128xf32, #tpu.memory_space<vmem>>
      tpu.enqueue_dma source(%dma_start3A_158 : memref<128x128xf32, #tpu.memory_space<vmem>>) target(%dma_start3A_154 : memref<128x128xf32, #tpu.memory_space<vmem_shared>>) target_semaphore(%run_scoped3A_146 : memref<!tpu.dma_semaphore, #tpu.memory_space<semaphore_mem>>)
      %dma_wait3A_159 = arith.constant 0 : i32
      %dma_wait3A_160 = arith.constant 0 : i32
      %dma_wait3A_161 = tpu.memref_slice %arg8[%run_scoped3A_13, %dma_wait3A_159, %dma_wait3A_160] : memref<2x128x128xf32, #tpu.memory_space<vmem>> -> memref<1x128x128xf32, #tpu.memory_space<vmem>>
      %dma_wait3A_162 = tpu.memref_squeeze %dma_wait3A_161 : memref<1x128x128xf32, #tpu.memory_space<vmem>> -> memref<128x128xf32, #tpu.memory_space<vmem>>
      %dma_wait3A_163 = arith.constant 0 : i32
      %dma_wait3A_164 = tpu.memref_slice %arg9[%add3A_12, %dma_wait3A_163] : memref<10240x128xf32, #tpu.memory_space<vmem_shared>> -> memref<128x128xf32, #tpu.memory_space<vmem_shared>>
      %dma_wait3A_165 = arith.constant 0 : i32
      %dma_wait3A_166 = tpu.memref_slice %arg9[%add3A_12, %dma_wait3A_165] : memref<10240x128xf32, #tpu.memory_space<vmem_shared>> -> memref<128x128xf32, #tpu.memory_space<vmem_shared>>
      %dma_wait3A_167 = arith.constant 0 : i32
      %dma_wait3A_168 = arith.constant 0 : i32
      %dma_wait3A_169 = tpu.memref_slice %arg8[%run_scoped3A_13, %dma_wait3A_167, %dma_wait3A_168] : memref<2x128x128xf32, #tpu.memory_space<vmem>> -> memref<1x128x128xf32, #tpu.memory_space<vmem>>
      %dma_wait3A_170 = tpu.memref_squeeze %dma_wait3A_169 : memref<1x128x128xf32, #tpu.memory_space<vmem>> -> memref<128x128xf32, #tpu.memory_space<vmem>>
      tpu.wait_dma2 semaphore(%run_scoped3A_146 : memref<!tpu.dma_semaphore, #tpu.memory_space<semaphore_mem>>) src(%dma_wait3A_170 : memref<128x128xf32, #tpu.memory_space<vmem>>) dst(%dma_wait3A_166 : memref<128x128xf32, #tpu.memory_space<vmem_shared>>)
      tpu.yield
    }) : () -> ()
    %add3A_14 = arith.constant 256 : i32
    %add3A_15 = arith.addi %mul3A_8, %add3A_14 : i32
    %run_scoped3A_16 = arith.constant 0 : i32
    "tpu.region"() ({
      %run_scoped3A_146 = tpu.sem_alloc : memref<!tpu.dma_semaphore, #tpu.memory_space<semaphore_mem>>
      %dma_start3A_147 = arith.constant 0 : i32
      %dma_start3A_148 = arith.constant 0 : i32
      %dma_start3A_149 = tpu.memref_slice %arg8[%run_scoped3A_16, %dma_start3A_147, %dma_start3A_148] : memref<2x128x128xf32, #tpu.memory_space<vmem>> -> memref<1x128x128xf32, #tpu.memory_space<vmem>>
      %dma_start3A_150 = tpu.memref_squeeze %dma_start3A_149 : memref<1x128x128xf32, #tpu.memory_space<vmem>> -> memref<128x128xf32, #tpu.memory_space<vmem>>
      %dma_start3A_151 = arith.constant 0 : i32
      %dma_start3A_152 = tpu.memref_slice %arg9[%add3A_15, %dma_start3A_151] : memref<10240x128xf32, #tpu.memory_space<vmem_shared>> -> memref<128x128xf32, #tpu.memory_space<vmem_shared>>
      %dma_start3A_153 = arith.constant 0 : i32
      %dma_start3A_154 = tpu.memref_slice %arg9[%add3A_15, %dma_start3A_153] : memref<10240x128xf32, #tpu.memory_space<vmem_shared>> -> memref<128x128xf32, #tpu.memory_space<vmem_shared>>
      %dma_start3A_155 = arith.constant 0 : i32
      %dma_start3A_156 = arith.constant 0 : i32
      %dma_start3A_157 = tpu.memref_slice %arg8[%run_scoped3A_16, %dma_start3A_155, %dma_start3A_156] : memref<2x128x128xf32, #tpu.memory_space<vmem>> -> memref<1x128x128xf32, #tpu.memory_space<vmem>>
      %dma_start3A_158 = tpu.memref_squeeze %dma_start3A_157 : memref<1x128x128xf32, #tpu.memory_space<vmem>> -> memref<128x128xf32, #tpu.memory_space<vmem>>
      tpu.enqueue_dma source(%dma_start3A_158 : memref<128x128xf32, #tpu.memory_space<vmem>>) target(%dma_start3A_154 : memref<128x128xf32, #tpu.memory_space<vmem_shared>>) target_semaphore(%run_scoped3A_146 : memref<!tpu.dma_semaphore, #tpu.memory_space<semaphore_mem>>)
      %dma_wait3A_159 = arith.constant 0 : i32
      %dma_wait3A_160 = arith.constant 0 : i32
      %dma_wait3A_161 = tpu.memref_slice %arg8[%run_scoped3A_16, %dma_wait3A_159, %dma_wait3A_160] : memref<2x128x128xf32, #tpu.memory_space<vmem>> -> memref<1x128x128xf32, #tpu.memory_space<vmem>>
      %dma_wait3A_162 = tpu.memref_squeeze %dma_wait3A_161 : memref<1x128x128xf32, #tpu.memory_space<vmem>> -> memref<128x128xf32, #tpu.memory_space<vmem>>
      %dma_wait3A_163 = arith.constant 0 : i32
      %dma_wait3A_164 = tpu.memref_slice %arg9[%add3A_15, %dma_wait3A_163] : memref<10240x128xf32, #tpu.memory_space<vmem_shared>> -> memref<128x128xf32, #tpu.memory_space<vmem_shared>>
      %dma_wait3A_165 = arith.constant 0 : i32
      %dma_wait3A_166 = tpu.memref_slice %arg9[%add3A_15, %dma_wait3A_165] : memref<10240x128xf32, #tpu.memory_space<vmem_shared>> -> memref<128x128xf32, #tpu.memory_space<vmem_shared>>
      %dma_wait3A_167 = arith.constant 0 : i32
      %dma_wait3A_168 = arith.constant 0 : i32
      %dma_wait3A_169 = tpu.memref_slice %arg8[%run_scoped3A_16, %dma_wait3A_167, %dma_wait3A_168] : memref<2x128x128xf32, #tpu.memory_space<vmem>> -> memref<1x128x128xf32, #tpu.memory_space<vmem>>
      %dma_wait3A_170 = tpu.memref_squeeze %dma_wait3A_169 : memref<1x128x128xf32, #tpu.memory_space<vmem>> -> memref<128x128xf32, #tpu.memory_space<vmem>>
      tpu.wait_dma2 semaphore(%run_scoped3A_146 : memref<!tpu.dma_semaphore, #tpu.memory_space<semaphore_mem>>) src(%dma_wait3A_170 : memref<128x128xf32, #tpu.memory_space<vmem>>) dst(%dma_wait3A_166 : memref<128x128xf32, #tpu.memory_space<vmem_shared>>)
      tpu.yield
    }) : () -> ()
    %add3A_17 = arith.constant 384 : i32
    %add3A_18 = arith.addi %mul3A_8, %add3A_17 : i32
    %run_scoped3A_19 = arith.constant 0 : i32
    "tpu.region"() ({
      %run_scoped3A_146 = tpu.sem_alloc : memref<!tpu.dma_semaphore, #tpu.memory_space<semaphore_mem>>
      %dma_start3A_147 = arith.constant 0 : i32
      %dma_start3A_148 = arith.constant 0 : i32
      %dma_start3A_149 = tpu.memref_slice %arg8[%run_scoped3A_19, %dma_start3A_147, %dma_start3A_148] : memref<2x128x128xf32, #tpu.memory_space<vmem>> -> memref<1x128x128xf32, #tpu.memory_space<vmem>>
      %dma_start3A_150 = tpu.memref_squeeze %dma_start3A_149 : memref<1x128x128xf32, #tpu.memory_space<vmem>> -> memref<128x128xf32, #tpu.memory_space<vmem>>
      %dma_start3A_151 = arith.constant 0 : i32
      %dma_start3A_152 = tpu.memref_slice %arg9[%add3A_18, %dma_start3A_151] : memref<10240x128xf32, #tpu.memory_space<vmem_shared>> -> memref<128x128xf32, #tpu.memory_space<vmem_shared>>
      %dma_start3A_153 = arith.constant 0 : i32
      %dma_start3A_154 = tpu.memref_slice %arg9[%add3A_18, %dma_start3A_153] : memref<10240x128xf32, #tpu.memory_space<vmem_shared>> -> memref<128x128xf32, #tpu.memory_space<vmem_shared>>
      %dma_start3A_155 = arith.constant 0 : i32
      %dma_start3A_156 = arith.constant 0 : i32
      %dma_start3A_157 = tpu.memref_slice %arg8[%run_scoped3A_19, %dma_start3A_155, %dma_start3A_156] : memref<2x128x128xf32, #tpu.memory_space<vmem>> -> memref<1x128x128xf32, #tpu.memory_space<vmem>>
      %dma_start3A_158 = tpu.memref_squeeze %dma_start3A_157 : memref<1x128x128xf32, #tpu.memory_space<vmem>> -> memref<128x128xf32, #tpu.memory_space<vmem>>
      tpu.enqueue_dma source(%dma_start3A_158 : memref<128x128xf32, #tpu.memory_space<vmem>>) target(%dma_start3A_154 : memref<128x128xf32, #tpu.memory_space<vmem_shared>>) target_semaphore(%run_scoped3A_146 : memref<!tpu.dma_semaphore, #tpu.memory_space<semaphore_mem>>)
      %dma_wait3A_159 = arith.constant 0 : i32
      %dma_wait3A_160 = arith.constant 0 : i32
      %dma_wait3A_161 = tpu.memref_slice %arg8[%run_scoped3A_19, %dma_wait3A_159, %dma_wait3A_160] : memref<2x128x128xf32, #tpu.memory_space<vmem>> -> memref<1x128x128xf32, #tpu.memory_space<vmem>>
      %dma_wait3A_162 = tpu.memref_squeeze %dma_wait3A_161 : memref<1x128x128xf32, #tpu.memory_space<vmem>> -> memref<128x128xf32, #tpu.memory_space<vmem>>
      %dma_wait3A_163 = arith.constant 0 : i32
      %dma_wait3A_164 = tpu.memref_slice %arg9[%add3A_18, %dma_wait3A_163] : memref<10240x128xf32, #tpu.memory_space<vmem_shared>> -> memref<128x128xf32, #tpu.memory_space<vmem_shared>>
      %dma_wait3A_165 = arith.constant 0 : i32
      %dma_wait3A_166 = tpu.memref_slice %arg9[%add3A_18, %dma_wait3A_165] : memref<10240x128xf32, #tpu.memory_space<vmem_shared>> -> memref<128x128xf32, #tpu.memory_space<vmem_shared>>
      %dma_wait3A_167 = arith.constant 0 : i32
      %dma_wait3A_168 = arith.constant 0 : i32
      %dma_wait3A_169 = tpu.memref_slice %arg8[%run_scoped3A_19, %dma_wait3A_167, %dma_wait3A_168] : memref<2x128x128xf32, #tpu.memory_space<vmem>> -> memref<1x128x128xf32, #tpu.memory_space<vmem>>
      %dma_wait3A_170 = tpu.memref_squeeze %dma_wait3A_169 : memref<1x128x128xf32, #tpu.memory_space<vmem>> -> memref<128x128xf32, #tpu.memory_space<vmem>>
      tpu.wait_dma2 semaphore(%run_scoped3A_146 : memref<!tpu.dma_semaphore, #tpu.memory_space<semaphore_mem>>) src(%dma_wait3A_170 : memref<128x128xf32, #tpu.memory_space<vmem>>) dst(%dma_wait3A_166 : memref<128x128xf32, #tpu.memory_space<vmem_shared>>)
      tpu.yield
    }) : () -> ()
    %add3A_20 = arith.constant 512 : i32
    %add3A_21 = arith.addi %mul3A_8, %add3A_20 : i32
    %run_scoped3A_22 = arith.constant 0 : i32
    "tpu.region"() ({
      %run_scoped3A_146 = tpu.sem_alloc : memref<!tpu.dma_semaphore, #tpu.memory_space<semaphore_mem>>
      %dma_start3A_147 = arith.constant 0 : i32
      %dma_start3A_148 = arith.constant 0 : i32
      %dma_start3A_149 = tpu.memref_slice %arg8[%run_scoped3A_22, %dma_start3A_147, %dma_start3A_148] : memref<2x128x128xf32, #tpu.memory_space<vmem>> -> memref<1x128x128xf32, #tpu.memory_space<vmem>>
      %dma_start3A_150 = tpu.memref_squeeze %dma_start3A_149 : memref<1x128x128xf32, #tpu.memory_space<vmem>> -> memref<128x128xf32, #tpu.memory_space<vmem>>
      %dma_start3A_151 = arith.constant 0 : i32
      %dma_start3A_152 = tpu.memref_slice %arg9[%add3A_21, %dma_start3A_151] : memref<10240x128xf32, #tpu.memory_space<vmem_shared>> -> memref<128x128xf32, #tpu.memory_space<vmem_shared>>
      %dma_start3A_153 = arith.constant 0 : i32
      %dma_start3A_154 = tpu.memref_slice %arg9[%add3A_21, %dma_start3A_153] : memref<10240x128xf32, #tpu.memory_space<vmem_shared>> -> memref<128x128xf32, #tpu.memory_space<vmem_shared>>
      %dma_start3A_155 = arith.constant 0 : i32
      %dma_start3A_156 = arith.constant 0 : i32
      %dma_start3A_157 = tpu.memref_slice %arg8[%run_scoped3A_22, %dma_start3A_155, %dma_start3A_156] : memref<2x128x128xf32, #tpu.memory_space<vmem>> -> memref<1x128x128xf32, #tpu.memory_space<vmem>>
      %dma_start3A_158 = tpu.memref_squeeze %dma_start3A_157 : memref<1x128x128xf32, #tpu.memory_space<vmem>> -> memref<128x128xf32, #tpu.memory_space<vmem>>
      tpu.enqueue_dma source(%dma_start3A_158 : memref<128x128xf32, #tpu.memory_space<vmem>>) target(%dma_start3A_154 : memref<128x128xf32, #tpu.memory_space<vmem_shared>>) target_semaphore(%run_scoped3A_146 : memref<!tpu.dma_semaphore, #tpu.memory_space<semaphore_mem>>)
      %dma_wait3A_159 = arith.constant 0 : i32
      %dma_wait3A_160 = arith.constant 0 : i32
      %dma_wait3A_161 = tpu.memref_slice %arg8[%run_scoped3A_22, %dma_wait3A_159, %dma_wait3A_160] : memref<2x128x128xf32, #tpu.memory_space<vmem>> -> memref<1x128x128xf32, #tpu.memory_space<vmem>>
      %dma_wait3A_162 = tpu.memref_squeeze %dma_wait3A_161 : memref<1x128x128xf32, #tpu.memory_space<vmem>> -> memref<128x128xf32, #tpu.memory_space<vmem>>
      %dma_wait3A_163 = arith.constant 0 : i32
      %dma_wait3A_164 = tpu.memref_slice %arg9[%add3A_21, %dma_wait3A_163] : memref<10240x128xf32, #tpu.memory_space<vmem_shared>> -> memref<128x128xf32, #tpu.memory_space<vmem_shared>>
      %dma_wait3A_165 = arith.constant 0 : i32
      %dma_wait3A_166 = tpu.memref_slice %arg9[%add3A_21, %dma_wait3A_165] : memref<10240x128xf32, #tpu.memory_space<vmem_shared>> -> memref<128x128xf32, #tpu.memory_space<vmem_shared>>
      %dma_wait3A_167 = arith.constant 0 : i32
      %dma_wait3A_168 = arith.constant 0 : i32
      %dma_wait3A_169 = tpu.memref_slice %arg8[%run_scoped3A_22, %dma_wait3A_167, %dma_wait3A_168] : memref<2x128x128xf32, #tpu.memory_space<vmem>> -> memref<1x128x128xf32, #tpu.memory_space<vmem>>
      %dma_wait3A_170 = tpu.memref_squeeze %dma_wait3A_169 : memref<1x128x128xf32, #tpu.memory_space<vmem>> -> memref<128x128xf32, #tpu.memory_space<vmem>>
      tpu.wait_dma2 semaphore(%run_scoped3A_146 : memref<!tpu.dma_semaphore, #tpu.memory_space<semaphore_mem>>) src(%dma_wait3A_170 : memref<128x128xf32, #tpu.memory_space<vmem>>) dst(%dma_wait3A_166 : memref<128x128xf32, #tpu.memory_space<vmem_shared>>)
      tpu.yield
    }) : () -> ()
    %barrier3A = arith.constant 0 : index
    tpu.barrier barrier_id(%barrier3A)
    %mul3A_23 = arith.constant 80 : i32
    %mul3A_24 = arith.muli %add3A, %mul3A_23 : i32
    %add3A_25 = arith.constant 0 : i32
    %add3A_26 = arith.addi %mul3A_24, %add3A_25 : i32
    "tpu.region"() ({
      %run_scoped3A_146 = tpu.sem_alloc : memref<!tpu.dma_semaphore, #tpu.memory_space<semaphore_mem>>
      %dma_start3A_147 = arith.constant 0 : i32
      %dma_start3A_148 = tpu.memref_slice %arg3[%add3A_26, %dma_start3A_147] : memref<2560x128xi32, #tpu.memory_space<hbm>> -> memref<40x128xi32, #tpu.memory_space<hbm>>
      %dma_start3A_149 = arith.constant 0 : i32
      %dma_start3A_150 = tpu.memref_slice %arg3[%add3A_26, %dma_start3A_149] : memref<2560x128xi32, #tpu.memory_space<hbm>> -> memref<40x128xi32, #tpu.memory_space<hbm>>
      tpu.enqueue_dma source(%dma_start3A_150 : memref<40x128xi32, #tpu.memory_space<hbm>>) target(%arg6 : memref<40x128xi32, #tpu.memory_space<vmem>>) target_semaphore(%run_scoped3A_146 : memref<!tpu.dma_semaphore, #tpu.memory_space<semaphore_mem>>)
      %dma_wait3A_151 = arith.constant 0 : i32
      %dma_wait3A_152 = tpu.memref_slice %arg3[%add3A_26, %dma_wait3A_151] : memref<2560x128xi32, #tpu.memory_space<hbm>> -> memref<40x128xi32, #tpu.memory_space<hbm>>
      %dma_wait3A_153 = arith.constant 0 : i32
      %dma_wait3A_154 = tpu.memref_slice %arg3[%add3A_26, %dma_wait3A_153] : memref<2560x128xi32, #tpu.memory_space<hbm>> -> memref<40x128xi32, #tpu.memory_space<hbm>>
      tpu.wait_dma2 semaphore(%run_scoped3A_146 : memref<!tpu.dma_semaphore, #tpu.memory_space<semaphore_mem>>) src(%dma_wait3A_154 : memref<40x128xi32, #tpu.memory_space<hbm>>) dst(%arg6 : memref<40x128xi32, #tpu.memory_space<vmem>>)
      tpu.yield
    }) : () -> ()
    %mul3A_27 = arith.constant 80 : i32
    %mul3A_28 = arith.muli %add3A, %mul3A_27 : i32
    %add3A_29 = arith.constant 0 : i32
    %add3A_30 = arith.addi %mul3A_28, %add3A_29 : i32
    "tpu.region"() ({
      %run_scoped3A_146 = tpu.sem_alloc : memref<!tpu.dma_semaphore, #tpu.memory_space<semaphore_mem>>
      %dma_start3A_147 = arith.constant 0 : i32
      %dma_start3A_148 = tpu.memref_slice %arg4[%add3A_30, %dma_start3A_147] : memref<2560x128xi32, #tpu.memory_space<hbm>> -> memref<40x128xi32, #tpu.memory_space<hbm>>
      %dma_start3A_149 = arith.constant 0 : i32
      %dma_start3A_150 = tpu.memref_slice %arg4[%add3A_30, %dma_start3A_149] : memref<2560x128xi32, #tpu.memory_space<hbm>> -> memref<40x128xi32, #tpu.memory_space<hbm>>
      tpu.enqueue_dma source(%dma_start3A_150 : memref<40x128xi32, #tpu.memory_space<hbm>>) target(%arg7 : memref<40x128xi32, #tpu.memory_space<vmem>>) target_semaphore(%run_scoped3A_146 : memref<!tpu.dma_semaphore, #tpu.memory_space<semaphore_mem>>)
      %dma_wait3A_151 = arith.constant 0 : i32
      %dma_wait3A_152 = tpu.memref_slice %arg4[%add3A_30, %dma_wait3A_151] : memref<2560x128xi32, #tpu.memory_space<hbm>> -> memref<40x128xi32, #tpu.memory_space<hbm>>
      %dma_wait3A_153 = arith.constant 0 : i32
      %dma_wait3A_154 = tpu.memref_slice %arg4[%add3A_30, %dma_wait3A_153] : memref<2560x128xi32, #tpu.memory_space<hbm>> -> memref<40x128xi32, #tpu.memory_space<hbm>>
      tpu.wait_dma2 semaphore(%run_scoped3A_146 : memref<!tpu.dma_semaphore, #tpu.memory_space<semaphore_mem>>) src(%dma_wait3A_154 : memref<40x128xi32, #tpu.memory_space<hbm>>) dst(%arg7 : memref<40x128xi32, #tpu.memory_space<vmem>>)
      tpu.yield
    }) : () -> ()
    %dma_start3A = arith.constant 0 : i32
    %dma_start3A_31 = arith.constant 0 : i32
    %dma_start3A_32 = arith.constant 0 : i32
    %dma_start3A_33 = arith.constant 0 : i32
    %dma_start3A_34 = tpu.memref_slice %arg8[%dma_start3A_31, %dma_start3A_32, %dma_start3A_33] : memref<2x128x128xf32, #tpu.memory_space<vmem>> -> memref<1x128x128xf32, #tpu.memory_space<vmem>>
    %dma_start3A_35 = tpu.memref_squeeze %dma_start3A_34 : memref<1x128x128xf32, #tpu.memory_space<vmem>> -> memref<128x128xf32, #tpu.memory_space<vmem>>
    %dma_start3A_36 = arith.constant 0 : i32
    %dma_start3A_37 = tpu.memref_slice %arg6[%dma_start3A, %dma_start3A_36] : memref<40x128xi32, #tpu.memory_space<vmem>> -> memref<1x128xi32, #tpu.memory_space<vmem>>
    %dma_start3A_38 = tpu.memref_squeeze %dma_start3A_37 : memref<1x128xi32, #tpu.memory_space<vmem>> -> memref<128xi32, #tpu.memory_space<vmem>>
    %dma_start3A_39 = arith.constant 0 : i32
    %dma_start3A_40 = arith.constant 0 : i32
    %dma_start3A_41 = tpu.memref_slice %arg2[%dma_start3A_39, %dma_start3A_40] : memref<10240x128xf32, #tpu.memory_space<hbm>> -> memref<10240x128xf32, #tpu.memory_space<hbm>>
    tpu.enqueue_indirect_dma source(%dma_start3A_41 : memref<10240x128xf32, #tpu.memory_space<hbm>>) target(%dma_start3A_35 : memref<128x128xf32, #tpu.memory_space<vmem>>) offsets(%dma_start3A_38 : memref<128xi32, #tpu.memory_space<vmem>>) semaphore(%arg10 : memref<!tpu.dma_semaphore, #tpu.memory_space<semaphore_mem>>)
    %dma_start3A_42 = arith.constant 1 : i32
    %dma_start3A_43 = arith.constant 1 : i32
    %dma_start3A_44 = arith.constant 0 : i32
    %dma_start3A_45 = arith.constant 0 : i32
    %dma_start3A_46 = tpu.memref_slice %arg8[%dma_start3A_43, %dma_start3A_44, %dma_start3A_45] : memref<2x128x128xf32, #tpu.memory_space<vmem>> -> memref<1x128x128xf32, #tpu.memory_space<vmem>>
    %dma_start3A_47 = tpu.memref_squeeze %dma_start3A_46 : memref<1x128x128xf32, #tpu.memory_space<vmem>> -> memref<128x128xf32, #tpu.memory_space<vmem>>
    %dma_start3A_48 = arith.constant 0 : i32
    %dma_start3A_49 = tpu.memref_slice %arg6[%dma_start3A_42, %dma_start3A_48] : memref<40x128xi32, #tpu.memory_space<vmem>> -> memref<1x128xi32, #tpu.memory_space<vmem>>
    %dma_start3A_50 = tpu.memref_squeeze %dma_start3A_49 : memref<1x128xi32, #tpu.memory_space<vmem>> -> memref<128xi32, #tpu.memory_space<vmem>>
    %dma_start3A_51 = arith.constant 0 : i32
    %dma_start3A_52 = arith.constant 0 : i32
    %dma_start3A_53 = tpu.memref_slice %arg2[%dma_start3A_51, %dma_start3A_52] : memref<10240x128xf32, #tpu.memory_space<hbm>> -> memref<10240x128xf32, #tpu.memory_space<hbm>>
    tpu.enqueue_indirect_dma source(%dma_start3A_53 : memref<10240x128xf32, #tpu.memory_space<hbm>>) target(%dma_start3A_47 : memref<128x128xf32, #tpu.memory_space<vmem>>) offsets(%dma_start3A_50 : memref<128xi32, #tpu.memory_space<vmem>>) semaphore(%arg11 : memref<!tpu.dma_semaphore, #tpu.memory_space<semaphore_mem>>)
    %scan3A_54 = arith.constant 0 : i32
    %scan3A_55 = arith.constant 0 : i32
    %scan3A_56 = arith.constant 20 : i32
    %scan3A_57 = arith.addi %scan3A_55, %scan3A_56 : i32
    %scan3A_58 = arith.constant 1 : i32
    scf.for %scan3A_146 = %scan3A_55 to %scan3A_57 step %scan3A_58  : i32 {
      %mul3A_147 = arith.constant 2 : i32
      %mul3A_148 = arith.muli %mul3A_147, %scan3A_146 : i32
      %dma_wait3A_149 = arith.constant 0 : i32
      %dma_wait3A_150 = arith.constant 0 : i32
      %dma_wait3A_151 = arith.constant 0 : i32
      %dma_wait3A_152 = arith.constant 0 : i32
      %dma_wait3A_153 = tpu.memref_slice %arg8[%dma_wait3A_150, %dma_wait3A_151, %dma_wait3A_152] : memref<2x128x128xf32, #tpu.memory_space<vmem>> -> memref<1x128x128xf32, #tpu.memory_space<vmem>>
      %dma_wait3A_154 = tpu.memref_squeeze %dma_wait3A_153 : memref<1x128x128xf32, #tpu.memory_space<vmem>> -> memref<128x128xf32, #tpu.memory_space<vmem>>
      %dma_wait3A_155 = arith.constant 0 : i32
      %dma_wait3A_156 = tpu.memref_slice %arg6[%dma_wait3A_149, %dma_wait3A_155] : memref<40x128xi32, #tpu.memory_space<vmem>> -> memref<1x128xi32, #tpu.memory_space<vmem>>
      %dma_wait3A_157 = tpu.memref_squeeze %dma_wait3A_156 : memref<1x128xi32, #tpu.memory_space<vmem>> -> memref<128xi32, #tpu.memory_space<vmem>>
      %dma_wait3A_158 = arith.constant 0 : i32
      %dma_wait3A_159 = arith.constant 0 : i32
      %dma_wait3A_160 = tpu.memref_slice %arg2[%dma_wait3A_158, %dma_wait3A_159] : memref<10240x128xf32, #tpu.memory_space<hbm>> -> memref<10240x128xf32, #tpu.memory_space<hbm>>
      tpu.wait_indirect_dma semaphore(%arg10 : memref<!tpu.dma_semaphore, #tpu.memory_space<semaphore_mem>>) src(%dma_wait3A_160 : memref<10240x128xf32, #tpu.memory_space<hbm>>) dst(%dma_wait3A_154 : memref<128x128xf32, #tpu.memory_space<vmem>>)
      %run_scoped3A_161 = arith.constant 0 : i32
      "tpu.region"() ({
        %run_scoped3A_206 = tpu.sem_alloc : memref<!tpu.dma_semaphore, #tpu.memory_space<semaphore_mem>>
        %dma_start3A_207 = arith.constant 0 : i32
        %dma_start3A_208 = arith.constant 0 : i32
        %dma_start3A_209 = tpu.memref_slice %arg8[%run_scoped3A_161, %dma_start3A_207, %dma_start3A_208] : memref<2x128x128xf32, #tpu.memory_space<vmem>> -> memref<1x128x128xf32, #tpu.memory_space<vmem>>
        %dma_start3A_210 = tpu.memref_squeeze %dma_start3A_209 : memref<1x128x128xf32, #tpu.memory_space<vmem>> -> memref<128x128xf32, #tpu.memory_space<vmem>>
        %dma_start3A_211 = arith.constant 0 : i32
        %dma_start3A_212 = tpu.memref_slice %arg7[%mul3A_148, %dma_start3A_211] : memref<40x128xi32, #tpu.memory_space<vmem>> -> memref<1x128xi32, #tpu.memory_space<vmem>>
        %dma_start3A_213 = tpu.memref_squeeze %dma_start3A_212 : memref<1x128xi32, #tpu.memory_space<vmem>> -> memref<128xi32, #tpu.memory_space<vmem>>
        %dma_start3A_214 = arith.constant 0 : i32
        %dma_start3A_215 = arith.constant 0 : i32
        %dma_start3A_216 = tpu.memref_slice %arg9[%dma_start3A_214, %dma_start3A_215] : memref<10240x128xf32, #tpu.memory_space<vmem_shared>> -> memref<10240x128xf32, #tpu.memory_space<vmem_shared>>
        tpu.enqueue_indirect_dma source(%dma_start3A_210 : memref<128x128xf32, #tpu.memory_space<vmem>>) target(%dma_start3A_216 : memref<10240x128xf32, #tpu.memory_space<vmem_shared>>) offsets(%dma_start3A_213 : memref<128xi32, #tpu.memory_space<vmem>>) semaphore(%run_scoped3A_206 : memref<!tpu.dma_semaphore, #tpu.memory_space<semaphore_mem>>) {add = true}
        %dma_wait3A_217 = arith.constant 0 : i32
        %dma_wait3A_218 = arith.constant 0 : i32
        %dma_wait3A_219 = tpu.memref_slice %arg8[%run_scoped3A_161, %dma_wait3A_217, %dma_wait3A_218] : memref<2x128x128xf32, #tpu.memory_space<vmem>> -> memref<1x128x128xf32, #tpu.memory_space<vmem>>
        %dma_wait3A_220 = tpu.memref_squeeze %dma_wait3A_219 : memref<1x128x128xf32, #tpu.memory_space<vmem>> -> memref<128x128xf32, #tpu.memory_space<vmem>>
        %dma_wait3A_221 = arith.constant 0 : i32
        %dma_wait3A_222 = tpu.memref_slice %arg7[%mul3A_148, %dma_wait3A_221] : memref<40x128xi32, #tpu.memory_space<vmem>> -> memref<1x128xi32, #tpu.memory_space<vmem>>
        %dma_wait3A_223 = tpu.memref_squeeze %dma_wait3A_222 : memref<1x128xi32, #tpu.memory_space<vmem>> -> memref<128xi32, #tpu.memory_space<vmem>>
        %dma_wait3A_224 = arith.constant 0 : i32
        %dma_wait3A_225 = arith.constant 0 : i32
        %dma_wait3A_226 = tpu.memref_slice %arg9[%dma_wait3A_224, %dma_wait3A_225] : memref<10240x128xf32, #tpu.memory_space<vmem_shared>> -> memref<10240x128xf32, #tpu.memory_space<vmem_shared>>
        tpu.wait_indirect_dma semaphore(%run_scoped3A_206 : memref<!tpu.dma_semaphore, #tpu.memory_space<semaphore_mem>>) src(%dma_wait3A_220 : memref<128x128xf32, #tpu.memory_space<vmem>>) dst(%dma_wait3A_226 : memref<10240x128xf32, #tpu.memory_space<vmem_shared>>)
        tpu.yield
      }) : () -> ()
      %add3A_162 = arith.constant 2 : i32
      %add3A_163 = arith.addi %mul3A_148, %add3A_162 : i32
      %min3A = arith.constant 39 : i32
      %min3A_164 = arith.minsi %add3A_163, %min3A : i32
      %dma_start3A_165 = arith.constant 0 : i32
      %dma_start3A_166 = arith.constant 0 : i32
      %dma_start3A_167 = arith.constant 0 : i32
      %dma_start3A_168 = tpu.memref_slice %arg8[%dma_start3A_165, %dma_start3A_166, %dma_start3A_167] : memref<2x128x128xf32, #tpu.memory_space<vmem>> -> memref<1x128x128xf32, #tpu.memory_space<vmem>>
      %dma_start3A_169 = tpu.memref_squeeze %dma_start3A_168 : memref<1x128x128xf32, #tpu.memory_space<vmem>> -> memref<128x128xf32, #tpu.memory_space<vmem>>
      %dma_start3A_170 = arith.constant 0 : i32
      %dma_start3A_171 = tpu.memref_slice %arg6[%min3A_164, %dma_start3A_170] : memref<40x128xi32, #tpu.memory_space<vmem>> -> memref<1x128xi32, #tpu.memory_space<vmem>>
      %dma_start3A_172 = tpu.memref_squeeze %dma_start3A_171 : memref<1x128xi32, #tpu.memory_space<vmem>> -> memref<128xi32, #tpu.memory_space<vmem>>
      %dma_start3A_173 = arith.constant 0 : i32
      %dma_start3A_174 = arith.constant 0 : i32
      %dma_start3A_175 = tpu.memref_slice %arg2[%dma_start3A_173, %dma_start3A_174] : memref<10240x128xf32, #tpu.memory_space<hbm>> -> memref<10240x128xf32, #tpu.memory_space<hbm>>
      tpu.enqueue_indirect_dma source(%dma_start3A_175 : memref<10240x128xf32, #tpu.memory_space<hbm>>) target(%dma_start3A_169 : memref<128x128xf32, #tpu.memory_space<vmem>>) offsets(%dma_start3A_172 : memref<128xi32, #tpu.memory_space<vmem>>) semaphore(%arg10 : memref<!tpu.dma_semaphore, #tpu.memory_space<semaphore_mem>>)
      %add3A_176 = arith.constant 1 : i32
      %add3A_177 = arith.addi %mul3A_148, %add3A_176 : i32
      %dma_wait3A_178 = arith.constant 1 : i32
      %dma_wait3A_179 = arith.constant 1 : i32
      %dma_wait3A_180 = arith.constant 0 : i32
      %dma_wait3A_181 = arith.constant 0 : i32
      %dma_wait3A_182 = tpu.memref_slice %arg8[%dma_wait3A_179, %dma_wait3A_180, %dma_wait3A_181] : memref<2x128x128xf32, #tpu.memory_space<vmem>> -> memref<1x128x128xf32, #tpu.memory_space<vmem>>
      %dma_wait3A_183 = tpu.memref_squeeze %dma_wait3A_182 : memref<1x128x128xf32, #tpu.memory_space<vmem>> -> memref<128x128xf32, #tpu.memory_space<vmem>>
      %dma_wait3A_184 = arith.constant 0 : i32
      %dma_wait3A_185 = tpu.memref_slice %arg6[%dma_wait3A_178, %dma_wait3A_184] : memref<40x128xi32, #tpu.memory_space<vmem>> -> memref<1x128xi32, #tpu.memory_space<vmem>>
      %dma_wait3A_186 = tpu.memref_squeeze %dma_wait3A_185 : memref<1x128xi32, #tpu.memory_space<vmem>> -> memref<128xi32, #tpu.memory_space<vmem>>
      %dma_wait3A_187 = arith.constant 0 : i32
      %dma_wait3A_188 = arith.constant 0 : i32
      %dma_wait3A_189 = tpu.memref_slice %arg2[%dma_wait3A_187, %dma_wait3A_188] : memref<10240x128xf32, #tpu.memory_space<hbm>> -> memref<10240x128xf32, #tpu.memory_space<hbm>>
      tpu.wait_indirect_dma semaphore(%arg11 : memref<!tpu.dma_semaphore, #tpu.memory_space<semaphore_mem>>) src(%dma_wait3A_189 : memref<10240x128xf32, #tpu.memory_space<hbm>>) dst(%dma_wait3A_183 : memref<128x128xf32, #tpu.memory_space<vmem>>)
      %run_scoped3A_190 = arith.constant 1 : i32
      "tpu.region"() ({
        %run_scoped3A_206 = tpu.sem_alloc : memref<!tpu.dma_semaphore, #tpu.memory_space<semaphore_mem>>
        %dma_start3A_207 = arith.constant 0 : i32
        %dma_start3A_208 = arith.constant 0 : i32
        %dma_start3A_209 = tpu.memref_slice %arg8[%run_scoped3A_190, %dma_start3A_207, %dma_start3A_208] : memref<2x128x128xf32, #tpu.memory_space<vmem>> -> memref<1x128x128xf32, #tpu.memory_space<vmem>>
        %dma_start3A_210 = tpu.memref_squeeze %dma_start3A_209 : memref<1x128x128xf32, #tpu.memory_space<vmem>> -> memref<128x128xf32, #tpu.memory_space<vmem>>
        %dma_start3A_211 = arith.constant 0 : i32
        %dma_start3A_212 = tpu.memref_slice %arg7[%add3A_177, %dma_start3A_211] : memref<40x128xi32, #tpu.memory_space<vmem>> -> memref<1x128xi32, #tpu.memory_space<vmem>>
        %dma_start3A_213 = tpu.memref_squeeze %dma_start3A_212 : memref<1x128xi32, #tpu.memory_space<vmem>> -> memref<128xi32, #tpu.memory_space<vmem>>
        %dma_start3A_214 = arith.constant 0 : i32
        %dma_start3A_215 = arith.constant 0 : i32
        %dma_start3A_216 = tpu.memref_slice %arg9[%dma_start3A_214, %dma_start3A_215] : memref<10240x128xf32, #tpu.memory_space<vmem_shared>> -> memref<10240x128xf32, #tpu.memory_space<vmem_shared>>
        tpu.enqueue_indirect_dma source(%dma_start3A_210 : memref<128x128xf32, #tpu.memory_space<vmem>>) target(%dma_start3A_216 : memref<10240x128xf32, #tpu.memory_space<vmem_shared>>) offsets(%dma_start3A_213 : memref<128xi32, #tpu.memory_space<vmem>>) semaphore(%run_scoped3A_206 : memref<!tpu.dma_semaphore, #tpu.memory_space<semaphore_mem>>) {add = true}
        %dma_wait3A_217 = arith.constant 0 : i32
        %dma_wait3A_218 = arith.constant 0 : i32
        %dma_wait3A_219 = tpu.memref_slice %arg8[%run_scoped3A_190, %dma_wait3A_217, %dma_wait3A_218] : memref<2x128x128xf32, #tpu.memory_space<vmem>> -> memref<1x128x128xf32, #tpu.memory_space<vmem>>
        %dma_wait3A_220 = tpu.memref_squeeze %dma_wait3A_219 : memref<1x128x128xf32, #tpu.memory_space<vmem>> -> memref<128x128xf32, #tpu.memory_space<vmem>>
        %dma_wait3A_221 = arith.constant 0 : i32
        %dma_wait3A_222 = tpu.memref_slice %arg7[%add3A_177, %dma_wait3A_221] : memref<40x128xi32, #tpu.memory_space<vmem>> -> memref<1x128xi32, #tpu.memory_space<vmem>>
        %dma_wait3A_223 = tpu.memref_squeeze %dma_wait3A_222 : memref<1x128xi32, #tpu.memory_space<vmem>> -> memref<128xi32, #tpu.memory_space<vmem>>
        %dma_wait3A_224 = arith.constant 0 : i32
        %dma_wait3A_225 = arith.constant 0 : i32
        %dma_wait3A_226 = tpu.memref_slice %arg9[%dma_wait3A_224, %dma_wait3A_225] : memref<10240x128xf32, #tpu.memory_space<vmem_shared>> -> memref<10240x128xf32, #tpu.memory_space<vmem_shared>>
        tpu.wait_indirect_dma semaphore(%run_scoped3A_206 : memref<!tpu.dma_semaphore, #tpu.memory_space<semaphore_mem>>) src(%dma_wait3A_220 : memref<128x128xf32, #tpu.memory_space<vmem>>) dst(%dma_wait3A_226 : memref<10240x128xf32, #tpu.memory_space<vmem_shared>>)
        tpu.yield
      }) : () -> ()
      %add3A_191 = arith.constant 2 : i32
      %add3A_192 = arith.addi %add3A_177, %add3A_191 : i32
      %min3A_193 = arith.constant 39 : i32
      %min3A_194 = arith.minsi %add3A_192, %min3A_193 : i32
      %dma_start3A_195 = arith.constant 1 : i32
      %dma_start3A_196 = arith.constant 0 : i32
      %dma_start3A_197 = arith.constant 0 : i32
      %dma_start3A_198 = tpu.memref_slice %arg8[%dma_start3A_195, %dma_start3A_196, %dma_start3A_197] : memref<2x128x128xf32, #tpu.memory_space<vmem>> -> memref<1x128x128xf32, #tpu.memory_space<vmem>>
      %dma_start3A_199 = tpu.memref_squeeze %dma_start3A_198 : memref<1x128x128xf32, #tpu.memory_space<vmem>> -> memref<128x128xf32, #tpu.memory_space<vmem>>
      %dma_start3A_200 = arith.constant 0 : i32
      %dma_start3A_201 = tpu.memref_slice %arg6[%min3A_194, %dma_start3A_200] : memref<40x128xi32, #tpu.memory_space<vmem>> -> memref<1x128xi32, #tpu.memory_space<vmem>>
      %dma_start3A_202 = tpu.memref_squeeze %dma_start3A_201 : memref<1x128xi32, #tpu.memory_space<vmem>> -> memref<128xi32, #tpu.memory_space<vmem>>
      %dma_start3A_203 = arith.constant 0 : i32
      %dma_start3A_204 = arith.constant 0 : i32
      %dma_start3A_205 = tpu.memref_slice %arg2[%dma_start3A_203, %dma_start3A_204] : memref<10240x128xf32, #tpu.memory_space<hbm>> -> memref<10240x128xf32, #tpu.memory_space<hbm>>
      tpu.enqueue_indirect_dma source(%dma_start3A_205 : memref<10240x128xf32, #tpu.memory_space<hbm>>) target(%dma_start3A_199 : memref<128x128xf32, #tpu.memory_space<vmem>>) offsets(%dma_start3A_202 : memref<128xi32, #tpu.memory_space<vmem>>) semaphore(%arg11 : memref<!tpu.dma_semaphore, #tpu.memory_space<semaphore_mem>>)
    }
    %scan3A_59 = arith.constant 20 : i32
    %dma_wait3A = arith.constant 0 : i32
    %dma_wait3A_60 = arith.constant 0 : i32
    %dma_wait3A_61 = arith.constant 0 : i32
    %dma_wait3A_62 = arith.constant 0 : i32
    %dma_wait3A_63 = tpu.memref_slice %arg8[%dma_wait3A_60, %dma_wait3A_61, %dma_wait3A_62] : memref<2x128x128xf32, #tpu.memory_space<vmem>> -> memref<1x128x128xf32, #tpu.memory_space<vmem>>
    %dma_wait3A_64 = tpu.memref_squeeze %dma_wait3A_63 : memref<1x128x128xf32, #tpu.memory_space<vmem>> -> memref<128x128xf32, #tpu.memory_space<vmem>>
    %dma_wait3A_65 = arith.constant 0 : i32
    %dma_wait3A_66 = tpu.memref_slice %arg6[%dma_wait3A, %dma_wait3A_65] : memref<40x128xi32, #tpu.memory_space<vmem>> -> memref<1x128xi32, #tpu.memory_space<vmem>>
    %dma_wait3A_67 = tpu.memref_squeeze %dma_wait3A_66 : memref<1x128xi32, #tpu.memory_space<vmem>> -> memref<128xi32, #tpu.memory_space<vmem>>
    %dma_wait3A_68 = arith.constant 0 : i32
    %dma_wait3A_69 = arith.constant 0 : i32
    %dma_wait3A_70 = tpu.memref_slice %arg2[%dma_wait3A_68, %dma_wait3A_69] : memref<10240x128xf32, #tpu.memory_space<hbm>> -> memref<10240x128xf32, #tpu.memory_space<hbm>>
    tpu.wait_indirect_dma semaphore(%arg10 : memref<!tpu.dma_semaphore, #tpu.memory_space<semaphore_mem>>) src(%dma_wait3A_70 : memref<10240x128xf32, #tpu.memory_space<hbm>>) dst(%dma_wait3A_64 : memref<128x128xf32, #tpu.memory_space<vmem>>)
    %dma_wait3A_71 = arith.constant 1 : i32
    %dma_wait3A_72 = arith.constant 1 : i32
    %dma_wait3A_73 = arith.constant 0 : i32
    %dma_wait3A_74 = arith.constant 0 : i32
    %dma_wait3A_75 = tpu.memref_slice %arg8[%dma_wait3A_72, %dma_wait3A_73, %dma_wait3A_74] : memref<2x128x128xf32, #tpu.memory_space<vmem>> -> memref<1x128x128xf32, #tpu.memory_space<vmem>>
    %dma_wait3A_76 = tpu.memref_squeeze %dma_wait3A_75 : memref<1x128x128xf32, #tpu.memory_space<vmem>> -> memref<128x128xf32, #tpu.memory_space<vmem>>
    %dma_wait3A_77 = arith.constant 0 : i32
    %dma_wait3A_78 = tpu.memref_slice %arg6[%dma_wait3A_71, %dma_wait3A_77] : memref<40x128xi32, #tpu.memory_space<vmem>> -> memref<1x128xi32, #tpu.memory_space<vmem>>
    %dma_wait3A_79 = tpu.memref_squeeze %dma_wait3A_78 : memref<1x128xi32, #tpu.memory_space<vmem>> -> memref<128xi32, #tpu.memory_space<vmem>>
    %dma_wait3A_80 = arith.constant 0 : i32
    %dma_wait3A_81 = arith.constant 0 : i32
    %dma_wait3A_82 = tpu.memref_slice %arg2[%dma_wait3A_80, %dma_wait3A_81] : memref<10240x128xf32, #tpu.memory_space<hbm>> -> memref<10240x128xf32, #tpu.memory_space<hbm>>
    tpu.wait_indirect_dma semaphore(%arg11 : memref<!tpu.dma_semaphore, #tpu.memory_space<semaphore_mem>>) src(%dma_wait3A_82 : memref<10240x128xf32, #tpu.memory_space<hbm>>) dst(%dma_wait3A_76 : memref<128x128xf32, #tpu.memory_space<vmem>>)
    %mul3A_83 = arith.constant 80 : i32
    %mul3A_84 = arith.muli %add3A, %mul3A_83 : i32
    %add3A_85 = arith.constant 40 : i32
    %add3A_86 = arith.addi %mul3A_84, %add3A_85 : i32
    "tpu.region"() ({
      %run_scoped3A_146 = tpu.sem_alloc : memref<!tpu.dma_semaphore, #tpu.memory_space<semaphore_mem>>
      %dma_start3A_147 = arith.constant 0 : i32
      %dma_start3A_148 = tpu.memref_slice %arg3[%add3A_86, %dma_start3A_147] : memref<2560x128xi32, #tpu.memory_space<hbm>> -> memref<40x128xi32, #tpu.memory_space<hbm>>
      %dma_start3A_149 = arith.constant 0 : i32
      %dma_start3A_150 = tpu.memref_slice %arg3[%add3A_86, %dma_start3A_149] : memref<2560x128xi32, #tpu.memory_space<hbm>> -> memref<40x128xi32, #tpu.memory_space<hbm>>
      tpu.enqueue_dma source(%dma_start3A_150 : memref<40x128xi32, #tpu.memory_space<hbm>>) target(%arg6 : memref<40x128xi32, #tpu.memory_space<vmem>>) target_semaphore(%run_scoped3A_146 : memref<!tpu.dma_semaphore, #tpu.memory_space<semaphore_mem>>)
      %dma_wait3A_151 = arith.constant 0 : i32
      %dma_wait3A_152 = tpu.memref_slice %arg3[%add3A_86, %dma_wait3A_151] : memref<2560x128xi32, #tpu.memory_space<hbm>> -> memref<40x128xi32, #tpu.memory_space<hbm>>
      %dma_wait3A_153 = arith.constant 0 : i32
      %dma_wait3A_154 = tpu.memref_slice %arg3[%add3A_86, %dma_wait3A_153] : memref<2560x128xi32, #tpu.memory_space<hbm>> -> memref<40x128xi32, #tpu.memory_space<hbm>>
      tpu.wait_dma2 semaphore(%run_scoped3A_146 : memref<!tpu.dma_semaphore, #tpu.memory_space<semaphore_mem>>) src(%dma_wait3A_154 : memref<40x128xi32, #tpu.memory_space<hbm>>) dst(%arg6 : memref<40x128xi32, #tpu.memory_space<vmem>>)
      tpu.yield
    }) : () -> ()
    %mul3A_87 = arith.constant 80 : i32
    %mul3A_88 = arith.muli %add3A, %mul3A_87 : i32
    %add3A_89 = arith.constant 40 : i32
    %add3A_90 = arith.addi %mul3A_88, %add3A_89 : i32
    "tpu.region"() ({
      %run_scoped3A_146 = tpu.sem_alloc : memref<!tpu.dma_semaphore, #tpu.memory_space<semaphore_mem>>
      %dma_start3A_147 = arith.constant 0 : i32
      %dma_start3A_148 = tpu.memref_slice %arg4[%add3A_90, %dma_start3A_147] : memref<2560x128xi32, #tpu.memory_space<hbm>> -> memref<40x128xi32, #tpu.memory_space<hbm>>
      %dma_start3A_149 = arith.constant 0 : i32
      %dma_start3A_150 = tpu.memref_slice %arg4[%add3A_90, %dma_start3A_149] : memref<2560x128xi32, #tpu.memory_space<hbm>> -> memref<40x128xi32, #tpu.memory_space<hbm>>
      tpu.enqueue_dma source(%dma_start3A_150 : memref<40x128xi32, #tpu.memory_space<hbm>>) target(%arg7 : memref<40x128xi32, #tpu.memory_space<vmem>>) target_semaphore(%run_scoped3A_146 : memref<!tpu.dma_semaphore, #tpu.memory_space<semaphore_mem>>)
      %dma_wait3A_151 = arith.constant 0 : i32
      %dma_wait3A_152 = tpu.memref_slice %arg4[%add3A_90, %dma_wait3A_151] : memref<2560x128xi32, #tpu.memory_space<hbm>> -> memref<40x128xi32, #tpu.memory_space<hbm>>
      %dma_wait3A_153 = arith.constant 0 : i32
      %dma_wait3A_154 = tpu.memref_slice %arg4[%add3A_90, %dma_wait3A_153] : memref<2560x128xi32, #tpu.memory_space<hbm>> -> memref<40x128xi32, #tpu.memory_space<hbm>>
      tpu.wait_dma2 semaphore(%run_scoped3A_146 : memref<!tpu.dma_semaphore, #tpu.memory_space<semaphore_mem>>) src(%dma_wait3A_154 : memref<40x128xi32, #tpu.memory_space<hbm>>) dst(%arg7 : memref<40x128xi32, #tpu.memory_space<vmem>>)
      tpu.yield
    }) : () -> ()
    %dma_start3A_91 = arith.constant 0 : i32
    %dma_start3A_92 = arith.constant 0 : i32
    %dma_start3A_93 = arith.constant 0 : i32
    %dma_start3A_94 = arith.constant 0 : i32
    %dma_start3A_95 = tpu.memref_slice %arg8[%dma_start3A_92, %dma_start3A_93, %dma_start3A_94] : memref<2x128x128xf32, #tpu.memory_space<vmem>> -> memref<1x128x128xf32, #tpu.memory_space<vmem>>
    %dma_start3A_96 = tpu.memref_squeeze %dma_start3A_95 : memref<1x128x128xf32, #tpu.memory_space<vmem>> -> memref<128x128xf32, #tpu.memory_space<vmem>>
    %dma_start3A_97 = arith.constant 0 : i32
    %dma_start3A_98 = tpu.memref_slice %arg6[%dma_start3A_91, %dma_start3A_97] : memref<40x128xi32, #tpu.memory_space<vmem>> -> memref<1x128xi32, #tpu.memory_space<vmem>>
    %dma_start3A_99 = tpu.memref_squeeze %dma_start3A_98 : memref<1x128xi32, #tpu.memory_space<vmem>> -> memref<128xi32, #tpu.memory_space<vmem>>
    %dma_start3A_100 = arith.constant 0 : i32
    %dma_start3A_101 = arith.constant 0 : i32
    %dma_start3A_102 = tpu.memref_slice %arg2[%dma_start3A_100, %dma_start3A_101] : memref<10240x128xf32, #tpu.memory_space<hbm>> -> memref<10240x128xf32, #tpu.memory_space<hbm>>
    tpu.enqueue_indirect_dma source(%dma_start3A_102 : memref<10240x128xf32, #tpu.memory_space<hbm>>) target(%dma_start3A_96 : memref<128x128xf32, #tpu.memory_space<vmem>>) offsets(%dma_start3A_99 : memref<128xi32, #tpu.memory_space<vmem>>) semaphore(%arg10 : memref<!tpu.dma_semaphore, #tpu.memory_space<semaphore_mem>>)
    %dma_start3A_103 = arith.constant 1 : i32
    %dma_start3A_104 = arith.constant 1 : i32
    %dma_start3A_105 = arith.constant 0 : i32
    %dma_start3A_106 = arith.constant 0 : i32
    %dma_start3A_107 = tpu.memref_slice %arg8[%dma_start3A_104, %dma_start3A_105, %dma_start3A_106] : memref<2x128x128xf32, #tpu.memory_space<vmem>> -> memref<1x128x128xf32, #tpu.memory_space<vmem>>
    %dma_start3A_108 = tpu.memref_squeeze %dma_start3A_107 : memref<1x128x128xf32, #tpu.memory_space<vmem>> -> memref<128x128xf32, #tpu.memory_space<vmem>>
    %dma_start3A_109 = arith.constant 0 : i32
    %dma_start3A_110 = tpu.memref_slice %arg6[%dma_start3A_103, %dma_start3A_109] : memref<40x128xi32, #tpu.memory_space<vmem>> -> memref<1x128xi32, #tpu.memory_space<vmem>>
    %dma_start3A_111 = tpu.memref_squeeze %dma_start3A_110 : memref<1x128xi32, #tpu.memory_space<vmem>> -> memref<128xi32, #tpu.memory_space<vmem>>
    %dma_start3A_112 = arith.constant 0 : i32
    %dma_start3A_113 = arith.constant 0 : i32
    %dma_start3A_114 = tpu.memref_slice %arg2[%dma_start3A_112, %dma_start3A_113] : memref<10240x128xf32, #tpu.memory_space<hbm>> -> memref<10240x128xf32, #tpu.memory_space<hbm>>
    tpu.enqueue_indirect_dma source(%dma_start3A_114 : memref<10240x128xf32, #tpu.memory_space<hbm>>) target(%dma_start3A_108 : memref<128x128xf32, #tpu.memory_space<vmem>>) offsets(%dma_start3A_111 : memref<128xi32, #tpu.memory_space<vmem>>) semaphore(%arg11 : memref<!tpu.dma_semaphore, #tpu.memory_space<semaphore_mem>>)
    %scan3A_115 = arith.constant 0 : i32
    %scan3A_116 = arith.constant 0 : i32
    %scan3A_117 = arith.constant 20 : i32
    %scan3A_118 = arith.addi %scan3A_116, %scan3A_117 : i32
    %scan3A_119 = arith.constant 1 : i32
    scf.for %scan3A_146 = %scan3A_116 to %scan3A_118 step %scan3A_119  : i32 {
      %mul3A_147 = arith.constant 2 : i32
      %mul3A_148 = arith.muli %mul3A_147, %scan3A_146 : i32
      %dma_wait3A_149 = arith.constant 0 : i32
      %dma_wait3A_150 = arith.constant 0 : i32
      %dma_wait3A_151 = arith.constant 0 : i32
      %dma_wait3A_152 = arith.constant 0 : i32
      %dma_wait3A_153 = tpu.memref_slice %arg8[%dma_wait3A_150, %dma_wait3A_151, %dma_wait3A_152] : memref<2x128x128xf32, #tpu.memory_space<vmem>> -> memref<1x128x128xf32, #tpu.memory_space<vmem>>
      %dma_wait3A_154 = tpu.memref_squeeze %dma_wait3A_153 : memref<1x128x128xf32, #tpu.memory_space<vmem>> -> memref<128x128xf32, #tpu.memory_space<vmem>>
      %dma_wait3A_155 = arith.constant 0 : i32
      %dma_wait3A_156 = tpu.memref_slice %arg6[%dma_wait3A_149, %dma_wait3A_155] : memref<40x128xi32, #tpu.memory_space<vmem>> -> memref<1x128xi32, #tpu.memory_space<vmem>>
      %dma_wait3A_157 = tpu.memref_squeeze %dma_wait3A_156 : memref<1x128xi32, #tpu.memory_space<vmem>> -> memref<128xi32, #tpu.memory_space<vmem>>
      %dma_wait3A_158 = arith.constant 0 : i32
      %dma_wait3A_159 = arith.constant 0 : i32
      %dma_wait3A_160 = tpu.memref_slice %arg2[%dma_wait3A_158, %dma_wait3A_159] : memref<10240x128xf32, #tpu.memory_space<hbm>> -> memref<10240x128xf32, #tpu.memory_space<hbm>>
      tpu.wait_indirect_dma semaphore(%arg10 : memref<!tpu.dma_semaphore, #tpu.memory_space<semaphore_mem>>) src(%dma_wait3A_160 : memref<10240x128xf32, #tpu.memory_space<hbm>>) dst(%dma_wait3A_154 : memref<128x128xf32, #tpu.memory_space<vmem>>)
      %run_scoped3A_161 = arith.constant 0 : i32
      "tpu.region"() ({
        %run_scoped3A_206 = tpu.sem_alloc : memref<!tpu.dma_semaphore, #tpu.memory_space<semaphore_mem>>
        %dma_start3A_207 = arith.constant 0 : i32
        %dma_start3A_208 = arith.constant 0 : i32
        %dma_start3A_209 = tpu.memref_slice %arg8[%run_scoped3A_161, %dma_start3A_207, %dma_start3A_208] : memref<2x128x128xf32, #tpu.memory_space<vmem>> -> memref<1x128x128xf32, #tpu.memory_space<vmem>>
        %dma_start3A_210 = tpu.memref_squeeze %dma_start3A_209 : memref<1x128x128xf32, #tpu.memory_space<vmem>> -> memref<128x128xf32, #tpu.memory_space<vmem>>
        %dma_start3A_211 = arith.constant 0 : i32
        %dma_start3A_212 = tpu.memref_slice %arg7[%mul3A_148, %dma_start3A_211] : memref<40x128xi32, #tpu.memory_space<vmem>> -> memref<1x128xi32, #tpu.memory_space<vmem>>
        %dma_start3A_213 = tpu.memref_squeeze %dma_start3A_212 : memref<1x128xi32, #tpu.memory_space<vmem>> -> memref<128xi32, #tpu.memory_space<vmem>>
        %dma_start3A_214 = arith.constant 0 : i32
        %dma_start3A_215 = arith.constant 0 : i32
        %dma_start3A_216 = tpu.memref_slice %arg9[%dma_start3A_214, %dma_start3A_215] : memref<10240x128xf32, #tpu.memory_space<vmem_shared>> -> memref<10240x128xf32, #tpu.memory_space<vmem_shared>>
        tpu.enqueue_indirect_dma source(%dma_start3A_210 : memref<128x128xf32, #tpu.memory_space<vmem>>) target(%dma_start3A_216 : memref<10240x128xf32, #tpu.memory_space<vmem_shared>>) offsets(%dma_start3A_213 : memref<128xi32, #tpu.memory_space<vmem>>) semaphore(%run_scoped3A_206 : memref<!tpu.dma_semaphore, #tpu.memory_space<semaphore_mem>>) {add = true}
        %dma_wait3A_217 = arith.constant 0 : i32
        %dma_wait3A_218 = arith.constant 0 : i32
        %dma_wait3A_219 = tpu.memref_slice %arg8[%run_scoped3A_161, %dma_wait3A_217, %dma_wait3A_218] : memref<2x128x128xf32, #tpu.memory_space<vmem>> -> memref<1x128x128xf32, #tpu.memory_space<vmem>>
        %dma_wait3A_220 = tpu.memref_squeeze %dma_wait3A_219 : memref<1x128x128xf32, #tpu.memory_space<vmem>> -> memref<128x128xf32, #tpu.memory_space<vmem>>
        %dma_wait3A_221 = arith.constant 0 : i32
        %dma_wait3A_222 = tpu.memref_slice %arg7[%mul3A_148, %dma_wait3A_221] : memref<40x128xi32, #tpu.memory_space<vmem>> -> memref<1x128xi32, #tpu.memory_space<vmem>>
        %dma_wait3A_223 = tpu.memref_squeeze %dma_wait3A_222 : memref<1x128xi32, #tpu.memory_space<vmem>> -> memref<128xi32, #tpu.memory_space<vmem>>
        %dma_wait3A_224 = arith.constant 0 : i32
        %dma_wait3A_225 = arith.constant 0 : i32
        %dma_wait3A_226 = tpu.memref_slice %arg9[%dma_wait3A_224, %dma_wait3A_225] : memref<10240x128xf32, #tpu.memory_space<vmem_shared>> -> memref<10240x128xf32, #tpu.memory_space<vmem_shared>>
        tpu.wait_indirect_dma semaphore(%run_scoped3A_206 : memref<!tpu.dma_semaphore, #tpu.memory_space<semaphore_mem>>) src(%dma_wait3A_220 : memref<128x128xf32, #tpu.memory_space<vmem>>) dst(%dma_wait3A_226 : memref<10240x128xf32, #tpu.memory_space<vmem_shared>>)
        tpu.yield
      }) : () -> ()
      %add3A_162 = arith.constant 2 : i32
      %add3A_163 = arith.addi %mul3A_148, %add3A_162 : i32
      %min3A = arith.constant 39 : i32
      %min3A_164 = arith.minsi %add3A_163, %min3A : i32
      %dma_start3A_165 = arith.constant 0 : i32
      %dma_start3A_166 = arith.constant 0 : i32
      %dma_start3A_167 = arith.constant 0 : i32
      %dma_start3A_168 = tpu.memref_slice %arg8[%dma_start3A_165, %dma_start3A_166, %dma_start3A_167] : memref<2x128x128xf32, #tpu.memory_space<vmem>> -> memref<1x128x128xf32, #tpu.memory_space<vmem>>
      %dma_start3A_169 = tpu.memref_squeeze %dma_start3A_168 : memref<1x128x128xf32, #tpu.memory_space<vmem>> -> memref<128x128xf32, #tpu.memory_space<vmem>>
      %dma_start3A_170 = arith.constant 0 : i32
      %dma_start3A_171 = tpu.memref_slice %arg6[%min3A_164, %dma_start3A_170] : memref<40x128xi32, #tpu.memory_space<vmem>> -> memref<1x128xi32, #tpu.memory_space<vmem>>
      %dma_start3A_172 = tpu.memref_squeeze %dma_start3A_171 : memref<1x128xi32, #tpu.memory_space<vmem>> -> memref<128xi32, #tpu.memory_space<vmem>>
      %dma_start3A_173 = arith.constant 0 : i32
      %dma_start3A_174 = arith.constant 0 : i32
      %dma_start3A_175 = tpu.memref_slice %arg2[%dma_start3A_173, %dma_start3A_174] : memref<10240x128xf32, #tpu.memory_space<hbm>> -> memref<10240x128xf32, #tpu.memory_space<hbm>>
      tpu.enqueue_indirect_dma source(%dma_start3A_175 : memref<10240x128xf32, #tpu.memory_space<hbm>>) target(%dma_start3A_169 : memref<128x128xf32, #tpu.memory_space<vmem>>) offsets(%dma_start3A_172 : memref<128xi32, #tpu.memory_space<vmem>>) semaphore(%arg10 : memref<!tpu.dma_semaphore, #tpu.memory_space<semaphore_mem>>)
      %add3A_176 = arith.constant 1 : i32
      %add3A_177 = arith.addi %mul3A_148, %add3A_176 : i32
      %dma_wait3A_178 = arith.constant 1 : i32
      %dma_wait3A_179 = arith.constant 1 : i32
      %dma_wait3A_180 = arith.constant 0 : i32
      %dma_wait3A_181 = arith.constant 0 : i32
      %dma_wait3A_182 = tpu.memref_slice %arg8[%dma_wait3A_179, %dma_wait3A_180, %dma_wait3A_181] : memref<2x128x128xf32, #tpu.memory_space<vmem>> -> memref<1x128x128xf32, #tpu.memory_space<vmem>>
      %dma_wait3A_183 = tpu.memref_squeeze %dma_wait3A_182 : memref<1x128x128xf32, #tpu.memory_space<vmem>> -> memref<128x128xf32, #tpu.memory_space<vmem>>
      %dma_wait3A_184 = arith.constant 0 : i32
      %dma_wait3A_185 = tpu.memref_slice %arg6[%dma_wait3A_178, %dma_wait3A_184] : memref<40x128xi32, #tpu.memory_space<vmem>> -> memref<1x128xi32, #tpu.memory_space<vmem>>
      %dma_wait3A_186 = tpu.memref_squeeze %dma_wait3A_185 : memref<1x128xi32, #tpu.memory_space<vmem>> -> memref<128xi32, #tpu.memory_space<vmem>>
      %dma_wait3A_187 = arith.constant 0 : i32
      %dma_wait3A_188 = arith.constant 0 : i32
      %dma_wait3A_189 = tpu.memref_slice %arg2[%dma_wait3A_187, %dma_wait3A_188] : memref<10240x128xf32, #tpu.memory_space<hbm>> -> memref<10240x128xf32, #tpu.memory_space<hbm>>
      tpu.wait_indirect_dma semaphore(%arg11 : memref<!tpu.dma_semaphore, #tpu.memory_space<semaphore_mem>>) src(%dma_wait3A_189 : memref<10240x128xf32, #tpu.memory_space<hbm>>) dst(%dma_wait3A_183 : memref<128x128xf32, #tpu.memory_space<vmem>>)
      %run_scoped3A_190 = arith.constant 1 : i32
      "tpu.region"() ({
        %run_scoped3A_206 = tpu.sem_alloc : memref<!tpu.dma_semaphore, #tpu.memory_space<semaphore_mem>>
        %dma_start3A_207 = arith.constant 0 : i32
        %dma_start3A_208 = arith.constant 0 : i32
        %dma_start3A_209 = tpu.memref_slice %arg8[%run_scoped3A_190, %dma_start3A_207, %dma_start3A_208] : memref<2x128x128xf32, #tpu.memory_space<vmem>> -> memref<1x128x128xf32, #tpu.memory_space<vmem>>
        %dma_start3A_210 = tpu.memref_squeeze %dma_start3A_209 : memref<1x128x128xf32, #tpu.memory_space<vmem>> -> memref<128x128xf32, #tpu.memory_space<vmem>>
        %dma_start3A_211 = arith.constant 0 : i32
        %dma_start3A_212 = tpu.memref_slice %arg7[%add3A_177, %dma_start3A_211] : memref<40x128xi32, #tpu.memory_space<vmem>> -> memref<1x128xi32, #tpu.memory_space<vmem>>
        %dma_start3A_213 = tpu.memref_squeeze %dma_start3A_212 : memref<1x128xi32, #tpu.memory_space<vmem>> -> memref<128xi32, #tpu.memory_space<vmem>>
        %dma_start3A_214 = arith.constant 0 : i32
        %dma_start3A_215 = arith.constant 0 : i32
        %dma_start3A_216 = tpu.memref_slice %arg9[%dma_start3A_214, %dma_start3A_215] : memref<10240x128xf32, #tpu.memory_space<vmem_shared>> -> memref<10240x128xf32, #tpu.memory_space<vmem_shared>>
        tpu.enqueue_indirect_dma source(%dma_start3A_210 : memref<128x128xf32, #tpu.memory_space<vmem>>) target(%dma_start3A_216 : memref<10240x128xf32, #tpu.memory_space<vmem_shared>>) offsets(%dma_start3A_213 : memref<128xi32, #tpu.memory_space<vmem>>) semaphore(%run_scoped3A_206 : memref<!tpu.dma_semaphore, #tpu.memory_space<semaphore_mem>>) {add = true}
        %dma_wait3A_217 = arith.constant 0 : i32
        %dma_wait3A_218 = arith.constant 0 : i32
        %dma_wait3A_219 = tpu.memref_slice %arg8[%run_scoped3A_190, %dma_wait3A_217, %dma_wait3A_218] : memref<2x128x128xf32, #tpu.memory_space<vmem>> -> memref<1x128x128xf32, #tpu.memory_space<vmem>>
        %dma_wait3A_220 = tpu.memref_squeeze %dma_wait3A_219 : memref<1x128x128xf32, #tpu.memory_space<vmem>> -> memref<128x128xf32, #tpu.memory_space<vmem>>
        %dma_wait3A_221 = arith.constant 0 : i32
        %dma_wait3A_222 = tpu.memref_slice %arg7[%add3A_177, %dma_wait3A_221] : memref<40x128xi32, #tpu.memory_space<vmem>> -> memref<1x128xi32, #tpu.memory_space<vmem>>
        %dma_wait3A_223 = tpu.memref_squeeze %dma_wait3A_222 : memref<1x128xi32, #tpu.memory_space<vmem>> -> memref<128xi32, #tpu.memory_space<vmem>>
        %dma_wait3A_224 = arith.constant 0 : i32
        %dma_wait3A_225 = arith.constant 0 : i32
        %dma_wait3A_226 = tpu.memref_slice %arg9[%dma_wait3A_224, %dma_wait3A_225] : memref<10240x128xf32, #tpu.memory_space<vmem_shared>> -> memref<10240x128xf32, #tpu.memory_space<vmem_shared>>
        tpu.wait_indirect_dma semaphore(%run_scoped3A_206 : memref<!tpu.dma_semaphore, #tpu.memory_space<semaphore_mem>>) src(%dma_wait3A_220 : memref<128x128xf32, #tpu.memory_space<vmem>>) dst(%dma_wait3A_226 : memref<10240x128xf32, #tpu.memory_space<vmem_shared>>)
        tpu.yield
      }) : () -> ()
      %add3A_191 = arith.constant 2 : i32
      %add3A_192 = arith.addi %add3A_177, %add3A_191 : i32
      %min3A_193 = arith.constant 39 : i32
      %min3A_194 = arith.minsi %add3A_192, %min3A_193 : i32
      %dma_start3A_195 = arith.constant 1 : i32
      %dma_start3A_196 = arith.constant 0 : i32
      %dma_start3A_197 = arith.constant 0 : i32
      %dma_start3A_198 = tpu.memref_slice %arg8[%dma_start3A_195, %dma_start3A_196, %dma_start3A_197] : memref<2x128x128xf32, #tpu.memory_space<vmem>> -> memref<1x128x128xf32, #tpu.memory_space<vmem>>
      %dma_start3A_199 = tpu.memref_squeeze %dma_start3A_198 : memref<1x128x128xf32, #tpu.memory_space<vmem>> -> memref<128x128xf32, #tpu.memory_space<vmem>>
      %dma_start3A_200 = arith.constant 0 : i32
      %dma_start3A_201 = tpu.memref_slice %arg6[%min3A_194, %dma_start3A_200] : memref<40x128xi32, #tpu.memory_space<vmem>> -> memref<1x128xi32, #tpu.memory_space<vmem>>
      %dma_start3A_202 = tpu.memref_squeeze %dma_start3A_201 : memref<1x128xi32, #tpu.memory_space<vmem>> -> memref<128xi32, #tpu.memory_space<vmem>>
      %dma_start3A_203 = arith.constant 0 : i32
      %dma_start3A_204 = arith.constant 0 : i32
      %dma_start3A_205 = tpu.memref_slice %arg2[%dma_start3A_203, %dma_start3A_204] : memref<10240x128xf32, #tpu.memory_space<hbm>> -> memref<10240x128xf32, #tpu.memory_space<hbm>>
      tpu.enqueue_indirect_dma source(%dma_start3A_205 : memref<10240x128xf32, #tpu.memory_space<hbm>>) target(%dma_start3A_199 : memref<128x128xf32, #tpu.memory_space<vmem>>) offsets(%dma_start3A_202 : memref<128xi32, #tpu.memory_space<vmem>>) semaphore(%arg11 : memref<!tpu.dma_semaphore, #tpu.memory_space<semaphore_mem>>)
    }
    %scan3A_120 = arith.constant 20 : i32
    %dma_wait3A_121 = arith.constant 0 : i32
    %dma_wait3A_122 = arith.constant 0 : i32
    %dma_wait3A_123 = arith.constant 0 : i32
    %dma_wait3A_124 = arith.constant 0 : i32
    %dma_wait3A_125 = tpu.memref_slice %arg8[%dma_wait3A_122, %dma_wait3A_123, %dma_wait3A_124] : memref<2x128x128xf32, #tpu.memory_space<vmem>> -> memref<1x128x128xf32, #tpu.memory_space<vmem>>
    %dma_wait3A_126 = tpu.memref_squeeze %dma_wait3A_125 : memref<1x128x128xf32, #tpu.memory_space<vmem>> -> memref<128x128xf32, #tpu.memory_space<vmem>>
    %dma_wait3A_127 = arith.constant 0 : i32
    %dma_wait3A_128 = tpu.memref_slice %arg6[%dma_wait3A_121, %dma_wait3A_127] : memref<40x128xi32, #tpu.memory_space<vmem>> -> memref<1x128xi32, #tpu.memory_space<vmem>>
    %dma_wait3A_129 = tpu.memref_squeeze %dma_wait3A_128 : memref<1x128xi32, #tpu.memory_space<vmem>> -> memref<128xi32, #tpu.memory_space<vmem>>
    %dma_wait3A_130 = arith.constant 0 : i32
    %dma_wait3A_131 = arith.constant 0 : i32
    %dma_wait3A_132 = tpu.memref_slice %arg2[%dma_wait3A_130, %dma_wait3A_131] : memref<10240x128xf32, #tpu.memory_space<hbm>> -> memref<10240x128xf32, #tpu.memory_space<hbm>>
    tpu.wait_indirect_dma semaphore(%arg10 : memref<!tpu.dma_semaphore, #tpu.memory_space<semaphore_mem>>) src(%dma_wait3A_132 : memref<10240x128xf32, #tpu.memory_space<hbm>>) dst(%dma_wait3A_126 : memref<128x128xf32, #tpu.memory_space<vmem>>)
    %dma_wait3A_133 = arith.constant 1 : i32
    %dma_wait3A_134 = arith.constant 1 : i32
    %dma_wait3A_135 = arith.constant 0 : i32
    %dma_wait3A_136 = arith.constant 0 : i32
    %dma_wait3A_137 = tpu.memref_slice %arg8[%dma_wait3A_134, %dma_wait3A_135, %dma_wait3A_136] : memref<2x128x128xf32, #tpu.memory_space<vmem>> -> memref<1x128x128xf32, #tpu.memory_space<vmem>>
    %dma_wait3A_138 = tpu.memref_squeeze %dma_wait3A_137 : memref<1x128x128xf32, #tpu.memory_space<vmem>> -> memref<128x128xf32, #tpu.memory_space<vmem>>
    %dma_wait3A_139 = arith.constant 0 : i32
    %dma_wait3A_140 = tpu.memref_slice %arg6[%dma_wait3A_133, %dma_wait3A_139] : memref<40x128xi32, #tpu.memory_space<vmem>> -> memref<1x128xi32, #tpu.memory_space<vmem>>
    %dma_wait3A_141 = tpu.memref_squeeze %dma_wait3A_140 : memref<1x128xi32, #tpu.memory_space<vmem>> -> memref<128xi32, #tpu.memory_space<vmem>>
    %dma_wait3A_142 = arith.constant 0 : i32
    %dma_wait3A_143 = arith.constant 0 : i32
    %dma_wait3A_144 = tpu.memref_slice %arg2[%dma_wait3A_142, %dma_wait3A_143] : memref<10240x128xf32, #tpu.memory_space<hbm>> -> memref<10240x128xf32, #tpu.memory_space<hbm>>
    tpu.wait_indirect_dma semaphore(%arg11 : memref<!tpu.dma_semaphore, #tpu.memory_space<semaphore_mem>>) src(%dma_wait3A_144 : memref<10240x128xf32, #tpu.memory_space<hbm>>) dst(%dma_wait3A_138 : memref<128x128xf32, #tpu.memory_space<vmem>>)
    %barrier3A_145 = arith.constant 0 : index
    tpu.barrier barrier_id(%barrier3A_145)
    "tpu.region"() ({
      %run_scoped3A_146 = tpu.sem_alloc : memref<!tpu.dma_semaphore, #tpu.memory_space<semaphore_mem>>
      %dma_start3A_147 = arith.constant 0 : i32
      %dma_start3A_148 = tpu.memref_slice %arg5[%arg0, %mul3A_8, %dma_start3A_147] : memref<2x10240x128xf32, #tpu.memory_space<hbm>> -> memref<1x640x128xf32, #tpu.memory_space<hbm>>
      %dma_start3A_149 = tpu.memref_squeeze %dma_start3A_148 : memref<1x640x128xf32, #tpu.memory_space<hbm>> -> memref<640x128xf32, #tpu.memory_space<hbm>>
      %dma_start3A_150 = arith.constant 0 : i32
      %dma_start3A_151 = tpu.memref_slice %arg9[%mul3A_8, %dma_start3A_150] : memref<10240x128xf32, #tpu.memory_space<vmem_shared>> -> memref<640x128xf32, #tpu.memory_space<vmem_shared>>
      tpu.enqueue_dma source(%dma_start3A_151 : memref<640x128xf32, #tpu.memory_space<vmem_shared>>) target(%dma_start3A_149 : memref<640x128xf32, #tpu.memory_space<hbm>>) target_semaphore(%run_scoped3A_146 : memref<!tpu.dma_semaphore, #tpu.memory_space<semaphore_mem>>)
      %dma_wait3A_152 = arith.constant 0 : i32
      %dma_wait3A_153 = tpu.memref_slice %arg5[%arg0, %mul3A_8, %dma_wait3A_152] : memref<2x10240x128xf32, #tpu.memory_space<hbm>> -> memref<1x640x128xf32, #tpu.memory_space<hbm>>
      %dma_wait3A_154 = tpu.memref_squeeze %dma_wait3A_153 : memref<1x640x128xf32, #tpu.memory_space<hbm>> -> memref<640x128xf32, #tpu.memory_space<hbm>>
      %dma_wait3A_155 = arith.constant 0 : i32
      %dma_wait3A_156 = tpu.memref_slice %arg9[%mul3A_8, %dma_wait3A_155] : memref<10240x128xf32, #tpu.memory_space<vmem_shared>> -> memref<640x128xf32, #tpu.memory_space<vmem_shared>>
      tpu.wait_dma2 semaphore(%run_scoped3A_146 : memref<!tpu.dma_semaphore, #tpu.memory_space<semaphore_mem>>) src(%dma_wait3A_156 : memref<640x128xf32, #tpu.memory_space<vmem_shared>>) dst(%dma_wait3A_154 : memref<640x128xf32, #tpu.memory_space<hbm>>)
      tpu.yield
    }) : () -> ()
    return
  }
}

#map = affine_map<(d0, d1) -> (0, 0)>
#map1 = affine_map<(d0, d1) -> (0, 0, 0)>
module attributes {stable_mosaic.version = 14 : i64} {
  func.func @body(%arg0: i32, %arg1: i32, %arg2: memref<10240x128xf32, #tpu.memory_space<hbm>>, %arg3: memref<2560x128xi32, #tpu.memory_space<hbm>>, %arg4: memref<2560x128xi32, #tpu.memory_space<hbm>>, %arg5: memref<2x10240x128xf32, #tpu.memory_space<hbm>>, %arg6: memref<2x10240xf32, #tpu.memory_space<hbm>>, %arg7: memref<40x128xi32, #tpu.memory_space<vmem>>, %arg8: memref<40x128xi32, #tpu.memory_space<vmem>>, %arg9: memref<2x128x128xf32, #tpu.memory_space<vmem>>, %arg10: memref<128xf32, #tpu.memory_space<vmem>>, %arg11: memref<640xf32, #tpu.memory_space<vmem>>, %arg12: memref<10240x128xf32, #tpu.memory_space<vmem_shared>>, %arg13: memref<10240xf32, #tpu.memory_space<vmem_shared>>, %arg14: memref<!tpu.dma_semaphore, #tpu.memory_space<semaphore_mem>>, %arg15: memref<!tpu.dma_semaphore, #tpu.memory_space<semaphore_mem>>) attributes {dimension_semantics = [#tpu.dimension_semantics<core_parallel>, #tpu.dimension_semantics<subcore_parallel>], iteration_bounds = array<i64: 2, 16>, scalar_prefetch = 0 : i64, scratch_operands = 9 : i64, tpu.core_type = #tpu.core_type<sc_vector_subcore>, window_params = [{transform_indices = #map}, {transform_indices = #map}, {transform_indices = #map}, {transform_indices = #map1}, {transform_indices = #map}]} {
    %mul3A = arith.constant 16 : i32
    %mul3A_0 = arith.muli %arg0, %mul3A : i32
    %add3A = arith.addi %mul3A_0, %arg1 : i32
    %broadcast_in_dim3A = arith.constant 0.000000e+00 : f32
    %broadcast_in_dim3A_1 = vector.broadcast %broadcast_in_dim3A : f32 to vector<16xf32>
    %scan3A = arith.constant 0 : i32
    %scan3A_2 = arith.constant 0 : i32
    %scan3A_3 = arith.constant 128 : i32
    %scan3A_4 = arith.addi %scan3A_2, %scan3A_3 : i32
    %scan3A_5 = arith.constant 1 : i32
    scf.for %scan3A_158 = %scan3A_2 to %scan3A_4 step %scan3A_5  : i32 {
      %swap3A = arith.constant 0 : i32
      %swap3A_159 = arith.index_cast %swap3A : i32 to index
      %swap3A_160 = arith.index_cast %scan3A_158 : i32 to index
      %swap3A_161 = arith.constant 0 : index
      %swap3A_162 = tpu.vector_load %arg9[%swap3A_159, %swap3A_160, %swap3A_161] {strides = array<i32>} : memref<2x128x128xf32, #tpu.memory_space<vmem>>, vector<1x1x16xf32>,
      %swap3A_163 = vector.shape_cast %swap3A_162 : vector<1x1x16xf32> to vector<16xf32>
      %swap3A_164 = vector.shape_cast %broadcast_in_dim3A_1 : vector<16xf32> to vector<1x1x16xf32>
      tpu.vector_store %arg9[%swap3A_159, %swap3A_160, %swap3A_161], %swap3A_164 {strides = array<i32>} : memref<2x128x128xf32, #tpu.memory_space<vmem>>, vector<1x1x16xf32>,
      %swap3A_165 = arith.constant 0 : i32
      %swap3A_166 = arith.index_cast %swap3A_165 : i32 to index
      %swap3A_167 = arith.index_cast %scan3A_158 : i32 to index
      %swap3A_168 = arith.constant 16 : index
      %swap3A_169 = tpu.vector_load %arg9[%swap3A_166, %swap3A_167, %swap3A_168] {strides = array<i32>} : memref<2x128x128xf32, #tpu.memory_space<vmem>>, vector<1x1x16xf32>,
      %swap3A_170 = vector.shape_cast %swap3A_169 : vector<1x1x16xf32> to vector<16xf32>
      %swap3A_171 = vector.shape_cast %broadcast_in_dim3A_1 : vector<16xf32> to vector<1x1x16xf32>
      tpu.vector_store %arg9[%swap3A_166, %swap3A_167, %swap3A_168], %swap3A_171 {strides = array<i32>} : memref<2x128x128xf32, #tpu.memory_space<vmem>>, vector<1x1x16xf32>,
      %swap3A_172 = arith.constant 0 : i32
      %swap3A_173 = arith.index_cast %swap3A_172 : i32 to index
      %swap3A_174 = arith.index_cast %scan3A_158 : i32 to index
      %swap3A_175 = arith.constant 32 : index
      %swap3A_176 = tpu.vector_load %arg9[%swap3A_173, %swap3A_174, %swap3A_175] {strides = array<i32>} : memref<2x128x128xf32, #tpu.memory_space<vmem>>, vector<1x1x16xf32>,
      %swap3A_177 = vector.shape_cast %swap3A_176 : vector<1x1x16xf32> to vector<16xf32>
      %swap3A_178 = vector.shape_cast %broadcast_in_dim3A_1 : vector<16xf32> to vector<1x1x16xf32>
      tpu.vector_store %arg9[%swap3A_173, %swap3A_174, %swap3A_175], %swap3A_178 {strides = array<i32>} : memref<2x128x128xf32, #tpu.memory_space<vmem>>, vector<1x1x16xf32>,
      %swap3A_179 = arith.constant 0 : i32
      %swap3A_180 = arith.index_cast %swap3A_179 : i32 to index
      %swap3A_181 = arith.index_cast %scan3A_158 : i32 to index
      %swap3A_182 = arith.constant 48 : index
      %swap3A_183 = tpu.vector_load %arg9[%swap3A_180, %swap3A_181, %swap3A_182] {strides = array<i32>} : memref<2x128x128xf32, #tpu.memory_space<vmem>>, vector<1x1x16xf32>,
      %swap3A_184 = vector.shape_cast %swap3A_183 : vector<1x1x16xf32> to vector<16xf32>
      %swap3A_185 = vector.shape_cast %broadcast_in_dim3A_1 : vector<16xf32> to vector<1x1x16xf32>
      tpu.vector_store %arg9[%swap3A_180, %swap3A_181, %swap3A_182], %swap3A_185 {strides = array<i32>} : memref<2x128x128xf32, #tpu.memory_space<vmem>>, vector<1x1x16xf32>,
      %swap3A_186 = arith.constant 0 : i32
      %swap3A_187 = arith.index_cast %swap3A_186 : i32 to index
      %swap3A_188 = arith.index_cast %scan3A_158 : i32 to index
      %swap3A_189 = arith.constant 64 : index
      %swap3A_190 = tpu.vector_load %arg9[%swap3A_187, %swap3A_188, %swap3A_189] {strides = array<i32>} : memref<2x128x128xf32, #tpu.memory_space<vmem>>, vector<1x1x16xf32>,
      %swap3A_191 = vector.shape_cast %swap3A_190 : vector<1x1x16xf32> to vector<16xf32>
      %swap3A_192 = vector.shape_cast %broadcast_in_dim3A_1 : vector<16xf32> to vector<1x1x16xf32>
      tpu.vector_store %arg9[%swap3A_187, %swap3A_188, %swap3A_189], %swap3A_192 {strides = array<i32>} : memref<2x128x128xf32, #tpu.memory_space<vmem>>, vector<1x1x16xf32>,
      %swap3A_193 = arith.constant 0 : i32
      %swap3A_194 = arith.index_cast %swap3A_193 : i32 to index
      %swap3A_195 = arith.index_cast %scan3A_158 : i32 to index
      %swap3A_196 = arith.constant 80 : index
      %swap3A_197 = tpu.vector_load %arg9[%swap3A_194, %swap3A_195, %swap3A_196] {strides = array<i32>} : memref<2x128x128xf32, #tpu.memory_space<vmem>>, vector<1x1x16xf32>,
      %swap3A_198 = vector.shape_cast %swap3A_197 : vector<1x1x16xf32> to vector<16xf32>
      %swap3A_199 = vector.shape_cast %broadcast_in_dim3A_1 : vector<16xf32> to vector<1x1x16xf32>
      tpu.vector_store %arg9[%swap3A_194, %swap3A_195, %swap3A_196], %swap3A_199 {strides = array<i32>} : memref<2x128x128xf32, #tpu.memory_space<vmem>>, vector<1x1x16xf32>,
      %swap3A_200 = arith.constant 0 : i32
      %swap3A_201 = arith.index_cast %swap3A_200 : i32 to index
      %swap3A_202 = arith.index_cast %scan3A_158 : i32 to index
      %swap3A_203 = arith.constant 96 : index
      %swap3A_204 = tpu.vector_load %arg9[%swap3A_201, %swap3A_202, %swap3A_203] {strides = array<i32>} : memref<2x128x128xf32, #tpu.memory_space<vmem>>, vector<1x1x16xf32>,
      %swap3A_205 = vector.shape_cast %swap3A_204 : vector<1x1x16xf32> to vector<16xf32>
      %swap3A_206 = vector.shape_cast %broadcast_in_dim3A_1 : vector<16xf32> to vector<1x1x16xf32>
      tpu.vector_store %arg9[%swap3A_201, %swap3A_202, %swap3A_203], %swap3A_206 {strides = array<i32>} : memref<2x128x128xf32, #tpu.memory_space<vmem>>, vector<1x1x16xf32>,
      %swap3A_207 = arith.constant 0 : i32
      %swap3A_208 = arith.index_cast %swap3A_207 : i32 to index
      %swap3A_209 = arith.index_cast %scan3A_158 : i32 to index
      %swap3A_210 = arith.constant 112 : index
      %swap3A_211 = tpu.vector_load %arg9[%swap3A_208, %swap3A_209, %swap3A_210] {strides = array<i32>} : memref<2x128x128xf32, #tpu.memory_space<vmem>>, vector<1x1x16xf32>,
      %swap3A_212 = vector.shape_cast %swap3A_211 : vector<1x1x16xf32> to vector<16xf32>
      %swap3A_213 = vector.shape_cast %broadcast_in_dim3A_1 : vector<16xf32> to vector<1x1x16xf32>
      tpu.vector_store %arg9[%swap3A_208, %swap3A_209, %swap3A_210], %swap3A_213 {strides = array<i32>} : memref<2x128x128xf32, #tpu.memory_space<vmem>>, vector<1x1x16xf32>,
    }
    %scan3A_6 = arith.constant 128 : i32
    %mul3A_7 = arith.constant 640 : i32
    %mul3A_8 = arith.muli %arg1, %mul3A_7 : i32
    %add3A_9 = arith.constant 0 : i32
    %add3A_10 = arith.addi %mul3A_8, %add3A_9 : i32
    %run_scoped3A = arith.constant 0 : i32
    "tpu.region"() ({
      %run_scoped3A_158 = tpu.sem_alloc : memref<!tpu.dma_semaphore, #tpu.memory_space<semaphore_mem>>
      %dma_start3A_159 = arith.constant 0 : i32
      %dma_start3A_160 = arith.constant 0 : i32
      %dma_start3A_161 = tpu.memref_slice %arg9[%run_scoped3A, %dma_start3A_159, %dma_start3A_160] : memref<2x128x128xf32, #tpu.memory_space<vmem>> -> memref<1x128x128xf32, #tpu.memory_space<vmem>>
      %dma_start3A_162 = tpu.memref_squeeze %dma_start3A_161 : memref<1x128x128xf32, #tpu.memory_space<vmem>> -> memref<128x128xf32, #tpu.memory_space<vmem>>
      %dma_start3A_163 = arith.constant 0 : i32
      %dma_start3A_164 = tpu.memref_slice %arg12[%add3A_10, %dma_start3A_163] : memref<10240x128xf32, #tpu.memory_space<vmem_shared>> -> memref<128x128xf32, #tpu.memory_space<vmem_shared>>
      %dma_start3A_165 = arith.constant 0 : i32
      %dma_start3A_166 = tpu.memref_slice %arg12[%add3A_10, %dma_start3A_165] : memref<10240x128xf32, #tpu.memory_space<vmem_shared>> -> memref<128x128xf32, #tpu.memory_space<vmem_shared>>
      %dma_start3A_167 = arith.constant 0 : i32
      %dma_start3A_168 = arith.constant 0 : i32
      %dma_start3A_169 = tpu.memref_slice %arg9[%run_scoped3A, %dma_start3A_167, %dma_start3A_168] : memref<2x128x128xf32, #tpu.memory_space<vmem>> -> memref<1x128x128xf32, #tpu.memory_space<vmem>>
      %dma_start3A_170 = tpu.memref_squeeze %dma_start3A_169 : memref<1x128x128xf32, #tpu.memory_space<vmem>> -> memref<128x128xf32, #tpu.memory_space<vmem>>
      tpu.enqueue_dma source(%dma_start3A_170 : memref<128x128xf32, #tpu.memory_space<vmem>>) target(%dma_start3A_166 : memref<128x128xf32, #tpu.memory_space<vmem_shared>>) target_semaphore(%run_scoped3A_158 : memref<!tpu.dma_semaphore, #tpu.memory_space<semaphore_mem>>)
      %dma_wait3A_171 = arith.constant 0 : i32
      %dma_wait3A_172 = arith.constant 0 : i32
      %dma_wait3A_173 = tpu.memref_slice %arg9[%run_scoped3A, %dma_wait3A_171, %dma_wait3A_172] : memref<2x128x128xf32, #tpu.memory_space<vmem>> -> memref<1x128x128xf32, #tpu.memory_space<vmem>>
      %dma_wait3A_174 = tpu.memref_squeeze %dma_wait3A_173 : memref<1x128x128xf32, #tpu.memory_space<vmem>> -> memref<128x128xf32, #tpu.memory_space<vmem>>
      %dma_wait3A_175 = arith.constant 0 : i32
      %dma_wait3A_176 = tpu.memref_slice %arg12[%add3A_10, %dma_wait3A_175] : memref<10240x128xf32, #tpu.memory_space<vmem_shared>> -> memref<128x128xf32, #tpu.memory_space<vmem_shared>>
      %dma_wait3A_177 = arith.constant 0 : i32
      %dma_wait3A_178 = tpu.memref_slice %arg12[%add3A_10, %dma_wait3A_177] : memref<10240x128xf32, #tpu.memory_space<vmem_shared>> -> memref<128x128xf32, #tpu.memory_space<vmem_shared>>
      %dma_wait3A_179 = arith.constant 0 : i32
      %dma_wait3A_180 = arith.constant 0 : i32
      %dma_wait3A_181 = tpu.memref_slice %arg9[%run_scoped3A, %dma_wait3A_179, %dma_wait3A_180] : memref<2x128x128xf32, #tpu.memory_space<vmem>> -> memref<1x128x128xf32, #tpu.memory_space<vmem>>
      %dma_wait3A_182 = tpu.memref_squeeze %dma_wait3A_181 : memref<1x128x128xf32, #tpu.memory_space<vmem>> -> memref<128x128xf32, #tpu.memory_space<vmem>>
      tpu.wait_dma2 semaphore(%run_scoped3A_158 : memref<!tpu.dma_semaphore, #tpu.memory_space<semaphore_mem>>) src(%dma_wait3A_182 : memref<128x128xf32, #tpu.memory_space<vmem>>) dst(%dma_wait3A_178 : memref<128x128xf32, #tpu.memory_space<vmem_shared>>)
      tpu.yield
    }) : () -> ()
    %add3A_11 = arith.constant 128 : i32
    %add3A_12 = arith.addi %mul3A_8, %add3A_11 : i32
    %run_scoped3A_13 = arith.constant 0 : i32
    "tpu.region"() ({
      %run_scoped3A_158 = tpu.sem_alloc : memref<!tpu.dma_semaphore, #tpu.memory_space<semaphore_mem>>
      %dma_start3A_159 = arith.constant 0 : i32
      %dma_start3A_160 = arith.constant 0 : i32
      %dma_start3A_161 = tpu.memref_slice %arg9[%run_scoped3A_13, %dma_start3A_159, %dma_start3A_160] : memref<2x128x128xf32, #tpu.memory_space<vmem>> -> memref<1x128x128xf32, #tpu.memory_space<vmem>>
      %dma_start3A_162 = tpu.memref_squeeze %dma_start3A_161 : memref<1x128x128xf32, #tpu.memory_space<vmem>> -> memref<128x128xf32, #tpu.memory_space<vmem>>
      %dma_start3A_163 = arith.constant 0 : i32
      %dma_start3A_164 = tpu.memref_slice %arg12[%add3A_12, %dma_start3A_163] : memref<10240x128xf32, #tpu.memory_space<vmem_shared>> -> memref<128x128xf32, #tpu.memory_space<vmem_shared>>
      %dma_start3A_165 = arith.constant 0 : i32
      %dma_start3A_166 = tpu.memref_slice %arg12[%add3A_12, %dma_start3A_165] : memref<10240x128xf32, #tpu.memory_space<vmem_shared>> -> memref<128x128xf32, #tpu.memory_space<vmem_shared>>
      %dma_start3A_167 = arith.constant 0 : i32
      %dma_start3A_168 = arith.constant 0 : i32
      %dma_start3A_169 = tpu.memref_slice %arg9[%run_scoped3A_13, %dma_start3A_167, %dma_start3A_168] : memref<2x128x128xf32, #tpu.memory_space<vmem>> -> memref<1x128x128xf32, #tpu.memory_space<vmem>>
      %dma_start3A_170 = tpu.memref_squeeze %dma_start3A_169 : memref<1x128x128xf32, #tpu.memory_space<vmem>> -> memref<128x128xf32, #tpu.memory_space<vmem>>
      tpu.enqueue_dma source(%dma_start3A_170 : memref<128x128xf32, #tpu.memory_space<vmem>>) target(%dma_start3A_166 : memref<128x128xf32, #tpu.memory_space<vmem_shared>>) target_semaphore(%run_scoped3A_158 : memref<!tpu.dma_semaphore, #tpu.memory_space<semaphore_mem>>)
      %dma_wait3A_171 = arith.constant 0 : i32
      %dma_wait3A_172 = arith.constant 0 : i32
      %dma_wait3A_173 = tpu.memref_slice %arg9[%run_scoped3A_13, %dma_wait3A_171, %dma_wait3A_172] : memref<2x128x128xf32, #tpu.memory_space<vmem>> -> memref<1x128x128xf32, #tpu.memory_space<vmem>>
      %dma_wait3A_174 = tpu.memref_squeeze %dma_wait3A_173 : memref<1x128x128xf32, #tpu.memory_space<vmem>> -> memref<128x128xf32, #tpu.memory_space<vmem>>
      %dma_wait3A_175 = arith.constant 0 : i32
      %dma_wait3A_176 = tpu.memref_slice %arg12[%add3A_12, %dma_wait3A_175] : memref<10240x128xf32, #tpu.memory_space<vmem_shared>> -> memref<128x128xf32, #tpu.memory_space<vmem_shared>>
      %dma_wait3A_177 = arith.constant 0 : i32
      %dma_wait3A_178 = tpu.memref_slice %arg12[%add3A_12, %dma_wait3A_177] : memref<10240x128xf32, #tpu.memory_space<vmem_shared>> -> memref<128x128xf32, #tpu.memory_space<vmem_shared>>
      %dma_wait3A_179 = arith.constant 0 : i32
      %dma_wait3A_180 = arith.constant 0 : i32
      %dma_wait3A_181 = tpu.memref_slice %arg9[%run_scoped3A_13, %dma_wait3A_179, %dma_wait3A_180] : memref<2x128x128xf32, #tpu.memory_space<vmem>> -> memref<1x128x128xf32, #tpu.memory_space<vmem>>
      %dma_wait3A_182 = tpu.memref_squeeze %dma_wait3A_181 : memref<1x128x128xf32, #tpu.memory_space<vmem>> -> memref<128x128xf32, #tpu.memory_space<vmem>>
      tpu.wait_dma2 semaphore(%run_scoped3A_158 : memref<!tpu.dma_semaphore, #tpu.memory_space<semaphore_mem>>) src(%dma_wait3A_182 : memref<128x128xf32, #tpu.memory_space<vmem>>) dst(%dma_wait3A_178 : memref<128x128xf32, #tpu.memory_space<vmem_shared>>)
      tpu.yield
    }) : () -> ()
    %add3A_14 = arith.constant 256 : i32
    %add3A_15 = arith.addi %mul3A_8, %add3A_14 : i32
    %run_scoped3A_16 = arith.constant 0 : i32
    "tpu.region"() ({
      %run_scoped3A_158 = tpu.sem_alloc : memref<!tpu.dma_semaphore, #tpu.memory_space<semaphore_mem>>
      %dma_start3A_159 = arith.constant 0 : i32
      %dma_start3A_160 = arith.constant 0 : i32
      %dma_start3A_161 = tpu.memref_slice %arg9[%run_scoped3A_16, %dma_start3A_159, %dma_start3A_160] : memref<2x128x128xf32, #tpu.memory_space<vmem>> -> memref<1x128x128xf32, #tpu.memory_space<vmem>>
      %dma_start3A_162 = tpu.memref_squeeze %dma_start3A_161 : memref<1x128x128xf32, #tpu.memory_space<vmem>> -> memref<128x128xf32, #tpu.memory_space<vmem>>
      %dma_start3A_163 = arith.constant 0 : i32
      %dma_start3A_164 = tpu.memref_slice %arg12[%add3A_15, %dma_start3A_163] : memref<10240x128xf32, #tpu.memory_space<vmem_shared>> -> memref<128x128xf32, #tpu.memory_space<vmem_shared>>
      %dma_start3A_165 = arith.constant 0 : i32
      %dma_start3A_166 = tpu.memref_slice %arg12[%add3A_15, %dma_start3A_165] : memref<10240x128xf32, #tpu.memory_space<vmem_shared>> -> memref<128x128xf32, #tpu.memory_space<vmem_shared>>
      %dma_start3A_167 = arith.constant 0 : i32
      %dma_start3A_168 = arith.constant 0 : i32
      %dma_start3A_169 = tpu.memref_slice %arg9[%run_scoped3A_16, %dma_start3A_167, %dma_start3A_168] : memref<2x128x128xf32, #tpu.memory_space<vmem>> -> memref<1x128x128xf32, #tpu.memory_space<vmem>>
      %dma_start3A_170 = tpu.memref_squeeze %dma_start3A_169 : memref<1x128x128xf32, #tpu.memory_space<vmem>> -> memref<128x128xf32, #tpu.memory_space<vmem>>
      tpu.enqueue_dma source(%dma_start3A_170 : memref<128x128xf32, #tpu.memory_space<vmem>>) target(%dma_start3A_166 : memref<128x128xf32, #tpu.memory_space<vmem_shared>>) target_semaphore(%run_scoped3A_158 : memref<!tpu.dma_semaphore, #tpu.memory_space<semaphore_mem>>)
      %dma_wait3A_171 = arith.constant 0 : i32
      %dma_wait3A_172 = arith.constant 0 : i32
      %dma_wait3A_173 = tpu.memref_slice %arg9[%run_scoped3A_16, %dma_wait3A_171, %dma_wait3A_172] : memref<2x128x128xf32, #tpu.memory_space<vmem>> -> memref<1x128x128xf32, #tpu.memory_space<vmem>>
      %dma_wait3A_174 = tpu.memref_squeeze %dma_wait3A_173 : memref<1x128x128xf32, #tpu.memory_space<vmem>> -> memref<128x128xf32, #tpu.memory_space<vmem>>
      %dma_wait3A_175 = arith.constant 0 : i32
      %dma_wait3A_176 = tpu.memref_slice %arg12[%add3A_15, %dma_wait3A_175] : memref<10240x128xf32, #tpu.memory_space<vmem_shared>> -> memref<128x128xf32, #tpu.memory_space<vmem_shared>>
      %dma_wait3A_177 = arith.constant 0 : i32
      %dma_wait3A_178 = tpu.memref_slice %arg12[%add3A_15, %dma_wait3A_177] : memref<10240x128xf32, #tpu.memory_space<vmem_shared>> -> memref<128x128xf32, #tpu.memory_space<vmem_shared>>
      %dma_wait3A_179 = arith.constant 0 : i32
      %dma_wait3A_180 = arith.constant 0 : i32
      %dma_wait3A_181 = tpu.memref_slice %arg9[%run_scoped3A_16, %dma_wait3A_179, %dma_wait3A_180] : memref<2x128x128xf32, #tpu.memory_space<vmem>> -> memref<1x128x128xf32, #tpu.memory_space<vmem>>
      %dma_wait3A_182 = tpu.memref_squeeze %dma_wait3A_181 : memref<1x128x128xf32, #tpu.memory_space<vmem>> -> memref<128x128xf32, #tpu.memory_space<vmem>>
      tpu.wait_dma2 semaphore(%run_scoped3A_158 : memref<!tpu.dma_semaphore, #tpu.memory_space<semaphore_mem>>) src(%dma_wait3A_182 : memref<128x128xf32, #tpu.memory_space<vmem>>) dst(%dma_wait3A_178 : memref<128x128xf32, #tpu.memory_space<vmem_shared>>)
      tpu.yield
    }) : () -> ()
    %add3A_17 = arith.constant 384 : i32
    %add3A_18 = arith.addi %mul3A_8, %add3A_17 : i32
    %run_scoped3A_19 = arith.constant 0 : i32
    "tpu.region"() ({
      %run_scoped3A_158 = tpu.sem_alloc : memref<!tpu.dma_semaphore, #tpu.memory_space<semaphore_mem>>
      %dma_start3A_159 = arith.constant 0 : i32
      %dma_start3A_160 = arith.constant 0 : i32
      %dma_start3A_161 = tpu.memref_slice %arg9[%run_scoped3A_19, %dma_start3A_159, %dma_start3A_160] : memref<2x128x128xf32, #tpu.memory_space<vmem>> -> memref<1x128x128xf32, #tpu.memory_space<vmem>>
      %dma_start3A_162 = tpu.memref_squeeze %dma_start3A_161 : memref<1x128x128xf32, #tpu.memory_space<vmem>> -> memref<128x128xf32, #tpu.memory_space<vmem>>
      %dma_start3A_163 = arith.constant 0 : i32
      %dma_start3A_164 = tpu.memref_slice %arg12[%add3A_18, %dma_start3A_163] : memref<10240x128xf32, #tpu.memory_space<vmem_shared>> -> memref<128x128xf32, #tpu.memory_space<vmem_shared>>
      %dma_start3A_165 = arith.constant 0 : i32
      %dma_start3A_166 = tpu.memref_slice %arg12[%add3A_18, %dma_start3A_165] : memref<10240x128xf32, #tpu.memory_space<vmem_shared>> -> memref<128x128xf32, #tpu.memory_space<vmem_shared>>
      %dma_start3A_167 = arith.constant 0 : i32
      %dma_start3A_168 = arith.constant 0 : i32
      %dma_start3A_169 = tpu.memref_slice %arg9[%run_scoped3A_19, %dma_start3A_167, %dma_start3A_168] : memref<2x128x128xf32, #tpu.memory_space<vmem>> -> memref<1x128x128xf32, #tpu.memory_space<vmem>>
      %dma_start3A_170 = tpu.memref_squeeze %dma_start3A_169 : memref<1x128x128xf32, #tpu.memory_space<vmem>> -> memref<128x128xf32, #tpu.memory_space<vmem>>
      tpu.enqueue_dma source(%dma_start3A_170 : memref<128x128xf32, #tpu.memory_space<vmem>>) target(%dma_start3A_166 : memref<128x128xf32, #tpu.memory_space<vmem_shared>>) target_semaphore(%run_scoped3A_158 : memref<!tpu.dma_semaphore, #tpu.memory_space<semaphore_mem>>)
      %dma_wait3A_171 = arith.constant 0 : i32
      %dma_wait3A_172 = arith.constant 0 : i32
      %dma_wait3A_173 = tpu.memref_slice %arg9[%run_scoped3A_19, %dma_wait3A_171, %dma_wait3A_172] : memref<2x128x128xf32, #tpu.memory_space<vmem>> -> memref<1x128x128xf32, #tpu.memory_space<vmem>>
      %dma_wait3A_174 = tpu.memref_squeeze %dma_wait3A_173 : memref<1x128x128xf32, #tpu.memory_space<vmem>> -> memref<128x128xf32, #tpu.memory_space<vmem>>
      %dma_wait3A_175 = arith.constant 0 : i32
      %dma_wait3A_176 = tpu.memref_slice %arg12[%add3A_18, %dma_wait3A_175] : memref<10240x128xf32, #tpu.memory_space<vmem_shared>> -> memref<128x128xf32, #tpu.memory_space<vmem_shared>>
      %dma_wait3A_177 = arith.constant 0 : i32
      %dma_wait3A_178 = tpu.memref_slice %arg12[%add3A_18, %dma_wait3A_177] : memref<10240x128xf32, #tpu.memory_space<vmem_shared>> -> memref<128x128xf32, #tpu.memory_space<vmem_shared>>
      %dma_wait3A_179 = arith.constant 0 : i32
      %dma_wait3A_180 = arith.constant 0 : i32
      %dma_wait3A_181 = tpu.memref_slice %arg9[%run_scoped3A_19, %dma_wait3A_179, %dma_wait3A_180] : memref<2x128x128xf32, #tpu.memory_space<vmem>> -> memref<1x128x128xf32, #tpu.memory_space<vmem>>
      %dma_wait3A_182 = tpu.memref_squeeze %dma_wait3A_181 : memref<1x128x128xf32, #tpu.memory_space<vmem>> -> memref<128x128xf32, #tpu.memory_space<vmem>>
      tpu.wait_dma2 semaphore(%run_scoped3A_158 : memref<!tpu.dma_semaphore, #tpu.memory_space<semaphore_mem>>) src(%dma_wait3A_182 : memref<128x128xf32, #tpu.memory_space<vmem>>) dst(%dma_wait3A_178 : memref<128x128xf32, #tpu.memory_space<vmem_shared>>)
      tpu.yield
    }) : () -> ()
    %add3A_20 = arith.constant 512 : i32
    %add3A_21 = arith.addi %mul3A_8, %add3A_20 : i32
    %run_scoped3A_22 = arith.constant 0 : i32
    "tpu.region"() ({
      %run_scoped3A_158 = tpu.sem_alloc : memref<!tpu.dma_semaphore, #tpu.memory_space<semaphore_mem>>
      %dma_start3A_159 = arith.constant 0 : i32
      %dma_start3A_160 = arith.constant 0 : i32
      %dma_start3A_161 = tpu.memref_slice %arg9[%run_scoped3A_22, %dma_start3A_159, %dma_start3A_160] : memref<2x128x128xf32, #tpu.memory_space<vmem>> -> memref<1x128x128xf32, #tpu.memory_space<vmem>>
      %dma_start3A_162 = tpu.memref_squeeze %dma_start3A_161 : memref<1x128x128xf32, #tpu.memory_space<vmem>> -> memref<128x128xf32, #tpu.memory_space<vmem>>
      %dma_start3A_163 = arith.constant 0 : i32
      %dma_start3A_164 = tpu.memref_slice %arg12[%add3A_21, %dma_start3A_163] : memref<10240x128xf32, #tpu.memory_space<vmem_shared>> -> memref<128x128xf32, #tpu.memory_space<vmem_shared>>
      %dma_start3A_165 = arith.constant 0 : i32
      %dma_start3A_166 = tpu.memref_slice %arg12[%add3A_21, %dma_start3A_165] : memref<10240x128xf32, #tpu.memory_space<vmem_shared>> -> memref<128x128xf32, #tpu.memory_space<vmem_shared>>
      %dma_start3A_167 = arith.constant 0 : i32
      %dma_start3A_168 = arith.constant 0 : i32
      %dma_start3A_169 = tpu.memref_slice %arg9[%run_scoped3A_22, %dma_start3A_167, %dma_start3A_168] : memref<2x128x128xf32, #tpu.memory_space<vmem>> -> memref<1x128x128xf32, #tpu.memory_space<vmem>>
      %dma_start3A_170 = tpu.memref_squeeze %dma_start3A_169 : memref<1x128x128xf32, #tpu.memory_space<vmem>> -> memref<128x128xf32, #tpu.memory_space<vmem>>
      tpu.enqueue_dma source(%dma_start3A_170 : memref<128x128xf32, #tpu.memory_space<vmem>>) target(%dma_start3A_166 : memref<128x128xf32, #tpu.memory_space<vmem_shared>>) target_semaphore(%run_scoped3A_158 : memref<!tpu.dma_semaphore, #tpu.memory_space<semaphore_mem>>)
      %dma_wait3A_171 = arith.constant 0 : i32
      %dma_wait3A_172 = arith.constant 0 : i32
      %dma_wait3A_173 = tpu.memref_slice %arg9[%run_scoped3A_22, %dma_wait3A_171, %dma_wait3A_172] : memref<2x128x128xf32, #tpu.memory_space<vmem>> -> memref<1x128x128xf32, #tpu.memory_space<vmem>>
      %dma_wait3A_174 = tpu.memref_squeeze %dma_wait3A_173 : memref<1x128x128xf32, #tpu.memory_space<vmem>> -> memref<128x128xf32, #tpu.memory_space<vmem>>
      %dma_wait3A_175 = arith.constant 0 : i32
      %dma_wait3A_176 = tpu.memref_slice %arg12[%add3A_21, %dma_wait3A_175] : memref<10240x128xf32, #tpu.memory_space<vmem_shared>> -> memref<128x128xf32, #tpu.memory_space<vmem_shared>>
      %dma_wait3A_177 = arith.constant 0 : i32
      %dma_wait3A_178 = tpu.memref_slice %arg12[%add3A_21, %dma_wait3A_177] : memref<10240x128xf32, #tpu.memory_space<vmem_shared>> -> memref<128x128xf32, #tpu.memory_space<vmem_shared>>
      %dma_wait3A_179 = arith.constant 0 : i32
      %dma_wait3A_180 = arith.constant 0 : i32
      %dma_wait3A_181 = tpu.memref_slice %arg9[%run_scoped3A_22, %dma_wait3A_179, %dma_wait3A_180] : memref<2x128x128xf32, #tpu.memory_space<vmem>> -> memref<1x128x128xf32, #tpu.memory_space<vmem>>
      %dma_wait3A_182 = tpu.memref_squeeze %dma_wait3A_181 : memref<1x128x128xf32, #tpu.memory_space<vmem>> -> memref<128x128xf32, #tpu.memory_space<vmem>>
      tpu.wait_dma2 semaphore(%run_scoped3A_158 : memref<!tpu.dma_semaphore, #tpu.memory_space<semaphore_mem>>) src(%dma_wait3A_182 : memref<128x128xf32, #tpu.memory_space<vmem>>) dst(%dma_wait3A_178 : memref<128x128xf32, #tpu.memory_space<vmem_shared>>)
      tpu.yield
    }) : () -> ()
    %scan3A_23 = arith.constant 0 : i32
    %scan3A_24 = arith.constant 0 : i32
    %scan3A_25 = arith.constant 8 : i32
    %scan3A_26 = arith.addi %scan3A_24, %scan3A_25 : i32
    %scan3A_27 = arith.constant 1 : i32
    scf.for %scan3A_158 = %scan3A_24 to %scan3A_26 step %scan3A_27  : i32 {
      %add3A_159 = arith.constant 1.000000e+00 : f32
      %add3A_160 = vector.broadcast %add3A_159 : f32 to vector<16xf32>
      %add3A_161 = arith.addf %broadcast_in_dim3A_1, %add3A_160 : vector<16xf32>
      %mul3A_162 = arith.constant 16 : i32
      %mul3A_163 = arith.muli %scan3A_158, %mul3A_162 : i32
      %swap3A = arith.index_cast %mul3A_163 : i32 to index
      %swap3A_164 = tpu.vector_load %arg10[%swap3A] {strides = array<i32>} : memref<128xf32, #tpu.memory_space<vmem>>, vector<16xf32>,
      %swap3A_165 = vector.shape_cast %swap3A_164 : vector<16xf32> to vector<16xf32>
      %swap3A_166 = vector.shape_cast %add3A_161 : vector<16xf32> to vector<16xf32>
      tpu.vector_store %arg10[%swap3A], %swap3A_166 {strides = array<i32>} : memref<128xf32, #tpu.memory_space<vmem>>, vector<16xf32>,
    }
    %scan3A_28 = arith.constant 8 : i32
    %scan3A_29 = arith.constant 0 : i32
    %scan3A_30 = arith.constant 0 : i32
    %scan3A_31 = arith.constant 40 : i32
    %scan3A_32 = arith.addi %scan3A_30, %scan3A_31 : i32
    %scan3A_33 = arith.constant 1 : i32
    scf.for %scan3A_158 = %scan3A_30 to %scan3A_32 step %scan3A_33  : i32 {
      %mul3A_159 = arith.constant 16 : i32
      %mul3A_160 = arith.muli %scan3A_158, %mul3A_159 : i32
      %swap3A = arith.index_cast %mul3A_160 : i32 to index
      %swap3A_161 = tpu.vector_load %arg11[%swap3A] {strides = array<i32>} : memref<640xf32, #tpu.memory_space<vmem>>, vector<16xf32>,
      %swap3A_162 = vector.shape_cast %swap3A_161 : vector<16xf32> to vector<16xf32>
      %swap3A_163 = vector.shape_cast %broadcast_in_dim3A_1 : vector<16xf32> to vector<16xf32>
      tpu.vector_store %arg11[%swap3A], %swap3A_163 {strides = array<i32>} : memref<640xf32, #tpu.memory_space<vmem>>, vector<16xf32>,
    }
    %scan3A_34 = arith.constant 40 : i32
    "tpu.region"() ({
      %run_scoped3A_158 = tpu.sem_alloc : memref<!tpu.dma_semaphore, #tpu.memory_space<semaphore_mem>>
      %dma_start3A_159 = tpu.memref_slice %arg13[%mul3A_8] : memref<10240xf32, #tpu.memory_space<vmem_shared>> -> memref<640xf32, #tpu.memory_space<vmem_shared>>
      %dma_start3A_160 = tpu.memref_slice %arg13[%mul3A_8] : memref<10240xf32, #tpu.memory_space<vmem_shared>> -> memref<640xf32, #tpu.memory_space<vmem_shared>>
      tpu.enqueue_dma source(%arg11 : memref<640xf32, #tpu.memory_space<vmem>>) target(%dma_start3A_160 : memref<640xf32, #tpu.memory_space<vmem_shared>>) target_semaphore(%run_scoped3A_158 : memref<!tpu.dma_semaphore, #tpu.memory_space<semaphore_mem>>)
      %dma_wait3A_161 = tpu.memref_slice %arg13[%mul3A_8] : memref<10240xf32, #tpu.memory_space<vmem_shared>> -> memref<640xf32, #tpu.memory_space<vmem_shared>>
      %dma_wait3A_162 = tpu.memref_slice %arg13[%mul3A_8] : memref<10240xf32, #tpu.memory_space<vmem_shared>> -> memref<640xf32, #tpu.memory_space<vmem_shared>>
      tpu.wait_dma2 semaphore(%run_scoped3A_158 : memref<!tpu.dma_semaphore, #tpu.memory_space<semaphore_mem>>) src(%arg11 : memref<640xf32, #tpu.memory_space<vmem>>) dst(%dma_wait3A_162 : memref<640xf32, #tpu.memory_space<vmem_shared>>)
      tpu.yield
    }) : () -> ()
    %barrier3A = arith.constant 0 : index
    tpu.barrier barrier_id(%barrier3A)
    %mul3A_35 = arith.constant 80 : i32
    %mul3A_36 = arith.muli %add3A, %mul3A_35 : i32
    %add3A_37 = arith.constant 0 : i32
    %add3A_38 = arith.addi %mul3A_36, %add3A_37 : i32
    "tpu.region"() ({
      %run_scoped3A_158 = tpu.sem_alloc : memref<!tpu.dma_semaphore, #tpu.memory_space<semaphore_mem>>
      %dma_start3A_159 = arith.constant 0 : i32
      %dma_start3A_160 = tpu.memref_slice %arg3[%add3A_38, %dma_start3A_159] : memref<2560x128xi32, #tpu.memory_space<hbm>> -> memref<40x128xi32, #tpu.memory_space<hbm>>
      %dma_start3A_161 = arith.constant 0 : i32
      %dma_start3A_162 = tpu.memref_slice %arg3[%add3A_38, %dma_start3A_161] : memref<2560x128xi32, #tpu.memory_space<hbm>> -> memref<40x128xi32, #tpu.memory_space<hbm>>
      tpu.enqueue_dma source(%dma_start3A_162 : memref<40x128xi32, #tpu.memory_space<hbm>>) target(%arg7 : memref<40x128xi32, #tpu.memory_space<vmem>>) target_semaphore(%run_scoped3A_158 : memref<!tpu.dma_semaphore, #tpu.memory_space<semaphore_mem>>)
      %dma_wait3A_163 = arith.constant 0 : i32
      %dma_wait3A_164 = tpu.memref_slice %arg3[%add3A_38, %dma_wait3A_163] : memref<2560x128xi32, #tpu.memory_space<hbm>> -> memref<40x128xi32, #tpu.memory_space<hbm>>
      %dma_wait3A_165 = arith.constant 0 : i32
      %dma_wait3A_166 = tpu.memref_slice %arg3[%add3A_38, %dma_wait3A_165] : memref<2560x128xi32, #tpu.memory_space<hbm>> -> memref<40x128xi32, #tpu.memory_space<hbm>>
      tpu.wait_dma2 semaphore(%run_scoped3A_158 : memref<!tpu.dma_semaphore, #tpu.memory_space<semaphore_mem>>) src(%dma_wait3A_166 : memref<40x128xi32, #tpu.memory_space<hbm>>) dst(%arg7 : memref<40x128xi32, #tpu.memory_space<vmem>>)
      tpu.yield
    }) : () -> ()
    %mul3A_39 = arith.constant 80 : i32
    %mul3A_40 = arith.muli %add3A, %mul3A_39 : i32
    %add3A_41 = arith.constant 0 : i32
    %add3A_42 = arith.addi %mul3A_40, %add3A_41 : i32
    "tpu.region"() ({
      %run_scoped3A_158 = tpu.sem_alloc : memref<!tpu.dma_semaphore, #tpu.memory_space<semaphore_mem>>
      %dma_start3A_159 = arith.constant 0 : i32
      %dma_start3A_160 = tpu.memref_slice %arg4[%add3A_42, %dma_start3A_159] : memref<2560x128xi32, #tpu.memory_space<hbm>> -> memref<40x128xi32, #tpu.memory_space<hbm>>
      %dma_start3A_161 = arith.constant 0 : i32
      %dma_start3A_162 = tpu.memref_slice %arg4[%add3A_42, %dma_start3A_161] : memref<2560x128xi32, #tpu.memory_space<hbm>> -> memref<40x128xi32, #tpu.memory_space<hbm>>
      tpu.enqueue_dma source(%dma_start3A_162 : memref<40x128xi32, #tpu.memory_space<hbm>>) target(%arg8 : memref<40x128xi32, #tpu.memory_space<vmem>>) target_semaphore(%run_scoped3A_158 : memref<!tpu.dma_semaphore, #tpu.memory_space<semaphore_mem>>)
      %dma_wait3A_163 = arith.constant 0 : i32
      %dma_wait3A_164 = tpu.memref_slice %arg4[%add3A_42, %dma_wait3A_163] : memref<2560x128xi32, #tpu.memory_space<hbm>> -> memref<40x128xi32, #tpu.memory_space<hbm>>
      %dma_wait3A_165 = arith.constant 0 : i32
      %dma_wait3A_166 = tpu.memref_slice %arg4[%add3A_42, %dma_wait3A_165] : memref<2560x128xi32, #tpu.memory_space<hbm>> -> memref<40x128xi32, #tpu.memory_space<hbm>>
      tpu.wait_dma2 semaphore(%run_scoped3A_158 : memref<!tpu.dma_semaphore, #tpu.memory_space<semaphore_mem>>) src(%dma_wait3A_166 : memref<40x128xi32, #tpu.memory_space<hbm>>) dst(%arg8 : memref<40x128xi32, #tpu.memory_space<vmem>>)
      tpu.yield
    }) : () -> ()
    %dma_start3A = arith.constant 0 : i32
    %dma_start3A_43 = arith.constant 0 : i32
    %dma_start3A_44 = arith.constant 0 : i32
    %dma_start3A_45 = arith.constant 0 : i32
    %dma_start3A_46 = tpu.memref_slice %arg9[%dma_start3A_43, %dma_start3A_44, %dma_start3A_45] : memref<2x128x128xf32, #tpu.memory_space<vmem>> -> memref<1x128x128xf32, #tpu.memory_space<vmem>>
    %dma_start3A_47 = tpu.memref_squeeze %dma_start3A_46 : memref<1x128x128xf32, #tpu.memory_space<vmem>> -> memref<128x128xf32, #tpu.memory_space<vmem>>
    %dma_start3A_48 = arith.constant 0 : i32
    %dma_start3A_49 = tpu.memref_slice %arg7[%dma_start3A, %dma_start3A_48] : memref<40x128xi32, #tpu.memory_space<vmem>> -> memref<1x128xi32, #tpu.memory_space<vmem>>
    %dma_start3A_50 = tpu.memref_squeeze %dma_start3A_49 : memref<1x128xi32, #tpu.memory_space<vmem>> -> memref<128xi32, #tpu.memory_space<vmem>>
    %dma_start3A_51 = arith.constant 0 : i32
    %dma_start3A_52 = arith.constant 0 : i32
    %dma_start3A_53 = tpu.memref_slice %arg2[%dma_start3A_51, %dma_start3A_52] : memref<10240x128xf32, #tpu.memory_space<hbm>> -> memref<10240x128xf32, #tpu.memory_space<hbm>>
    tpu.enqueue_indirect_dma source(%dma_start3A_53 : memref<10240x128xf32, #tpu.memory_space<hbm>>) target(%dma_start3A_47 : memref<128x128xf32, #tpu.memory_space<vmem>>) offsets(%dma_start3A_50 : memref<128xi32, #tpu.memory_space<vmem>>) semaphore(%arg14 : memref<!tpu.dma_semaphore, #tpu.memory_space<semaphore_mem>>)
    %dma_start3A_54 = arith.constant 1 : i32
    %dma_start3A_55 = arith.constant 1 : i32
    %dma_start3A_56 = arith.constant 0 : i32
    %dma_start3A_57 = arith.constant 0 : i32
    %dma_start3A_58 = tpu.memref_slice %arg9[%dma_start3A_55, %dma_start3A_56, %dma_start3A_57] : memref<2x128x128xf32, #tpu.memory_space<vmem>> -> memref<1x128x128xf32, #tpu.memory_space<vmem>>
    %dma_start3A_59 = tpu.memref_squeeze %dma_start3A_58 : memref<1x128x128xf32, #tpu.memory_space<vmem>> -> memref<128x128xf32, #tpu.memory_space<vmem>>
    %dma_start3A_60 = arith.constant 0 : i32
    %dma_start3A_61 = tpu.memref_slice %arg7[%dma_start3A_54, %dma_start3A_60] : memref<40x128xi32, #tpu.memory_space<vmem>> -> memref<1x128xi32, #tpu.memory_space<vmem>>
    %dma_start3A_62 = tpu.memref_squeeze %dma_start3A_61 : memref<1x128xi32, #tpu.memory_space<vmem>> -> memref<128xi32, #tpu.memory_space<vmem>>
    %dma_start3A_63 = arith.constant 0 : i32
    %dma_start3A_64 = arith.constant 0 : i32
    %dma_start3A_65 = tpu.memref_slice %arg2[%dma_start3A_63, %dma_start3A_64] : memref<10240x128xf32, #tpu.memory_space<hbm>> -> memref<10240x128xf32, #tpu.memory_space<hbm>>
    tpu.enqueue_indirect_dma source(%dma_start3A_65 : memref<10240x128xf32, #tpu.memory_space<hbm>>) target(%dma_start3A_59 : memref<128x128xf32, #tpu.memory_space<vmem>>) offsets(%dma_start3A_62 : memref<128xi32, #tpu.memory_space<vmem>>) semaphore(%arg15 : memref<!tpu.dma_semaphore, #tpu.memory_space<semaphore_mem>>)
    %scan3A_66 = arith.constant 0 : i32
    %scan3A_67 = arith.constant 0 : i32
    %scan3A_68 = arith.constant 20 : i32
    %scan3A_69 = arith.addi %scan3A_67, %scan3A_68 : i32
    %scan3A_70 = arith.constant 1 : i32
    scf.for %scan3A_158 = %scan3A_67 to %scan3A_69 step %scan3A_70  : i32 {
      %mul3A_159 = arith.constant 2 : i32
      %mul3A_160 = arith.muli %mul3A_159, %scan3A_158 : i32
      %dma_wait3A_161 = arith.constant 0 : i32
      %dma_wait3A_162 = arith.constant 0 : i32
      %dma_wait3A_163 = arith.constant 0 : i32
      %dma_wait3A_164 = arith.constant 0 : i32
      %dma_wait3A_165 = tpu.memref_slice %arg9[%dma_wait3A_162, %dma_wait3A_163, %dma_wait3A_164] : memref<2x128x128xf32, #tpu.memory_space<vmem>> -> memref<1x128x128xf32, #tpu.memory_space<vmem>>
      %dma_wait3A_166 = tpu.memref_squeeze %dma_wait3A_165 : memref<1x128x128xf32, #tpu.memory_space<vmem>> -> memref<128x128xf32, #tpu.memory_space<vmem>>
      %dma_wait3A_167 = arith.constant 0 : i32
      %dma_wait3A_168 = tpu.memref_slice %arg7[%dma_wait3A_161, %dma_wait3A_167] : memref<40x128xi32, #tpu.memory_space<vmem>> -> memref<1x128xi32, #tpu.memory_space<vmem>>
      %dma_wait3A_169 = tpu.memref_squeeze %dma_wait3A_168 : memref<1x128xi32, #tpu.memory_space<vmem>> -> memref<128xi32, #tpu.memory_space<vmem>>
      %dma_wait3A_170 = arith.constant 0 : i32
      %dma_wait3A_171 = arith.constant 0 : i32
      %dma_wait3A_172 = tpu.memref_slice %arg2[%dma_wait3A_170, %dma_wait3A_171] : memref<10240x128xf32, #tpu.memory_space<hbm>> -> memref<10240x128xf32, #tpu.memory_space<hbm>>
      tpu.wait_indirect_dma semaphore(%arg14 : memref<!tpu.dma_semaphore, #tpu.memory_space<semaphore_mem>>) src(%dma_wait3A_172 : memref<10240x128xf32, #tpu.memory_space<hbm>>) dst(%dma_wait3A_166 : memref<128x128xf32, #tpu.memory_space<vmem>>)
      %run_scoped3A_173 = arith.constant 0 : i32
      "tpu.region"() ({
        %run_scoped3A_218 = tpu.sem_alloc : memref<!tpu.dma_semaphore, #tpu.memory_space<semaphore_mem>>
        %dma_start3A_219 = arith.constant 0 : i32
        %dma_start3A_220 = arith.constant 0 : i32
        %dma_start3A_221 = tpu.memref_slice %arg9[%run_scoped3A_173, %dma_start3A_219, %dma_start3A_220] : memref<2x128x128xf32, #tpu.memory_space<vmem>> -> memref<1x128x128xf32, #tpu.memory_space<vmem>>
        %dma_start3A_222 = tpu.memref_squeeze %dma_start3A_221 : memref<1x128x128xf32, #tpu.memory_space<vmem>> -> memref<128x128xf32, #tpu.memory_space<vmem>>
        %dma_start3A_223 = arith.constant 0 : i32
        %dma_start3A_224 = tpu.memref_slice %arg8[%mul3A_160, %dma_start3A_223] : memref<40x128xi32, #tpu.memory_space<vmem>> -> memref<1x128xi32, #tpu.memory_space<vmem>>
        %dma_start3A_225 = tpu.memref_squeeze %dma_start3A_224 : memref<1x128xi32, #tpu.memory_space<vmem>> -> memref<128xi32, #tpu.memory_space<vmem>>
        %dma_start3A_226 = arith.constant 0 : i32
        %dma_start3A_227 = arith.constant 0 : i32
        %dma_start3A_228 = tpu.memref_slice %arg12[%dma_start3A_226, %dma_start3A_227] : memref<10240x128xf32, #tpu.memory_space<vmem_shared>> -> memref<10240x128xf32, #tpu.memory_space<vmem_shared>>
        tpu.enqueue_indirect_dma source(%dma_start3A_222 : memref<128x128xf32, #tpu.memory_space<vmem>>) target(%dma_start3A_228 : memref<10240x128xf32, #tpu.memory_space<vmem_shared>>) offsets(%dma_start3A_225 : memref<128xi32, #tpu.memory_space<vmem>>) semaphore(%run_scoped3A_218 : memref<!tpu.dma_semaphore, #tpu.memory_space<semaphore_mem>>) {add = true}
        %dma_wait3A_229 = arith.constant 0 : i32
        %dma_wait3A_230 = arith.constant 0 : i32
        %dma_wait3A_231 = tpu.memref_slice %arg9[%run_scoped3A_173, %dma_wait3A_229, %dma_wait3A_230] : memref<2x128x128xf32, #tpu.memory_space<vmem>> -> memref<1x128x128xf32, #tpu.memory_space<vmem>>
        %dma_wait3A_232 = tpu.memref_squeeze %dma_wait3A_231 : memref<1x128x128xf32, #tpu.memory_space<vmem>> -> memref<128x128xf32, #tpu.memory_space<vmem>>
        %dma_wait3A_233 = arith.constant 0 : i32
        %dma_wait3A_234 = tpu.memref_slice %arg8[%mul3A_160, %dma_wait3A_233] : memref<40x128xi32, #tpu.memory_space<vmem>> -> memref<1x128xi32, #tpu.memory_space<vmem>>
        %dma_wait3A_235 = tpu.memref_squeeze %dma_wait3A_234 : memref<1x128xi32, #tpu.memory_space<vmem>> -> memref<128xi32, #tpu.memory_space<vmem>>
        %dma_wait3A_236 = arith.constant 0 : i32
        %dma_wait3A_237 = arith.constant 0 : i32
        %dma_wait3A_238 = tpu.memref_slice %arg12[%dma_wait3A_236, %dma_wait3A_237] : memref<10240x128xf32, #tpu.memory_space<vmem_shared>> -> memref<10240x128xf32, #tpu.memory_space<vmem_shared>>
        tpu.wait_indirect_dma semaphore(%run_scoped3A_218 : memref<!tpu.dma_semaphore, #tpu.memory_space<semaphore_mem>>) src(%dma_wait3A_232 : memref<128x128xf32, #tpu.memory_space<vmem>>) dst(%dma_wait3A_238 : memref<10240x128xf32, #tpu.memory_space<vmem_shared>>)
        tpu.yield
      }) : () -> ()
      "tpu.region"() ({
        %run_scoped3A_218 = tpu.sem_alloc : memref<!tpu.dma_semaphore, #tpu.memory_space<semaphore_mem>>
        %dma_start3A_219 = arith.constant 0 : i32
        %dma_start3A_220 = tpu.memref_slice %arg8[%mul3A_160, %dma_start3A_219] : memref<40x128xi32, #tpu.memory_space<vmem>> -> memref<1x128xi32, #tpu.memory_space<vmem>>
        %dma_start3A_221 = tpu.memref_squeeze %dma_start3A_220 : memref<1x128xi32, #tpu.memory_space<vmem>> -> memref<128xi32, #tpu.memory_space<vmem>>
        %dma_start3A_222 = arith.constant 0 : i32
        %dma_start3A_223 = tpu.memref_slice %arg13[%dma_start3A_222] : memref<10240xf32, #tpu.memory_space<vmem_shared>> -> memref<10240xf32, #tpu.memory_space<vmem_shared>>
        tpu.enqueue_indirect_dma source(%arg10 : memref<128xf32, #tpu.memory_space<vmem>>) target(%dma_start3A_223 : memref<10240xf32, #tpu.memory_space<vmem_shared>>) offsets(%dma_start3A_221 : memref<128xi32, #tpu.memory_space<vmem>>) semaphore(%run_scoped3A_218 : memref<!tpu.dma_semaphore, #tpu.memory_space<semaphore_mem>>) {add = true}
        %dma_wait3A_224 = arith.constant 0 : i32
        %dma_wait3A_225 = tpu.memref_slice %arg8[%mul3A_160, %dma_wait3A_224] : memref<40x128xi32, #tpu.memory_space<vmem>> -> memref<1x128xi32, #tpu.memory_space<vmem>>
        %dma_wait3A_226 = tpu.memref_squeeze %dma_wait3A_225 : memref<1x128xi32, #tpu.memory_space<vmem>> -> memref<128xi32, #tpu.memory_space<vmem>>
        %dma_wait3A_227 = arith.constant 0 : i32
        %dma_wait3A_228 = tpu.memref_slice %arg13[%dma_wait3A_227] : memref<10240xf32, #tpu.memory_space<vmem_shared>> -> memref<10240xf32, #tpu.memory_space<vmem_shared>>
        tpu.wait_indirect_dma semaphore(%run_scoped3A_218 : memref<!tpu.dma_semaphore, #tpu.memory_space<semaphore_mem>>) src(%arg10 : memref<128xf32, #tpu.memory_space<vmem>>) dst(%dma_wait3A_228 : memref<10240xf32, #tpu.memory_space<vmem_shared>>)
        tpu.yield
      }) : () -> ()
      %add3A_174 = arith.constant 2 : i32
      %add3A_175 = arith.addi %mul3A_160, %add3A_174 : i32
      %min3A = arith.constant 39 : i32
      %min3A_176 = arith.minsi %add3A_175, %min3A : i32
      %dma_start3A_177 = arith.constant 0 : i32
      %dma_start3A_178 = arith.constant 0 : i32
      %dma_start3A_179 = arith.constant 0 : i32
      %dma_start3A_180 = tpu.memref_slice %arg9[%dma_start3A_177, %dma_start3A_178, %dma_start3A_179] : memref<2x128x128xf32, #tpu.memory_space<vmem>> -> memref<1x128x128xf32, #tpu.memory_space<vmem>>
      %dma_start3A_181 = tpu.memref_squeeze %dma_start3A_180 : memref<1x128x128xf32, #tpu.memory_space<vmem>> -> memref<128x128xf32, #tpu.memory_space<vmem>>
      %dma_start3A_182 = arith.constant 0 : i32
      %dma_start3A_183 = tpu.memref_slice %arg7[%min3A_176, %dma_start3A_182] : memref<40x128xi32, #tpu.memory_space<vmem>> -> memref<1x128xi32, #tpu.memory_space<vmem>>
      %dma_start3A_184 = tpu.memref_squeeze %dma_start3A_183 : memref<1x128xi32, #tpu.memory_space<vmem>> -> memref<128xi32, #tpu.memory_space<vmem>>
      %dma_start3A_185 = arith.constant 0 : i32
      %dma_start3A_186 = arith.constant 0 : i32
      %dma_start3A_187 = tpu.memref_slice %arg2[%dma_start3A_185, %dma_start3A_186] : memref<10240x128xf32, #tpu.memory_space<hbm>> -> memref<10240x128xf32, #tpu.memory_space<hbm>>
      tpu.enqueue_indirect_dma source(%dma_start3A_187 : memref<10240x128xf32, #tpu.memory_space<hbm>>) target(%dma_start3A_181 : memref<128x128xf32, #tpu.memory_space<vmem>>) offsets(%dma_start3A_184 : memref<128xi32, #tpu.memory_space<vmem>>) semaphore(%arg14 : memref<!tpu.dma_semaphore, #tpu.memory_space<semaphore_mem>>)
      %add3A_188 = arith.constant 1 : i32
      %add3A_189 = arith.addi %mul3A_160, %add3A_188 : i32
      %dma_wait3A_190 = arith.constant 1 : i32
      %dma_wait3A_191 = arith.constant 1 : i32
      %dma_wait3A_192 = arith.constant 0 : i32
      %dma_wait3A_193 = arith.constant 0 : i32
      %dma_wait3A_194 = tpu.memref_slice %arg9[%dma_wait3A_191, %dma_wait3A_192, %dma_wait3A_193] : memref<2x128x128xf32, #tpu.memory_space<vmem>> -> memref<1x128x128xf32, #tpu.memory_space<vmem>>
      %dma_wait3A_195 = tpu.memref_squeeze %dma_wait3A_194 : memref<1x128x128xf32, #tpu.memory_space<vmem>> -> memref<128x128xf32, #tpu.memory_space<vmem>>
      %dma_wait3A_196 = arith.constant 0 : i32
      %dma_wait3A_197 = tpu.memref_slice %arg7[%dma_wait3A_190, %dma_wait3A_196] : memref<40x128xi32, #tpu.memory_space<vmem>> -> memref<1x128xi32, #tpu.memory_space<vmem>>
      %dma_wait3A_198 = tpu.memref_squeeze %dma_wait3A_197 : memref<1x128xi32, #tpu.memory_space<vmem>> -> memref<128xi32, #tpu.memory_space<vmem>>
      %dma_wait3A_199 = arith.constant 0 : i32
      %dma_wait3A_200 = arith.constant 0 : i32
      %dma_wait3A_201 = tpu.memref_slice %arg2[%dma_wait3A_199, %dma_wait3A_200] : memref<10240x128xf32, #tpu.memory_space<hbm>> -> memref<10240x128xf32, #tpu.memory_space<hbm>>
      tpu.wait_indirect_dma semaphore(%arg15 : memref<!tpu.dma_semaphore, #tpu.memory_space<semaphore_mem>>) src(%dma_wait3A_201 : memref<10240x128xf32, #tpu.memory_space<hbm>>) dst(%dma_wait3A_195 : memref<128x128xf32, #tpu.memory_space<vmem>>)
      %run_scoped3A_202 = arith.constant 1 : i32
      "tpu.region"() ({
        %run_scoped3A_218 = tpu.sem_alloc : memref<!tpu.dma_semaphore, #tpu.memory_space<semaphore_mem>>
        %dma_start3A_219 = arith.constant 0 : i32
        %dma_start3A_220 = arith.constant 0 : i32
        %dma_start3A_221 = tpu.memref_slice %arg9[%run_scoped3A_202, %dma_start3A_219, %dma_start3A_220] : memref<2x128x128xf32, #tpu.memory_space<vmem>> -> memref<1x128x128xf32, #tpu.memory_space<vmem>>
        %dma_start3A_222 = tpu.memref_squeeze %dma_start3A_221 : memref<1x128x128xf32, #tpu.memory_space<vmem>> -> memref<128x128xf32, #tpu.memory_space<vmem>>
        %dma_start3A_223 = arith.constant 0 : i32
        %dma_start3A_224 = tpu.memref_slice %arg8[%add3A_189, %dma_start3A_223] : memref<40x128xi32, #tpu.memory_space<vmem>> -> memref<1x128xi32, #tpu.memory_space<vmem>>
        %dma_start3A_225 = tpu.memref_squeeze %dma_start3A_224 : memref<1x128xi32, #tpu.memory_space<vmem>> -> memref<128xi32, #tpu.memory_space<vmem>>
        %dma_start3A_226 = arith.constant 0 : i32
        %dma_start3A_227 = arith.constant 0 : i32
        %dma_start3A_228 = tpu.memref_slice %arg12[%dma_start3A_226, %dma_start3A_227] : memref<10240x128xf32, #tpu.memory_space<vmem_shared>> -> memref<10240x128xf32, #tpu.memory_space<vmem_shared>>
        tpu.enqueue_indirect_dma source(%dma_start3A_222 : memref<128x128xf32, #tpu.memory_space<vmem>>) target(%dma_start3A_228 : memref<10240x128xf32, #tpu.memory_space<vmem_shared>>) offsets(%dma_start3A_225 : memref<128xi32, #tpu.memory_space<vmem>>) semaphore(%run_scoped3A_218 : memref<!tpu.dma_semaphore, #tpu.memory_space<semaphore_mem>>) {add = true}
        %dma_wait3A_229 = arith.constant 0 : i32
        %dma_wait3A_230 = arith.constant 0 : i32
        %dma_wait3A_231 = tpu.memref_slice %arg9[%run_scoped3A_202, %dma_wait3A_229, %dma_wait3A_230] : memref<2x128x128xf32, #tpu.memory_space<vmem>> -> memref<1x128x128xf32, #tpu.memory_space<vmem>>
        %dma_wait3A_232 = tpu.memref_squeeze %dma_wait3A_231 : memref<1x128x128xf32, #tpu.memory_space<vmem>> -> memref<128x128xf32, #tpu.memory_space<vmem>>
        %dma_wait3A_233 = arith.constant 0 : i32
        %dma_wait3A_234 = tpu.memref_slice %arg8[%add3A_189, %dma_wait3A_233] : memref<40x128xi32, #tpu.memory_space<vmem>> -> memref<1x128xi32, #tpu.memory_space<vmem>>
        %dma_wait3A_235 = tpu.memref_squeeze %dma_wait3A_234 : memref<1x128xi32, #tpu.memory_space<vmem>> -> memref<128xi32, #tpu.memory_space<vmem>>
        %dma_wait3A_236 = arith.constant 0 : i32
        %dma_wait3A_237 = arith.constant 0 : i32
        %dma_wait3A_238 = tpu.memref_slice %arg12[%dma_wait3A_236, %dma_wait3A_237] : memref<10240x128xf32, #tpu.memory_space<vmem_shared>> -> memref<10240x128xf32, #tpu.memory_space<vmem_shared>>
        tpu.wait_indirect_dma semaphore(%run_scoped3A_218 : memref<!tpu.dma_semaphore, #tpu.memory_space<semaphore_mem>>) src(%dma_wait3A_232 : memref<128x128xf32, #tpu.memory_space<vmem>>) dst(%dma_wait3A_238 : memref<10240x128xf32, #tpu.memory_space<vmem_shared>>)
        tpu.yield
      }) : () -> ()
      "tpu.region"() ({
        %run_scoped3A_218 = tpu.sem_alloc : memref<!tpu.dma_semaphore, #tpu.memory_space<semaphore_mem>>
        %dma_start3A_219 = arith.constant 0 : i32
        %dma_start3A_220 = tpu.memref_slice %arg8[%add3A_189, %dma_start3A_219] : memref<40x128xi32, #tpu.memory_space<vmem>> -> memref<1x128xi32, #tpu.memory_space<vmem>>
        %dma_start3A_221 = tpu.memref_squeeze %dma_start3A_220 : memref<1x128xi32, #tpu.memory_space<vmem>> -> memref<128xi32, #tpu.memory_space<vmem>>
        %dma_start3A_222 = arith.constant 0 : i32
        %dma_start3A_223 = tpu.memref_slice %arg13[%dma_start3A_222] : memref<10240xf32, #tpu.memory_space<vmem_shared>> -> memref<10240xf32, #tpu.memory_space<vmem_shared>>
        tpu.enqueue_indirect_dma source(%arg10 : memref<128xf32, #tpu.memory_space<vmem>>) target(%dma_start3A_223 : memref<10240xf32, #tpu.memory_space<vmem_shared>>) offsets(%dma_start3A_221 : memref<128xi32, #tpu.memory_space<vmem>>) semaphore(%run_scoped3A_218 : memref<!tpu.dma_semaphore, #tpu.memory_space<semaphore_mem>>) {add = true}
        %dma_wait3A_224 = arith.constant 0 : i32
        %dma_wait3A_225 = tpu.memref_slice %arg8[%add3A_189, %dma_wait3A_224] : memref<40x128xi32, #tpu.memory_space<vmem>> -> memref<1x128xi32, #tpu.memory_space<vmem>>
        %dma_wait3A_226 = tpu.memref_squeeze %dma_wait3A_225 : memref<1x128xi32, #tpu.memory_space<vmem>> -> memref<128xi32, #tpu.memory_space<vmem>>
        %dma_wait3A_227 = arith.constant 0 : i32
        %dma_wait3A_228 = tpu.memref_slice %arg13[%dma_wait3A_227] : memref<10240xf32, #tpu.memory_space<vmem_shared>> -> memref<10240xf32, #tpu.memory_space<vmem_shared>>
        tpu.wait_indirect_dma semaphore(%run_scoped3A_218 : memref<!tpu.dma_semaphore, #tpu.memory_space<semaphore_mem>>) src(%arg10 : memref<128xf32, #tpu.memory_space<vmem>>) dst(%dma_wait3A_228 : memref<10240xf32, #tpu.memory_space<vmem_shared>>)
        tpu.yield
      }) : () -> ()
      %add3A_203 = arith.constant 2 : i32
      %add3A_204 = arith.addi %add3A_189, %add3A_203 : i32
      %min3A_205 = arith.constant 39 : i32
      %min3A_206 = arith.minsi %add3A_204, %min3A_205 : i32
      %dma_start3A_207 = arith.constant 1 : i32
      %dma_start3A_208 = arith.constant 0 : i32
      %dma_start3A_209 = arith.constant 0 : i32
      %dma_start3A_210 = tpu.memref_slice %arg9[%dma_start3A_207, %dma_start3A_208, %dma_start3A_209] : memref<2x128x128xf32, #tpu.memory_space<vmem>> -> memref<1x128x128xf32, #tpu.memory_space<vmem>>
      %dma_start3A_211 = tpu.memref_squeeze %dma_start3A_210 : memref<1x128x128xf32, #tpu.memory_space<vmem>> -> memref<128x128xf32, #tpu.memory_space<vmem>>
      %dma_start3A_212 = arith.constant 0 : i32
      %dma_start3A_213 = tpu.memref_slice %arg7[%min3A_206, %dma_start3A_212] : memref<40x128xi32, #tpu.memory_space<vmem>> -> memref<1x128xi32, #tpu.memory_space<vmem>>
      %dma_start3A_214 = tpu.memref_squeeze %dma_start3A_213 : memref<1x128xi32, #tpu.memory_space<vmem>> -> memref<128xi32, #tpu.memory_space<vmem>>
      %dma_start3A_215 = arith.constant 0 : i32
      %dma_start3A_216 = arith.constant 0 : i32
      %dma_start3A_217 = tpu.memref_slice %arg2[%dma_start3A_215, %dma_start3A_216] : memref<10240x128xf32, #tpu.memory_space<hbm>> -> memref<10240x128xf32, #tpu.memory_space<hbm>>
      tpu.enqueue_indirect_dma source(%dma_start3A_217 : memref<10240x128xf32, #tpu.memory_space<hbm>>) target(%dma_start3A_211 : memref<128x128xf32, #tpu.memory_space<vmem>>) offsets(%dma_start3A_214 : memref<128xi32, #tpu.memory_space<vmem>>) semaphore(%arg15 : memref<!tpu.dma_semaphore, #tpu.memory_space<semaphore_mem>>)
    }
    %scan3A_71 = arith.constant 20 : i32
    %dma_wait3A = arith.constant 0 : i32
    %dma_wait3A_72 = arith.constant 0 : i32
    %dma_wait3A_73 = arith.constant 0 : i32
    %dma_wait3A_74 = arith.constant 0 : i32
    %dma_wait3A_75 = tpu.memref_slice %arg9[%dma_wait3A_72, %dma_wait3A_73, %dma_wait3A_74] : memref<2x128x128xf32, #tpu.memory_space<vmem>> -> memref<1x128x128xf32, #tpu.memory_space<vmem>>
    %dma_wait3A_76 = tpu.memref_squeeze %dma_wait3A_75 : memref<1x128x128xf32, #tpu.memory_space<vmem>> -> memref<128x128xf32, #tpu.memory_space<vmem>>
    %dma_wait3A_77 = arith.constant 0 : i32
    %dma_wait3A_78 = tpu.memref_slice %arg7[%dma_wait3A, %dma_wait3A_77] : memref<40x128xi32, #tpu.memory_space<vmem>> -> memref<1x128xi32, #tpu.memory_space<vmem>>
    %dma_wait3A_79 = tpu.memref_squeeze %dma_wait3A_78 : memref<1x128xi32, #tpu.memory_space<vmem>> -> memref<128xi32, #tpu.memory_space<vmem>>
    %dma_wait3A_80 = arith.constant 0 : i32
    %dma_wait3A_81 = arith.constant 0 : i32
    %dma_wait3A_82 = tpu.memref_slice %arg2[%dma_wait3A_80, %dma_wait3A_81] : memref<10240x128xf32, #tpu.memory_space<hbm>> -> memref<10240x128xf32, #tpu.memory_space<hbm>>
    tpu.wait_indirect_dma semaphore(%arg14 : memref<!tpu.dma_semaphore, #tpu.memory_space<semaphore_mem>>) src(%dma_wait3A_82 : memref<10240x128xf32, #tpu.memory_space<hbm>>) dst(%dma_wait3A_76 : memref<128x128xf32, #tpu.memory_space<vmem>>)
    %dma_wait3A_83 = arith.constant 1 : i32
    %dma_wait3A_84 = arith.constant 1 : i32
    %dma_wait3A_85 = arith.constant 0 : i32
    %dma_wait3A_86 = arith.constant 0 : i32
    %dma_wait3A_87 = tpu.memref_slice %arg9[%dma_wait3A_84, %dma_wait3A_85, %dma_wait3A_86] : memref<2x128x128xf32, #tpu.memory_space<vmem>> -> memref<1x128x128xf32, #tpu.memory_space<vmem>>
    %dma_wait3A_88 = tpu.memref_squeeze %dma_wait3A_87 : memref<1x128x128xf32, #tpu.memory_space<vmem>> -> memref<128x128xf32, #tpu.memory_space<vmem>>
    %dma_wait3A_89 = arith.constant 0 : i32
    %dma_wait3A_90 = tpu.memref_slice %arg7[%dma_wait3A_83, %dma_wait3A_89] : memref<40x128xi32, #tpu.memory_space<vmem>> -> memref<1x128xi32, #tpu.memory_space<vmem>>
    %dma_wait3A_91 = tpu.memref_squeeze %dma_wait3A_90 : memref<1x128xi32, #tpu.memory_space<vmem>> -> memref<128xi32, #tpu.memory_space<vmem>>
    %dma_wait3A_92 = arith.constant 0 : i32
    %dma_wait3A_93 = arith.constant 0 : i32
    %dma_wait3A_94 = tpu.memref_slice %arg2[%dma_wait3A_92, %dma_wait3A_93] : memref<10240x128xf32, #tpu.memory_space<hbm>> -> memref<10240x128xf32, #tpu.memory_space<hbm>>
    tpu.wait_indirect_dma semaphore(%arg15 : memref<!tpu.dma_semaphore, #tpu.memory_space<semaphore_mem>>) src(%dma_wait3A_94 : memref<10240x128xf32, #tpu.memory_space<hbm>>) dst(%dma_wait3A_88 : memref<128x128xf32, #tpu.memory_space<vmem>>)
    %mul3A_95 = arith.constant 80 : i32
    %mul3A_96 = arith.muli %add3A, %mul3A_95 : i32
    %add3A_97 = arith.constant 40 : i32
    %add3A_98 = arith.addi %mul3A_96, %add3A_97 : i32
    "tpu.region"() ({
      %run_scoped3A_158 = tpu.sem_alloc : memref<!tpu.dma_semaphore, #tpu.memory_space<semaphore_mem>>
      %dma_start3A_159 = arith.constant 0 : i32
      %dma_start3A_160 = tpu.memref_slice %arg3[%add3A_98, %dma_start3A_159] : memref<2560x128xi32, #tpu.memory_space<hbm>> -> memref<40x128xi32, #tpu.memory_space<hbm>>
      %dma_start3A_161 = arith.constant 0 : i32
      %dma_start3A_162 = tpu.memref_slice %arg3[%add3A_98, %dma_start3A_161] : memref<2560x128xi32, #tpu.memory_space<hbm>> -> memref<40x128xi32, #tpu.memory_space<hbm>>
      tpu.enqueue_dma source(%dma_start3A_162 : memref<40x128xi32, #tpu.memory_space<hbm>>) target(%arg7 : memref<40x128xi32, #tpu.memory_space<vmem>>) target_semaphore(%run_scoped3A_158 : memref<!tpu.dma_semaphore, #tpu.memory_space<semaphore_mem>>)
      %dma_wait3A_163 = arith.constant 0 : i32
      %dma_wait3A_164 = tpu.memref_slice %arg3[%add3A_98, %dma_wait3A_163] : memref<2560x128xi32, #tpu.memory_space<hbm>> -> memref<40x128xi32, #tpu.memory_space<hbm>>
      %dma_wait3A_165 = arith.constant 0 : i32
      %dma_wait3A_166 = tpu.memref_slice %arg3[%add3A_98, %dma_wait3A_165] : memref<2560x128xi32, #tpu.memory_space<hbm>> -> memref<40x128xi32, #tpu.memory_space<hbm>>
      tpu.wait_dma2 semaphore(%run_scoped3A_158 : memref<!tpu.dma_semaphore, #tpu.memory_space<semaphore_mem>>) src(%dma_wait3A_166 : memref<40x128xi32, #tpu.memory_space<hbm>>) dst(%arg7 : memref<40x128xi32, #tpu.memory_space<vmem>>)
      tpu.yield
    }) : () -> ()
    %mul3A_99 = arith.constant 80 : i32
    %mul3A_100 = arith.muli %add3A, %mul3A_99 : i32
    %add3A_101 = arith.constant 40 : i32
    %add3A_102 = arith.addi %mul3A_100, %add3A_101 : i32
    "tpu.region"() ({
      %run_scoped3A_158 = tpu.sem_alloc : memref<!tpu.dma_semaphore, #tpu.memory_space<semaphore_mem>>
      %dma_start3A_159 = arith.constant 0 : i32
      %dma_start3A_160 = tpu.memref_slice %arg4[%add3A_102, %dma_start3A_159] : memref<2560x128xi32, #tpu.memory_space<hbm>> -> memref<40x128xi32, #tpu.memory_space<hbm>>
      %dma_start3A_161 = arith.constant 0 : i32
      %dma_start3A_162 = tpu.memref_slice %arg4[%add3A_102, %dma_start3A_161] : memref<2560x128xi32, #tpu.memory_space<hbm>> -> memref<40x128xi32, #tpu.memory_space<hbm>>
      tpu.enqueue_dma source(%dma_start3A_162 : memref<40x128xi32, #tpu.memory_space<hbm>>) target(%arg8 : memref<40x128xi32, #tpu.memory_space<vmem>>) target_semaphore(%run_scoped3A_158 : memref<!tpu.dma_semaphore, #tpu.memory_space<semaphore_mem>>)
      %dma_wait3A_163 = arith.constant 0 : i32
      %dma_wait3A_164 = tpu.memref_slice %arg4[%add3A_102, %dma_wait3A_163] : memref<2560x128xi32, #tpu.memory_space<hbm>> -> memref<40x128xi32, #tpu.memory_space<hbm>>
      %dma_wait3A_165 = arith.constant 0 : i32
      %dma_wait3A_166 = tpu.memref_slice %arg4[%add3A_102, %dma_wait3A_165] : memref<2560x128xi32, #tpu.memory_space<hbm>> -> memref<40x128xi32, #tpu.memory_space<hbm>>
      tpu.wait_dma2 semaphore(%run_scoped3A_158 : memref<!tpu.dma_semaphore, #tpu.memory_space<semaphore_mem>>) src(%dma_wait3A_166 : memref<40x128xi32, #tpu.memory_space<hbm>>) dst(%arg8 : memref<40x128xi32, #tpu.memory_space<vmem>>)
      tpu.yield
    }) : () -> ()
    %dma_start3A_103 = arith.constant 0 : i32
    %dma_start3A_104 = arith.constant 0 : i32
    %dma_start3A_105 = arith.constant 0 : i32
    %dma_start3A_106 = arith.constant 0 : i32
    %dma_start3A_107 = tpu.memref_slice %arg9[%dma_start3A_104, %dma_start3A_105, %dma_start3A_106] : memref<2x128x128xf32, #tpu.memory_space<vmem>> -> memref<1x128x128xf32, #tpu.memory_space<vmem>>
    %dma_start3A_108 = tpu.memref_squeeze %dma_start3A_107 : memref<1x128x128xf32, #tpu.memory_space<vmem>> -> memref<128x128xf32, #tpu.memory_space<vmem>>
    %dma_start3A_109 = arith.constant 0 : i32
    %dma_start3A_110 = tpu.memref_slice %arg7[%dma_start3A_103, %dma_start3A_109] : memref<40x128xi32, #tpu.memory_space<vmem>> -> memref<1x128xi32, #tpu.memory_space<vmem>>
    %dma_start3A_111 = tpu.memref_squeeze %dma_start3A_110 : memref<1x128xi32, #tpu.memory_space<vmem>> -> memref<128xi32, #tpu.memory_space<vmem>>
    %dma_start3A_112 = arith.constant 0 : i32
    %dma_start3A_113 = arith.constant 0 : i32
    %dma_start3A_114 = tpu.memref_slice %arg2[%dma_start3A_112, %dma_start3A_113] : memref<10240x128xf32, #tpu.memory_space<hbm>> -> memref<10240x128xf32, #tpu.memory_space<hbm>>
    tpu.enqueue_indirect_dma source(%dma_start3A_114 : memref<10240x128xf32, #tpu.memory_space<hbm>>) target(%dma_start3A_108 : memref<128x128xf32, #tpu.memory_space<vmem>>) offsets(%dma_start3A_111 : memref<128xi32, #tpu.memory_space<vmem>>) semaphore(%arg14 : memref<!tpu.dma_semaphore, #tpu.memory_space<semaphore_mem>>)
    %dma_start3A_115 = arith.constant 1 : i32
    %dma_start3A_116 = arith.constant 1 : i32
    %dma_start3A_117 = arith.constant 0 : i32
    %dma_start3A_118 = arith.constant 0 : i32
    %dma_start3A_119 = tpu.memref_slice %arg9[%dma_start3A_116, %dma_start3A_117, %dma_start3A_118] : memref<2x128x128xf32, #tpu.memory_space<vmem>> -> memref<1x128x128xf32, #tpu.memory_space<vmem>>
    %dma_start3A_120 = tpu.memref_squeeze %dma_start3A_119 : memref<1x128x128xf32, #tpu.memory_space<vmem>> -> memref<128x128xf32, #tpu.memory_space<vmem>>
    %dma_start3A_121 = arith.constant 0 : i32
    %dma_start3A_122 = tpu.memref_slice %arg7[%dma_start3A_115, %dma_start3A_121] : memref<40x128xi32, #tpu.memory_space<vmem>> -> memref<1x128xi32, #tpu.memory_space<vmem>>
    %dma_start3A_123 = tpu.memref_squeeze %dma_start3A_122 : memref<1x128xi32, #tpu.memory_space<vmem>> -> memref<128xi32, #tpu.memory_space<vmem>>
    %dma_start3A_124 = arith.constant 0 : i32
    %dma_start3A_125 = arith.constant 0 : i32
    %dma_start3A_126 = tpu.memref_slice %arg2[%dma_start3A_124, %dma_start3A_125] : memref<10240x128xf32, #tpu.memory_space<hbm>> -> memref<10240x128xf32, #tpu.memory_space<hbm>>
    tpu.enqueue_indirect_dma source(%dma_start3A_126 : memref<10240x128xf32, #tpu.memory_space<hbm>>) target(%dma_start3A_120 : memref<128x128xf32, #tpu.memory_space<vmem>>) offsets(%dma_start3A_123 : memref<128xi32, #tpu.memory_space<vmem>>) semaphore(%arg15 : memref<!tpu.dma_semaphore, #tpu.memory_space<semaphore_mem>>)
    %scan3A_127 = arith.constant 0 : i32
    %scan3A_128 = arith.constant 0 : i32
    %scan3A_129 = arith.constant 20 : i32
    %scan3A_130 = arith.addi %scan3A_128, %scan3A_129 : i32
    %scan3A_131 = arith.constant 1 : i32
    scf.for %scan3A_158 = %scan3A_128 to %scan3A_130 step %scan3A_131  : i32 {
      %mul3A_159 = arith.constant 2 : i32
      %mul3A_160 = arith.muli %mul3A_159, %scan3A_158 : i32
      %dma_wait3A_161 = arith.constant 0 : i32
      %dma_wait3A_162 = arith.constant 0 : i32
      %dma_wait3A_163 = arith.constant 0 : i32
      %dma_wait3A_164 = arith.constant 0 : i32
      %dma_wait3A_165 = tpu.memref_slice %arg9[%dma_wait3A_162, %dma_wait3A_163, %dma_wait3A_164] : memref<2x128x128xf32, #tpu.memory_space<vmem>> -> memref<1x128x128xf32, #tpu.memory_space<vmem>>
      %dma_wait3A_166 = tpu.memref_squeeze %dma_wait3A_165 : memref<1x128x128xf32, #tpu.memory_space<vmem>> -> memref<128x128xf32, #tpu.memory_space<vmem>>
      %dma_wait3A_167 = arith.constant 0 : i32
      %dma_wait3A_168 = tpu.memref_slice %arg7[%dma_wait3A_161, %dma_wait3A_167] : memref<40x128xi32, #tpu.memory_space<vmem>> -> memref<1x128xi32, #tpu.memory_space<vmem>>
      %dma_wait3A_169 = tpu.memref_squeeze %dma_wait3A_168 : memref<1x128xi32, #tpu.memory_space<vmem>> -> memref<128xi32, #tpu.memory_space<vmem>>
      %dma_wait3A_170 = arith.constant 0 : i32
      %dma_wait3A_171 = arith.constant 0 : i32
      %dma_wait3A_172 = tpu.memref_slice %arg2[%dma_wait3A_170, %dma_wait3A_171] : memref<10240x128xf32, #tpu.memory_space<hbm>> -> memref<10240x128xf32, #tpu.memory_space<hbm>>
      tpu.wait_indirect_dma semaphore(%arg14 : memref<!tpu.dma_semaphore, #tpu.memory_space<semaphore_mem>>) src(%dma_wait3A_172 : memref<10240x128xf32, #tpu.memory_space<hbm>>) dst(%dma_wait3A_166 : memref<128x128xf32, #tpu.memory_space<vmem>>)
      %run_scoped3A_173 = arith.constant 0 : i32
      "tpu.region"() ({
        %run_scoped3A_218 = tpu.sem_alloc : memref<!tpu.dma_semaphore, #tpu.memory_space<semaphore_mem>>
        %dma_start3A_219 = arith.constant 0 : i32
        %dma_start3A_220 = arith.constant 0 : i32
        %dma_start3A_221 = tpu.memref_slice %arg9[%run_scoped3A_173, %dma_start3A_219, %dma_start3A_220] : memref<2x128x128xf32, #tpu.memory_space<vmem>> -> memref<1x128x128xf32, #tpu.memory_space<vmem>>
        %dma_start3A_222 = tpu.memref_squeeze %dma_start3A_221 : memref<1x128x128xf32, #tpu.memory_space<vmem>> -> memref<128x128xf32, #tpu.memory_space<vmem>>
        %dma_start3A_223 = arith.constant 0 : i32
        %dma_start3A_224 = tpu.memref_slice %arg8[%mul3A_160, %dma_start3A_223] : memref<40x128xi32, #tpu.memory_space<vmem>> -> memref<1x128xi32, #tpu.memory_space<vmem>>
        %dma_start3A_225 = tpu.memref_squeeze %dma_start3A_224 : memref<1x128xi32, #tpu.memory_space<vmem>> -> memref<128xi32, #tpu.memory_space<vmem>>
        %dma_start3A_226 = arith.constant 0 : i32
        %dma_start3A_227 = arith.constant 0 : i32
        %dma_start3A_228 = tpu.memref_slice %arg12[%dma_start3A_226, %dma_start3A_227] : memref<10240x128xf32, #tpu.memory_space<vmem_shared>> -> memref<10240x128xf32, #tpu.memory_space<vmem_shared>>
        tpu.enqueue_indirect_dma source(%dma_start3A_222 : memref<128x128xf32, #tpu.memory_space<vmem>>) target(%dma_start3A_228 : memref<10240x128xf32, #tpu.memory_space<vmem_shared>>) offsets(%dma_start3A_225 : memref<128xi32, #tpu.memory_space<vmem>>) semaphore(%run_scoped3A_218 : memref<!tpu.dma_semaphore, #tpu.memory_space<semaphore_mem>>) {add = true}
        %dma_wait3A_229 = arith.constant 0 : i32
        %dma_wait3A_230 = arith.constant 0 : i32
        %dma_wait3A_231 = tpu.memref_slice %arg9[%run_scoped3A_173, %dma_wait3A_229, %dma_wait3A_230] : memref<2x128x128xf32, #tpu.memory_space<vmem>> -> memref<1x128x128xf32, #tpu.memory_space<vmem>>
        %dma_wait3A_232 = tpu.memref_squeeze %dma_wait3A_231 : memref<1x128x128xf32, #tpu.memory_space<vmem>> -> memref<128x128xf32, #tpu.memory_space<vmem>>
        %dma_wait3A_233 = arith.constant 0 : i32
        %dma_wait3A_234 = tpu.memref_slice %arg8[%mul3A_160, %dma_wait3A_233] : memref<40x128xi32, #tpu.memory_space<vmem>> -> memref<1x128xi32, #tpu.memory_space<vmem>>
        %dma_wait3A_235 = tpu.memref_squeeze %dma_wait3A_234 : memref<1x128xi32, #tpu.memory_space<vmem>> -> memref<128xi32, #tpu.memory_space<vmem>>
        %dma_wait3A_236 = arith.constant 0 : i32
        %dma_wait3A_237 = arith.constant 0 : i32
        %dma_wait3A_238 = tpu.memref_slice %arg12[%dma_wait3A_236, %dma_wait3A_237] : memref<10240x128xf32, #tpu.memory_space<vmem_shared>> -> memref<10240x128xf32, #tpu.memory_space<vmem_shared>>
        tpu.wait_indirect_dma semaphore(%run_scoped3A_218 : memref<!tpu.dma_semaphore, #tpu.memory_space<semaphore_mem>>) src(%dma_wait3A_232 : memref<128x128xf32, #tpu.memory_space<vmem>>) dst(%dma_wait3A_238 : memref<10240x128xf32, #tpu.memory_space<vmem_shared>>)
        tpu.yield
      }) : () -> ()
      "tpu.region"() ({
        %run_scoped3A_218 = tpu.sem_alloc : memref<!tpu.dma_semaphore, #tpu.memory_space<semaphore_mem>>
        %dma_start3A_219 = arith.constant 0 : i32
        %dma_start3A_220 = tpu.memref_slice %arg8[%mul3A_160, %dma_start3A_219] : memref<40x128xi32, #tpu.memory_space<vmem>> -> memref<1x128xi32, #tpu.memory_space<vmem>>
        %dma_start3A_221 = tpu.memref_squeeze %dma_start3A_220 : memref<1x128xi32, #tpu.memory_space<vmem>> -> memref<128xi32, #tpu.memory_space<vmem>>
        %dma_start3A_222 = arith.constant 0 : i32
        %dma_start3A_223 = tpu.memref_slice %arg13[%dma_start3A_222] : memref<10240xf32, #tpu.memory_space<vmem_shared>> -> memref<10240xf32, #tpu.memory_space<vmem_shared>>
        tpu.enqueue_indirect_dma source(%arg10 : memref<128xf32, #tpu.memory_space<vmem>>) target(%dma_start3A_223 : memref<10240xf32, #tpu.memory_space<vmem_shared>>) offsets(%dma_start3A_221 : memref<128xi32, #tpu.memory_space<vmem>>) semaphore(%run_scoped3A_218 : memref<!tpu.dma_semaphore, #tpu.memory_space<semaphore_mem>>) {add = true}
        %dma_wait3A_224 = arith.constant 0 : i32
        %dma_wait3A_225 = tpu.memref_slice %arg8[%mul3A_160, %dma_wait3A_224] : memref<40x128xi32, #tpu.memory_space<vmem>> -> memref<1x128xi32, #tpu.memory_space<vmem>>
        %dma_wait3A_226 = tpu.memref_squeeze %dma_wait3A_225 : memref<1x128xi32, #tpu.memory_space<vmem>> -> memref<128xi32, #tpu.memory_space<vmem>>
        %dma_wait3A_227 = arith.constant 0 : i32
        %dma_wait3A_228 = tpu.memref_slice %arg13[%dma_wait3A_227] : memref<10240xf32, #tpu.memory_space<vmem_shared>> -> memref<10240xf32, #tpu.memory_space<vmem_shared>>
        tpu.wait_indirect_dma semaphore(%run_scoped3A_218 : memref<!tpu.dma_semaphore, #tpu.memory_space<semaphore_mem>>) src(%arg10 : memref<128xf32, #tpu.memory_space<vmem>>) dst(%dma_wait3A_228 : memref<10240xf32, #tpu.memory_space<vmem_shared>>)
        tpu.yield
      }) : () -> ()
      %add3A_174 = arith.constant 2 : i32
      %add3A_175 = arith.addi %mul3A_160, %add3A_174 : i32
      %min3A = arith.constant 39 : i32
      %min3A_176 = arith.minsi %add3A_175, %min3A : i32
      %dma_start3A_177 = arith.constant 0 : i32
      %dma_start3A_178 = arith.constant 0 : i32
      %dma_start3A_179 = arith.constant 0 : i32
      %dma_start3A_180 = tpu.memref_slice %arg9[%dma_start3A_177, %dma_start3A_178, %dma_start3A_179] : memref<2x128x128xf32, #tpu.memory_space<vmem>> -> memref<1x128x128xf32, #tpu.memory_space<vmem>>
      %dma_start3A_181 = tpu.memref_squeeze %dma_start3A_180 : memref<1x128x128xf32, #tpu.memory_space<vmem>> -> memref<128x128xf32, #tpu.memory_space<vmem>>
      %dma_start3A_182 = arith.constant 0 : i32
      %dma_start3A_183 = tpu.memref_slice %arg7[%min3A_176, %dma_start3A_182] : memref<40x128xi32, #tpu.memory_space<vmem>> -> memref<1x128xi32, #tpu.memory_space<vmem>>
      %dma_start3A_184 = tpu.memref_squeeze %dma_start3A_183 : memref<1x128xi32, #tpu.memory_space<vmem>> -> memref<128xi32, #tpu.memory_space<vmem>>
      %dma_start3A_185 = arith.constant 0 : i32
      %dma_start3A_186 = arith.constant 0 : i32
      %dma_start3A_187 = tpu.memref_slice %arg2[%dma_start3A_185, %dma_start3A_186] : memref<10240x128xf32, #tpu.memory_space<hbm>> -> memref<10240x128xf32, #tpu.memory_space<hbm>>
      tpu.enqueue_indirect_dma source(%dma_start3A_187 : memref<10240x128xf32, #tpu.memory_space<hbm>>) target(%dma_start3A_181 : memref<128x128xf32, #tpu.memory_space<vmem>>) offsets(%dma_start3A_184 : memref<128xi32, #tpu.memory_space<vmem>>) semaphore(%arg14 : memref<!tpu.dma_semaphore, #tpu.memory_space<semaphore_mem>>)
      %add3A_188 = arith.constant 1 : i32
      %add3A_189 = arith.addi %mul3A_160, %add3A_188 : i32
      %dma_wait3A_190 = arith.constant 1 : i32
      %dma_wait3A_191 = arith.constant 1 : i32
      %dma_wait3A_192 = arith.constant 0 : i32
      %dma_wait3A_193 = arith.constant 0 : i32
      %dma_wait3A_194 = tpu.memref_slice %arg9[%dma_wait3A_191, %dma_wait3A_192, %dma_wait3A_193] : memref<2x128x128xf32, #tpu.memory_space<vmem>> -> memref<1x128x128xf32, #tpu.memory_space<vmem>>
      %dma_wait3A_195 = tpu.memref_squeeze %dma_wait3A_194 : memref<1x128x128xf32, #tpu.memory_space<vmem>> -> memref<128x128xf32, #tpu.memory_space<vmem>>
      %dma_wait3A_196 = arith.constant 0 : i32
      %dma_wait3A_197 = tpu.memref_slice %arg7[%dma_wait3A_190, %dma_wait3A_196] : memref<40x128xi32, #tpu.memory_space<vmem>> -> memref<1x128xi32, #tpu.memory_space<vmem>>
      %dma_wait3A_198 = tpu.memref_squeeze %dma_wait3A_197 : memref<1x128xi32, #tpu.memory_space<vmem>> -> memref<128xi32, #tpu.memory_space<vmem>>
      %dma_wait3A_199 = arith.constant 0 : i32
      %dma_wait3A_200 = arith.constant 0 : i32
      %dma_wait3A_201 = tpu.memref_slice %arg2[%dma_wait3A_199, %dma_wait3A_200] : memref<10240x128xf32, #tpu.memory_space<hbm>> -> memref<10240x128xf32, #tpu.memory_space<hbm>>
      tpu.wait_indirect_dma semaphore(%arg15 : memref<!tpu.dma_semaphore, #tpu.memory_space<semaphore_mem>>) src(%dma_wait3A_201 : memref<10240x128xf32, #tpu.memory_space<hbm>>) dst(%dma_wait3A_195 : memref<128x128xf32, #tpu.memory_space<vmem>>)
      %run_scoped3A_202 = arith.constant 1 : i32
      "tpu.region"() ({
        %run_scoped3A_218 = tpu.sem_alloc : memref<!tpu.dma_semaphore, #tpu.memory_space<semaphore_mem>>
        %dma_start3A_219 = arith.constant 0 : i32
        %dma_start3A_220 = arith.constant 0 : i32
        %dma_start3A_221 = tpu.memref_slice %arg9[%run_scoped3A_202, %dma_start3A_219, %dma_start3A_220] : memref<2x128x128xf32, #tpu.memory_space<vmem>> -> memref<1x128x128xf32, #tpu.memory_space<vmem>>
        %dma_start3A_222 = tpu.memref_squeeze %dma_start3A_221 : memref<1x128x128xf32, #tpu.memory_space<vmem>> -> memref<128x128xf32, #tpu.memory_space<vmem>>
        %dma_start3A_223 = arith.constant 0 : i32
        %dma_start3A_224 = tpu.memref_slice %arg8[%add3A_189, %dma_start3A_223] : memref<40x128xi32, #tpu.memory_space<vmem>> -> memref<1x128xi32, #tpu.memory_space<vmem>>
        %dma_start3A_225 = tpu.memref_squeeze %dma_start3A_224 : memref<1x128xi32, #tpu.memory_space<vmem>> -> memref<128xi32, #tpu.memory_space<vmem>>
        %dma_start3A_226 = arith.constant 0 : i32
        %dma_start3A_227 = arith.constant 0 : i32
        %dma_start3A_228 = tpu.memref_slice %arg12[%dma_start3A_226, %dma_start3A_227] : memref<10240x128xf32, #tpu.memory_space<vmem_shared>> -> memref<10240x128xf32, #tpu.memory_space<vmem_shared>>
        tpu.enqueue_indirect_dma source(%dma_start3A_222 : memref<128x128xf32, #tpu.memory_space<vmem>>) target(%dma_start3A_228 : memref<10240x128xf32, #tpu.memory_space<vmem_shared>>) offsets(%dma_start3A_225 : memref<128xi32, #tpu.memory_space<vmem>>) semaphore(%run_scoped3A_218 : memref<!tpu.dma_semaphore, #tpu.memory_space<semaphore_mem>>) {add = true}
        %dma_wait3A_229 = arith.constant 0 : i32
        %dma_wait3A_230 = arith.constant 0 : i32
        %dma_wait3A_231 = tpu.memref_slice %arg9[%run_scoped3A_202, %dma_wait3A_229, %dma_wait3A_230] : memref<2x128x128xf32, #tpu.memory_space<vmem>> -> memref<1x128x128xf32, #tpu.memory_space<vmem>>
        %dma_wait3A_232 = tpu.memref_squeeze %dma_wait3A_231 : memref<1x128x128xf32, #tpu.memory_space<vmem>> -> memref<128x128xf32, #tpu.memory_space<vmem>>
        %dma_wait3A_233 = arith.constant 0 : i32
        %dma_wait3A_234 = tpu.memref_slice %arg8[%add3A_189, %dma_wait3A_233] : memref<40x128xi32, #tpu.memory_space<vmem>> -> memref<1x128xi32, #tpu.memory_space<vmem>>
        %dma_wait3A_235 = tpu.memref_squeeze %dma_wait3A_234 : memref<1x128xi32, #tpu.memory_space<vmem>> -> memref<128xi32, #tpu.memory_space<vmem>>
        %dma_wait3A_236 = arith.constant 0 : i32
        %dma_wait3A_237 = arith.constant 0 : i32
        %dma_wait3A_238 = tpu.memref_slice %arg12[%dma_wait3A_236, %dma_wait3A_237] : memref<10240x128xf32, #tpu.memory_space<vmem_shared>> -> memref<10240x128xf32, #tpu.memory_space<vmem_shared>>
        tpu.wait_indirect_dma semaphore(%run_scoped3A_218 : memref<!tpu.dma_semaphore, #tpu.memory_space<semaphore_mem>>) src(%dma_wait3A_232 : memref<128x128xf32, #tpu.memory_space<vmem>>) dst(%dma_wait3A_238 : memref<10240x128xf32, #tpu.memory_space<vmem_shared>>)
        tpu.yield
      }) : () -> ()
      "tpu.region"() ({
        %run_scoped3A_218 = tpu.sem_alloc : memref<!tpu.dma_semaphore, #tpu.memory_space<semaphore_mem>>
        %dma_start3A_219 = arith.constant 0 : i32
        %dma_start3A_220 = tpu.memref_slice %arg8[%add3A_189, %dma_start3A_219] : memref<40x128xi32, #tpu.memory_space<vmem>> -> memref<1x128xi32, #tpu.memory_space<vmem>>
        %dma_start3A_221 = tpu.memref_squeeze %dma_start3A_220 : memref<1x128xi32, #tpu.memory_space<vmem>> -> memref<128xi32, #tpu.memory_space<vmem>>
        %dma_start3A_222 = arith.constant 0 : i32
        %dma_start3A_223 = tpu.memref_slice %arg13[%dma_start3A_222] : memref<10240xf32, #tpu.memory_space<vmem_shared>> -> memref<10240xf32, #tpu.memory_space<vmem_shared>>
        tpu.enqueue_indirect_dma source(%arg10 : memref<128xf32, #tpu.memory_space<vmem>>) target(%dma_start3A_223 : memref<10240xf32, #tpu.memory_space<vmem_shared>>) offsets(%dma_start3A_221 : memref<128xi32, #tpu.memory_space<vmem>>) semaphore(%run_scoped3A_218 : memref<!tpu.dma_semaphore, #tpu.memory_space<semaphore_mem>>) {add = true}
        %dma_wait3A_224 = arith.constant 0 : i32
        %dma_wait3A_225 = tpu.memref_slice %arg8[%add3A_189, %dma_wait3A_224] : memref<40x128xi32, #tpu.memory_space<vmem>> -> memref<1x128xi32, #tpu.memory_space<vmem>>
        %dma_wait3A_226 = tpu.memref_squeeze %dma_wait3A_225 : memref<1x128xi32, #tpu.memory_space<vmem>> -> memref<128xi32, #tpu.memory_space<vmem>>
        %dma_wait3A_227 = arith.constant 0 : i32
        %dma_wait3A_228 = tpu.memref_slice %arg13[%dma_wait3A_227] : memref<10240xf32, #tpu.memory_space<vmem_shared>> -> memref<10240xf32, #tpu.memory_space<vmem_shared>>
        tpu.wait_indirect_dma semaphore(%run_scoped3A_218 : memref<!tpu.dma_semaphore, #tpu.memory_space<semaphore_mem>>) src(%arg10 : memref<128xf32, #tpu.memory_space<vmem>>) dst(%dma_wait3A_228 : memref<10240xf32, #tpu.memory_space<vmem_shared>>)
        tpu.yield
      }) : () -> ()
      %add3A_203 = arith.constant 2 : i32
      %add3A_204 = arith.addi %add3A_189, %add3A_203 : i32
      %min3A_205 = arith.constant 39 : i32
      %min3A_206 = arith.minsi %add3A_204, %min3A_205 : i32
      %dma_start3A_207 = arith.constant 1 : i32
      %dma_start3A_208 = arith.constant 0 : i32
      %dma_start3A_209 = arith.constant 0 : i32
      %dma_start3A_210 = tpu.memref_slice %arg9[%dma_start3A_207, %dma_start3A_208, %dma_start3A_209] : memref<2x128x128xf32, #tpu.memory_space<vmem>> -> memref<1x128x128xf32, #tpu.memory_space<vmem>>
      %dma_start3A_211 = tpu.memref_squeeze %dma_start3A_210 : memref<1x128x128xf32, #tpu.memory_space<vmem>> -> memref<128x128xf32, #tpu.memory_space<vmem>>
      %dma_start3A_212 = arith.constant 0 : i32
      %dma_start3A_213 = tpu.memref_slice %arg7[%min3A_206, %dma_start3A_212] : memref<40x128xi32, #tpu.memory_space<vmem>> -> memref<1x128xi32, #tpu.memory_space<vmem>>
      %dma_start3A_214 = tpu.memref_squeeze %dma_start3A_213 : memref<1x128xi32, #tpu.memory_space<vmem>> -> memref<128xi32, #tpu.memory_space<vmem>>
      %dma_start3A_215 = arith.constant 0 : i32
      %dma_start3A_216 = arith.constant 0 : i32
      %dma_start3A_217 = tpu.memref_slice %arg2[%dma_start3A_215, %dma_start3A_216] : memref<10240x128xf32, #tpu.memory_space<hbm>> -> memref<10240x128xf32, #tpu.memory_space<hbm>>
      tpu.enqueue_indirect_dma source(%dma_start3A_217 : memref<10240x128xf32, #tpu.memory_space<hbm>>) target(%dma_start3A_211 : memref<128x128xf32, #tpu.memory_space<vmem>>) offsets(%dma_start3A_214 : memref<128xi32, #tpu.memory_space<vmem>>) semaphore(%arg15 : memref<!tpu.dma_semaphore, #tpu.memory_space<semaphore_mem>>)
    }
    %scan3A_132 = arith.constant 20 : i32
    %dma_wait3A_133 = arith.constant 0 : i32
    %dma_wait3A_134 = arith.constant 0 : i32
    %dma_wait3A_135 = arith.constant 0 : i32
    %dma_wait3A_136 = arith.constant 0 : i32
    %dma_wait3A_137 = tpu.memref_slice %arg9[%dma_wait3A_134, %dma_wait3A_135, %dma_wait3A_136] : memref<2x128x128xf32, #tpu.memory_space<vmem>> -> memref<1x128x128xf32, #tpu.memory_space<vmem>>
    %dma_wait3A_138 = tpu.memref_squeeze %dma_wait3A_137 : memref<1x128x128xf32, #tpu.memory_space<vmem>> -> memref<128x128xf32, #tpu.memory_space<vmem>>
    %dma_wait3A_139 = arith.constant 0 : i32
    %dma_wait3A_140 = tpu.memref_slice %arg7[%dma_wait3A_133, %dma_wait3A_139] : memref<40x128xi32, #tpu.memory_space<vmem>> -> memref<1x128xi32, #tpu.memory_space<vmem>>
    %dma_wait3A_141 = tpu.memref_squeeze %dma_wait3A_140 : memref<1x128xi32, #tpu.memory_space<vmem>> -> memref<128xi32, #tpu.memory_space<vmem>>
    %dma_wait3A_142 = arith.constant 0 : i32
    %dma_wait3A_143 = arith.constant 0 : i32
    %dma_wait3A_144 = tpu.memref_slice %arg2[%dma_wait3A_142, %dma_wait3A_143] : memref<10240x128xf32, #tpu.memory_space<hbm>> -> memref<10240x128xf32, #tpu.memory_space<hbm>>
    tpu.wait_indirect_dma semaphore(%arg14 : memref<!tpu.dma_semaphore, #tpu.memory_space<semaphore_mem>>) src(%dma_wait3A_144 : memref<10240x128xf32, #tpu.memory_space<hbm>>) dst(%dma_wait3A_138 : memref<128x128xf32, #tpu.memory_space<vmem>>)
    %dma_wait3A_145 = arith.constant 1 : i32
    %dma_wait3A_146 = arith.constant 1 : i32
    %dma_wait3A_147 = arith.constant 0 : i32
    %dma_wait3A_148 = arith.constant 0 : i32
    %dma_wait3A_149 = tpu.memref_slice %arg9[%dma_wait3A_146, %dma_wait3A_147, %dma_wait3A_148] : memref<2x128x128xf32, #tpu.memory_space<vmem>> -> memref<1x128x128xf32, #tpu.memory_space<vmem>>
    %dma_wait3A_150 = tpu.memref_squeeze %dma_wait3A_149 : memref<1x128x128xf32, #tpu.memory_space<vmem>> -> memref<128x128xf32, #tpu.memory_space<vmem>>
    %dma_wait3A_151 = arith.constant 0 : i32
    %dma_wait3A_152 = tpu.memref_slice %arg7[%dma_wait3A_145, %dma_wait3A_151] : memref<40x128xi32, #tpu.memory_space<vmem>> -> memref<1x128xi32, #tpu.memory_space<vmem>>
    %dma_wait3A_153 = tpu.memref_squeeze %dma_wait3A_152 : memref<1x128xi32, #tpu.memory_space<vmem>> -> memref<128xi32, #tpu.memory_space<vmem>>
    %dma_wait3A_154 = arith.constant 0 : i32
    %dma_wait3A_155 = arith.constant 0 : i32
    %dma_wait3A_156 = tpu.memref_slice %arg2[%dma_wait3A_154, %dma_wait3A_155] : memref<10240x128xf32, #tpu.memory_space<hbm>> -> memref<10240x128xf32, #tpu.memory_space<hbm>>
    tpu.wait_indirect_dma semaphore(%arg15 : memref<!tpu.dma_semaphore, #tpu.memory_space<semaphore_mem>>) src(%dma_wait3A_156 : memref<10240x128xf32, #tpu.memory_space<hbm>>) dst(%dma_wait3A_150 : memref<128x128xf32, #tpu.memory_space<vmem>>)
    %barrier3A_157 = arith.constant 0 : index
    tpu.barrier barrier_id(%barrier3A_157)
    "tpu.region"() ({
      %run_scoped3A_158 = tpu.sem_alloc : memref<!tpu.dma_semaphore, #tpu.memory_space<semaphore_mem>>
      %dma_start3A_159 = arith.constant 0 : i32
      %dma_start3A_160 = tpu.memref_slice %arg5[%arg0, %mul3A_8, %dma_start3A_159] : memref<2x10240x128xf32, #tpu.memory_space<hbm>> -> memref<1x640x128xf32, #tpu.memory_space<hbm>>
      %dma_start3A_161 = tpu.memref_squeeze %dma_start3A_160 : memref<1x640x128xf32, #tpu.memory_space<hbm>> -> memref<640x128xf32, #tpu.memory_space<hbm>>
      %dma_start3A_162 = arith.constant 0 : i32
      %dma_start3A_163 = tpu.memref_slice %arg12[%mul3A_8, %dma_start3A_162] : memref<10240x128xf32, #tpu.memory_space<vmem_shared>> -> memref<640x128xf32, #tpu.memory_space<vmem_shared>>
      tpu.enqueue_dma source(%dma_start3A_163 : memref<640x128xf32, #tpu.memory_space<vmem_shared>>) target(%dma_start3A_161 : memref<640x128xf32, #tpu.memory_space<hbm>>) target_semaphore(%run_scoped3A_158 : memref<!tpu.dma_semaphore, #tpu.memory_space<semaphore_mem>>)
      %dma_wait3A_164 = arith.constant 0 : i32
      %dma_wait3A_165 = tpu.memref_slice %arg5[%arg0, %mul3A_8, %dma_wait3A_164] : memref<2x10240x128xf32, #tpu.memory_space<hbm>> -> memref<1x640x128xf32, #tpu.memory_space<hbm>>
      %dma_wait3A_166 = tpu.memref_squeeze %dma_wait3A_165 : memref<1x640x128xf32, #tpu.memory_space<hbm>> -> memref<640x128xf32, #tpu.memory_space<hbm>>
      %dma_wait3A_167 = arith.constant 0 : i32
      %dma_wait3A_168 = tpu.memref_slice %arg12[%mul3A_8, %dma_wait3A_167] : memref<10240x128xf32, #tpu.memory_space<vmem_shared>> -> memref<640x128xf32, #tpu.memory_space<vmem_shared>>
      tpu.wait_dma2 semaphore(%run_scoped3A_158 : memref<!tpu.dma_semaphore, #tpu.memory_space<semaphore_mem>>) src(%dma_wait3A_168 : memref<640x128xf32, #tpu.memory_space<vmem_shared>>) dst(%dma_wait3A_166 : memref<640x128xf32, #tpu.memory_space<hbm>>)
      tpu.yield
    }) : () -> ()
    "tpu.region"() ({
      %run_scoped3A_158 = tpu.sem_alloc : memref<!tpu.dma_semaphore, #tpu.memory_space<semaphore_mem>>
      %dma_start3A_159 = tpu.memref_slice %arg6[%arg0, %mul3A_8] : memref<2x10240xf32, #tpu.memory_space<hbm>> -> memref<1x640xf32, #tpu.memory_space<hbm>>
      %dma_start3A_160 = tpu.memref_squeeze %dma_start3A_159 : memref<1x640xf32, #tpu.memory_space<hbm>> -> memref<640xf32, #tpu.memory_space<hbm>>
      %dma_start3A_161 = tpu.memref_slice %arg13[%mul3A_8] : memref<10240xf32, #tpu.memory_space<vmem_shared>> -> memref<640xf32, #tpu.memory_space<vmem_shared>>
      tpu.enqueue_dma source(%dma_start3A_161 : memref<640xf32, #tpu.memory_space<vmem_shared>>) target(%dma_start3A_160 : memref<640xf32, #tpu.memory_space<hbm>>) target_semaphore(%run_scoped3A_158 : memref<!tpu.dma_semaphore, #tpu.memory_space<semaphore_mem>>)
      %dma_wait3A_162 = tpu.memref_slice %arg6[%arg0, %mul3A_8] : memref<2x10240xf32, #tpu.memory_space<hbm>> -> memref<1x640xf32, #tpu.memory_space<hbm>>
      %dma_wait3A_163 = tpu.memref_squeeze %dma_wait3A_162 : memref<1x640xf32, #tpu.memory_space<hbm>> -> memref<640xf32, #tpu.memory_space<hbm>>
      %dma_wait3A_164 = tpu.memref_slice %arg13[%mul3A_8] : memref<10240xf32, #tpu.memory_space<vmem_shared>> -> memref<640xf32, #tpu.memory_space<vmem_shared>>
      tpu.wait_dma2 semaphore(%run_scoped3A_158 : memref<!tpu.dma_semaphore, #tpu.memory_space<semaphore_mem>>) src(%dma_wait3A_164 : memref<640xf32, #tpu.memory_space<vmem_shared>>) dst(%dma_wait3A_163 : memref<640xf32, #tpu.memory_space<hbm>>)
      tpu.yield
    }) : () -> ()
    return
  }
}

module attributes {stable_mosaic.version = 14 : i64} {
  func.func @_t0_body(%arg0: i32, %arg1: memref<256x128xf32, #tpu.memory_space<vmem>>, %arg2: memref<128x128xf32, #tpu.memory_space<vmem>>, %arg3: memref<256x128xf32, #tpu.memory_space<vmem>>) attributes {dimension_semantics = [#tpu.dimension_semantics<arbitrary>], iteration_bounds = array<i64: 40>, scalar_prefetch = 0 : i64, scratch_operands = 0 : i64, tpu.core_type = #tpu.core_type<tc>, window_params = [{transform_indices = @transform_0, window_bounds = array<i64: 256, 128>}, {pipeline_mode = #tpu.pipeline_mode<synchronous>, transform_indices = @transform_1, window_bounds = array<i64: 128, 128>}, {transform_indices = @transform_2, window_bounds = array<i64: 256, 128>}]} {
    %get3A = arith.constant 0 : index
    %get3A_0 = arith.constant 0 : index
    %get3A_1 = vector.load %arg1[%get3A, %get3A_0] : memref<256x128xf32, #tpu.memory_space<vmem>>, vector<256x128xf32>
    %get3A_2 = arith.constant 0 : index
    %get3A_3 = arith.constant 0 : index
    %get3A_4 = vector.load %arg2[%get3A_2, %get3A_3] : memref<128x128xf32, #tpu.memory_space<vmem>>, vector<128x128xf32>
    %dot_general3A = arith.constant dense<0.000000e+00> : vector<256x128xf32>
    %dot_general3A_5 = tpu.matmul %get3A_1, %get3A_4, %dot_general3A {dimension_numbers = #tpu.dot_dimension_numbers<[1], [0], [0], [1], [0, 0, 1, 1], [], []>, transpose_lhs_hint = false} : vector<256x128xf32>, vector<128x128xf32>, vector<256x128xf32> -> vector<256x128xf32>
    %swap3A = arith.constant 0 : index
    %swap3A_6 = arith.constant 0 : index
    %swap3A_7 = vector.load %arg3[%swap3A, %swap3A_6] : memref<256x128xf32, #tpu.memory_space<vmem>>, vector<256x128xf32>
    tpu.vector_store %arg3[%swap3A, %swap3A_6], %dot_general3A_5 {strides = array<i32>} : memref<256x128xf32, #tpu.memory_space<vmem>>, vector<256x128xf32>,
    return
  }
  func.func @transform_0(%arg0: i32) -> (i32, i32) {
    %c0_i32 = arith.constant 0 : i32
    %c0_i32_0 = arith.constant 0 : i32
    return %arg0, %c0_i32 : i32, i32
  }
  func.func @transform_1(%arg0: i32) -> (i32, i32) {
    %c0_i32 = arith.constant 0 : i32
    %c0_i32_0 = arith.constant 0 : i32
    %c0_i32_1 = arith.constant 0 : i32
    return %c0_i32, %c0_i32_0 : i32, i32
  }
  func.func @transform_2(%arg0: i32) -> (i32, i32) {
    %c0_i32 = arith.constant 0 : i32
    %c0_i32_0 = arith.constant 0 : i32
    return %arg0, %c0_i32 : i32, i32
  }
}

module attributes {stable_mosaic.version = 14 : i64} {
  func.func @_t1_body(%arg0: i32, %arg1: memref<2x256x128xf32, #tpu.memory_space<vmem>>, %arg2: memref<2x1x256x1xf32, #tpu.memory_space<vmem>>, %arg3: memref<256x128xf32, #tpu.memory_space<vmem>>, %arg4: memref<128x128xf32, #tpu.memory_space<vmem>>, %arg5: memref<1x128xf32, #tpu.memory_space<vmem>>, %arg6: memref<128x128xf32, #tpu.memory_space<vmem>>, %arg7: memref<256x128xf32, #tpu.memory_space<vmem>>, %arg8: memref<256x128xf32, #tpu.memory_space<vmem>>, %arg9: memref<256x16xf32, #tpu.memory_space<vmem>>) attributes {dimension_semantics = [#tpu.dimension_semantics<arbitrary>], iteration_bounds = array<i64: 40>, scalar_prefetch = 0 : i64, scratch_operands = 0 : i64, tpu.core_type = #tpu.core_type<tc>, window_params = [{transform_indices = @transform_0, window_bounds = array<i64: 2, 256, 128>}, {transform_indices = @transform_1, window_bounds = array<i64: 2, 1, 256, 1>}, {transform_indices = @transform_2, window_bounds = array<i64: 256, 128>}, {pipeline_mode = #tpu.pipeline_mode<synchronous>, transform_indices = @transform_3, window_bounds = array<i64: 128, 128>}, {pipeline_mode = #tpu.pipeline_mode<synchronous>, transform_indices = @transform_4, window_bounds = array<i64: 1, 128>}, {pipeline_mode = #tpu.pipeline_mode<synchronous>, transform_indices = @transform_5, window_bounds = array<i64: 128, 128>}, {transform_indices = @transform_6, window_bounds = array<i64: 256, 128>}, {transform_indices = @transform_7, window_bounds = array<i64: 256, 128>}, {transform_indices = @transform_8, window_bounds = array<i64: 256, 16>}]} {
    %get3A = arith.constant 0 : index
    %get3A_0 = arith.constant 0 : index
    %get3A_1 = arith.constant 0 : index
    %get3A_2 = vector.load %arg1[%get3A, %get3A_0, %get3A_1] : memref<2x256x128xf32, #tpu.memory_space<vmem>>, vector<1x256x128xf32>
    %get3A_3 = vector.shape_cast %get3A_2 : vector<1x256x128xf32> to vector<256x128xf32>
    %get3A_4 = arith.constant 1 : index
    %get3A_5 = arith.constant 0 : index
    %get3A_6 = arith.constant 0 : index
    %get3A_7 = vector.load %arg1[%get3A_4, %get3A_5, %get3A_6] : memref<2x256x128xf32, #tpu.memory_space<vmem>>, vector<1x256x128xf32>
    %get3A_8 = vector.shape_cast %get3A_7 : vector<1x256x128xf32> to vector<256x128xf32>
    %add3A = arith.addf %get3A_3, %get3A_8 : vector<256x128xf32>
    %get3A_9 = arith.constant 0 : index
    %get3A_10 = arith.constant 0 : index
    %get3A_11 = arith.constant 0 : index
    %get3A_12 = arith.constant 0 : index
    %get3A_13 = vector.load %arg2[%get3A_9, %get3A_10, %get3A_11, %get3A_12] : memref<2x1x256x1xf32, #tpu.memory_space<vmem>>, vector<1x1x256x1xf32>
    %get3A_14 = vector.shape_cast %get3A_13 : vector<1x1x256x1xf32> to vector<256x1xf32>
    %get3A_15 = arith.constant 1 : index
    %get3A_16 = arith.constant 0 : index
    %get3A_17 = arith.constant 0 : index
    %get3A_18 = arith.constant 0 : index
    %get3A_19 = vector.load %arg2[%get3A_15, %get3A_16, %get3A_17, %get3A_18] : memref<2x1x256x1xf32, #tpu.memory_space<vmem>>, vector<1x1x256x1xf32>
    %get3A_20 = vector.shape_cast %get3A_19 : vector<1x1x256x1xf32> to vector<256x1xf32>
    %add3A_21 = arith.addf %get3A_14, %get3A_20 : vector<256x1xf32>
    %max3A = arith.constant 1.000000e+00 : f32
    %max3A_22 = vector.broadcast %max3A : f32 to vector<256x1xf32>
    %max3A_23 = arith.maximumf %add3A_21, %max3A_22 : vector<256x1xf32>
    %div3A = arith.constant 1.000000e+00 : f32
    %div3A_24 = vector.broadcast %div3A : f32 to vector<256x1xf32>
    %div3A_25 = arith.divf %div3A_24, %max3A_23 : vector<256x1xf32>
    %get3A_26 = arith.constant 0 : index
    %get3A_27 = arith.constant 0 : index
    %get3A_28 = vector.load %arg3[%get3A_26, %get3A_27] : memref<256x128xf32, #tpu.memory_space<vmem>>, vector<256x128xf32>
    %get3A_29 = arith.constant 0 : index
    %get3A_30 = arith.constant 0 : index
    %get3A_31 = vector.load %arg4[%get3A_29, %get3A_30] : memref<128x128xf32, #tpu.memory_space<vmem>>, vector<128x128xf32>
    %dot_general3A = arith.constant dense<0.000000e+00> : vector<256x128xf32>
    %dot_general3A_32 = tpu.matmul %get3A_28, %get3A_31, %dot_general3A {dimension_numbers = #tpu.dot_dimension_numbers<[1], [0], [0], [1], [0, 0, 1, 1], [], []>, transpose_lhs_hint = false} : vector<256x128xf32>, vector<128x128xf32>, vector<256x128xf32> -> vector<256x128xf32>
    %mul3A = vector.broadcast %div3A_25 : vector<256x1xf32> to vector<256x128xf32>
    %mul3A_33 = arith.mulf %add3A, %mul3A : vector<256x128xf32>
    %add3A_34 = arith.addf %mul3A_33, %dot_general3A_32 : vector<256x128xf32>
    %get3A_35 = arith.constant 0 : index
    %get3A_36 = arith.constant 0 : index
    %get3A_37 = vector.load %arg5[%get3A_35, %get3A_36] : memref<1x128xf32, #tpu.memory_space<vmem>>, vector<1x128xf32>
    %add3A_38 = vector.broadcast %get3A_37 : vector<1x128xf32> to vector<256x128xf32>
    %add3A_39 = arith.addf %add3A_34, %add3A_38 : vector<256x128xf32>
    %max3A_40 = arith.constant 0.000000e+00 : f32
    %max3A_41 = vector.broadcast %max3A_40 : f32 to vector<256x128xf32>
    %max3A_42 = arith.maximumf %add3A_39, %max3A_41 : vector<256x128xf32>
    %swap3A = arith.constant 0 : index
    %swap3A_43 = arith.constant 0 : index
    %swap3A_44 = vector.load %arg7[%swap3A, %swap3A_43] : memref<256x128xf32, #tpu.memory_space<vmem>>, vector<256x128xf32>
    tpu.vector_store %arg7[%swap3A, %swap3A_43], %max3A_42 {strides = array<i32>} : memref<256x128xf32, #tpu.memory_space<vmem>>, vector<256x128xf32>,
    %get3A_45 = arith.constant 0 : index
    %get3A_46 = arith.constant 0 : index
    %get3A_47 = vector.load %arg6[%get3A_45, %get3A_46] : memref<128x128xf32, #tpu.memory_space<vmem>>, vector<128x128xf32>
    %dot_general3A_48 = arith.constant dense<0.000000e+00> : vector<256x128xf32>
    %dot_general3A_49 = tpu.matmul %max3A_42, %get3A_47, %dot_general3A_48 {dimension_numbers = #tpu.dot_dimension_numbers<[1], [0], [0], [1], [0, 0, 1, 1], [], []>, transpose_lhs_hint = false} : vector<256x128xf32>, vector<128x128xf32>, vector<256x128xf32> -> vector<256x128xf32>
    %swap3A_50 = arith.constant 0 : index
    %swap3A_51 = arith.constant 0 : index
    %swap3A_52 = vector.load %arg8[%swap3A_50, %swap3A_51] : memref<256x128xf32, #tpu.memory_space<vmem>>, vector<256x128xf32>
    tpu.vector_store %arg8[%swap3A_50, %swap3A_51], %dot_general3A_49 {strides = array<i32>} : memref<256x128xf32, #tpu.memory_space<vmem>>, vector<256x128xf32>,
    %broadcast_in_dim3A = vector.shape_cast %div3A_25 : vector<256x1xf32> to vector<256x1xf32>
    %broadcast_in_dim3A_53 = vector.broadcast %broadcast_in_dim3A : vector<256x1xf32> to vector<256x16xf32>
    %swap3A_54 = arith.constant 0 : index
    %swap3A_55 = arith.constant 0 : index
    %swap3A_56 = vector.load %arg9[%swap3A_54, %swap3A_55] : memref<256x16xf32, #tpu.memory_space<vmem>>, vector<256x16xf32>
    tpu.vector_store %arg9[%swap3A_54, %swap3A_55], %broadcast_in_dim3A_53 {strides = array<i32>} : memref<256x16xf32, #tpu.memory_space<vmem>>, vector<256x16xf32>,
    return
  }
  func.func @transform_0(%arg0: i32) -> (i32, i32, i32) {
    %c0_i32 = arith.constant 0 : i32
    %c0_i32_0 = arith.constant 0 : i32
    %c0_i32_1 = arith.constant 0 : i32
    return %c0_i32, %arg0, %c0_i32_0 : i32, i32, i32
  }
  func.func @transform_1(%arg0: i32) -> (i32, i32, i32, i32) {
    %c0_i32 = arith.constant 0 : i32
    %c0_i32_0 = arith.constant 0 : i32
    %c0_i32_1 = arith.constant 0 : i32
    %c0_i32_2 = arith.constant 0 : i32
    return %c0_i32, %arg0, %c0_i32_0, %c0_i32_1 : i32, i32, i32, i32
  }
  func.func @transform_2(%arg0: i32) -> (i32, i32) {
    %c0_i32 = arith.constant 0 : i32
    %c0_i32_0 = arith.constant 0 : i32
    return %arg0, %c0_i32 : i32, i32
  }
  func.func @transform_3(%arg0: i32) -> (i32, i32) {
    %c0_i32 = arith.constant 0 : i32
    %c0_i32_0 = arith.constant 0 : i32
    %c0_i32_1 = arith.constant 0 : i32
    return %c0_i32, %c0_i32_0 : i32, i32
  }
  func.func @transform_4(%arg0: i32) -> (i32, i32) {
    %c0_i32 = arith.constant 0 : i32
    %c0_i32_0 = arith.constant 0 : i32
    %c0_i32_1 = arith.constant 0 : i32
    return %c0_i32, %c0_i32_0 : i32, i32
  }
  func.func @transform_5(%arg0: i32) -> (i32, i32) {
    %c0_i32 = arith.constant 0 : i32
    %c0_i32_0 = arith.constant 0 : i32
    %c0_i32_1 = arith.constant 0 : i32
    return %c0_i32, %c0_i32_0 : i32, i32
  }
  func.func @transform_6(%arg0: i32) -> (i32, i32) {
    %c0_i32 = arith.constant 0 : i32
    %c0_i32_0 = arith.constant 0 : i32
    return %arg0, %c0_i32 : i32, i32
  }
  func.func @transform_7(%arg0: i32) -> (i32, i32) {
    %c0_i32 = arith.constant 0 : i32
    %c0_i32_0 = arith.constant 0 : i32
    return %arg0, %c0_i32 : i32, i32
  }
  func.func @transform_8(%arg0: i32) -> (i32, i32) {
    %c0_i32 = arith.constant 0 : i32
    %c0_i32_0 = arith.constant 0 : i32
    return %arg0, %c0_i32 : i32, i32
  }
}

module attributes {stable_mosaic.version = 14 : i64} {
  func.func @_t2_body(%arg0: i32, %arg1: memref<2x256x128xf32, #tpu.memory_space<vmem>>, %arg2: memref<256x128xf32, #tpu.memory_space<vmem>>, %arg3: memref<256x16xf32, #tpu.memory_space<vmem>>, %arg4: memref<128x128xf32, #tpu.memory_space<vmem>>, %arg5: memref<1x128xf32, #tpu.memory_space<vmem>>, %arg6: memref<128x128xf32, #tpu.memory_space<vmem>>, %arg7: memref<256x128xf32, #tpu.memory_space<vmem>>, %arg8: memref<256x128xf32, #tpu.memory_space<vmem>>) attributes {dimension_semantics = [#tpu.dimension_semantics<arbitrary>], iteration_bounds = array<i64: 40>, scalar_prefetch = 0 : i64, scratch_operands = 0 : i64, tpu.core_type = #tpu.core_type<tc>, window_params = [{transform_indices = @transform_0, window_bounds = array<i64: 2, 256, 128>}, {transform_indices = @transform_1, window_bounds = array<i64: 256, 128>}, {transform_indices = @transform_2, window_bounds = array<i64: 256, 16>}, {pipeline_mode = #tpu.pipeline_mode<synchronous>, transform_indices = @transform_3, window_bounds = array<i64: 128, 128>}, {pipeline_mode = #tpu.pipeline_mode<synchronous>, transform_indices = @transform_4, window_bounds = array<i64: 1, 128>}, {pipeline_mode = #tpu.pipeline_mode<synchronous>, transform_indices = @transform_5, window_bounds = array<i64: 128, 128>}, {transform_indices = @transform_6, window_bounds = array<i64: 256, 128>}, {transform_indices = @transform_7, window_bounds = array<i64: 256, 128>}]} {
    %get3A = arith.constant 0 : index
    %get3A_0 = arith.constant 0 : index
    %get3A_1 = arith.constant 0 : index
    %get3A_2 = vector.load %arg1[%get3A, %get3A_0, %get3A_1] : memref<2x256x128xf32, #tpu.memory_space<vmem>>, vector<1x256x128xf32>
    %get3A_3 = vector.shape_cast %get3A_2 : vector<1x256x128xf32> to vector<256x128xf32>
    %get3A_4 = arith.constant 1 : index
    %get3A_5 = arith.constant 0 : index
    %get3A_6 = arith.constant 0 : index
    %get3A_7 = vector.load %arg1[%get3A_4, %get3A_5, %get3A_6] : memref<2x256x128xf32, #tpu.memory_space<vmem>>, vector<1x256x128xf32>
    %get3A_8 = vector.shape_cast %get3A_7 : vector<1x256x128xf32> to vector<256x128xf32>
    %add3A = arith.addf %get3A_3, %get3A_8 : vector<256x128xf32>
    %get3A_9 = arith.constant 0 : index
    %get3A_10 = arith.constant 0 : index
    %get3A_11 = vector.load %arg3[%get3A_9, %get3A_10] : memref<256x16xf32, #tpu.memory_space<vmem>>, vector<256x16xf32>
    %reduce_max3A = arith.constant dense<0xFF800000> : vector<256xf32>
    %reduce_max3A_12 = vector.multi_reduction <maximumf>, %get3A_11, %reduce_max3A [1] : vector<256x16xf32> to vector<256xf32>
    %broadcast_in_dim3A = vector.shape_cast %reduce_max3A_12 : vector<256xf32> to vector<256x1xf32>
    %get3A_13 = arith.constant 0 : index
    %get3A_14 = arith.constant 0 : index
    %get3A_15 = vector.load %arg2[%get3A_13, %get3A_14] : memref<256x128xf32, #tpu.memory_space<vmem>>, vector<256x128xf32>
    %get3A_16 = arith.constant 0 : index
    %get3A_17 = arith.constant 0 : index
    %get3A_18 = vector.load %arg4[%get3A_16, %get3A_17] : memref<128x128xf32, #tpu.memory_space<vmem>>, vector<128x128xf32>
    %dot_general3A = arith.constant dense<0.000000e+00> : vector<256x128xf32>
    %dot_general3A_19 = tpu.matmul %get3A_15, %get3A_18, %dot_general3A {dimension_numbers = #tpu.dot_dimension_numbers<[1], [0], [0], [1], [0, 0, 1, 1], [], []>, transpose_lhs_hint = false} : vector<256x128xf32>, vector<128x128xf32>, vector<256x128xf32> -> vector<256x128xf32>
    %mul3A = vector.broadcast %broadcast_in_dim3A : vector<256x1xf32> to vector<256x128xf32>
    %mul3A_20 = arith.mulf %add3A, %mul3A : vector<256x128xf32>
    %add3A_21 = arith.addf %mul3A_20, %dot_general3A_19 : vector<256x128xf32>
    %get3A_22 = arith.constant 0 : index
    %get3A_23 = arith.constant 0 : index
    %get3A_24 = vector.load %arg5[%get3A_22, %get3A_23] : memref<1x128xf32, #tpu.memory_space<vmem>>, vector<1x128xf32>
    %add3A_25 = vector.broadcast %get3A_24 : vector<1x128xf32> to vector<256x128xf32>
    %add3A_26 = arith.addf %add3A_21, %add3A_25 : vector<256x128xf32>
    %max3A = arith.constant 0.000000e+00 : f32
    %max3A_27 = vector.broadcast %max3A : f32 to vector<256x128xf32>
    %max3A_28 = arith.maximumf %add3A_26, %max3A_27 : vector<256x128xf32>
    %swap3A = arith.constant 0 : index
    %swap3A_29 = arith.constant 0 : index
    %swap3A_30 = vector.load %arg7[%swap3A, %swap3A_29] : memref<256x128xf32, #tpu.memory_space<vmem>>, vector<256x128xf32>
    tpu.vector_store %arg7[%swap3A, %swap3A_29], %max3A_28 {strides = array<i32>} : memref<256x128xf32, #tpu.memory_space<vmem>>, vector<256x128xf32>,
    %get3A_31 = arith.constant 0 : index
    %get3A_32 = arith.constant 0 : index
    %get3A_33 = vector.load %arg6[%get3A_31, %get3A_32] : memref<128x128xf32, #tpu.memory_space<vmem>>, vector<128x128xf32>
    %dot_general3A_34 = arith.constant dense<0.000000e+00> : vector<256x128xf32>
    %dot_general3A_35 = tpu.matmul %max3A_28, %get3A_33, %dot_general3A_34 {dimension_numbers = #tpu.dot_dimension_numbers<[1], [0], [0], [1], [0, 0, 1, 1], [], []>, transpose_lhs_hint = false} : vector<256x128xf32>, vector<128x128xf32>, vector<256x128xf32> -> vector<256x128xf32>
    %swap3A_36 = arith.constant 0 : index
    %swap3A_37 = arith.constant 0 : index
    %swap3A_38 = vector.load %arg8[%swap3A_36, %swap3A_37] : memref<256x128xf32, #tpu.memory_space<vmem>>, vector<256x128xf32>
    tpu.vector_store %arg8[%swap3A_36, %swap3A_37], %dot_general3A_35 {strides = array<i32>} : memref<256x128xf32, #tpu.memory_space<vmem>>, vector<256x128xf32>,
    return
  }
  func.func @transform_0(%arg0: i32) -> (i32, i32, i32) {
    %c0_i32 = arith.constant 0 : i32
    %c0_i32_0 = arith.constant 0 : i32
    %c0_i32_1 = arith.constant 0 : i32
    return %c0_i32, %arg0, %c0_i32_0 : i32, i32, i32
  }
  func.func @transform_1(%arg0: i32) -> (i32, i32) {
    %c0_i32 = arith.constant 0 : i32
    %c0_i32_0 = arith.constant 0 : i32
    return %arg0, %c0_i32 : i32, i32
  }
  func.func @transform_2(%arg0: i32) -> (i32, i32) {
    %c0_i32 = arith.constant 0 : i32
    %c0_i32_0 = arith.constant 0 : i32
    return %arg0, %c0_i32 : i32, i32
  }
  func.func @transform_3(%arg0: i32) -> (i32, i32) {
    %c0_i32 = arith.constant 0 : i32
    %c0_i32_0 = arith.constant 0 : i32
    %c0_i32_1 = arith.constant 0 : i32
    return %c0_i32, %c0_i32_0 : i32, i32
  }
  func.func @transform_4(%arg0: i32) -> (i32, i32) {
    %c0_i32 = arith.constant 0 : i32
    %c0_i32_0 = arith.constant 0 : i32
    %c0_i32_1 = arith.constant 0 : i32
    return %c0_i32, %c0_i32_0 : i32, i32
  }
  func.func @transform_5(%arg0: i32) -> (i32, i32) {
    %c0_i32 = arith.constant 0 : i32
    %c0_i32_0 = arith.constant 0 : i32
    %c0_i32_1 = arith.constant 0 : i32
    return %c0_i32, %c0_i32_0 : i32, i32
  }
  func.func @transform_6(%arg0: i32) -> (i32, i32) {
    %c0_i32 = arith.constant 0 : i32
    %c0_i32_0 = arith.constant 0 : i32
    return %arg0, %c0_i32 : i32, i32
  }
  func.func @transform_7(%arg0: i32) -> (i32, i32) {
    %c0_i32 = arith.constant 0 : i32
    %c0_i32_0 = arith.constant 0 : i32
    return %arg0, %c0_i32 : i32, i32
  }
}

module attributes {stable_mosaic.version = 14 : i64} {
  func.func @_t3_body(%arg0: i32, %arg1: memref<2x256x128xf32, #tpu.memory_space<vmem>>, %arg2: memref<256x128xf32, #tpu.memory_space<vmem>>, %arg3: memref<256x16xf32, #tpu.memory_space<vmem>>, %arg4: memref<128x128xf32, #tpu.memory_space<vmem>>, %arg5: memref<1x128xf32, #tpu.memory_space<vmem>>, %arg6: memref<1x1x256xi32, #tpu.memory_space<vmem>>, %arg7: memref<1x256x1xi32, #tpu.memory_space<vmem>>, %arg8: memref<128x10xf32, #tpu.memory_space<vmem>>, %arg9: memref<128x10xf32, #tpu.memory_space<vmem>>, %arg10: memref<1x10xf32, #tpu.memory_space<vmem>>, %arg11: memref<64x10xf32, #tpu.memory_space<vmem>>, %arg12: memref<64x128xf32, #tpu.memory_space<vmem>>, %arg13: memref<64x128xf32, #tpu.memory_space<vmem>>, %arg14: memref<64x128xf32, #tpu.memory_space<vmem>>) attributes {dimension_semantics = [#tpu.dimension_semantics<arbitrary>], iteration_bounds = array<i64: 40>, scalar_prefetch = 0 : i64, scratch_operands = 3 : i64, tpu.core_type = #tpu.core_type<tc>, window_params = [{transform_indices = @transform_0, window_bounds = array<i64: 2, 256, 128>}, {transform_indices = @transform_1, window_bounds = array<i64: 256, 128>}, {transform_indices = @transform_2, window_bounds = array<i64: 256, 16>}, {pipeline_mode = #tpu.pipeline_mode<synchronous>, transform_indices = @transform_3, window_bounds = array<i64: 128, 128>}, {pipeline_mode = #tpu.pipeline_mode<synchronous>, transform_indices = @transform_4, window_bounds = array<i64: 1, 128>}, {transform_indices = @transform_5, window_bounds = array<i64: 1, 1, 256>}, {transform_indices = @transform_6, window_bounds = array<i64: 1, 256, 1>}, {pipeline_mode = #tpu.pipeline_mode<synchronous>, transform_indices = @transform_7, window_bounds = array<i64: 128, 10>}, {pipeline_mode = #tpu.pipeline_mode<synchronous>, transform_indices = @transform_8, window_bounds = array<i64: 128, 10>}, {pipeline_mode = #tpu.pipeline_mode<synchronous>, transform_indices = @transform_9, window_bounds = array<i64: 1, 10>}, {pipeline_mode = #tpu.pipeline_mode<synchronous>, transform_indices = @transform_10, window_bounds = array<i64: 64, 10>}]} {
    %eq3A = arith.constant 0 : i32
    %eq3A_0 = arith.cmpi eq, %arg0, %eq3A : i32
    %convert_element_type3A = arith.extui %eq3A_0 : i1 to i32
    %cond3A = arith.constant 0 : i32
    %cond3A_1 = arith.cmpi ne, %convert_element_type3A, %cond3A : i32
    scf.if %cond3A_1 {
      %broadcast_in_dim3A_87 = arith.constant 0xFF800000 : f32
      %broadcast_in_dim3A_88 = vector.broadcast %broadcast_in_dim3A_87 : f32 to vector<64x128xf32>
      %swap3A_89 = arith.constant 0 : index
      %swap3A_90 = arith.constant 0 : index
      %swap3A_91 = vector.load %arg12[%swap3A_89, %swap3A_90] : memref<64x128xf32, #tpu.memory_space<vmem>>, vector<64x128xf32>
      tpu.vector_store %arg12[%swap3A_89, %swap3A_90], %broadcast_in_dim3A_88 {strides = array<i32>} : memref<64x128xf32, #tpu.memory_space<vmem>>, vector<64x128xf32>,
      %broadcast_in_dim3A_92 = arith.constant 0.000000e+00 : f32
      %broadcast_in_dim3A_93 = vector.broadcast %broadcast_in_dim3A_92 : f32 to vector<64x128xf32>
      %swap3A_94 = arith.constant 0 : index
      %swap3A_95 = arith.constant 0 : index
      %swap3A_96 = vector.load %arg13[%swap3A_94, %swap3A_95] : memref<64x128xf32, #tpu.memory_space<vmem>>, vector<64x128xf32>
      tpu.vector_store %arg13[%swap3A_94, %swap3A_95], %broadcast_in_dim3A_93 {strides = array<i32>} : memref<64x128xf32, #tpu.memory_space<vmem>>, vector<64x128xf32>,
      %broadcast_in_dim3A_97 = arith.constant 0.000000e+00 : f32
      %broadcast_in_dim3A_98 = vector.broadcast %broadcast_in_dim3A_97 : f32 to vector<64x128xf32>
      %swap3A_99 = arith.constant 0 : index
      %swap3A_100 = arith.constant 0 : index
      %swap3A_101 = vector.load %arg14[%swap3A_99, %swap3A_100] : memref<64x128xf32, #tpu.memory_space<vmem>>, vector<64x128xf32>
      tpu.vector_store %arg14[%swap3A_99, %swap3A_100], %broadcast_in_dim3A_98 {strides = array<i32>} : memref<64x128xf32, #tpu.memory_space<vmem>>, vector<64x128xf32>,
    } else {
    }
    %get3A = arith.constant 0 : index
    %get3A_2 = arith.constant 0 : index
    %get3A_3 = arith.constant 0 : index
    %get3A_4 = vector.load %arg1[%get3A, %get3A_2, %get3A_3] : memref<2x256x128xf32, #tpu.memory_space<vmem>>, vector<1x256x128xf32>
    %get3A_5 = vector.shape_cast %get3A_4 : vector<1x256x128xf32> to vector<256x128xf32>
    %get3A_6 = arith.constant 1 : index
    %get3A_7 = arith.constant 0 : index
    %get3A_8 = arith.constant 0 : index
    %get3A_9 = vector.load %arg1[%get3A_6, %get3A_7, %get3A_8] : memref<2x256x128xf32, #tpu.memory_space<vmem>>, vector<1x256x128xf32>
    %get3A_10 = vector.shape_cast %get3A_9 : vector<1x256x128xf32> to vector<256x128xf32>
    %add3A = arith.addf %get3A_5, %get3A_10 : vector<256x128xf32>
    %get3A_11 = arith.constant 0 : index
    %get3A_12 = arith.constant 0 : index
    %get3A_13 = vector.load %arg3[%get3A_11, %get3A_12] : memref<256x16xf32, #tpu.memory_space<vmem>>, vector<256x16xf32>
    %reduce_max3A = arith.constant dense<0xFF800000> : vector<256xf32>
    %reduce_max3A_14 = vector.multi_reduction <maximumf>, %get3A_13, %reduce_max3A [1] : vector<256x16xf32> to vector<256xf32>
    %broadcast_in_dim3A = vector.shape_cast %reduce_max3A_14 : vector<256xf32> to vector<256x1xf32>
    %get3A_15 = arith.constant 0 : index
    %get3A_16 = arith.constant 0 : index
    %get3A_17 = vector.load %arg2[%get3A_15, %get3A_16] : memref<256x128xf32, #tpu.memory_space<vmem>>, vector<256x128xf32>
    %get3A_18 = arith.constant 0 : index
    %get3A_19 = arith.constant 0 : index
    %get3A_20 = vector.load %arg4[%get3A_18, %get3A_19] : memref<128x128xf32, #tpu.memory_space<vmem>>, vector<128x128xf32>
    %dot_general3A = arith.constant dense<0.000000e+00> : vector<256x128xf32>
    %dot_general3A_21 = tpu.matmul %get3A_17, %get3A_20, %dot_general3A {dimension_numbers = #tpu.dot_dimension_numbers<[1], [0], [0], [1], [0, 0, 1, 1], [], []>, transpose_lhs_hint = false} : vector<256x128xf32>, vector<128x128xf32>, vector<256x128xf32> -> vector<256x128xf32>
    %mul3A = vector.broadcast %broadcast_in_dim3A : vector<256x1xf32> to vector<256x128xf32>
    %mul3A_22 = arith.mulf %add3A, %mul3A : vector<256x128xf32>
    %add3A_23 = arith.addf %mul3A_22, %dot_general3A_21 : vector<256x128xf32>
    %get3A_24 = arith.constant 0 : index
    %get3A_25 = arith.constant 0 : index
    %get3A_26 = vector.load %arg5[%get3A_24, %get3A_25] : memref<1x128xf32, #tpu.memory_space<vmem>>, vector<1x128xf32>
    %add3A_27 = vector.broadcast %get3A_26 : vector<1x128xf32> to vector<256x128xf32>
    %add3A_28 = arith.addf %add3A_23, %add3A_27 : vector<256x128xf32>
    %get3A_29 = arith.constant 0 : index
    %get3A_30 = arith.constant 0 : index
    %get3A_31 = arith.constant 0 : index
    %get3A_32 = vector.load %arg6[%get3A_29, %get3A_30, %get3A_31] : memref<1x1x256xi32, #tpu.memory_space<vmem>>, vector<1x1x256xi32>
    %get3A_33 = vector.shape_cast %get3A_32 : vector<1x1x256xi32> to vector<1x256xi32>
    %iota3A = tpu.iota {dimensions = array<i32: 0>} : vector<64x256xi32>
    %eq3A_34 = vector.broadcast %get3A_33 : vector<1x256xi32> to vector<64x256xi32>
    %eq3A_35 = arith.cmpi eq, %iota3A, %eq3A_34 : vector<64x256xi32>
    %convert_element_type3A_36 = arith.extui %eq3A_35 : vector<64x256xi1> to vector<64x256xi32>
    %convert_element_type3A_37 = arith.sitofp %convert_element_type3A_36 : vector<64x256xi32> to vector<64x256xf32>
    %get3A_38 = arith.constant 0 : index
    %get3A_39 = arith.constant 0 : index
    %get3A_40 = vector.load %arg13[%get3A_38, %get3A_39] : memref<64x128xf32, #tpu.memory_space<vmem>>, vector<64x128xf32>
    %dot_general3A_41 = arith.constant dense<0.000000e+00> : vector<64x128xf32>
    %dot_general3A_42 = tpu.matmul %convert_element_type3A_37, %add3A_28, %dot_general3A_41 {dimension_numbers = #tpu.dot_dimension_numbers<[1], [0], [0], [1], [0, 0, 1, 1], [], []>, transpose_lhs_hint = false} : vector<64x256xf32>, vector<256x128xf32>, vector<64x128xf32> -> vector<64x128xf32>
    %add3A_43 = arith.addf %get3A_40, %dot_general3A_42 : vector<64x128xf32>
    %swap3A = arith.constant 0 : index
    %swap3A_44 = arith.constant 0 : index
    %swap3A_45 = vector.load %arg13[%swap3A, %swap3A_44] : memref<64x128xf32, #tpu.memory_space<vmem>>, vector<64x128xf32>
    tpu.vector_store %arg13[%swap3A, %swap3A_44], %add3A_43 {strides = array<i32>} : memref<64x128xf32, #tpu.memory_space<vmem>>, vector<64x128xf32>,
    %get3A_46 = arith.constant 0 : index
    %get3A_47 = arith.constant 0 : index
    %get3A_48 = vector.load %arg14[%get3A_46, %get3A_47] : memref<64x128xf32, #tpu.memory_space<vmem>>, vector<64x128xf32>
    %reduce_sum3A = arith.constant dense<0.000000e+00> : vector<64xf32>
    %reduce_sum3A_49 = vector.multi_reduction <add>, %convert_element_type3A_37, %reduce_sum3A [1] : vector<64x256xf32> to vector<64xf32>
    %broadcast_in_dim3A_50 = vector.shape_cast %reduce_sum3A_49 : vector<64xf32> to vector<64x1xf32>
    %broadcast_in_dim3A_51 = vector.shape_cast %broadcast_in_dim3A_50 : vector<64x1xf32> to vector<64x1xf32>
    %broadcast_in_dim3A_52 = vector.broadcast %broadcast_in_dim3A_51 : vector<64x1xf32> to vector<64x128xf32>
    %add3A_53 = arith.addf %get3A_48, %broadcast_in_dim3A_52 : vector<64x128xf32>
    %swap3A_54 = arith.constant 0 : index
    %swap3A_55 = arith.constant 0 : index
    %swap3A_56 = vector.load %arg14[%swap3A_54, %swap3A_55] : memref<64x128xf32, #tpu.memory_space<vmem>>, vector<64x128xf32>
    tpu.vector_store %arg14[%swap3A_54, %swap3A_55], %add3A_53 {strides = array<i32>} : memref<64x128xf32, #tpu.memory_space<vmem>>, vector<64x128xf32>,
    %get3A_57 = arith.constant 0 : index
    %get3A_58 = arith.constant 0 : index
    %get3A_59 = arith.constant 0 : index
    %get3A_60 = vector.load %arg7[%get3A_57, %get3A_58, %get3A_59] : memref<1x256x1xi32, #tpu.memory_space<vmem>>, vector<1x256x1xi32>
    %get3A_61 = vector.shape_cast %get3A_60 : vector<1x256x1xi32> to vector<256x1xi32>
    %reduce_min3A = vector.shape_cast %get3A_61 : vector<256x1xi32> to vector<1x256x1xi32>
    %reduce_min3A_62 = arith.constant dense<2147483647> : vector<1xi32>
    %reduce_min3A_63 = vector.multi_reduction <minsi>, %reduce_min3A, %reduce_min3A_62 [1, 2] : vector<1x256x1xi32> to vector<1xi32>
    %reduce_min3A_64 = vector.shape_cast %reduce_min3A_63 : vector<1xi32> to vector<1x1x1xi32>
    %reduce_min3A_65 = vector.extract %reduce_min3A_64[0, 0, 0] : i32 from vector<1x1x1xi32>
    %reduce_max3A_66 = vector.shape_cast %get3A_61 : vector<256x1xi32> to vector<1x256x1xi32>
    %reduce_max3A_67 = arith.constant dense<-2147483648> : vector<1xi32>
    %reduce_max3A_68 = vector.multi_reduction <maxsi>, %reduce_max3A_66, %reduce_max3A_67 [1, 2] : vector<1x256x1xi32> to vector<1xi32>
    %reduce_max3A_69 = vector.shape_cast %reduce_max3A_68 : vector<1xi32> to vector<1x1x1xi32>
    %reduce_max3A_70 = vector.extract %reduce_max3A_69[0, 0, 0] : i32 from vector<1x1x1xi32>
    %iota3A_71 = tpu.iota {dimensions = array<i32: 0>} : vector<64x1xi32>
    %add3A_72 = arith.constant 1 : i32
    %add3A_73 = arith.addi %reduce_max3A_70, %add3A_72 : i32
    %while3A = arith.constant 0 : i32
    %while3A_74 = arith.subi %add3A_73, %reduce_min3A_65 : i32
    %while3A_75 = arith.addi %reduce_min3A_65, %while3A_74 : i32
    %while3A_76 = arith.constant 1 : i32
    %while3A_77 = arith.divsi %while3A_74, %while3A_76 : i32
    %while3A_78 = arith.muli %while3A_77, %while3A_76 : i32
    %while3A_79 = arith.addi %reduce_min3A_65, %while3A_78 : i32
    %while3A_80 = arith.constant 1 : i32
    scf.for %while3A_87 = %reduce_min3A_65 to %while3A_79 step %while3A_80  : i32 {
      %eq3A_88 = vector.broadcast %while3A_87 : i32 to vector<256x1xi32>
      %eq3A_89 = arith.cmpi eq, %get3A_61, %eq3A_88 : vector<256x1xi32>
      %jit3A = arith.constant 0xFF800000 : f32
      %broadcast_in_dim3A_90 = vector.shape_cast %eq3A_89 : vector<256x1xi1> to vector<256x1xi1>
      %broadcast_in_dim3A_91 = vector.broadcast %broadcast_in_dim3A_90 : vector<256x1xi1> to vector<256x128xi1>
      %broadcast_in_dim3A_92 = vector.broadcast %jit3A : f32 to vector<256x128xf32>
      %select_n3A = arith.select %broadcast_in_dim3A_91, %add3A_28, %broadcast_in_dim3A_92 : vector<256x128xi1>, vector<256x128xf32>
      %reduce_max3A_93 = arith.constant dense<0xFF800000> : vector<128xf32>
      %reduce_max3A_94 = vector.multi_reduction <maximumf>, %select_n3A, %reduce_max3A_93 [0] : vector<256x128xf32> to vector<128xf32>
      %broadcast_in_dim3A_95 = vector.shape_cast %reduce_max3A_94 : vector<128xf32> to vector<1x128xf32>
      %eq3A_96 = vector.broadcast %while3A_87 : i32 to vector<64x1xi32>
      %eq3A_97 = arith.cmpi eq, %iota3A_71, %eq3A_96 : vector<64x1xi32>
      %get3A_98 = arith.constant 0 : index
      %get3A_99 = arith.constant 0 : index
      %get3A_100 = vector.load %arg12[%get3A_98, %get3A_99] : memref<64x128xf32, #tpu.memory_space<vmem>>, vector<64x128xf32>
      %max3A = vector.broadcast %broadcast_in_dim3A_95 : vector<1x128xf32> to vector<64x128xf32>
      %max3A_101 = arith.maximumf %get3A_100, %max3A : vector<64x128xf32>
      %broadcast_in_dim3A_102 = vector.shape_cast %eq3A_97 : vector<64x1xi1> to vector<64x1xi1>
      %broadcast_in_dim3A_103 = vector.broadcast %broadcast_in_dim3A_102 : vector<64x1xi1> to vector<64x128xi1>
      %select_n3A_104 = arith.select %broadcast_in_dim3A_103, %max3A_101, %get3A_100 : vector<64x128xi1>, vector<64x128xf32>
      %swap3A_105 = arith.constant 0 : index
      %swap3A_106 = arith.constant 0 : index
      %swap3A_107 = vector.load %arg12[%swap3A_105, %swap3A_106] : memref<64x128xf32, #tpu.memory_space<vmem>>, vector<64x128xf32>
      tpu.vector_store %arg12[%swap3A_105, %swap3A_106], %select_n3A_104 {strides = array<i32>} : memref<64x128xf32, #tpu.memory_space<vmem>>, vector<64x128xf32>,
    }
    %while3A_81 = arith.constant 1 : i32
    scf.for %while3A_87 = %while3A_79 to %while3A_75 step %while3A_81  : i32 {
      %eq3A_88 = vector.broadcast %while3A_87 : i32 to vector<256x1xi32>
      %eq3A_89 = arith.cmpi eq, %get3A_61, %eq3A_88 : vector<256x1xi32>
      %jit3A = arith.constant 0xFF800000 : f32
      %broadcast_in_dim3A_90 = vector.shape_cast %eq3A_89 : vector<256x1xi1> to vector<256x1xi1>
      %broadcast_in_dim3A_91 = vector.broadcast %broadcast_in_dim3A_90 : vector<256x1xi1> to vector<256x128xi1>
      %broadcast_in_dim3A_92 = vector.broadcast %jit3A : f32 to vector<256x128xf32>
      %select_n3A = arith.select %broadcast_in_dim3A_91, %add3A_28, %broadcast_in_dim3A_92 : vector<256x128xi1>, vector<256x128xf32>
      %reduce_max3A_93 = arith.constant dense<0xFF800000> : vector<128xf32>
      %reduce_max3A_94 = vector.multi_reduction <maximumf>, %select_n3A, %reduce_max3A_93 [0] : vector<256x128xf32> to vector<128xf32>
      %broadcast_in_dim3A_95 = vector.shape_cast %reduce_max3A_94 : vector<128xf32> to vector<1x128xf32>
      %eq3A_96 = vector.broadcast %while3A_87 : i32 to vector<64x1xi32>
      %eq3A_97 = arith.cmpi eq, %iota3A_71, %eq3A_96 : vector<64x1xi32>
      %get3A_98 = arith.constant 0 : index
      %get3A_99 = arith.constant 0 : index
      %get3A_100 = vector.load %arg12[%get3A_98, %get3A_99] : memref<64x128xf32, #tpu.memory_space<vmem>>, vector<64x128xf32>
      %max3A = vector.broadcast %broadcast_in_dim3A_95 : vector<1x128xf32> to vector<64x128xf32>
      %max3A_101 = arith.maximumf %get3A_100, %max3A : vector<64x128xf32>
      %broadcast_in_dim3A_102 = vector.shape_cast %eq3A_97 : vector<64x1xi1> to vector<64x1xi1>
      %broadcast_in_dim3A_103 = vector.broadcast %broadcast_in_dim3A_102 : vector<64x1xi1> to vector<64x128xi1>
      %select_n3A_104 = arith.select %broadcast_in_dim3A_103, %max3A_101, %get3A_100 : vector<64x128xi1>, vector<64x128xf32>
      %swap3A_105 = arith.constant 0 : index
      %swap3A_106 = arith.constant 0 : index
      %swap3A_107 = vector.load %arg12[%swap3A_105, %swap3A_106] : memref<64x128xf32, #tpu.memory_space<vmem>>, vector<64x128xf32>
      tpu.vector_store %arg12[%swap3A_105, %swap3A_106], %select_n3A_104 {strides = array<i32>} : memref<64x128xf32, #tpu.memory_space<vmem>>, vector<64x128xf32>,
    }
    %eq3A_82 = arith.constant 39 : i32
    %eq3A_83 = arith.cmpi eq, %arg0, %eq3A_82 : i32
    %convert_element_type3A_84 = arith.extui %eq3A_83 : i1 to i32
    %cond3A_85 = arith.constant 0 : i32
    %cond3A_86 = arith.cmpi ne, %convert_element_type3A_84, %cond3A_85 : i32
    scf.if %cond3A_86 {
      %get3A_87 = arith.constant 0 : index
      %get3A_88 = arith.constant 0 : index
      %get3A_89 = vector.load %arg13[%get3A_87, %get3A_88] : memref<64x128xf32, #tpu.memory_space<vmem>>, vector<64x128xf32>
      %get3A_90 = arith.constant 0 : index
      %get3A_91 = arith.constant 0 : index
      %get3A_92 = vector.load %arg14[%get3A_90, %get3A_91] : memref<64x128xf32, #tpu.memory_space<vmem>>, vector<64x128xf32>
      %max3A = arith.constant 1.000000e+00 : f32
      %max3A_93 = vector.broadcast %max3A : f32 to vector<64x128xf32>
      %max3A_94 = arith.maximumf %get3A_92, %max3A_93 : vector<64x128xf32>
      %div3A = arith.divf %get3A_89, %max3A_94 : vector<64x128xf32>
      %get3A_95 = arith.constant 0 : index
      %get3A_96 = arith.constant 0 : index
      %get3A_97 = vector.load %arg12[%get3A_95, %get3A_96] : memref<64x128xf32, #tpu.memory_space<vmem>>, vector<64x128xf32>
      %get3A_98 = arith.constant 0 : index
      %get3A_99 = arith.constant 0 : index
      %get3A_100 = vector.load %arg8[%get3A_98, %get3A_99] : memref<128x10xf32, #tpu.memory_space<vmem>>, vector<128x10xf32>
      %dot_general3A_101 = arith.constant dense<0.000000e+00> : vector<64x10xf32>
      %dot_general3A_102 = tpu.matmul %get3A_97, %get3A_100, %dot_general3A_101 {dimension_numbers = #tpu.dot_dimension_numbers<[1], [0], [0], [1], [0, 0, 1, 1], [], []>, transpose_lhs_hint = false} : vector<64x128xf32>, vector<128x10xf32>, vector<64x10xf32> -> vector<64x10xf32>
      %get3A_103 = arith.constant 0 : index
      %get3A_104 = arith.constant 0 : index
      %get3A_105 = vector.load %arg9[%get3A_103, %get3A_104] : memref<128x10xf32, #tpu.memory_space<vmem>>, vector<128x10xf32>
      %dot_general3A_106 = arith.constant dense<0.000000e+00> : vector<64x10xf32>
      %dot_general3A_107 = tpu.matmul %div3A, %get3A_105, %dot_general3A_106 {dimension_numbers = #tpu.dot_dimension_numbers<[1], [0], [0], [1], [0, 0, 1, 1], [], []>, transpose_lhs_hint = false} : vector<64x128xf32>, vector<128x10xf32>, vector<64x10xf32> -> vector<64x10xf32>
      %add3A_108 = arith.addf %dot_general3A_102, %dot_general3A_107 : vector<64x10xf32>
      %get3A_109 = arith.constant 0 : index
      %get3A_110 = arith.constant 0 : index
      %get3A_111 = vector.load %arg10[%get3A_109, %get3A_110] : memref<1x10xf32, #tpu.memory_space<vmem>>, vector<1x10xf32>
      %add3A_112 = vector.broadcast %get3A_111 : vector<1x10xf32> to vector<64x10xf32>
      %add3A_113 = arith.addf %add3A_108, %add3A_112 : vector<64x10xf32>
      %swap3A_114 = arith.constant 0 : index
      %swap3A_115 = arith.constant 0 : index
      %swap3A_116 = vector.load %arg11[%swap3A_114, %swap3A_115] : memref<64x10xf32, #tpu.memory_space<vmem>>, vector<64x10xf32>
      tpu.vector_store %arg11[%swap3A_114, %swap3A_115], %add3A_113 {strides = array<i32>} : memref<64x10xf32, #tpu.memory_space<vmem>>, vector<64x10xf32>,
    } else {
    }
    return
  }
  func.func @transform_0(%arg0: i32) -> (i32, i32, i32) {
    %c0_i32 = arith.constant 0 : i32
    %c0_i32_0 = arith.constant 0 : i32
    %c0_i32_1 = arith.constant 0 : i32
    return %c0_i32, %arg0, %c0_i32_0 : i32, i32, i32
  }
  func.func @transform_1(%arg0: i32) -> (i32, i32) {
    %c0_i32 = arith.constant 0 : i32
    %c0_i32_0 = arith.constant 0 : i32
    return %arg0, %c0_i32 : i32, i32
  }
  func.func @transform_2(%arg0: i32) -> (i32, i32) {
    %c0_i32 = arith.constant 0 : i32
    %c0_i32_0 = arith.constant 0 : i32
    return %arg0, %c0_i32 : i32, i32
  }
  func.func @transform_3(%arg0: i32) -> (i32, i32) {
    %c0_i32 = arith.constant 0 : i32
    %c0_i32_0 = arith.constant 0 : i32
    %c0_i32_1 = arith.constant 0 : i32
    return %c0_i32, %c0_i32_0 : i32, i32
  }
  func.func @transform_4(%arg0: i32) -> (i32, i32) {
    %c0_i32 = arith.constant 0 : i32
    %c0_i32_0 = arith.constant 0 : i32
    %c0_i32_1 = arith.constant 0 : i32
    return %c0_i32, %c0_i32_0 : i32, i32
  }
  func.func @transform_5(%arg0: i32) -> (i32, i32, i32) {
    %c0_i32 = arith.constant 0 : i32
    %c0_i32_0 = arith.constant 0 : i32
    %c0_i32_1 = arith.constant 0 : i32
    return %arg0, %c0_i32, %c0_i32_0 : i32, i32, i32
  }
  func.func @transform_6(%arg0: i32) -> (i32, i32, i32) {
    %c0_i32 = arith.constant 0 : i32
    %c0_i32_0 = arith.constant 0 : i32
    %c0_i32_1 = arith.constant 0 : i32
    return %arg0, %c0_i32, %c0_i32_0 : i32, i32, i32
  }
  func.func @transform_7(%arg0: i32) -> (i32, i32) {
    %c0_i32 = arith.constant 0 : i32
    %c0_i32_0 = arith.constant 0 : i32
    %c0_i32_1 = arith.constant 0 : i32
    return %c0_i32, %c0_i32_0 : i32, i32
  }
  func.func @transform_8(%arg0: i32) -> (i32, i32) {
    %c0_i32 = arith.constant 0 : i32
    %c0_i32_0 = arith.constant 0 : i32
    %c0_i32_1 = arith.constant 0 : i32
    return %c0_i32, %c0_i32_0 : i32, i32
  }
  func.func @transform_9(%arg0: i32) -> (i32, i32) {
    %c0_i32 = arith.constant 0 : i32
    %c0_i32_0 = arith.constant 0 : i32
    %c0_i32_1 = arith.constant 0 : i32
    return %c0_i32, %c0_i32_0 : i32, i32
  }
  func.func @transform_10(%arg0: i32) -> (i32, i32) {
    %c0_i32 = arith.constant 0 : i32
    %c0_i32_0 = arith.constant 0 : i32
    %c0_i32_1 = arith.constant 0 : i32
    return %c0_i32, %c0_i32_0 : i32, i32
  }
}

</mosaic_0001>

<sc_bundles>
// kernel: kernel.12.cloned.1.call-start
scs
__scs_entry_jumppad:
0x0: {  	(pc) =	sbr.rel $0x88, $3  }
0x1: {  	(tag) =	ssettag $0x0;
	lr =	simm.s32 $0x1  }
0x2: {  	[smem:$0x3F93] =	sst lr;
	_ =	strace $0xD0000000  }
0x3: {  	_ = 	snop  }
0x4: {  	_ = 	snop  }
0x5: {  	_ = 	snop  }
0x6: {  	_ = 	snop  }
0x7: {  	_ = 	snop  }
__scs_overlays_trampoline_lowered:
0x8: {  	[smem:$0x3FA2] =	sst s0  }
0x9: {  	[smem:$0x3FA3] =	sst s1  }
0xa: {  	[smem:$0x3FA4] =	sst s2  }
0xb: {  	[smem:$0x3FA5] =	sst s3  }
0xc: {  	[smem:$0x3FA6] =	sst s4  }
0xd: {  	[smem:$0x3FA7] =	sst s5  }
0xe: {  	[smem:$0x3FA8] =	sst s6  }
0xf: {  	[smem:$0x3FA9] =	sst s7  }
0x10: {  	[smem:$0x3FAA] =	sst s8  }
0x11: {  	[smem:$0x3FAB] =	sst s9;
	s0 =	simm.s32 @!p0 $0x0  }
0x12: {  	s1 =	sld [smem:$0x3F91];
	s0 =	simm.s32 @p0 $0x1  }
0x13: {  	[smem:$0x3FAC] =	sst s0;
	s0 =	simm.s32 @!p1 $0x0  }
0x14: {  	s2 =	sld [smem:$0x3F90];
	s0 =	simm.s32 @p1 $0x1  }
0x15: {  	[smem:$0x3FAD] =	sst s0;
	s0 =	simm.s32 @!p2 $0x0  }
0x16: {  	s3 =	sld [smem:$0x3FDB];
	s0 =	simm.s32 @p2 $0x1  }
0x17: {  	s4 =	simm.s32 $0x1BF5;
	[smem:$0x3FAF] =	sst s0  }
0x18: {  	s0 =	sld [smem:$0x3F92];
	_ =	swait.ge [sflag:s4], $0x0  }
0x19: {  	s7 =	sld [smem:$0x3F93]  }
0x1a: {  	s8 =	sadd.s32 $0xFFFFE003, lr  }
0x1b: {  	s9 =	sadd.s32 $0xFFFFFEF7, lr;
	s5 =	simm.s32 $0xFFFFFFFF;
	p2 =	slt.u32 s8, $0xFFFFF086  }
0x1c: {  	p1 =	slt.u32 s9, $0xF7A;
	s5 =	simm.s32 @!p2 $0x0  }
0x1d: {  	s5 =	simm.s32 @p1 $0x1;
	p0 =	seq.s32 s7, s2  }
0x1e: {  	s7 =	smul.u32 @!p0 $0xF7A, s2;
	p2 =	seq.s32 @!p0 s5, $0x0  }
0x1f: {  	s9 =	smul.u32 $0xF7A, s1;
	s8 =	simm.s32 @!p0 $0x1BF5;
	p2 =	por !p2, p0  }
0x20: {  	[sflag:s8] =	ssyncset.s32 @!p0 $0xFFFFF086;
	s6 =	sadd.s32 @!p0 s3, s7;
	s7 =	simm.s32 @!p0 $0x108  }
0x21: {  	s3 =	sadd.s32 s3, s9;
	s6 =	sadd.s32 @!p0 $0x88, s6;
	s7 =	simm.s32 @p2 $0x1082  }
0x22: {  	[simem:s7], [sflag:s8] =	dma.local @!p0 [hbm:s6], $0xF7A  }
0x23: {  	s9 =	sor.u32 $0xD0000000, s2;
	s6 =	simm.s32 $0x108;
	_ =	swait.ge @!p0 [sflag:s8], $0x0  }
0x24: {  	s3 =	sadd.s32 $0x88, s3;
	s6 =	simm.s32 @!p1 $0x1082;
	[sflag:s4] =	ssyncset.s32 $0xFFFFF086  }
0x25: {  	[simem:s6], [sflag:s4] =	dma.local [hbm:s3], $0xF7A  }
0x26: {  	[smem:$0x3F93] =	sst s1;
	(tag) =	ssettag s2;
	_ =	strace s9  }
0x27: {  	s1 =	sld [smem:$0x3FA3]  }
0x28: {  	s2 =	sld [smem:$0x3FA4]  }
0x29: {  	s4 =	sld [smem:$0x3FA6]  }
0x2a: {  	p0 =	seq.s32 s5, $0x0;
	s5 =	sld [smem:$0x3FA7]  }
0x2b: {  	s6 =	sld [smem:$0x3FA8]  }
0x2c: {  	s7 =	sld [smem:$0x3FA9]  }
0x2d: {  	s3 =	simm.s32 $0x108;
	s8 =	sld [smem:$0x3FAA]  }
0x2e: {  	s3 =	simm.s32 @!p0 $0x1082;
	s9 =	sld [smem:$0x3FAB]  }
0x2f: {  	lr =	sadd.s32 s0, s3;
	s0 =	sld [smem:$0x3FA2]  }
0x30: {  	s3 =	sld [smem:$0x3FA5]  }
0x31: {  	[smem:$0x3FAE] =	sst s10  }
0x32: {  	s10 =	sld [smem:$0x3FAC];
	_ =	sdelay $0x3  }
0x33: {  	p0 =	seq.s32 s10, $0x1;
	s10 =	sld [smem:$0x3FAE];
	_ =	sdelay $0x3  }
0x34: {  	[smem:$0x3FAE] =	sst s10  }
0x35: {  	s10 =	sld [smem:$0x3FAD];
	_ =	sdelay $0x3  }
0x36: {  	p1 =	seq.s32 s10, $0x1;
	s10 =	sld [smem:$0x3FAE];
	_ =	sdelay $0x3  }
0x37: {  	[smem:$0x3FAE] =	sst s10  }
0x38: {  	s10 =	sld [smem:$0x3FAF]  }
0x39: {  	_ = 	snop;
	(pc) =	sbr.ind lr, $3  }
0x3a: {  	_ = 	snop  }
0x3b: {  	_ = 	snop  }
0x3c: {  	p2 =	seq.s32 s10, $0x1;
	s10 =	sld [smem:$0x3FAE]  }
0x3d: {  	_ =	shalt  }
0x3e: {  	_ =	shalt  }
0x3f: {  	_ =	shalt  }
0x40: {  	_ =	shalt  }
0x41: {  	_ =	shalt  }
0x42: {  	_ =	shalt  }
0x43: {  	_ =	shalt  }
0x44: {  	_ =	shalt  }
0x45: {  	_ =	shalt  }
0x46: {  	_ =	shalt  }
0x47: {  	_ =	shalt  }
0x48: {  	_ =	shalt  }
0x49: {  	_ =	shalt  }
0x4a: {  	_ =	shalt  }
0x4b: {  	_ =	shalt  }
0x4c: {  	_ =	shalt  }
0x4d: {  	_ =	shalt  }
0x4e: {  	_ =	shalt  }
0x4f: {  	_ =	shalt  }
0x50: {  	_ =	shalt  }
0x51: {  	_ =	shalt  }
0x52: {  	_ =	shalt  }
0x53: {  	_ =	shalt  }
0x54: {  	_ =	shalt  }
0x55: {  	_ =	shalt  }
0x56: {  	_ =	shalt  }
0x57: {  	_ =	shalt  }
0x58: {  	_ =	shalt  }
0x59: {  	_ =	shalt  }
0x5a: {  	_ =	shalt  }
0x5b: {  	_ =	shalt  }
0x5c: {  	_ =	shalt  }
0x5d: {  	_ =	shalt  }
0x5e: {  	_ =	shalt  }
0x5f: {  	_ =	shalt  }
0x60: {  	_ =	shalt  }
0x61: {  	_ =	shalt  }
0x62: {  	_ =	shalt  }
0x63: {  	_ =	shalt  }
0x64: {  	_ =	shalt  }
0x65: {  	_ =	shalt  }
0x66: {  	_ =	shalt  }
0x67: {  	_ =	shalt  }
0x68: {  	_ =	shalt  }
0x69: {  	_ =	shalt  }
0x6a: {  	_ =	shalt  }
0x6b: {  	_ =	shalt  }
0x6c: {  	_ =	shalt  }
0x6d: {  	_ =	shalt  }
0x6e: {  	_ =	shalt  }
0x6f: {  	_ =	shalt  }
0x70: {  	_ =	shalt  }
0x71: {  	_ =	shalt  }
0x72: {  	_ =	shalt  }
0x73: {  	_ =	shalt  }
0x74: {  	_ =	shalt  }
0x75: {  	_ =	shalt  }
0x76: {  	_ =	shalt  }
0x77: {  	_ =	shalt  }
0x78: {  	_ =	shalt  }
0x79: {  	_ =	shalt  }
0x7a: {  	_ =	shalt  }
0x7b: {  	_ =	shalt  }
0x7c: {  	_ =	shalt  }
0x7d: {  	_ =	shalt  }
0x7e: {  	_ =	shalt  }
0x7f: {  	_ =	shalt  }
0x80: {  	_ =	shalt  }
0x81: {  	_ =	shalt  }
0x82: {  	_ =	shalt  }
0x83: {  	_ =	shalt  }
0x84: {  	_ =	shalt  }
0x85: {  	_ =	shalt  }
0x86: {  	_ =	shalt  }
0x87: {  	_ =	shalt  }
.Lfunc_end0:
.L_simem_size_0:
called_computation.1_lowered:
.L_overlay_start_0:
0x88: {  	s2 =	sld [smem:$0x3FD9]  }
0x89: {  	s3 =	sld [smem:$0x3FFE];
	_ =	sdelay $0x1  }
0x8a: {  	s1 =	srdreg.scid  }
0x8b: {  	s0 =	sand.u32 $0x1, s1  }
0x8c: {  	s16 =	sshll.u32 s0, $0xA;
	s2 =	sadd.s32 s3, s2  }
0x8d: {  	s2 =	sadd.s32 s2, s16  }
0x8e: {  	[smem:$0x3FBA] =	sst s2  }
0x8f: {  	_ = 	snop  }
0x90: {  	(tm) =	ssettm $0x1  }
0x91: {  	s17 =	sld [smem:$0x3FFB];
	_ =	sdelay $0x3  }
0x92: {  	_ =	strace s17  }
0x93: {  	s2 =	sld [smem:$0x3FFC];
	_ =	sdelay $0x3  }
0x94: {  	_ =	strace s2  }
0x95: {  	s2 =	sld [smem:$0x3FFD];
	_ =	sdelay $0x3  }
0x96: {  	_ =	strace s2  }
0x97: {  	_ =	strace $0x8FFFFFFF  }
0x98: {  	s18 =	sld [smem:$0x3FDB];
	_ =	sdelay $0x1  }
0x99: {  	s19 =	simm.s32 $_scs_section_size  }
0x9a: {  	s4 =	simm.s32 $_size__tile_overlayer_lowered;
	s5 =	simm.s32 $_tile_overlayer_lowered  }
0x9b: {  	s22 =	simm.s32 $0x1BFF;
	s21 =	sshll.u32 s5, $0x1;
	s2 =	sadd.s32 s19, s18  }
0x9c: {  	s6 =	simm.s32 $0x0;
	s20 =	sshll.u32 s4, $0x1;
	s4 =	sadd.s32 s21, s2  }
0x9d: {  	[timem:s6], [sflag:s22] =	dma.local [hbm:s4], s20  }
0x9e: {  	_ =	swait.ge [sflag:s22], s20  }
0x9f: {  	s3 =	ssub.s32 $0x0, s20;
	[sflag:s22] =	ssyncset.done $0x0  }
0xa0: {  	[sflag:s22] =	ssyncadd.s32 s3;
	_ =	sdelay $0x1  }
0xa1: {  	s23 =	simm.s32 $0x1B8B  }
0xa2: {  	_ =	swait.ge [sflag:s23], $0x1  }
0xa3: {  	[sflag:s23] =	ssyncset.done $0x0  }
0xa4: {  	s25 =	simm.s32 $0x1B8E;
	s24 =	sld [smem:$0x3FFE];
	[sflag:s23] =	ssyncadd.s32 $0xFFFFFFFF  }
0xa5: {  	s26 =	simm.s32 $execute0_lowered;
	[smem:$0x3FD2] =	sst s25  }
0xa6: {  	s4 =	sshll.u32 s26, $0x1;
	_ =	strace $0x80000049;
	[dreg:$0x1] =	wrdreg $0xFFFFFFFF  }
0xa7: {  	s28 =	simm.s32 $_size_execute0_lowered;
	s2 =	sadd.s32 s2, s4;
	[dreg:$0x0] =	wrdreg $0x0  }
0xa8: {  	s4 =	sshll.u32 s28, $0x1;
	[dreg:$0x2] =	wrdreg s2  }
0xa9: {  	[dreg:$0x3] =	wrdreg s4  }
0xaa: {  	[dreg:$0x4] =	wrdreg $0xC0  }
0xab: {  	_ =	task [dreg:s6], $0x5FFFF  }
0xac: {  	[dreg:$0x1] =	wrdreg $0xFFFFFFFF  }
0xad: {  	[dreg:$0x0] =	wrdreg $0x60  }
0xae: {  	[dreg:$0x2] =	wrdreg s24  }
0xaf: {  	[dreg:$0x3] =	wrdreg $0xA8000  }
0xb0: {  	[dreg:$0x4] =	wrdreg $0x9  }
0xb1: {  	_ =	task.clear_ibuf [dreg:s6], $0x5FFFF;
	_ =	strace $0x90000049  }
0xb2: {  	s29 =	simm.s32 $0x9;
	_ =	strace $0x8000004B  }
0xb3: {  	_ =	swait.ge [sflag:s29], $0x1  }
0xb4: {  	[sflag:s29] =	ssyncadd.s32 $0xFFFFFFFF  }
0xb5: {  	_ =	strace $0x9000004B  }
0xb6: {  	_ =	sfence  }
0xb7: {  	s30 =	sld [smem:$0x0];
	_ =	sdelay $0x2  }
0xb8: {  	s31 =	sshll.u32 s1, $0xD;
	s1 =	sshrl.u32 s1, $0x2  }
0xb9: {  	s3 =	sand.u32 $0x4000, s31;
	s1 =	sadd.s32 s1, s30  }
0xba: {  	s0 =	sor.u32 s3, s0;
	s1 =	sshll.u32 s1, $0x11  }
0xbb: {  	s0 =	sor.u32 s1, s0  }
0xbc: {  	s0 =	sadd.s32 $0x8F2B, s0  }
0xbd: {  	[sflag:s0] =	ssyncadd.remote.s32 $0x1  }
0xbe: {  	_ =	sfence.sel $0xFFFF  }
0xbf: {  	[dreg:$0x0] =	wrdreg $0xFFFFFFFF;
	(pc) =	sbr.abs _section_cstart, $3  }
0xc0: {  	[dreg:$0x1] =	wrdreg $0xFFFFFFFF  }
0xc1: {  	_ =	task.clear_ibuf [dreg:s6], $0x2FFFF;
	_ =	strace $0x9FFFFFFF  }
0xc2: {  	(tm) =	ssettm $0x7FFFFFFF  }
0xc3: {  	_ =	shalt  }
tec
execute0_lowered:
.L_overlay_start_1:
0x0: {  	(tag) =	ssettag $0x1  }
0x1: {  	s5 =	rddreg [dreg:$0x0]  }
0x2: {  	s0 =	srdreg.scid;
	s2 =	rddreg [dreg:$0x1]  }
0x3: {  	s1 =	stileid.u32;
	s3 =	simm.s32 $0x0;
	s17 =	simm.s32 $0x3  }
0x4: {  	s18 =	simm.s32 $0x1400;
	s19 =	simm.s32 $0x80;
	s20 =	simm.s32 $0x6800  }
0x5: {  	s21 =	simm.s32 $0x1;
	s22 =	simm.s32 $0x2;
	s23 =	simm.s32 $0x2600  }
0x6: {  	s28 =	simm.s32 $0x2700;
	s29 =	simm.s32 $0x2780;
	s6 =	sand.u32 $0x1, s0  }
0x7: {  	s8 =	smul.u32 $0x14000, s1;
	[smem:$0x7FF] =	sst s3;
	s4 =	sadd.s32 $0x3000, s5  }
0x8: {  	s12 =	sadd.s32 $0x2B000, s5;
	s24 =	smul.u32 $0x50000, s1;
	s13 =	sadd.s32 $0x35000, s5  }
0x9: {  	s7 =	smul.u32 $0x140000, s6;
	_ =	strace $0x8000004A;
	s25 =	sshll.u32 s6, $0x4  }
0xa: {  	s6 =	ssub.s32 $0x2, s6;
	s26 =	sor.u32 s1, s25;
	s30 =	sshrl.u32 s24, $0x2  }
0xb: {  	s31 =	sshrl.u32 s6, $0x1;
	s24 =	simm.s32 $0x1300;
	s25 =	simm.s32 $0x2680  }
0xc: {  	s7 =	sadd.s32 s8, s7;
	s9 =	smul.u32 $0x2800, s26;
	s15 =	ssub.s32 s6, s31  }
0xd: {  	s11 =	smul.u32 $0x500, s26;
	s26 =	simm.s32 $0x1380;
	s7 =	sshrl.u32 s7, $0x3  }
0xe: {  	s15 =	smax.u32 s15, $0x1;
	s14 =	sadd.s32 s7, s5;
	s5 =	sadd.s32 s30, s2  }
0xf: {  	s16 =	sshrl.u32 s9, $0x3;
	s10 =	sadd.s32 s12, s11;
	s11 =	sadd.s32 s13, s11  }
0x10: {  	s6 =	sadd.s32 $0x4000, s5;
	s7 =	sadd.s32 $0x8000, s5;
	s8 =	sadd.s32 $0xC000, s5  }
0x11: {  	s9 =	sadd.s32 $0x10000, s5;
	s16 =	sadd.s32 $0x280, s16;
	s14 =	sadd.s32 $0x3F000, s14  }
0x12: {  	v0 =	vimm.f32 $0.0e+00;
	s12 =	sadd.s32 s12, s16;
	s13 =	sadd.s32 s13, s16;
	s16 =	simm.s32 $0x2800  }
.LBB2_1:
0x13: {  	s30 =	simm.s32 $0x0;
	s31 =	simm.s32 $0x200  }
.LBB2_2:
0x14: {  	p0 =	sne.s32 s31, $0xFE00;
	[tilespmem:s30+$0x2870] =	vst v0  }
0x15: {  	[tilespmem:s30+$0x2800] =	vst v0  }
0x16: {  	[tilespmem:s30+$0x2810] =	vst v0  }
.Ltmp0:
0x17: {  	[tilespmem:s30+$0x2820] =	vst v0;
	(pc) =	sbr.rel @p0 .LBB2_2-.Ltmp0, $4  }
0x18: {  	[tilespmem:s30+$0x2830] =	vst v0  }
0x19: {  	[tilespmem:s30+$0x2840] =	vst v0  }
0x1a: {  	[tilespmem:s30+$0x2850] =	vst v0  }
0x1b: {  	[tilespmem:s30+$0x2860] =	vst v0;
	s30 =	sshra.s32 s31, $0x2;
	s31 =	sadd.s32 $0x200, s31  }
0x1c: {  	[tilespmem:s30+$0x2870] =	vst v0  }
0x1d: {  	[tilespmem:s30+$0x2800] =	vst v0  }
0x1e: {  	[tilespmem:s30+$0x2810] =	vst v0  }
0x1f: {  	[tilespmem:s30+$0x2820] =	vst v0  }
0x20: {  	[tilespmem:s30+$0x2830] =	vst v0  }
0x21: {  	[tilespmem:s30+$0x2840] =	vst v0  }
0x22: {  	[tilespmem:s30+$0x2850] =	vst v0  }
0x23: {  	[tilespmem:s30+$0x2860] =	vst v0  }
0x24: {  	[spmem:s5] =	stream.linear.scatter [tilespmem:s16], [sflag:$0x3], $0x4000, $0x38;
	[tilespmem:$0x1E800] =	vst v63  }
0x25: {  	_ =	swait.ge [sflag:s17], $0x4000  }
0x26: {  	[sflag:s17] =	ssyncset.done $0x0  }
0x27: {  	[sflag:s17] =	ssyncadd.s32 $0xFFFFC000  }
0x28: {  	[spmem:s6] =	stream.linear.scatter [tilespmem:s16], [sflag:$0x3], $0x4000, $0x38;
	[tilespmem:$0x1E800] =	vst v63  }
0x29: {  	_ =	swait.ge [sflag:s17], $0x4000  }
0x2a: {  	[sflag:s17] =	ssyncset.done $0x0  }
0x2b: {  	[sflag:s17] =	ssyncadd.s32 $0xFFFFC000  }
0x2c: {  	[spmem:s7] =	stream.linear.scatter [tilespmem:s16], [sflag:$0x3], $0x4000, $0x38;
	[tilespmem:$0x1E800] =	vst v63  }
0x2d: {  	_ =	swait.ge [sflag:s17], $0x4000  }
0x2e: {  	[sflag:s17] =	ssyncset.done $0x0  }
0x2f: {  	[sflag:s17] =	ssyncadd.s32 $0xFFFFC000  }
0x30: {  	[spmem:s8] =	stream.linear.scatter [tilespmem:s16], [sflag:$0x3], $0x4000, $0x38;
	[tilespmem:$0x1E800] =	vst v63  }
0x31: {  	_ =	swait.ge [sflag:s17], $0x4000  }
0x32: {  	[sflag:s17] =	ssyncset.done $0x0  }
0x33: {  	[sflag:s17] =	ssyncadd.s32 $0xFFFFC000  }
0x34: {  	[spmem:s9] =	stream.linear.scatter [tilespmem:s16], [sflag:$0x3], $0x4000, $0x38;
	[tilespmem:$0x1E800] =	vst v63  }
0x35: {  	_ =	swait.ge [sflag:s17], $0x4000  }
0x36: {  	[sflag:s17] =	ssyncset.done $0x0  }
0x37: {  	[sflag:s17] =	ssyncadd.s32 $0xFFFFC000  }
0x38: {  	s30 =	simm.s32 $0x0;
	[bflag:$0x0] =	sbarrier.arrive $0xFFFF  }
0x39: {  	[tilespmem:s30], [sflag:$0x3] =	stream.linear.gather [hbm4b:s10+s30], $0x1400, $0x38;
	[tilespmem:$0x1E800] =	vst v63  }
0x3a: {  	_ =	swait.ge [sflag:s17], $0x1400  }
0x3b: {  	[sflag:s17] =	ssyncset.done $0x0  }
0x3c: {  	[sflag:s17] =	ssyncadd.s32 $0xFFFFEC00  }
0x3d: {  	[tilespmem:s18], [sflag:$0x3] =	stream.linear.gather [hbm4b:s11+s30], $0x1400, $0x38;
	[tilespmem:$0x1E800] =	vst v63  }
0x3e: {  	_ =	swait.ge [sflag:s17], $0x1400  }
0x3f: {  	[sflag:s17] =	ssyncset.done $0x0  }
0x40: {  	[sflag:s17] =	ssyncadd.s32 $0xFFFFEC00  }
0x41: {  	[tilespmem:s16], [sflag:$0x1] =	stream.indirect.gather [hbm4b:s4+s19], $0x80, s30, s19, $0xb8;
	[tilespmem:$0x1E800] =	vst v63  }
0x42: {  	_ = 	snop  }
0x43: {  	[tilespmem:s20], [sflag:$0x2] =	stream.indirect.gather [hbm4b:s4+s19], $0x80, s19, s19, $0xb8;
	[tilespmem:$0x1E800] =	vst v63  }
0x44: {  	_ =	swait.ge [sflag:s21], $0x4000  }
0x45: {  	[sflag:s21] =	ssyncset.done $0x0  }
0x46: {  	s30 =	simm.s32 $0x1400;
	[sflag:s21] =	ssyncadd.s32 $0xFFFFC000  }
0x47: {  	[spmem:s2] =	stream.indirect.scatter.add.f32 [tilespmem:s16], [sflag:$0x3], $0x80, s30, s19, $0xb8;
	[tilespmem:$0x1E800] =	vst v63  }
0x48: {  	_ =	swait.ge [sflag:s17], $0x4000  }
0x49: {  	[sflag:s17] =	ssyncset.done $0x0  }
0x4a: {  	s30 =	simm.s32 $0x100;
	[sflag:s17] =	ssyncadd.s32 $0xFFFFC000  }
0x4b: {  	[tilespmem:s16], [sflag:$0x1] =	stream.indirect.gather [hbm4b:s4+s19], $0x80, s30, s19, $0xb8;
	[tilespmem:$0x1E800] =	vst v63  }
0x4c: {  	_ =	swait.ge [sflag:s22], $0x4000  }
0x4d: {  	[sflag:s22] =	ssyncset.done $0x0  }
0x4e: {  	s30 =	simm.s32 $0x1480;
	[sflag:s22] =	ssyncadd.s32 $0xFFFFC000  }
0x4f: {  	[spmem:s2] =	stream.indirect.scatter.add.f32 [tilespmem:s20], [sflag:$0x3], $0x80, s30, s19, $0xb8;
	[tilespmem:$0x1E800] =	vst v63  }
0x50: {  	_ =	swait.ge [sflag:s17], $0x4000  }
0x51: {  	[sflag:s17] =	ssyncset.done $0x0  }
0x52: {  	s31 =	simm.s32 $0x180;
	s30 =	simm.s32 $0x400;
	[sflag:s17] =	ssyncadd.s32 $0xFFFFC000  }
.LBB2_4:
0x53: {  	[tilespmem:s20], [sflag:$0x2] =	stream.indirect.gather [hbm4b:s4+s19], $0x80, s31, s19, $0xb8;
	[tilespmem:$0x1E800] =	vst v63  }
0x54: {  	s31 =	smov.u32 s30  }
0x55: {  	p0 =	sne.s32 s30, $0x4400;
	s30 =	sadd.s32 $0x400, s30;
	_ =	swait.ge [sflag:s21], $0x4000  }
0x56: {  	s31 =	sshra.s32 s31, $0x2;
	[sflag:s21] =	ssyncset.done $0x0  }
0x57: {  	s0 =	sadd.s32 $0x1400, s31;
	[sflag:s21] =	ssyncadd.s32 $0xFFFFC000  }
0x58: {  	[spmem:s2] =	stream.indirect.scatter.add.f32 [tilespmem:s16], [sflag:$0x3], $0x80, s0, s19, $0xb8;
	[tilespmem:$0x1E800] =	vst v63  }
0x59: {  	_ =	swait.ge [sflag:s17], $0x4000  }
0x5a: {  	[sflag:s17] =	ssyncset.done $0x0  }
0x5b: {  	s0 =	sadd.s32 $0x100, s31;
	[sflag:s17] =	ssyncadd.s32 $0xFFFFC000  }
0x5c: {  	[tilespmem:s16], [sflag:$0x1] =	stream.indirect.gather [hbm4b:s4+s19], $0x80, s0, s19, $0xb8;
	[tilespmem:$0x1E800] =	vst v63  }
0x5d: {  	_ =	swait.ge [sflag:s22], $0x4000  }
0x5e: {  	[sflag:s22] =	ssyncset.done $0x0  }
.Ltmp1:
0x5f: {  	s0 =	sadd.s32 $0x1480, s31;
	[sflag:s22] =	ssyncadd.s32 $0xFFFFC000;
	(pc) =	sbr.rel @p0 .LBB2_4-.Ltmp1, $4  }
0x60: {  	[spmem:s2] =	stream.indirect.scatter.add.f32 [tilespmem:s20], [sflag:$0x3], $0x80, s0, s19, $0xb8;
	[tilespmem:$0x1E800] =	vst v63  }
0x61: {  	_ =	swait.ge [sflag:s17], $0x4000  }
0x62: {  	[sflag:s17] =	ssyncset.done $0x0  }
0x63: {  	s31 =	sadd.s32 $0x180, s31;
	[sflag:s17] =	ssyncadd.s32 $0xFFFFC000  }
0x64: {  	[tilespmem:s20], [sflag:$0x2] =	stream.indirect.gather [hbm4b:s4+s19], $0x80, s31, s19, $0xb8;
	[tilespmem:$0x1E800] =	vst v63  }
0x65: {  	_ =	swait.ge [sflag:s21], $0x4000  }
0x66: {  	[sflag:s21] =	ssyncset.done $0x0  }
0x67: {  	[sflag:s21] =	ssyncadd.s32 $0xFFFFC000  }
0x68: {  	[spmem:s2] =	stream.indirect.scatter.add.f32 [tilespmem:s16], [sflag:$0x3], $0x80, s23, s19, $0xb8;
	[tilespmem:$0x1E800] =	vst v63  }
0x69: {  	_ =	swait.ge [sflag:s17], $0x4000  }
0x6a: {  	[sflag:s17] =	ssyncset.done $0x0  }
0x6b: {  	[sflag:s17] =	ssyncadd.s32 $0xFFFFC000  }
0x6c: {  	[tilespmem:s16], [sflag:$0x1] =	stream.indirect.gather [hbm4b:s4+s19], $0x80, s24, s19, $0xb8;
	[tilespmem:$0x1E800] =	vst v63  }
0x6d: {  	_ =	swait.ge [sflag:s22], $0x4000  }
0x6e: {  	[sflag:s22] =	ssyncset.done $0x0  }
0x6f: {  	[sflag:s22] =	ssyncadd.s32 $0xFFFFC000  }
0x70: {  	[spmem:s2] =	stream.indirect.scatter.add.f32 [tilespmem:s20], [sflag:$0x3], $0x80, s25, s19, $0xb8;
	[tilespmem:$0x1E800] =	vst v63  }
0x71: {  	_ =	swait.ge [sflag:s17], $0x4000  }
0x72: {  	[sflag:s17] =	ssyncset.done $0x0  }
0x73: {  	[sflag:s17] =	ssyncadd.s32 $0xFFFFC000  }
0x74: {  	[tilespmem:s20], [sflag:$0x2] =	stream.indirect.gather [hbm4b:s4+s19], $0x80, s26, s19, $0xb8;
	[tilespmem:$0x1E800] =	vst v63  }
0x75: {  	_ =	swait.ge [sflag:s21], $0x4000  }
0x76: {  	[sflag:s21] =	ssyncset.done $0x0  }
0x77: {  	[sflag:s21] =	ssyncadd.s32 $0xFFFFC000  }
0x78: {  	[spmem:s2] =	stream.indirect.scatter.add.f32 [tilespmem:s16], [sflag:$0x3], $0x80, s28, s19, $0xb8;
	[tilespmem:$0x1E800] =	vst v63  }
0x79: {  	_ =	swait.ge [sflag:s17], $0x4000  }
0x7a: {  	[sflag:s17] =	ssyncset.done $0x0  }
0x7b: {  	[sflag:s17] =	ssyncadd.s32 $0xFFFFC000  }
0x7c: {  	[tilespmem:s16], [sflag:$0x1] =	stream.indirect.gather [hbm4b:s4+s19], $0x80, s26, s19, $0xb8;
	[tilespmem:$0x1E800] =	vst v63  }
0x7d: {  	_ =	swait.ge [sflag:s22], $0x4000  }
0x7e: {  	[sflag:s22] =	ssyncset.done $0x0  }
0x7f: {  	[sflag:s22] =	ssyncadd.s32 $0xFFFFC000  }
0x80: {  	[spmem:s2] =	stream.indirect.scatter.add.f32 [tilespmem:s20], [sflag:$0x3], $0x80, s29, s19, $0xb8;
	[tilespmem:$0x1E800] =	vst v63  }
0x81: {  	_ =	swait.ge [sflag:s17], $0x4000  }
0x82: {  	[sflag:s17] =	ssyncset.done $0x0  }
0x83: {  	[sflag:s17] =	ssyncadd.s32 $0xFFFFC000  }
0x84: {  	[tilespmem:s20], [sflag:$0x2] =	stream.indirect.gather [hbm4b:s4+s19], $0x80, s26, s19, $0xb8;
	[tilespmem:$0x1E800] =	vst v63  }
0x85: {  	_ =	swait.ge [sflag:s21], $0x4000  }
0x86: {  	[sflag:s21] =	ssyncset.done $0x0  }
0x87: {  	[sflag:s21] =	ssyncadd.s32 $0xFFFFC000  }
0x88: {  	_ =	swait.ge [sflag:s22], $0x4000  }
0x89: {  	[sflag:s22] =	ssyncset.done $0x0  }
0x8a: {  	s0 =	simm.s32 $0x0;
	[sflag:s22] =	ssyncadd.s32 $0xFFFFC000  }
0x8b: {  	[tilespmem:s0], [sflag:$0x3] =	stream.linear.gather [hbm4b:s12+s0], $0x1400, $0x38;
	[tilespmem:$0x1E800] =	vst v63  }
0x8c: {  	_ =	swait.ge [sflag:s17], $0x1400  }
0x8d: {  	[sflag:s17] =	ssyncset.done $0x0  }
0x8e: {  	[sflag:s17] =	ssyncadd.s32 $0xFFFFEC00  }
0x8f: {  	[tilespmem:s18], [sflag:$0x3] =	stream.linear.gather [hbm4b:s13+s0], $0x1400, $0x38;
	[tilespmem:$0x1E800] =	vst v63  }
0x90: {  	_ =	swait.ge [sflag:s17], $0x1400  }
0x91: {  	[sflag:s17] =	ssyncset.done $0x0  }
0x92: {  	[sflag:s17] =	ssyncadd.s32 $0xFFFFEC00  }
0x93: {  	[tilespmem:s16], [sflag:$0x1] =	stream.indirect.gather [hbm4b:s4+s19], $0x80, s0, s19, $0xb8;
	[tilespmem:$0x1E800] =	vst v63  }
0x94: {  	_ = 	snop  }
0x95: {  	[tilespmem:s20], [sflag:$0x2] =	stream.indirect.gather [hbm4b:s4+s19], $0x80, s19, s19, $0xb8;
	[tilespmem:$0x1E800] =	vst v63  }
0x96: {  	_ =	swait.ge [sflag:s21], $0x4000  }
0x97: {  	[sflag:s21] =	ssyncset.done $0x0  }
0x98: {  	s0 =	simm.s32 $0x1400;
	[sflag:s21] =	ssyncadd.s32 $0xFFFFC000  }
0x99: {  	[spmem:s2] =	stream.indirect.scatter.add.f32 [tilespmem:s16], [sflag:$0x3], $0x80, s0, s19, $0xb8;
	[tilespmem:$0x1E800] =	vst v63  }
0x9a: {  	_ =	swait.ge [sflag:s17], $0x4000  }
0x9b: {  	[sflag:s17] =	ssyncset.done $0x0  }
0x9c: {  	s0 =	simm.s32 $0x100;
	[sflag:s17] =	ssyncadd.s32 $0xFFFFC000  }
0x9d: {  	[tilespmem:s16], [sflag:$0x1] =	stream.indirect.gather [hbm4b:s4+s19], $0x80, s0, s19, $0xb8;
	[tilespmem:$0x1E800] =	vst v63  }
0x9e: {  	_ =	swait.ge [sflag:s22], $0x4000  }
0x9f: {  	[sflag:s22] =	ssyncset.done $0x0  }
0xa0: {  	s0 =	simm.s32 $0x1480;
	[sflag:s22] =	ssyncadd.s32 $0xFFFFC000  }
0xa1: {  	[spmem:s2] =	stream.indirect.scatter.add.f32 [tilespmem:s20], [sflag:$0x3], $0x80, s0, s19, $0xb8;
	[tilespmem:$0x1E800] =	vst v63  }
0xa2: {  	_ =	swait.ge [sflag:s17], $0x4000  }
0xa3: {  	[sflag:s17] =	ssyncset.done $0x0  }
0xa4: {  	s30 =	simm.s32 $0x400;
	s31 =	simm.s32 $0x180;
	[sflag:s17] =	ssyncadd.s32 $0xFFFFC000  }
.LBB2_6:
0xa5: {  	[tilespmem:s20], [sflag:$0x2] =	stream.indirect.gather [hbm4b:s4+s19], $0x80, s31, s19, $0xb8;
	[tilespmem:$0x1E800] =	vst v63  }
0xa6: {  	s0 =	smov.u32 s30  }
0xa7: {  	p0 =	sne.s32 s30, $0x4400;
	s30 =	sadd.s32 $0x400, s30;
	_ =	swait.ge [sflag:s21], $0x4000  }
0xa8: {  	s0 =	sshra.s32 s0, $0x2;
	[sflag:s21] =	ssyncset.done $0x0  }
0xa9: {  	s31 =	sadd.s32 $0x1400, s0;
	[sflag:s21] =	ssyncadd.s32 $0xFFFFC000  }
0xaa: {  	[spmem:s2] =	stream.indirect.scatter.add.f32 [tilespmem:s16], [sflag:$0x3], $0x80, s31, s19, $0xb8;
	[tilespmem:$0x1E800] =	vst v63  }
0xab: {  	_ =	swait.ge [sflag:s17], $0x4000  }
0xac: {  	[sflag:s17] =	ssyncset.done $0x0  }
0xad: {  	s31 =	sadd.s32 $0x100, s0;
	[sflag:s17] =	ssyncadd.s32 $0xFFFFC000  }
0xae: {  	[tilespmem:s16], [sflag:$0x1] =	stream.indirect.gather [hbm4b:s4+s19], $0x80, s31, s19, $0xb8;
	[tilespmem:$0x1E800] =	vst v63  }
0xaf: {  	_ =	swait.ge [sflag:s22], $0x4000  }
0xb0: {  	[sflag:s22] =	ssyncset.done $0x0  }
.Ltmp2:
0xb1: {  	s31 =	sadd.s32 $0x1480, s0;
	[sflag:s22] =	ssyncadd.s32 $0xFFFFC000;
	(pc) =	sbr.rel @p0 .LBB2_6-.Ltmp2, $4  }
0xb2: {  	[spmem:s2] =	stream.indirect.scatter.add.f32 [tilespmem:s20], [sflag:$0x3], $0x80, s31, s19, $0xb8;
	[tilespmem:$0x1E800] =	vst v63  }
0xb3: {  	_ =	swait.ge [sflag:s17], $0x4000  }
0xb4: {  	[sflag:s17] =	ssyncset.done $0x0  }
0xb5: {  	s31 =	sadd.s32 $0x180, s0;
	[sflag:s17] =	ssyncadd.s32 $0xFFFFC000  }
0xb6: {  	[tilespmem:s20], [sflag:$0x2] =	stream.indirect.gather [hbm4b:s4+s19], $0x80, s31, s19, $0xb8;
	[tilespmem:$0x1E800] =	vst v63  }
0xb7: {  	_ =	swait.ge [sflag:s21], $0x4000  }
0xb8: {  	[sflag:s21] =	ssyncset.done $0x0  }
0xb9: {  	[sflag:s21] =	ssyncadd.s32 $0xFFFFC000  }
0xba: {  	[spmem:s2] =	stream.indirect.scatter.add.f32 [tilespmem:s16], [sflag:$0x3], $0x80, s23, s19, $0xb8;
	[tilespmem:$0x1E800] =	vst v63  }
0xbb: {  	_ =	swait.ge [sflag:s17], $0x4000  }
0xbc: {  	[sflag:s17] =	ssyncset.done $0x0  }
0xbd: {  	[sflag:s17] =	ssyncadd.s32 $0xFFFFC000  }
0xbe: {  	[tilespmem:s16], [sflag:$0x1] =	stream.indirect.gather [hbm4b:s4+s19], $0x80, s24, s19, $0xb8;
	[tilespmem:$0x1E800] =	vst v63  }
0xbf: {  	_ =	swait.ge [sflag:s22], $0x4000  }
0xc0: {  	[sflag:s22] =	ssyncset.done $0x0  }
0xc1: {  	[sflag:s22] =	ssyncadd.s32 $0xFFFFC000  }
0xc2: {  	[spmem:s2] =	stream.indirect.scatter.add.f32 [tilespmem:s20], [sflag:$0x3], $0x80, s25, s19, $0xb8;
	[tilespmem:$0x1E800] =	vst v63  }
0xc3: {  	_ =	swait.ge [sflag:s17], $0x4000  }
0xc4: {  	[sflag:s17] =	ssyncset.done $0x0  }
0xc5: {  	[sflag:s17] =	ssyncadd.s32 $0xFFFFC000  }
0xc6: {  	[tilespmem:s20], [sflag:$0x2] =	stream.indirect.gather [hbm4b:s4+s19], $0x80, s26, s19, $0xb8;
	[tilespmem:$0x1E800] =	vst v63  }
0xc7: {  	_ =	swait.ge [sflag:s21], $0x4000  }
0xc8: {  	[sflag:s21] =	ssyncset.done $0x0  }
0xc9: {  	[sflag:s21] =	ssyncadd.s32 $0xFFFFC000  }
0xca: {  	[spmem:s2] =	stream.indirect.scatter.add.f32 [tilespmem:s16], [sflag:$0x3], $0x80, s28, s19, $0xb8;
	[tilespmem:$0x1E800] =	vst v63  }
0xcb: {  	_ =	swait.ge [sflag:s17], $0x4000  }
0xcc: {  	[sflag:s17] =	ssyncset.done $0x0  }
0xcd: {  	[sflag:s17] =	ssyncadd.s32 $0xFFFFC000  }
0xce: {  	[tilespmem:s16], [sflag:$0x1] =	stream.indirect.gather [hbm4b:s4+s19], $0x80, s26, s19, $0xb8;
	[tilespmem:$0x1E800] =	vst v63  }
0xcf: {  	_ =	swait.ge [sflag:s22], $0x4000  }
0xd0: {  	[sflag:s22] =	ssyncset.done $0x0  }
0xd1: {  	[sflag:s22] =	ssyncadd.s32 $0xFFFFC000  }
0xd2: {  	[spmem:s2] =	stream.indirect.scatter.add.f32 [tilespmem:s20], [sflag:$0x3], $0x80, s29, s19, $0xb8;
	[tilespmem:$0x1E800] =	vst v63  }
0xd3: {  	_ =	swait.ge [sflag:s17], $0x4000  }
0xd4: {  	[sflag:s17] =	ssyncset.done $0x0  }
0xd5: {  	[sflag:s17] =	ssyncadd.s32 $0xFFFFC000  }
0xd6: {  	[tilespmem:s20], [sflag:$0x2] =	stream.indirect.gather [hbm4b:s4+s19], $0x80, s26, s19, $0xb8;
	[tilespmem:$0x1E800] =	vst v63  }
0xd7: {  	_ =	swait.ge [sflag:s21], $0x4000  }
0xd8: {  	[sflag:s21] =	ssyncset.done $0x0  }
0xd9: {  	[sflag:s21] =	ssyncadd.s32 $0xFFFFC000  }
0xda: {  	_ =	swait.ge [sflag:s22], $0x4000  }
0xdb: {  	s0 =	sshll.u32 s1, $0x6;
	s3 =	sadd.s32 $0x1, s3;
	[sflag:s22] =	ssyncset.done $0x0  }
0xdc: {  	s30 =	sshrl.u32 s5, $0x3;
	p0 =	sne.s32 s3, s15;
	[sflag:s22] =	ssyncadd.s32 $0xFFFFC000  }
.Ltmp3:
0xdd: {  	s0 =	sor.u32 $0x1C03, s0;
	[bflag:$0x0] =	sbarrier.arrive $0xFFFF;
	(pc) =	sbr.rel @p0 .LBB2_1-.Ltmp3, $4  }
0xde: {  	[hbm:s14], [sflag:s0] =	dma.local [spmem:s30], $0x2800  }
0xdf: {  	_ =	swait.ge [sflag:s17], $0x2800  }
0xe0: {  	[sflag:s17] =	ssyncset.done $0x0  }
0xe1: {  	[sflag:s17] =	ssyncadd.s32 $0xFFFFD800  }
0xe2: {  	_ =	sfence.sel $0x180000  }
0xe3: {  	[bflag:$0x0] =	sbarrier.arrive $0xFFFF  }
0xe4: {  	_ =	strace $0x9000004A  }
0xe5: {  	[bflag:$0x2] =	sbarrier.arrive $0xFFFF  }
0xe6: {  	p0 =	sne.s32 s1, $0x0;
	s0 =	rddreg [dreg:$0x2]  }
0xe7: {  	s0 =	sadd.s32 @!p0 $0x100000, s0  }
0xe8: {  	[sflag:s0] =	ssyncadd.tile.s32 @!p0 $0x1;
	_ =	shalt  }
.Lfunc_end2:
_tile_overlayer_lowered:
.L_overlay_start_2:
0xe9: {  	(tag) =	ssettag $0x2  }
0xea: {  	s0 =	rddreg [dreg:$0x0];
	s2 =	stileid.u32  }
0xeb: {  	s1 =	rddreg [dreg:$0x1];
	p0 =	sne.s32 s2, $0x0  }
0xec: {  	s3 =	rddreg [dreg:$0x2];
	[bflag:$0x3] =	sbarrier.arrive $0xFFFF;
	s2 =	simm.s32 @!p0 $0x1C03  }
0xed: {  	[timem:s3], [sflag:s2] =	dma.local @!p0 [hbm:s0], s1  }
0xee: {  	s0 =	simm.s32 @!p0 $0x3  }
0xef: {  	_ =	swait.ge @!p0 [sflag:s0], s1  }
0xf0: {  	s1 =	ssub.s32 @!p0 $0x0, s1;
	[sflag:s0] =	ssyncset.done @!p0 $0x0  }
0xf1: {  	[sflag:s0] =	ssyncadd.s32 @!p0 s1  }
0xf2: {  	[bflag:$0x3] =	sbarrier.arrive $0xFFFF  }
0xf3: {  	_ =	shalt  }

// kernel: kernel.15.cloned.1.call-start
scs
__scs_entry_jumppad:
0x0: {  	(pc) =	sbr.rel $0x88, $3  }
0x1: {  	(tag) =	ssettag $0x0;
	lr =	simm.s32 $0x1  }
0x2: {  	[smem:$0x3F93] =	sst lr;
	_ =	strace $0xD0000000  }
0x3: {  	_ = 	snop  }
0x4: {  	_ = 	snop  }
0x5: {  	_ = 	snop  }
0x6: {  	_ = 	snop  }
0x7: {  	_ = 	snop  }
__scs_overlays_trampoline_lowered:
0x8: {  	[smem:$0x3FA2] =	sst s0  }
0x9: {  	[smem:$0x3FA3] =	sst s1  }
0xa: {  	[smem:$0x3FA4] =	sst s2  }
0xb: {  	[smem:$0x3FA5] =	sst s3  }
0xc: {  	[smem:$0x3FA6] =	sst s4  }
0xd: {  	[smem:$0x3FA7] =	sst s5  }
0xe: {  	[smem:$0x3FA8] =	sst s6  }
0xf: {  	[smem:$0x3FA9] =	sst s7  }
0x10: {  	[smem:$0x3FAA] =	sst s8  }
0x11: {  	[smem:$0x3FAB] =	sst s9;
	s0 =	simm.s32 @!p0 $0x0  }
0x12: {  	s1 =	sld [smem:$0x3F91];
	s0 =	simm.s32 @p0 $0x1  }
0x13: {  	[smem:$0x3FAC] =	sst s0;
	s0 =	simm.s32 @!p1 $0x0  }
0x14: {  	s2 =	sld [smem:$0x3F90];
	s0 =	simm.s32 @p1 $0x1  }
0x15: {  	[smem:$0x3FAD] =	sst s0;
	s0 =	simm.s32 @!p2 $0x0  }
0x16: {  	s3 =	sld [smem:$0x3FDB];
	s0 =	simm.s32 @p2 $0x1  }
0x17: {  	s4 =	simm.s32 $0x1BF5;
	[smem:$0x3FAF] =	sst s0  }
0x18: {  	s0 =	sld [smem:$0x3F92];
	_ =	swait.ge [sflag:s4], $0x0  }
0x19: {  	s7 =	sld [smem:$0x3F93]  }
0x1a: {  	s8 =	sadd.s32 $0xFFFFE003, lr  }
0x1b: {  	s9 =	sadd.s32 $0xFFFFFEF7, lr;
	s5 =	simm.s32 $0xFFFFFFFF;
	p2 =	slt.u32 s8, $0xFFFFF086  }
0x1c: {  	p1 =	slt.u32 s9, $0xF7A;
	s5 =	simm.s32 @!p2 $0x0  }
0x1d: {  	s5 =	simm.s32 @p1 $0x1;
	p0 =	seq.s32 s7, s2  }
0x1e: {  	s7 =	smul.u32 @!p0 $0xF7A, s2;
	p2 =	seq.s32 @!p0 s5, $0x0  }
0x1f: {  	s9 =	smul.u32 $0xF7A, s1;
	s8 =	simm.s32 @!p0 $0x1BF5;
	p2 =	por !p2, p0  }
0x20: {  	[sflag:s8] =	ssyncset.s32 @!p0 $0xFFFFF086;
	s6 =	sadd.s32 @!p0 s3, s7;
	s7 =	simm.s32 @!p0 $0x108  }
0x21: {  	s3 =	sadd.s32 s3, s9;
	s6 =	sadd.s32 @!p0 $0x88, s6;
	s7 =	simm.s32 @p2 $0x1082  }
0x22: {  	[simem:s7], [sflag:s8] =	dma.local @!p0 [hbm:s6], $0xF7A  }
0x23: {  	s9 =	sor.u32 $0xD0000000, s2;
	s6 =	simm.s32 $0x108;
	_ =	swait.ge @!p0 [sflag:s8], $0x0  }
0x24: {  	s3 =	sadd.s32 $0x88, s3;
	s6 =	simm.s32 @!p1 $0x1082;
	[sflag:s4] =	ssyncset.s32 $0xFFFFF086  }
0x25: {  	[simem:s6], [sflag:s4] =	dma.local [hbm:s3], $0xF7A  }
0x26: {  	[smem:$0x3F93] =	sst s1;
	(tag) =	ssettag s2;
	_ =	strace s9  }
0x27: {  	s1 =	sld [smem:$0x3FA3]  }
0x28: {  	s2 =	sld [smem:$0x3FA4]  }
0x29: {  	s4 =	sld [smem:$0x3FA6]  }
0x2a: {  	p0 =	seq.s32 s5, $0x0;
	s5 =	sld [smem:$0x3FA7]  }
0x2b: {  	s6 =	sld [smem:$0x3FA8]  }
0x2c: {  	s7 =	sld [smem:$0x3FA9]  }
0x2d: {  	s3 =	simm.s32 $0x108;
	s8 =	sld [smem:$0x3FAA]  }
0x2e: {  	s3 =	simm.s32 @!p0 $0x1082;
	s9 =	sld [smem:$0x3FAB]  }
0x2f: {  	lr =	sadd.s32 s0, s3;
	s0 =	sld [smem:$0x3FA2]  }
0x30: {  	s3 =	sld [smem:$0x3FA5]  }
0x31: {  	[smem:$0x3FAE] =	sst s10  }
0x32: {  	s10 =	sld [smem:$0x3FAC];
	_ =	sdelay $0x3  }
0x33: {  	p0 =	seq.s32 s10, $0x1;
	s10 =	sld [smem:$0x3FAE];
	_ =	sdelay $0x3  }
0x34: {  	[smem:$0x3FAE] =	sst s10  }
0x35: {  	s10 =	sld [smem:$0x3FAD];
	_ =	sdelay $0x3  }
0x36: {  	p1 =	seq.s32 s10, $0x1;
	s10 =	sld [smem:$0x3FAE];
	_ =	sdelay $0x3  }
0x37: {  	[smem:$0x3FAE] =	sst s10  }
0x38: {  	s10 =	sld [smem:$0x3FAF]  }
0x39: {  	_ = 	snop;
	(pc) =	sbr.ind lr, $3  }
0x3a: {  	_ = 	snop  }
0x3b: {  	_ = 	snop  }
0x3c: {  	p2 =	seq.s32 s10, $0x1;
	s10 =	sld [smem:$0x3FAE]  }
0x3d: {  	_ =	shalt  }
0x3e: {  	_ =	shalt  }
0x3f: {  	_ =	shalt  }
0x40: {  	_ =	shalt  }
0x41: {  	_ =	shalt  }
0x42: {  	_ =	shalt  }
0x43: {  	_ =	shalt  }
0x44: {  	_ =	shalt  }
0x45: {  	_ =	shalt  }
0x46: {  	_ =	shalt  }
0x47: {  	_ =	shalt  }
0x48: {  	_ =	shalt  }
0x49: {  	_ =	shalt  }
0x4a: {  	_ =	shalt  }
0x4b: {  	_ =	shalt  }
0x4c: {  	_ =	shalt  }
0x4d: {  	_ =	shalt  }
0x4e: {  	_ =	shalt  }
0x4f: {  	_ =	shalt  }
0x50: {  	_ =	shalt  }
0x51: {  	_ =	shalt  }
0x52: {  	_ =	shalt  }
0x53: {  	_ =	shalt  }
0x54: {  	_ =	shalt  }
0x55: {  	_ =	shalt  }
0x56: {  	_ =	shalt  }
0x57: {  	_ =	shalt  }
0x58: {  	_ =	shalt  }
0x59: {  	_ =	shalt  }
0x5a: {  	_ =	shalt  }
0x5b: {  	_ =	shalt  }
0x5c: {  	_ =	shalt  }
0x5d: {  	_ =	shalt  }
0x5e: {  	_ =	shalt  }
0x5f: {  	_ =	shalt  }
0x60: {  	_ =	shalt  }
0x61: {  	_ =	shalt  }
0x62: {  	_ =	shalt  }
0x63: {  	_ =	shalt  }
0x64: {  	_ =	shalt  }
0x65: {  	_ =	shalt  }
0x66: {  	_ =	shalt  }
0x67: {  	_ =	shalt  }
0x68: {  	_ =	shalt  }
0x69: {  	_ =	shalt  }
0x6a: {  	_ =	shalt  }
0x6b: {  	_ =	shalt  }
0x6c: {  	_ =	shalt  }
0x6d: {  	_ =	shalt  }
0x6e: {  	_ =	shalt  }
0x6f: {  	_ =	shalt  }
0x70: {  	_ =	shalt  }
0x71: {  	_ =	shalt  }
0x72: {  	_ =	shalt  }
0x73: {  	_ =	shalt  }
0x74: {  	_ =	shalt  }
0x75: {  	_ =	shalt  }
0x76: {  	_ =	shalt  }
0x77: {  	_ =	shalt  }
0x78: {  	_ =	shalt  }
0x79: {  	_ =	shalt  }
0x7a: {  	_ =	shalt  }
0x7b: {  	_ =	shalt  }
0x7c: {  	_ =	shalt  }
0x7d: {  	_ =	shalt  }
0x7e: {  	_ =	shalt  }
0x7f: {  	_ =	shalt  }
0x80: {  	_ =	shalt  }
0x81: {  	_ =	shalt  }
0x82: {  	_ =	shalt  }
0x83: {  	_ =	shalt  }
0x84: {  	_ =	shalt  }
0x85: {  	_ =	shalt  }
0x86: {  	_ =	shalt  }
0x87: {  	_ =	shalt  }
.Lfunc_end0:
.L_simem_size_0:
called_computation.2_lowered:
.L_overlay_start_0:
0x88: {  	s2 =	sld [smem:$0x3FD9]  }
0x89: {  	s3 =	sld [smem:$0x3FFE];
	_ =	sdelay $0x1  }
0x8a: {  	s1 =	srdreg.scid  }
0x8b: {  	s0 =	sand.u32 $0x1, s1  }
0x8c: {  	s16 =	sshll.u32 s0, $0xA;
	s2 =	sadd.s32 s3, s2  }
0x8d: {  	s2 =	sadd.s32 s2, s16  }
0x8e: {  	[smem:$0x3FBA] =	sst s2  }
0x8f: {  	_ = 	snop  }
0x90: {  	(tm) =	ssettm $0x1  }
0x91: {  	s17 =	sld [smem:$0x3FFB];
	_ =	sdelay $0x3  }
0x92: {  	_ =	strace s17  }
0x93: {  	s2 =	sld [smem:$0x3FFC];
	_ =	sdelay $0x3  }
0x94: {  	_ =	strace s2  }
0x95: {  	s2 =	sld [smem:$0x3FFD];
	_ =	sdelay $0x3  }
0x96: {  	_ =	strace s2  }
0x97: {  	_ =	strace $0x8FFFFFFF  }
0x98: {  	s18 =	sld [smem:$0x3FDB];
	_ =	sdelay $0x1  }
0x99: {  	s19 =	simm.s32 $_scs_section_size  }
0x9a: {  	s4 =	simm.s32 $_size__tile_overlayer_lowered;
	s5 =	simm.s32 $_tile_overlayer_lowered  }
0x9b: {  	s22 =	simm.s32 $0x1BFF;
	s21 =	sshll.u32 s5, $0x1;
	s2 =	sadd.s32 s19, s18  }
0x9c: {  	s6 =	simm.s32 $0x0;
	s20 =	sshll.u32 s4, $0x1;
	s4 =	sadd.s32 s21, s2  }
0x9d: {  	[timem:s6], [sflag:s22] =	dma.local [hbm:s4], s20  }
0x9e: {  	_ =	swait.ge [sflag:s22], s20  }
0x9f: {  	s3 =	ssub.s32 $0x0, s20;
	[sflag:s22] =	ssyncset.done $0x0  }
0xa0: {  	[sflag:s22] =	ssyncadd.s32 s3;
	_ =	sdelay $0x1  }
0xa1: {  	s23 =	simm.s32 $0x1B8B  }
0xa2: {  	_ =	swait.ge [sflag:s23], $0x1  }
0xa3: {  	[sflag:s23] =	ssyncset.done $0x0  }
0xa4: {  	s25 =	simm.s32 $0x1B8E;
	s24 =	sld [smem:$0x3FFE];
	[sflag:s23] =	ssyncadd.s32 $0xFFFFFFFF  }
0xa5: {  	s26 =	simm.s32 $execute0_lowered;
	[smem:$0x3FD2] =	sst s25  }
0xa6: {  	s4 =	sshll.u32 s26, $0x1;
	_ =	strace $0x8000004C;
	[dreg:$0x1] =	wrdreg $0xFFFFFFFF  }
0xa7: {  	s28 =	simm.s32 $_size_execute0_lowered;
	s2 =	sadd.s32 s2, s4;
	[dreg:$0x0] =	wrdreg $0x0  }
0xa8: {  	s4 =	sshll.u32 s28, $0x1;
	[dreg:$0x2] =	wrdreg s2  }
0xa9: {  	[dreg:$0x3] =	wrdreg s4  }
0xaa: {  	[dreg:$0x4] =	wrdreg $0xC0  }
0xab: {  	_ =	task [dreg:s6], $0x5FFFF  }
0xac: {  	[dreg:$0x1] =	wrdreg $0xFFFFFFFF  }
0xad: {  	[dreg:$0x0] =	wrdreg $0x60  }
0xae: {  	[dreg:$0x2] =	wrdreg s24  }
0xaf: {  	[dreg:$0x3] =	wrdreg $0xA8000  }
0xb0: {  	[dreg:$0x4] =	wrdreg $0x9  }
0xb1: {  	_ =	task.clear_ibuf [dreg:s6], $0x5FFFF;
	_ =	strace $0x9000004C  }
0xb2: {  	s29 =	simm.s32 $0x9;
	_ =	strace $0x8000004E  }
0xb3: {  	_ =	swait.ge [sflag:s29], $0x1  }
0xb4: {  	[sflag:s29] =	ssyncadd.s32 $0xFFFFFFFF  }
0xb5: {  	_ =	strace $0x9000004E  }
0xb6: {  	_ =	sfence  }
0xb7: {  	s30 =	sld [smem:$0x0];
	_ =	sdelay $0x2  }
0xb8: {  	s31 =	sshll.u32 s1, $0xD;
	s1 =	sshrl.u32 s1, $0x2  }
0xb9: {  	s3 =	sand.u32 $0x4000, s31;
	s1 =	sadd.s32 s1, s30  }
0xba: {  	s0 =	sor.u32 s3, s0;
	s1 =	sshll.u32 s1, $0x11  }
0xbb: {  	s0 =	sor.u32 s1, s0  }
0xbc: {  	s0 =	sadd.s32 $0x8F2B, s0  }
0xbd: {  	[sflag:s0] =	ssyncadd.remote.s32 $0x1  }
0xbe: {  	_ =	sfence.sel $0xFFFF  }
0xbf: {  	[dreg:$0x0] =	wrdreg $0xFFFFFFFF;
	(pc) =	sbr.abs _section_cstart, $3  }
0xc0: {  	[dreg:$0x1] =	wrdreg $0xFFFFFFFF  }
0xc1: {  	_ =	task.clear_ibuf [dreg:s6], $0x2FFFF;
	_ =	strace $0x9FFFFFFF  }
0xc2: {  	(tm) =	ssettm $0x7FFFFFFF  }
0xc3: {  	_ =	shalt  }
tec
execute0_lowered:
.L_overlay_start_1:
0x0: {  	(tag) =	ssettag $0x1  }
0x1: {  	s5 =	rddreg [dreg:$0x0]  }
0x2: {  	s0 =	srdreg.scid;
	s2 =	rddreg [dreg:$0x1]  }
0x3: {  	s1 =	stileid.u32;
	s3 =	simm.s32 $0x0;
	s17 =	simm.s32 $0x3  }
0x4: {  	s18 =	simm.s32 $0x1400;
	s19 =	simm.s32 $0x80;
	s20 =	simm.s32 $0x6800  }
0x5: {  	s21 =	simm.s32 $0x1;
	s22 =	simm.s32 $0x2;
	s23 =	simm.s32 $0x2600  }
0x6: {  	s28 =	simm.s32 $0x2700;
	s29 =	simm.s32 $0x2780;
	s6 =	sand.u32 $0x1, s0  }
0x7: {  	s8 =	smul.u32 $0x14000, s1;
	[smem:$0x7FF] =	sst s3;
	s4 =	sadd.s32 $0x3000, s5  }
0x8: {  	s12 =	sadd.s32 $0x2B000, s5;
	s24 =	smul.u32 $0x50000, s1;
	s13 =	sadd.s32 $0x35000, s5  }
0x9: {  	s7 =	smul.u32 $0x140000, s6;
	_ =	strace $0x8000004D;
	s25 =	sshll.u32 s6, $0x4  }
0xa: {  	s6 =	ssub.s32 $0x2, s6;
	s26 =	sor.u32 s1, s25;
	s30 =	sshrl.u32 s24, $0x2  }
0xb: {  	s31 =	sshrl.u32 s6, $0x1;
	s24 =	simm.s32 $0x1300;
	s25 =	simm.s32 $0x2680  }
0xc: {  	s7 =	sadd.s32 s8, s7;
	s9 =	smul.u32 $0x2800, s26;
	s15 =	ssub.s32 s6, s31  }
0xd: {  	s11 =	smul.u32 $0x500, s26;
	s26 =	simm.s32 $0x1380;
	s7 =	sshrl.u32 s7, $0x3  }
0xe: {  	s15 =	smax.u32 s15, $0x1;
	s14 =	sadd.s32 s7, s5;
	s5 =	sadd.s32 s30, s2  }
0xf: {  	s16 =	sshrl.u32 s9, $0x3;
	s10 =	sadd.s32 s12, s11;
	s11 =	sadd.s32 s13, s11  }
0x10: {  	s6 =	sadd.s32 $0x4000, s5;
	s7 =	sadd.s32 $0x8000, s5;
	s8 =	sadd.s32 $0xC000, s5  }
0x11: {  	s9 =	sadd.s32 $0x10000, s5;
	s16 =	sadd.s32 $0x280, s16;
	s14 =	sadd.s32 $0x3F000, s14  }
0x12: {  	v0 =	vimm.f32 $0.0e+00;
	s12 =	sadd.s32 s12, s16;
	s13 =	sadd.s32 s13, s16;
	s16 =	simm.s32 $0x2800  }
.LBB2_1:
0x13: {  	s30 =	simm.s32 $0x0;
	s31 =	simm.s32 $0x200  }
.LBB2_2:
0x14: {  	p0 =	sne.s32 s31, $0xFE00;
	[tilespmem:s30+$0x2870] =	vst v0  }
0x15: {  	[tilespmem:s30+$0x2800] =	vst v0  }
0x16: {  	[tilespmem:s30+$0x2810] =	vst v0  }
.Ltmp0:
0x17: {  	[tilespmem:s30+$0x2820] =	vst v0;
	(pc) =	sbr.rel @p0 .LBB2_2-.Ltmp0, $4  }
0x18: {  	[tilespmem:s30+$0x2830] =	vst v0  }
0x19: {  	[tilespmem:s30+$0x2840] =	vst v0  }
0x1a: {  	[tilespmem:s30+$0x2850] =	vst v0  }
0x1b: {  	[tilespmem:s30+$0x2860] =	vst v0;
	s30 =	sshra.s32 s31, $0x2;
	s31 =	sadd.s32 $0x200, s31  }
0x1c: {  	[tilespmem:s30+$0x2870] =	vst v0  }
0x1d: {  	[tilespmem:s30+$0x2800] =	vst v0  }
0x1e: {  	[tilespmem:s30+$0x2810] =	vst v0  }
0x1f: {  	[tilespmem:s30+$0x2820] =	vst v0  }
0x20: {  	[tilespmem:s30+$0x2830] =	vst v0  }
0x21: {  	[tilespmem:s30+$0x2840] =	vst v0  }
0x22: {  	[tilespmem:s30+$0x2850] =	vst v0  }
0x23: {  	[tilespmem:s30+$0x2860] =	vst v0  }
0x24: {  	[spmem:s5] =	stream.linear.scatter [tilespmem:s16], [sflag:$0x3], $0x4000, $0x38;
	[tilespmem:$0x1E800] =	vst v63  }
0x25: {  	_ =	swait.ge [sflag:s17], $0x4000  }
0x26: {  	[sflag:s17] =	ssyncset.done $0x0  }
0x27: {  	[sflag:s17] =	ssyncadd.s32 $0xFFFFC000  }
0x28: {  	[spmem:s6] =	stream.linear.scatter [tilespmem:s16], [sflag:$0x3], $0x4000, $0x38;
	[tilespmem:$0x1E800] =	vst v63  }
0x29: {  	_ =	swait.ge [sflag:s17], $0x4000  }
0x2a: {  	[sflag:s17] =	ssyncset.done $0x0  }
0x2b: {  	[sflag:s17] =	ssyncadd.s32 $0xFFFFC000  }
0x2c: {  	[spmem:s7] =	stream.linear.scatter [tilespmem:s16], [sflag:$0x3], $0x4000, $0x38;
	[tilespmem:$0x1E800] =	vst v63  }
0x2d: {  	_ =	swait.ge [sflag:s17], $0x4000  }
0x2e: {  	[sflag:s17] =	ssyncset.done $0x0  }
0x2f: {  	[sflag:s17] =	ssyncadd.s32 $0xFFFFC000  }
0x30: {  	[spmem:s8] =	stream.linear.scatter [tilespmem:s16], [sflag:$0x3], $0x4000, $0x38;
	[tilespmem:$0x1E800] =	vst v63  }
0x31: {  	_ =	swait.ge [sflag:s17], $0x4000  }
0x32: {  	[sflag:s17] =	ssyncset.done $0x0  }
0x33: {  	[sflag:s17] =	ssyncadd.s32 $0xFFFFC000  }
0x34: {  	[spmem:s9] =	stream.linear.scatter [tilespmem:s16], [sflag:$0x3], $0x4000, $0x38;
	[tilespmem:$0x1E800] =	vst v63  }
0x35: {  	_ =	swait.ge [sflag:s17], $0x4000  }
0x36: {  	[sflag:s17] =	ssyncset.done $0x0  }
0x37: {  	[sflag:s17] =	ssyncadd.s32 $0xFFFFC000  }
0x38: {  	s30 =	simm.s32 $0x0;
	[bflag:$0x0] =	sbarrier.arrive $0xFFFF  }
0x39: {  	[tilespmem:s30], [sflag:$0x3] =	stream.linear.gather [hbm4b:s10+s30], $0x1400, $0x38;
	[tilespmem:$0x1E800] =	vst v63  }
0x3a: {  	_ =	swait.ge [sflag:s17], $0x1400  }
0x3b: {  	[sflag:s17] =	ssyncset.done $0x0  }
0x3c: {  	[sflag:s17] =	ssyncadd.s32 $0xFFFFEC00  }
0x3d: {  	[tilespmem:s18], [sflag:$0x3] =	stream.linear.gather [hbm4b:s11+s30], $0x1400, $0x38;
	[tilespmem:$0x1E800] =	vst v63  }
0x3e: {  	_ =	swait.ge [sflag:s17], $0x1400  }
0x3f: {  	[sflag:s17] =	ssyncset.done $0x0  }
0x40: {  	[sflag:s17] =	ssyncadd.s32 $0xFFFFEC00  }
0x41: {  	[tilespmem:s16], [sflag:$0x1] =	stream.indirect.gather [hbm4b:s4+s19], $0x80, s30, s19, $0xb8;
	[tilespmem:$0x1E800] =	vst v63  }
0x42: {  	_ = 	snop  }
0x43: {  	[tilespmem:s20], [sflag:$0x2] =	stream.indirect.gather [hbm4b:s4+s19], $0x80, s19, s19, $0xb8;
	[tilespmem:$0x1E800] =	vst v63  }
0x44: {  	_ =	swait.ge [sflag:s21], $0x4000  }
0x45: {  	[sflag:s21] =	ssyncset.done $0x0  }
0x46: {  	s30 =	simm.s32 $0x1400;
	[sflag:s21] =	ssyncadd.s32 $0xFFFFC000  }
0x47: {  	[spmem:s2] =	stream.indirect.scatter.add.f32 [tilespmem:s16], [sflag:$0x3], $0x80, s30, s19, $0xb8;
	[tilespmem:$0x1E800] =	vst v63  }
0x48: {  	_ =	swait.ge [sflag:s17], $0x4000  }
0x49: {  	[sflag:s17] =	ssyncset.done $0x0  }
0x4a: {  	s30 =	simm.s32 $0x100;
	[sflag:s17] =	ssyncadd.s32 $0xFFFFC000  }
0x4b: {  	[tilespmem:s16], [sflag:$0x1] =	stream.indirect.gather [hbm4b:s4+s19], $0x80, s30, s19, $0xb8;
	[tilespmem:$0x1E800] =	vst v63  }
0x4c: {  	_ =	swait.ge [sflag:s22], $0x4000  }
0x4d: {  	[sflag:s22] =	ssyncset.done $0x0  }
0x4e: {  	s30 =	simm.s32 $0x1480;
	[sflag:s22] =	ssyncadd.s32 $0xFFFFC000  }
0x4f: {  	[spmem:s2] =	stream.indirect.scatter.add.f32 [tilespmem:s20], [sflag:$0x3], $0x80, s30, s19, $0xb8;
	[tilespmem:$0x1E800] =	vst v63  }
0x50: {  	_ =	swait.ge [sflag:s17], $0x4000  }
0x51: {  	[sflag:s17] =	ssyncset.done $0x0  }
0x52: {  	s31 =	simm.s32 $0x180;
	s30 =	simm.s32 $0x400;
	[sflag:s17] =	ssyncadd.s32 $0xFFFFC000  }
.LBB2_4:
0x53: {  	[tilespmem:s20], [sflag:$0x2] =	stream.indirect.gather [hbm4b:s4+s19], $0x80, s31, s19, $0xb8;
	[tilespmem:$0x1E800] =	vst v63  }
0x54: {  	s31 =	smov.u32 s30  }
0x55: {  	p0 =	sne.s32 s30, $0x4400;
	s30 =	sadd.s32 $0x400, s30;
	_ =	swait.ge [sflag:s21], $0x4000  }
0x56: {  	s31 =	sshra.s32 s31, $0x2;
	[sflag:s21] =	ssyncset.done $0x0  }
0x57: {  	s0 =	sadd.s32 $0x1400, s31;
	[sflag:s21] =	ssyncadd.s32 $0xFFFFC000  }
0x58: {  	[spmem:s2] =	stream.indirect.scatter.add.f32 [tilespmem:s16], [sflag:$0x3], $0x80, s0, s19, $0xb8;
	[tilespmem:$0x1E800] =	vst v63  }
0x59: {  	_ =	swait.ge [sflag:s17], $0x4000  }
0x5a: {  	[sflag:s17] =	ssyncset.done $0x0  }
0x5b: {  	s0 =	sadd.s32 $0x100, s31;
	[sflag:s17] =	ssyncadd.s32 $0xFFFFC000  }
0x5c: {  	[tilespmem:s16], [sflag:$0x1] =	stream.indirect.gather [hbm4b:s4+s19], $0x80, s0, s19, $0xb8;
	[tilespmem:$0x1E800] =	vst v63  }
0x5d: {  	_ =	swait.ge [sflag:s22], $0x4000  }
0x5e: {  	[sflag:s22] =	ssyncset.done $0x0  }
.Ltmp1:
0x5f: {  	s0 =	sadd.s32 $0x1480, s31;
	[sflag:s22] =	ssyncadd.s32 $0xFFFFC000;
	(pc) =	sbr.rel @p0 .LBB2_4-.Ltmp1, $4  }
0x60: {  	[spmem:s2] =	stream.indirect.scatter.add.f32 [tilespmem:s20], [sflag:$0x3], $0x80, s0, s19, $0xb8;
	[tilespmem:$0x1E800] =	vst v63  }
0x61: {  	_ =	swait.ge [sflag:s17], $0x4000  }
0x62: {  	[sflag:s17] =	ssyncset.done $0x0  }
0x63: {  	s31 =	sadd.s32 $0x180, s31;
	[sflag:s17] =	ssyncadd.s32 $0xFFFFC000  }
0x64: {  	[tilespmem:s20], [sflag:$0x2] =	stream.indirect.gather [hbm4b:s4+s19], $0x80, s31, s19, $0xb8;
	[tilespmem:$0x1E800] =	vst v63  }
0x65: {  	_ =	swait.ge [sflag:s21], $0x4000  }
0x66: {  	[sflag:s21] =	ssyncset.done $0x0  }
0x67: {  	[sflag:s21] =	ssyncadd.s32 $0xFFFFC000  }
0x68: {  	[spmem:s2] =	stream.indirect.scatter.add.f32 [tilespmem:s16], [sflag:$0x3], $0x80, s23, s19, $0xb8;
	[tilespmem:$0x1E800] =	vst v63  }
0x69: {  	_ =	swait.ge [sflag:s17], $0x4000  }
0x6a: {  	[sflag:s17] =	ssyncset.done $0x0  }
0x6b: {  	[sflag:s17] =	ssyncadd.s32 $0xFFFFC000  }
0x6c: {  	[tilespmem:s16], [sflag:$0x1] =	stream.indirect.gather [hbm4b:s4+s19], $0x80, s24, s19, $0xb8;
	[tilespmem:$0x1E800] =	vst v63  }
0x6d: {  	_ =	swait.ge [sflag:s22], $0x4000  }
0x6e: {  	[sflag:s22] =	ssyncset.done $0x0  }
0x6f: {  	[sflag:s22] =	ssyncadd.s32 $0xFFFFC000  }
0x70: {  	[spmem:s2] =	stream.indirect.scatter.add.f32 [tilespmem:s20], [sflag:$0x3], $0x80, s25, s19, $0xb8;
	[tilespmem:$0x1E800] =	vst v63  }
0x71: {  	_ =	swait.ge [sflag:s17], $0x4000  }
0x72: {  	[sflag:s17] =	ssyncset.done $0x0  }
0x73: {  	[sflag:s17] =	ssyncadd.s32 $0xFFFFC000  }
0x74: {  	[tilespmem:s20], [sflag:$0x2] =	stream.indirect.gather [hbm4b:s4+s19], $0x80, s26, s19, $0xb8;
	[tilespmem:$0x1E800] =	vst v63  }
0x75: {  	_ =	swait.ge [sflag:s21], $0x4000  }
0x76: {  	[sflag:s21] =	ssyncset.done $0x0  }
0x77: {  	[sflag:s21] =	ssyncadd.s32 $0xFFFFC000  }
0x78: {  	[spmem:s2] =	stream.indirect.scatter.add.f32 [tilespmem:s16], [sflag:$0x3], $0x80, s28, s19, $0xb8;
	[tilespmem:$0x1E800] =	vst v63  }
0x79: {  	_ =	swait.ge [sflag:s17], $0x4000  }
0x7a: {  	[sflag:s17] =	ssyncset.done $0x0  }
0x7b: {  	[sflag:s17] =	ssyncadd.s32 $0xFFFFC000  }
0x7c: {  	[tilespmem:s16], [sflag:$0x1] =	stream.indirect.gather [hbm4b:s4+s19], $0x80, s26, s19, $0xb8;
	[tilespmem:$0x1E800] =	vst v63  }
0x7d: {  	_ =	swait.ge [sflag:s22], $0x4000  }
0x7e: {  	[sflag:s22] =	ssyncset.done $0x0  }
0x7f: {  	[sflag:s22] =	ssyncadd.s32 $0xFFFFC000  }
0x80: {  	[spmem:s2] =	stream.indirect.scatter.add.f32 [tilespmem:s20], [sflag:$0x3], $0x80, s29, s19, $0xb8;
	[tilespmem:$0x1E800] =	vst v63  }
0x81: {  	_ =	swait.ge [sflag:s17], $0x4000  }
0x82: {  	[sflag:s17] =	ssyncset.done $0x0  }
0x83: {  	[sflag:s17] =	ssyncadd.s32 $0xFFFFC000  }
0x84: {  	[tilespmem:s20], [sflag:$0x2] =	stream.indirect.gather [hbm4b:s4+s19], $0x80, s26, s19, $0xb8;
	[tilespmem:$0x1E800] =	vst v63  }
0x85: {  	_ =	swait.ge [sflag:s21], $0x4000  }
0x86: {  	[sflag:s21] =	ssyncset.done $0x0  }
0x87: {  	[sflag:s21] =	ssyncadd.s32 $0xFFFFC000  }
0x88: {  	_ =	swait.ge [sflag:s22], $0x4000  }
0x89: {  	[sflag:s22] =	ssyncset.done $0x0  }
0x8a: {  	s0 =	simm.s32 $0x0;
	[sflag:s22] =	ssyncadd.s32 $0xFFFFC000  }
0x8b: {  	[tilespmem:s0], [sflag:$0x3] =	stream.linear.gather [hbm4b:s12+s0], $0x1400, $0x38;
	[tilespmem:$0x1E800] =	vst v63  }
0x8c: {  	_ =	swait.ge [sflag:s17], $0x1400  }
0x8d: {  	[sflag:s17] =	ssyncset.done $0x0  }
0x8e: {  	[sflag:s17] =	ssyncadd.s32 $0xFFFFEC00  }
0x8f: {  	[tilespmem:s18], [sflag:$0x3] =	stream.linear.gather [hbm4b:s13+s0], $0x1400, $0x38;
	[tilespmem:$0x1E800] =	vst v63  }
0x90: {  	_ =	swait.ge [sflag:s17], $0x1400  }
0x91: {  	[sflag:s17] =	ssyncset.done $0x0  }
0x92: {  	[sflag:s17] =	ssyncadd.s32 $0xFFFFEC00  }
0x93: {  	[tilespmem:s16], [sflag:$0x1] =	stream.indirect.gather [hbm4b:s4+s19], $0x80, s0, s19, $0xb8;
	[tilespmem:$0x1E800] =	vst v63  }
0x94: {  	_ = 	snop  }
0x95: {  	[tilespmem:s20], [sflag:$0x2] =	stream.indirect.gather [hbm4b:s4+s19], $0x80, s19, s19, $0xb8;
	[tilespmem:$0x1E800] =	vst v63  }
0x96: {  	_ =	swait.ge [sflag:s21], $0x4000  }
0x97: {  	[sflag:s21] =	ssyncset.done $0x0  }
0x98: {  	s0 =	simm.s32 $0x1400;
	[sflag:s21] =	ssyncadd.s32 $0xFFFFC000  }
0x99: {  	[spmem:s2] =	stream.indirect.scatter.add.f32 [tilespmem:s16], [sflag:$0x3], $0x80, s0, s19, $0xb8;
	[tilespmem:$0x1E800] =	vst v63  }
0x9a: {  	_ =	swait.ge [sflag:s17], $0x4000  }
0x9b: {  	[sflag:s17] =	ssyncset.done $0x0  }
0x9c: {  	s0 =	simm.s32 $0x100;
	[sflag:s17] =	ssyncadd.s32 $0xFFFFC000  }
0x9d: {  	[tilespmem:s16], [sflag:$0x1] =	stream.indirect.gather [hbm4b:s4+s19], $0x80, s0, s19, $0xb8;
	[tilespmem:$0x1E800] =	vst v63  }
0x9e: {  	_ =	swait.ge [sflag:s22], $0x4000  }
0x9f: {  	[sflag:s22] =	ssyncset.done $0x0  }
0xa0: {  	s0 =	simm.s32 $0x1480;
	[sflag:s22] =	ssyncadd.s32 $0xFFFFC000  }
0xa1: {  	[spmem:s2] =	stream.indirect.scatter.add.f32 [tilespmem:s20], [sflag:$0x3], $0x80, s0, s19, $0xb8;
	[tilespmem:$0x1E800] =	vst v63  }
0xa2: {  	_ =	swait.ge [sflag:s17], $0x4000  }
0xa3: {  	[sflag:s17] =	ssyncset.done $0x0  }
0xa4: {  	s30 =	simm.s32 $0x400;
	s31 =	simm.s32 $0x180;
	[sflag:s17] =	ssyncadd.s32 $0xFFFFC000  }
.LBB2_6:
0xa5: {  	[tilespmem:s20], [sflag:$0x2] =	stream.indirect.gather [hbm4b:s4+s19], $0x80, s31, s19, $0xb8;
	[tilespmem:$0x1E800] =	vst v63  }
0xa6: {  	s0 =	smov.u32 s30  }
0xa7: {  	p0 =	sne.s32 s30, $0x4400;
	s30 =	sadd.s32 $0x400, s30;
	_ =	swait.ge [sflag:s21], $0x4000  }
0xa8: {  	s0 =	sshra.s32 s0, $0x2;
	[sflag:s21] =	ssyncset.done $0x0  }
0xa9: {  	s31 =	sadd.s32 $0x1400, s0;
	[sflag:s21] =	ssyncadd.s32 $0xFFFFC000  }
0xaa: {  	[spmem:s2] =	stream.indirect.scatter.add.f32 [tilespmem:s16], [sflag:$0x3], $0x80, s31, s19, $0xb8;
	[tilespmem:$0x1E800] =	vst v63  }
0xab: {  	_ =	swait.ge [sflag:s17], $0x4000  }
0xac: {  	[sflag:s17] =	ssyncset.done $0x0  }
0xad: {  	s31 =	sadd.s32 $0x100, s0;
	[sflag:s17] =	ssyncadd.s32 $0xFFFFC000  }
0xae: {  	[tilespmem:s16], [sflag:$0x1] =	stream.indirect.gather [hbm4b:s4+s19], $0x80, s31, s19, $0xb8;
	[tilespmem:$0x1E800] =	vst v63  }
0xaf: {  	_ =	swait.ge [sflag:s22], $0x4000  }
0xb0: {  	[sflag:s22] =	ssyncset.done $0x0  }
.Ltmp2:
0xb1: {  	s31 =	sadd.s32 $0x1480, s0;
	[sflag:s22] =	ssyncadd.s32 $0xFFFFC000;
	(pc) =	sbr.rel @p0 .LBB2_6-.Ltmp2, $4  }
0xb2: {  	[spmem:s2] =	stream.indirect.scatter.add.f32 [tilespmem:s20], [sflag:$0x3], $0x80, s31, s19, $0xb8;
	[tilespmem:$0x1E800] =	vst v63  }
0xb3: {  	_ =	swait.ge [sflag:s17], $0x4000  }
0xb4: {  	[sflag:s17] =	ssyncset.done $0x0  }
0xb5: {  	s31 =	sadd.s32 $0x180, s0;
	[sflag:s17] =	ssyncadd.s32 $0xFFFFC000  }
0xb6: {  	[tilespmem:s20], [sflag:$0x2] =	stream.indirect.gather [hbm4b:s4+s19], $0x80, s31, s19, $0xb8;
	[tilespmem:$0x1E800] =	vst v63  }
0xb7: {  	_ =	swait.ge [sflag:s21], $0x4000  }
0xb8: {  	[sflag:s21] =	ssyncset.done $0x0  }
0xb9: {  	[sflag:s21] =	ssyncadd.s32 $0xFFFFC000  }
0xba: {  	[spmem:s2] =	stream.indirect.scatter.add.f32 [tilespmem:s16], [sflag:$0x3], $0x80, s23, s19, $0xb8;
	[tilespmem:$0x1E800] =	vst v63  }
0xbb: {  	_ =	swait.ge [sflag:s17], $0x4000  }
0xbc: {  	[sflag:s17] =	ssyncset.done $0x0  }
0xbd: {  	[sflag:s17] =	ssyncadd.s32 $0xFFFFC000  }
0xbe: {  	[tilespmem:s16], [sflag:$0x1] =	stream.indirect.gather [hbm4b:s4+s19], $0x80, s24, s19, $0xb8;
	[tilespmem:$0x1E800] =	vst v63  }
0xbf: {  	_ =	swait.ge [sflag:s22], $0x4000  }
0xc0: {  	[sflag:s22] =	ssyncset.done $0x0  }
0xc1: {  	[sflag:s22] =	ssyncadd.s32 $0xFFFFC000  }
0xc2: {  	[spmem:s2] =	stream.indirect.scatter.add.f32 [tilespmem:s20], [sflag:$0x3], $0x80, s25, s19, $0xb8;
	[tilespmem:$0x1E800] =	vst v63  }
0xc3: {  	_ =	swait.ge [sflag:s17], $0x4000  }
0xc4: {  	[sflag:s17] =	ssyncset.done $0x0  }
0xc5: {  	[sflag:s17] =	ssyncadd.s32 $0xFFFFC000  }
0xc6: {  	[tilespmem:s20], [sflag:$0x2] =	stream.indirect.gather [hbm4b:s4+s19], $0x80, s26, s19, $0xb8;
	[tilespmem:$0x1E800] =	vst v63  }
0xc7: {  	_ =	swait.ge [sflag:s21], $0x4000  }
0xc8: {  	[sflag:s21] =	ssyncset.done $0x0  }
0xc9: {  	[sflag:s21] =	ssyncadd.s32 $0xFFFFC000  }
0xca: {  	[spmem:s2] =	stream.indirect.scatter.add.f32 [tilespmem:s16], [sflag:$0x3], $0x80, s28, s19, $0xb8;
	[tilespmem:$0x1E800] =	vst v63  }
0xcb: {  	_ =	swait.ge [sflag:s17], $0x4000  }
0xcc: {  	[sflag:s17] =	ssyncset.done $0x0  }
0xcd: {  	[sflag:s17] =	ssyncadd.s32 $0xFFFFC000  }
0xce: {  	[tilespmem:s16], [sflag:$0x1] =	stream.indirect.gather [hbm4b:s4+s19], $0x80, s26, s19, $0xb8;
	[tilespmem:$0x1E800] =	vst v63  }
0xcf: {  	_ =	swait.ge [sflag:s22], $0x4000  }
0xd0: {  	[sflag:s22] =	ssyncset.done $0x0  }
0xd1: {  	[sflag:s22] =	ssyncadd.s32 $0xFFFFC000  }
0xd2: {  	[spmem:s2] =	stream.indirect.scatter.add.f32 [tilespmem:s20], [sflag:$0x3], $0x80, s29, s19, $0xb8;
	[tilespmem:$0x1E800] =	vst v63  }
0xd3: {  	_ =	swait.ge [sflag:s17], $0x4000  }
0xd4: {  	[sflag:s17] =	ssyncset.done $0x0  }
0xd5: {  	[sflag:s17] =	ssyncadd.s32 $0xFFFFC000  }
0xd6: {  	[tilespmem:s20], [sflag:$0x2] =	stream.indirect.gather [hbm4b:s4+s19], $0x80, s26, s19, $0xb8;
	[tilespmem:$0x1E800] =	vst v63  }
0xd7: {  	_ =	swait.ge [sflag:s21], $0x4000  }
0xd8: {  	[sflag:s21] =	ssyncset.done $0x0  }
0xd9: {  	[sflag:s21] =	ssyncadd.s32 $0xFFFFC000  }
0xda: {  	_ =	swait.ge [sflag:s22], $0x4000  }
0xdb: {  	s0 =	sshll.u32 s1, $0x6;
	s3 =	sadd.s32 $0x1, s3;
	[sflag:s22] =	ssyncset.done $0x0  }
0xdc: {  	s30 =	sshrl.u32 s5, $0x3;
	p0 =	sne.s32 s3, s15;
	[sflag:s22] =	ssyncadd.s32 $0xFFFFC000  }
.Ltmp3:
0xdd: {  	s0 =	sor.u32 $0x1C03, s0;
	[bflag:$0x0] =	sbarrier.arrive $0xFFFF;
	(pc) =	sbr.rel @p0 .LBB2_1-.Ltmp3, $4  }
0xde: {  	[hbm:s14], [sflag:s0] =	dma.local [spmem:s30], $0x2800  }
0xdf: {  	_ =	swait.ge [sflag:s17], $0x2800  }
0xe0: {  	[sflag:s17] =	ssyncset.done $0x0  }
0xe1: {  	[sflag:s17] =	ssyncadd.s32 $0xFFFFD800  }
0xe2: {  	_ =	sfence.sel $0x180000  }
0xe3: {  	[bflag:$0x0] =	sbarrier.arrive $0xFFFF  }
0xe4: {  	_ =	strace $0x9000004D  }
0xe5: {  	[bflag:$0x2] =	sbarrier.arrive $0xFFFF  }
0xe6: {  	p0 =	sne.s32 s1, $0x0;
	s0 =	rddreg [dreg:$0x2]  }
0xe7: {  	s0 =	sadd.s32 @!p0 $0x100000, s0  }
0xe8: {  	[sflag:s0] =	ssyncadd.tile.s32 @!p0 $0x1;
	_ =	shalt  }
.Lfunc_end2:
_tile_overlayer_lowered:
.L_overlay_start_2:
0xe9: {  	(tag) =	ssettag $0x2  }
0xea: {  	s0 =	rddreg [dreg:$0x0];
	s2 =	stileid.u32  }
0xeb: {  	s1 =	rddreg [dreg:$0x1];
	p0 =	sne.s32 s2, $0x0  }
0xec: {  	s3 =	rddreg [dreg:$0x2];
	[bflag:$0x3] =	sbarrier.arrive $0xFFFF;
	s2 =	simm.s32 @!p0 $0x1C03  }
0xed: {  	[timem:s3], [sflag:s2] =	dma.local @!p0 [hbm:s0], s1  }
0xee: {  	s0 =	simm.s32 @!p0 $0x3  }
0xef: {  	_ =	swait.ge @!p0 [sflag:s0], s1  }
0xf0: {  	s1 =	ssub.s32 @!p0 $0x0, s1;
	[sflag:s0] =	ssyncset.done @!p0 $0x0  }
0xf1: {  	[sflag:s0] =	ssyncadd.s32 @!p0 s1  }
0xf2: {  	[bflag:$0x3] =	sbarrier.arrive $0xFFFF  }
0xf3: {  	_ =	shalt  }

// kernel: kernel.9.cloned.1.call-start
scs
__scs_entry_jumppad:
0x0: {  	(pc) =	sbr.rel $0x88, $3  }
0x1: {  	(tag) =	ssettag $0x0;
	lr =	simm.s32 $0x1  }
0x2: {  	[smem:$0x3F93] =	sst lr;
	_ =	strace $0xD0000000  }
0x3: {  	_ = 	snop  }
0x4: {  	_ = 	snop  }
0x5: {  	_ = 	snop  }
0x6: {  	_ = 	snop  }
0x7: {  	_ = 	snop  }
__scs_overlays_trampoline_lowered:
0x8: {  	[smem:$0x3FA2] =	sst s0  }
0x9: {  	[smem:$0x3FA3] =	sst s1  }
0xa: {  	[smem:$0x3FA4] =	sst s2  }
0xb: {  	[smem:$0x3FA5] =	sst s3  }
0xc: {  	[smem:$0x3FA6] =	sst s4  }
0xd: {  	[smem:$0x3FA7] =	sst s5  }
0xe: {  	[smem:$0x3FA8] =	sst s6  }
0xf: {  	[smem:$0x3FA9] =	sst s7  }
0x10: {  	[smem:$0x3FAA] =	sst s8  }
0x11: {  	[smem:$0x3FAB] =	sst s9;
	s0 =	simm.s32 @!p0 $0x0  }
0x12: {  	s1 =	sld [smem:$0x3F91];
	s0 =	simm.s32 @p0 $0x1  }
0x13: {  	[smem:$0x3FAC] =	sst s0;
	s0 =	simm.s32 @!p1 $0x0  }
0x14: {  	s2 =	sld [smem:$0x3F90];
	s0 =	simm.s32 @p1 $0x1  }
0x15: {  	[smem:$0x3FAD] =	sst s0;
	s0 =	simm.s32 @!p2 $0x0  }
0x16: {  	s3 =	sld [smem:$0x3FDB];
	s0 =	simm.s32 @p2 $0x1  }
0x17: {  	s4 =	simm.s32 $0x1BF5;
	[smem:$0x3FAF] =	sst s0  }
0x18: {  	s0 =	sld [smem:$0x3F92];
	_ =	swait.ge [sflag:s4], $0x0  }
0x19: {  	s7 =	sld [smem:$0x3F93]  }
0x1a: {  	s8 =	sadd.s32 $0xFFFFE003, lr  }
0x1b: {  	s9 =	sadd.s32 $0xFFFFFEF7, lr;
	s5 =	simm.s32 $0xFFFFFFFF;
	p2 =	slt.u32 s8, $0xFFFFF086  }
0x1c: {  	p1 =	slt.u32 s9, $0xF7A;
	s5 =	simm.s32 @!p2 $0x0  }
0x1d: {  	s5 =	simm.s32 @p1 $0x1;
	p0 =	seq.s32 s7, s2  }
0x1e: {  	s7 =	smul.u32 @!p0 $0xF7A, s2;
	p2 =	seq.s32 @!p0 s5, $0x0  }
0x1f: {  	s9 =	smul.u32 $0xF7A, s1;
	s8 =	simm.s32 @!p0 $0x1BF5;
	p2 =	por !p2, p0  }
0x20: {  	[sflag:s8] =	ssyncset.s32 @!p0 $0xFFFFF086;
	s6 =	sadd.s32 @!p0 s3, s7;
	s7 =	simm.s32 @!p0 $0x108  }
0x21: {  	s3 =	sadd.s32 s3, s9;
	s6 =	sadd.s32 @!p0 $0x88, s6;
	s7 =	simm.s32 @p2 $0x1082  }
0x22: {  	[simem:s7], [sflag:s8] =	dma.local @!p0 [hbm:s6], $0xF7A  }
0x23: {  	s9 =	sor.u32 $0xD0000000, s2;
	s6 =	simm.s32 $0x108;
	_ =	swait.ge @!p0 [sflag:s8], $0x0  }
0x24: {  	s3 =	sadd.s32 $0x88, s3;
	s6 =	simm.s32 @!p1 $0x1082;
	[sflag:s4] =	ssyncset.s32 $0xFFFFF086  }
0x25: {  	[simem:s6], [sflag:s4] =	dma.local [hbm:s3], $0xF7A  }
0x26: {  	[smem:$0x3F93] =	sst s1;
	(tag) =	ssettag s2;
	_ =	strace s9  }
0x27: {  	s1 =	sld [smem:$0x3FA3]  }
0x28: {  	s2 =	sld [smem:$0x3FA4]  }
0x29: {  	s4 =	sld [smem:$0x3FA6]  }
0x2a: {  	p0 =	seq.s32 s5, $0x0;
	s5 =	sld [smem:$0x3FA7]  }
0x2b: {  	s6 =	sld [smem:$0x3FA8]  }
0x2c: {  	s7 =	sld [smem:$0x3FA9]  }
0x2d: {  	s3 =	simm.s32 $0x108;
	s8 =	sld [smem:$0x3FAA]  }
0x2e: {  	s3 =	simm.s32 @!p0 $0x1082;
	s9 =	sld [smem:$0x3FAB]  }
0x2f: {  	lr =	sadd.s32 s0, s3;
	s0 =	sld [smem:$0x3FA2]  }
0x30: {  	s3 =	sld [smem:$0x3FA5]  }
0x31: {  	[smem:$0x3FAE] =	sst s10  }
0x32: {  	s10 =	sld [smem:$0x3FAC];
	_ =	sdelay $0x3  }
0x33: {  	p0 =	seq.s32 s10, $0x1;
	s10 =	sld [smem:$0x3FAE];
	_ =	sdelay $0x3  }
0x34: {  	[smem:$0x3FAE] =	sst s10  }
0x35: {  	s10 =	sld [smem:$0x3FAD];
	_ =	sdelay $0x3  }
0x36: {  	p1 =	seq.s32 s10, $0x1;
	s10 =	sld [smem:$0x3FAE];
	_ =	sdelay $0x3  }
0x37: {  	[smem:$0x3FAE] =	sst s10  }
0x38: {  	s10 =	sld [smem:$0x3FAF]  }
0x39: {  	_ = 	snop;
	(pc) =	sbr.ind lr, $3  }
0x3a: {  	_ = 	snop  }
0x3b: {  	_ = 	snop  }
0x3c: {  	p2 =	seq.s32 s10, $0x1;
	s10 =	sld [smem:$0x3FAE]  }
0x3d: {  	_ =	shalt  }
0x3e: {  	_ =	shalt  }
0x3f: {  	_ =	shalt  }
0x40: {  	_ =	shalt  }
0x41: {  	_ =	shalt  }
0x42: {  	_ =	shalt  }
0x43: {  	_ =	shalt  }
0x44: {  	_ =	shalt  }
0x45: {  	_ =	shalt  }
0x46: {  	_ =	shalt  }
0x47: {  	_ =	shalt  }
0x48: {  	_ =	shalt  }
0x49: {  	_ =	shalt  }
0x4a: {  	_ =	shalt  }
0x4b: {  	_ =	shalt  }
0x4c: {  	_ =	shalt  }
0x4d: {  	_ =	shalt  }
0x4e: {  	_ =	shalt  }
0x4f: {  	_ =	shalt  }
0x50: {  	_ =	shalt  }
0x51: {  	_ =	shalt  }
0x52: {  	_ =	shalt  }
0x53: {  	_ =	shalt  }
0x54: {  	_ =	shalt  }
0x55: {  	_ =	shalt  }
0x56: {  	_ =	shalt  }
0x57: {  	_ =	shalt  }
0x58: {  	_ =	shalt  }
0x59: {  	_ =	shalt  }
0x5a: {  	_ =	shalt  }
0x5b: {  	_ =	shalt  }
0x5c: {  	_ =	shalt  }
0x5d: {  	_ =	shalt  }
0x5e: {  	_ =	shalt  }
0x5f: {  	_ =	shalt  }
0x60: {  	_ =	shalt  }
0x61: {  	_ =	shalt  }
0x62: {  	_ =	shalt  }
0x63: {  	_ =	shalt  }
0x64: {  	_ =	shalt  }
0x65: {  	_ =	shalt  }
0x66: {  	_ =	shalt  }
0x67: {  	_ =	shalt  }
0x68: {  	_ =	shalt  }
0x69: {  	_ =	shalt  }
0x6a: {  	_ =	shalt  }
0x6b: {  	_ =	shalt  }
0x6c: {  	_ =	shalt  }
0x6d: {  	_ =	shalt  }
0x6e: {  	_ =	shalt  }
0x6f: {  	_ =	shalt  }
0x70: {  	_ =	shalt  }
0x71: {  	_ =	shalt  }
0x72: {  	_ =	shalt  }
0x73: {  	_ =	shalt  }
0x74: {  	_ =	shalt  }
0x75: {  	_ =	shalt  }
0x76: {  	_ =	shalt  }
0x77: {  	_ =	shalt  }
0x78: {  	_ =	shalt  }
0x79: {  	_ =	shalt  }
0x7a: {  	_ =	shalt  }
0x7b: {  	_ =	shalt  }
0x7c: {  	_ =	shalt  }
0x7d: {  	_ =	shalt  }
0x7e: {  	_ =	shalt  }
0x7f: {  	_ =	shalt  }
0x80: {  	_ =	shalt  }
0x81: {  	_ =	shalt  }
0x82: {  	_ =	shalt  }
0x83: {  	_ =	shalt  }
0x84: {  	_ =	shalt  }
0x85: {  	_ =	shalt  }
0x86: {  	_ =	shalt  }
0x87: {  	_ =	shalt  }
.Lfunc_end0:
.L_simem_size_0:
called_computation_lowered:
.L_overlay_start_0:
0x88: {  	s2 =	sld [smem:$0x3FD9]  }
0x89: {  	s3 =	sld [smem:$0x3FFE];
	_ =	sdelay $0x1  }
0x8a: {  	s1 =	srdreg.scid  }
0x8b: {  	s0 =	sand.u32 $0x1, s1  }
0x8c: {  	s16 =	sshll.u32 s0, $0xA;
	s2 =	sadd.s32 s3, s2  }
0x8d: {  	s2 =	sadd.s32 s2, s16  }
0x8e: {  	[smem:$0x3FBA] =	sst s2  }
0x8f: {  	_ = 	snop  }
0x90: {  	(tm) =	ssettm $0x1  }
0x91: {  	s17 =	sld [smem:$0x3FFB];
	_ =	sdelay $0x3  }
0x92: {  	_ =	strace s17  }
0x93: {  	s2 =	sld [smem:$0x3FFC];
	_ =	sdelay $0x3  }
0x94: {  	_ =	strace s2  }
0x95: {  	s2 =	sld [smem:$0x3FFD];
	_ =	sdelay $0x3  }
0x96: {  	_ =	strace s2  }
0x97: {  	_ =	strace $0x8FFFFFFF  }
0x98: {  	s18 =	sld [smem:$0x3FDB];
	_ =	sdelay $0x1  }
0x99: {  	s19 =	simm.s32 $_scs_section_size  }
0x9a: {  	s4 =	simm.s32 $_size__tile_overlayer_lowered;
	s5 =	simm.s32 $_tile_overlayer_lowered  }
0x9b: {  	s22 =	simm.s32 $0x1BFF;
	s21 =	sshll.u32 s5, $0x1;
	s2 =	sadd.s32 s19, s18  }
0x9c: {  	s6 =	simm.s32 $0x0;
	s20 =	sshll.u32 s4, $0x1;
	s4 =	sadd.s32 s21, s2  }
0x9d: {  	[timem:s6], [sflag:s22] =	dma.local [hbm:s4], s20  }
0x9e: {  	_ =	swait.ge [sflag:s22], s20  }
0x9f: {  	s3 =	ssub.s32 $0x0, s20;
	[sflag:s22] =	ssyncset.done $0x0  }
0xa0: {  	[sflag:s22] =	ssyncadd.s32 s3;
	_ =	sdelay $0x1  }
0xa1: {  	s23 =	simm.s32 $0x1B8B  }
0xa2: {  	_ =	swait.ge [sflag:s23], $0x1  }
0xa3: {  	[sflag:s23] =	ssyncset.done $0x0  }
0xa4: {  	s25 =	simm.s32 $0x1B8E;
	s24 =	sld [smem:$0x3FFE];
	[sflag:s23] =	ssyncadd.s32 $0xFFFFFFFF  }
0xa5: {  	s26 =	simm.s32 $execute0_lowered;
	[smem:$0x3FD2] =	sst s25  }
0xa6: {  	s4 =	sshll.u32 s26, $0x1;
	_ =	strace $0x80000046;
	[dreg:$0x1] =	wrdreg $0xFFFFFFFF  }
0xa7: {  	s28 =	simm.s32 $_size_execute0_lowered;
	s2 =	sadd.s32 s2, s4;
	[dreg:$0x0] =	wrdreg $0x0  }
0xa8: {  	s4 =	sshll.u32 s28, $0x1;
	[dreg:$0x2] =	wrdreg s2  }
0xa9: {  	[dreg:$0x3] =	wrdreg s4  }
0xaa: {  	[dreg:$0x4] =	wrdreg $0xC0  }
0xab: {  	_ =	task [dreg:s6], $0x5FFFF  }
0xac: {  	[dreg:$0x1] =	wrdreg $0xFFFFFFFF  }
0xad: {  	[dreg:$0x0] =	wrdreg $0x60  }
0xae: {  	[dreg:$0x2] =	wrdreg s24  }
0xaf: {  	[dreg:$0x3] =	wrdreg $0xAB000  }
0xb0: {  	[dreg:$0x4] =	wrdreg $0x1EB000  }
0xb1: {  	[dreg:$0x5] =	wrdreg $0x9  }
0xb2: {  	_ =	task.clear_ibuf [dreg:s6], $0x6FFFF;
	_ =	strace $0x90000046  }
0xb3: {  	s29 =	simm.s32 $0x9;
	_ =	strace $0x80000048  }
0xb4: {  	_ =	swait.ge [sflag:s29], $0x1  }
0xb5: {  	[sflag:s29] =	ssyncadd.s32 $0xFFFFFFFF  }
0xb6: {  	_ =	strace $0x90000048  }
0xb7: {  	_ =	sfence  }
0xb8: {  	s30 =	sld [smem:$0x0];
	_ =	sdelay $0x2  }
0xb9: {  	s31 =	sshll.u32 s1, $0xD;
	s1 =	sshrl.u32 s1, $0x2  }
0xba: {  	s3 =	sand.u32 $0x4000, s31;
	s1 =	sadd.s32 s1, s30  }
0xbb: {  	s0 =	sor.u32 s3, s0;
	s1 =	sshll.u32 s1, $0x11  }
0xbc: {  	s0 =	sor.u32 s1, s0  }
0xbd: {  	s0 =	sadd.s32 $0x8F2B, s0  }
0xbe: {  	[sflag:s0] =	ssyncadd.remote.s32 $0x1  }
0xbf: {  	_ =	sfence.sel $0xFFFF  }
0xc0: {  	[dreg:$0x0] =	wrdreg $0xFFFFFFFF;
	(pc) =	sbr.abs _section_cstart, $3  }
0xc1: {  	[dreg:$0x1] =	wrdreg $0xFFFFFFFF  }
0xc2: {  	_ =	task.clear_ibuf [dreg:s6], $0x2FFFF;
	_ =	strace $0x9FFFFFFF  }
0xc3: {  	(tm) =	ssettm $0x7FFFFFFF  }
tec
execute0_lowered:
.L_overlay_start_1:
0x0: {  	(tag) =	ssettag $0x1  }
0x1: {  	s0 =	rddreg [dreg:$0x0]  }
0x2: {  	s1 =	rddreg [dreg:$0x1]  }
0x3: {  	s2 =	rddreg [dreg:$0x2];
	s3 =	srdreg.scid  }
0x4: {  	s4 =	simm.s32 $0x0;
	s10 =	stileid.u32;
	s28 =	simm.s32 $0x2  }
0x5: {  	s29 =	simm.s32 $0x2600;
	s30 =	simm.s32 $0x1300;
	s7 =	smul.u32 $0x14000, s10  }
0x6: {  	s31 =	simm.s32 $0x2680;
	s3 =	sand.u32 $0x1, s3;
	s19 =	smul.u32 $0x500, s10  }
0x7: {  	[smem:$0x7FF] =	sst s4;
	s5 =	sadd.s32 $0x3000, s0;
	s22 =	smul.u32 $0x50000, s10  }
0x8: {  	s8 =	sadd.s32 $0x2B000, s0;
	s15 =	sadd.s32 $0x35000, s0;
	s6 =	smul.u32 $0x140000, s3  }
0x9: {  	_ =	strace $0x80000047;
	s9 =	sshll.u32 s3, $0x7;
	s21 =	ssub.s32 $0x2, s3  }
0xa: {  	s3 =	sshll.u32 s3, $0x4;
	s20 =	sor.u32 s9, s19;
	s23 =	sshrl.u32 s21, $0x1  }
0xb: {  	s3 =	sor.u32 s10, s3;
	s9 =	sshrl.u32 s22, $0x2;
	s10 =	smul.u32 $0xA00, s10  }
0xc: {  	s19 =	simm.s32 $0x2800;
	s22 =	simm.s32 $0x1400;
	s11 =	smul.u32 $0x2800, s3  }
0xd: {  	s6 =	sadd.s32 s7, s6;
	s7 =	ssub.s32 s21, s23;
	s3 =	smul.u32 $0x500, s3  }
0xe: {  	s23 =	simm.s32 $0x80;
	s21 =	simm.s32 $0x2700;
	s6 =	sshrl.u32 s6, $0x3  }
0xf: {  	s12 =	sshrl.u32 s10, $0x2;
	s18 =	smax.u32 s7, $0x1;
	s10 =	simm.s32 $0x10  }
0x10: {  	s16 =	sadd.s32 s6, s0;
	s6 =	sshrl.u32 s20, $0x3;
	s13 =	sshrl.u32 s11, $0x3  }
0x11: {  	s11 =	sadd.s32 s12, s2;
	s12 =	sadd.s32 s8, s3;
	s20 =	simm.s32 $0x3  }
0x12: {  	s0 =	sadd.s32 s6, s0;
	s6 =	sadd.s32 s9, s1;
	s17 =	sadd.s32 $0x280, s13  }
0x13: {  	s13 =	sadd.s32 s15, s3;
	s16 =	sadd.s32 $0x3FA00, s16;
	s9 =	sadd.s32 $0x4000, s6  }
0x14: {  	s3 =	simm.s32 $0x2780;
	s24 =	sadd.s32 $0x8000, s6;
	[dreg:$0x4] =	wrdreg s9  }
0x15: {  	s25 =	sadd.s32 $0xC000, s6;
	s26 =	sadd.s32 $0x10000, s6;
	[dreg:$0x5] =	wrdreg s24  }
0x16: {  	s14 =	sadd.s32 s8, s17;
	s15 =	sadd.s32 s15, s17;
	[dreg:$0x6] =	wrdreg s25  }
0x17: {  	s17 =	sadd.s32 $0x3F000, s0;
	s0 =	simm.s32 $0x1380;
	[dreg:$0x7] =	wrdreg s26  }
0x18: {  	v0 =	vimm.f32 $0.0e+00;
	v1 =	vimm.f32 $1.000000000e+00;
	s24 =	simm.s32 $0x6800;
	s25 =	simm.s32 $0x1;
	s26 =	simm.s32 $0xA800  }
.LBB2_1:
0x19: {  	s7 =	simm.s32 $0x0;
	s8 =	simm.s32 $0x200  }
.LBB2_2:
0x1a: {  	p0 =	sne.s32 s8, $0xFE00;
	[tilespmem:s7+$0x2870] =	vst v0  }
0x1b: {  	[tilespmem:s7+$0x2800] =	vst v0  }
0x1c: {  	[tilespmem:s7+$0x2810] =	vst v0  }
.Ltmp0:
0x1d: {  	[tilespmem:s7+$0x2820] =	vst v0;
	(pc) =	sbr.rel @p0 .LBB2_2-.Ltmp0, $4  }
0x1e: {  	[tilespmem:s7+$0x2830] =	vst v0  }
0x1f: {  	[tilespmem:s7+$0x2840] =	vst v0  }
0x20: {  	[tilespmem:s7+$0x2850] =	vst v0  }
0x21: {  	[tilespmem:s7+$0x2860] =	vst v0;
	s7 =	sshra.s32 s8, $0x2;
	s8 =	sadd.s32 $0x200, s8  }
0x22: {  	[tilespmem:s7+$0x2870] =	vst v0  }
0x23: {  	[tilespmem:s7+$0x2800] =	vst v0  }
0x24: {  	[tilespmem:s7+$0x2810] =	vst v0  }
0x25: {  	[tilespmem:s7+$0x2820] =	vst v0  }
0x26: {  	[tilespmem:s7+$0x2830] =	vst v0  }
0x27: {  	[tilespmem:s7+$0x2840] =	vst v0  }
0x28: {  	[tilespmem:s7+$0x2850] =	vst v0  }
0x29: {  	[tilespmem:s7+$0x2860] =	vst v0  }
0x2a: {  	[spmem:s6] =	stream.linear.scatter [tilespmem:s19], [sflag:$0x3], $0x4000, $0x38;
	[tilespmem:$0x1ED80] =	vst v63  }
0x2b: {  	_ =	swait.ge [sflag:s20], $0x4000  }
0x2c: {  	[sflag:s20] =	ssyncset.done $0x0  }
0x2d: {  	s9 =	rddreg [dreg:$0x4];
	[sflag:s20] =	ssyncadd.s32 $0xFFFFC000  }
0x2e: {  	[spmem:s9] =	stream.linear.scatter [tilespmem:s19], [sflag:$0x3], $0x4000, $0x38;
	[tilespmem:$0x1ED80] =	vst v63  }
0x2f: {  	_ =	swait.ge [sflag:s20], $0x4000  }
0x30: {  	[sflag:s20] =	ssyncset.done $0x0  }
0x31: {  	s8 =	rddreg [dreg:$0x5];
	[sflag:s20] =	ssyncadd.s32 $0xFFFFC000  }
0x32: {  	[spmem:s8] =	stream.linear.scatter [tilespmem:s19], [sflag:$0x3], $0x4000, $0x38;
	[tilespmem:$0x1ED80] =	vst v63  }
0x33: {  	_ =	swait.ge [sflag:s20], $0x4000  }
0x34: {  	[sflag:s20] =	ssyncset.done $0x0  }
0x35: {  	s9 =	rddreg [dreg:$0x6];
	[sflag:s20] =	ssyncadd.s32 $0xFFFFC000  }
0x36: {  	[spmem:s9] =	stream.linear.scatter [tilespmem:s19], [sflag:$0x3], $0x4000, $0x38;
	[tilespmem:$0x1ED80] =	vst v63  }
0x37: {  	_ =	swait.ge [sflag:s20], $0x4000  }
0x38: {  	[sflag:s20] =	ssyncset.done $0x0  }
0x39: {  	s8 =	rddreg [dreg:$0x7];
	[sflag:s20] =	ssyncadd.s32 $0xFFFFC000  }
0x3a: {  	[spmem:s8] =	stream.linear.scatter [tilespmem:s19], [sflag:$0x3], $0x4000, $0x38;
	[tilespmem:$0x1ED80] =	vst v63  }
0x3b: {  	_ =	swait.ge [sflag:s20], $0x4000  }
0x3c: {  	[sflag:s20] =	ssyncset.done $0x0  }
0x3d: {  	[sflag:s20] =	ssyncadd.s32 $0xFFFFC000  }
0x3e: {  	[tilespmem:$0xA800] =	vst v1  }
0x3f: {  	[tilespmem:$0xA810] =	vst v1  }
0x40: {  	[tilespmem:$0xA820] =	vst v1  }
0x41: {  	[tilespmem:$0xA830] =	vst v1  }
0x42: {  	[tilespmem:$0xA840] =	vst v1  }
0x43: {  	[tilespmem:$0xA850] =	vst v1  }
0x44: {  	[tilespmem:$0xA860] =	vst v1  }
0x45: {  	[tilespmem:$0xA870] =	vst v1  }
0x46: {  	[tilespmem:$0xA880] =	vst v0  }
0x47: {  	[tilespmem:$0xA890] =	vst v0  }
0x48: {  	[tilespmem:$0xA8A0] =	vst v0  }
0x49: {  	[tilespmem:$0xA8B0] =	vst v0  }
0x4a: {  	[tilespmem:$0xA8C0] =	vst v0  }
0x4b: {  	[tilespmem:$0xA8D0] =	vst v0  }
0x4c: {  	[tilespmem:$0xA8E0] =	vst v0  }
0x4d: {  	[tilespmem:$0xA8F0] =	vst v0  }
0x4e: {  	[tilespmem:$0xA900] =	vst v0  }
0x4f: {  	[tilespmem:$0xA910] =	vst v0  }
0x50: {  	[tilespmem:$0xA920] =	vst v0  }
0x51: {  	[tilespmem:$0xA930] =	vst v0  }
0x52: {  	[tilespmem:$0xA940] =	vst v0  }
0x53: {  	[tilespmem:$0xA950] =	vst v0  }
0x54: {  	[tilespmem:$0xA960] =	vst v0  }
0x55: {  	[tilespmem:$0xA970] =	vst v0  }
0x56: {  	[tilespmem:$0xA980] =	vst v0  }
0x57: {  	[tilespmem:$0xA990] =	vst v0  }
0x58: {  	[tilespmem:$0xA9A0] =	vst v0  }
0x59: {  	[tilespmem:$0xA9B0] =	vst v0  }
0x5a: {  	[tilespmem:$0xA9C0] =	vst v0  }
0x5b: {  	[tilespmem:$0xA9D0] =	vst v0  }
0x5c: {  	[tilespmem:$0xA9E0] =	vst v0  }
0x5d: {  	[tilespmem:$0xA9F0] =	vst v0  }
0x5e: {  	[tilespmem:$0xAA00] =	vst v0  }
0x5f: {  	[tilespmem:$0xAA10] =	vst v0  }
0x60: {  	[tilespmem:$0xAA20] =	vst v0  }
0x61: {  	[tilespmem:$0xAA30] =	vst v0  }
0x62: {  	[tilespmem:$0xAA40] =	vst v0  }
0x63: {  	[tilespmem:$0xAA50] =	vst v0  }
0x64: {  	[tilespmem:$0xAA60] =	vst v0  }
0x65: {  	[tilespmem:$0xAA70] =	vst v0  }
0x66: {  	[tilespmem:$0xAA80] =	vst v0  }
0x67: {  	[tilespmem:$0xAA90] =	vst v0  }
0x68: {  	[tilespmem:$0xAAA0] =	vst v0  }
0x69: {  	[tilespmem:$0xAAB0] =	vst v0  }
0x6a: {  	[tilespmem:$0xAAC0] =	vst v0  }
0x6b: {  	[tilespmem:$0xAAD0] =	vst v0  }
0x6c: {  	[tilespmem:$0xAAE0] =	vst v0  }
0x6d: {  	s9 =	simm.s32 $0xA880;
	[tilespmem:$0xAAF0] =	vst v0  }
0x6e: {  	[spmem:s11] =	stream.linear.scatter [tilespmem:s9], [sflag:$0x3], $0x280, $0x38;
	[tilespmem:$0x1ED80] =	vst v63  }
0x6f: {  	_ =	swait.ge [sflag:s20], $0x280  }
0x70: {  	[sflag:s20] =	ssyncset.done $0x0  }
0x71: {  	[sflag:s20] =	ssyncadd.s32 $0xFFFFFD80  }
0x72: {  	s8 =	simm.s32 $0x0;
	[bflag:$0x0] =	sbarrier.arrive $0xFFFF  }
0x73: {  	[tilespmem:s8], [sflag:$0x3] =	stream.linear.gather [hbm4b:s12+s8], $0x1400, $0x38;
	[tilespmem:$0x1ED80] =	vst v63  }
0x74: {  	_ =	swait.ge [sflag:s20], $0x1400  }
0x75: {  	[sflag:s20] =	ssyncset.done $0x0  }
0x76: {  	[sflag:s20] =	ssyncadd.s32 $0xFFFFEC00  }
0x77: {  	[tilespmem:s22], [sflag:$0x3] =	stream.linear.gather [hbm4b:s13+s8], $0x1400, $0x38;
	[tilespmem:$0x1ED80] =	vst v63  }
0x78: {  	_ =	swait.ge [sflag:s20], $0x1400  }
0x79: {  	[sflag:s20] =	ssyncset.done $0x0  }
0x7a: {  	[sflag:s20] =	ssyncadd.s32 $0xFFFFEC00  }
0x7b: {  	[tilespmem:s19], [sflag:$0x1] =	stream.indirect.gather [hbm4b:s5+s23], $0x80, s8, s23, $0xb8;
	[tilespmem:$0x1ED80] =	vst v63  }
0x7c: {  	_ = 	snop  }
0x7d: {  	[tilespmem:s24], [sflag:$0x2] =	stream.indirect.gather [hbm4b:s5+s23], $0x80, s23, s23, $0xb8;
	[tilespmem:$0x1ED80] =	vst v63  }
0x7e: {  	_ =	swait.ge [sflag:s25], $0x4000  }
0x7f: {  	[sflag:s25] =	ssyncset.done $0x0  }
0x80: {  	s9 =	simm.s32 $0x1400;
	[sflag:s25] =	ssyncadd.s32 $0xFFFFC000  }
0x81: {  	[spmem:s1] =	stream.indirect.scatter.add.f32 [tilespmem:s19], [sflag:$0x3], $0x80, s9, s23, $0xb8;
	[tilespmem:$0x1ED80] =	vst v63  }
0x82: {  	_ =	swait.ge [sflag:s20], $0x4000  }
0x83: {  	[sflag:s20] =	ssyncset.done $0x0  }
0x84: {  	[sflag:s20] =	ssyncadd.s32 $0xFFFFC000  }
0x85: {  	[spmem:s2] =	stream.indirect.scatter.add.f32 [tilespmem:s26], [sflag:$0x3], $0x1, s9, s23, $0xb8;
	[tilespmem:$0x1ED80] =	vst v63  }
0x86: {  	_ =	swait.ge [sflag:s20], $0x80  }
0x87: {  	[sflag:s20] =	ssyncset.done $0x0  }
0x88: {  	s8 =	simm.s32 $0x100;
	[sflag:s20] =	ssyncadd.s32 $0xFFFFFF80  }
0x89: {  	[tilespmem:s19], [sflag:$0x1] =	stream.indirect.gather [hbm4b:s5+s23], $0x80, s8, s23, $0xb8;
	[tilespmem:$0x1ED80] =	vst v63  }
0x8a: {  	_ =	swait.ge [sflag:s28], $0x4000  }
0x8b: {  	[sflag:s28] =	ssyncset.done $0x0  }
0x8c: {  	s9 =	simm.s32 $0x1480;
	[sflag:s28] =	ssyncadd.s32 $0xFFFFC000  }
0x8d: {  	[spmem:s1] =	stream.indirect.scatter.add.f32 [tilespmem:s24], [sflag:$0x3], $0x80, s9, s23, $0xb8;
	[tilespmem:$0x1ED80] =	vst v63  }
0x8e: {  	_ =	swait.ge [sflag:s20], $0x4000  }
0x8f: {  	[sflag:s20] =	ssyncset.done $0x0  }
0x90: {  	[sflag:s20] =	ssyncadd.s32 $0xFFFFC000  }
0x91: {  	[spmem:s2] =	stream.indirect.scatter.add.f32 [tilespmem:s26], [sflag:$0x3], $0x1, s9, s23, $0xb8;
	[tilespmem:$0x1ED80] =	vst v63  }
0x92: {  	_ =	swait.ge [sflag:s20], $0x80  }
0x93: {  	[sflag:s20] =	ssyncset.done $0x0  }
0x94: {  	s7 =	simm.s32 $0x400;
	s8 =	simm.s32 $0x180;
	[sflag:s20] =	ssyncadd.s32 $0xFFFFFF80  }
.LBB2_4:
0x95: {  	[tilespmem:s24], [sflag:$0x2] =	stream.indirect.gather [hbm4b:s5+s23], $0x80, s8, s23, $0xb8;
	[tilespmem:$0x1ED80] =	vst v63  }
0x96: {  	s8 =	smov.u32 s7  }
0x97: {  	p0 =	sne.s32 s7, $0x4400;
	s7 =	sadd.s32 $0x400, s7;
	_ =	swait.ge [sflag:s25], $0x4000  }
0x98: {  	s8 =	sshra.s32 s8, $0x2;
	[sflag:s25] =	ssyncset.done $0x0  }
0x99: {  	s9 =	sadd.s32 $0x1400, s8;
	[sflag:s25] =	ssyncadd.s32 $0xFFFFC000  }
0x9a: {  	[spmem:s1] =	stream.indirect.scatter.add.f32 [tilespmem:s19], [sflag:$0x3], $0x80, s9, s23, $0xb8;
	[tilespmem:$0x1ED80] =	vst v63  }
0x9b: {  	_ =	swait.ge [sflag:s20], $0x4000  }
0x9c: {  	[sflag:s20] =	ssyncset.done $0x0  }
0x9d: {  	[sflag:s20] =	ssyncadd.s32 $0xFFFFC000  }
0x9e: {  	[spmem:s2] =	stream.indirect.scatter.add.f32 [tilespmem:s26], [sflag:$0x3], $0x1, s9, s23, $0xb8;
	[tilespmem:$0x1ED80] =	vst v63  }
0x9f: {  	_ =	swait.ge [sflag:s20], $0x80  }
0xa0: {  	[sflag:s20] =	ssyncset.done $0x0  }
0xa1: {  	s9 =	sadd.s32 $0x100, s8;
	[sflag:s20] =	ssyncadd.s32 $0xFFFFFF80  }
0xa2: {  	[tilespmem:s19], [sflag:$0x1] =	stream.indirect.gather [hbm4b:s5+s23], $0x80, s9, s23, $0xb8;
	[tilespmem:$0x1ED80] =	vst v63  }
0xa3: {  	_ =	swait.ge [sflag:s28], $0x4000  }
0xa4: {  	[sflag:s28] =	ssyncset.done $0x0  }
0xa5: {  	s9 =	sadd.s32 $0x1480, s8;
	[sflag:s28] =	ssyncadd.s32 $0xFFFFC000  }
0xa6: {  	[spmem:s1] =	stream.indirect.scatter.add.f32 [tilespmem:s24], [sflag:$0x3], $0x80, s9, s23, $0xb8;
	[tilespmem:$0x1ED80] =	vst v63  }
0xa7: {  	_ =	swait.ge [sflag:s20], $0x4000  }
0xa8: {  	[sflag:s20] =	ssyncset.done $0x0  }
.Ltmp1:
0xa9: {  	[sflag:s20] =	ssyncadd.s32 $0xFFFFC000;
	(pc) =	sbr.rel @p0 .LBB2_4-.Ltmp1, $4  }
0xaa: {  	[spmem:s2] =	stream.indirect.scatter.add.f32 [tilespmem:s26], [sflag:$0x3], $0x1, s9, s23, $0xb8;
	[tilespmem:$0x1ED80] =	vst v63  }
0xab: {  	_ =	swait.ge [sflag:s20], $0x80  }
0xac: {  	[sflag:s20] =	ssyncset.done $0x0  }
0xad: {  	s8 =	sadd.s32 $0x180, s8;
	[sflag:s20] =	ssyncadd.s32 $0xFFFFFF80  }
0xae: {  	[tilespmem:s24], [sflag:$0x2] =	stream.indirect.gather [hbm4b:s5+s23], $0x80, s8, s23, $0xb8;
	[tilespmem:$0x1ED80] =	vst v63  }
0xaf: {  	_ =	swait.ge [sflag:s25], $0x4000  }
0xb0: {  	[sflag:s25] =	ssyncset.done $0x0  }
0xb1: {  	[sflag:s25] =	ssyncadd.s32 $0xFFFFC000  }
0xb2: {  	[spmem:s1] =	stream.indirect.scatter.add.f32 [tilespmem:s19], [sflag:$0x3], $0x80, s29, s23, $0xb8;
	[tilespmem:$0x1ED80] =	vst v63  }
0xb3: {  	_ =	swait.ge [sflag:s20], $0x4000  }
0xb4: {  	[sflag:s20] =	ssyncset.done $0x0  }
0xb5: {  	[sflag:s20] =	ssyncadd.s32 $0xFFFFC000  }
0xb6: {  	[spmem:s2] =	stream.indirect.scatter.add.f32 [tilespmem:s26], [sflag:$0x3], $0x1, s29, s23, $0xb8;
	[tilespmem:$0x1ED80] =	vst v63  }
0xb7: {  	_ =	swait.ge [sflag:s20], $0x80  }
0xb8: {  	[sflag:s20] =	ssyncset.done $0x0  }
0xb9: {  	[sflag:s20] =	ssyncadd.s32 $0xFFFFFF80  }
0xba: {  	[tilespmem:s19], [sflag:$0x1] =	stream.indirect.gather [hbm4b:s5+s23], $0x80, s30, s23, $0xb8;
	[tilespmem:$0x1ED80] =	vst v63  }
0xbb: {  	_ =	swait.ge [sflag:s28], $0x4000  }
0xbc: {  	[sflag:s28] =	ssyncset.done $0x0  }
0xbd: {  	[sflag:s28] =	ssyncadd.s32 $0xFFFFC000  }
0xbe: {  	[spmem:s1] =	stream.indirect.scatter.add.f32 [tilespmem:s24], [sflag:$0x3], $0x80, s31, s23, $0xb8;
	[tilespmem:$0x1ED80] =	vst v63  }
0xbf: {  	_ =	swait.ge [sflag:s20], $0x4000  }
0xc0: {  	[sflag:s20] =	ssyncset.done $0x0  }
0xc1: {  	[sflag:s20] =	ssyncadd.s32 $0xFFFFC000  }
0xc2: {  	[spmem:s2] =	stream.indirect.scatter.add.f32 [tilespmem:s26], [sflag:$0x3], $0x1, s31, s23, $0xb8;
	[tilespmem:$0x1ED80] =	vst v63  }
0xc3: {  	_ =	swait.ge [sflag:s20], $0x80  }
0xc4: {  	[sflag:s20] =	ssyncset.done $0x0  }
0xc5: {  	[sflag:s20] =	ssyncadd.s32 $0xFFFFFF80  }
0xc6: {  	[tilespmem:s24], [sflag:$0x2] =	stream.indirect.gather [hbm4b:s5+s23], $0x80, s0, s23, $0xb8;
	[tilespmem:$0x1ED80] =	vst v63  }
0xc7: {  	_ =	swait.ge [sflag:s25], $0x4000  }
0xc8: {  	[sflag:s25] =	ssyncset.done $0x0  }
0xc9: {  	[sflag:s25] =	ssyncadd.s32 $0xFFFFC000  }
0xca: {  	[spmem:s1] =	stream.indirect.scatter.add.f32 [tilespmem:s19], [sflag:$0x3], $0x80, s21, s23, $0xb8;
	[tilespmem:$0x1ED80] =	vst v63  }
0xcb: {  	_ =	swait.ge [sflag:s20], $0x4000  }
0xcc: {  	[sflag:s20] =	ssyncset.done $0x0  }
0xcd: {  	[sflag:s20] =	ssyncadd.s32 $0xFFFFC000  }
0xce: {  	[spmem:s2] =	stream.indirect.scatter.add.f32 [tilespmem:s26], [sflag:$0x3], $0x1, s21, s23, $0xb8;
	[tilespmem:$0x1ED80] =	vst v63  }
0xcf: {  	_ =	swait.ge [sflag:s20], $0x80  }
0xd0: {  	[sflag:s20] =	ssyncset.done $0x0  }
0xd1: {  	[sflag:s20] =	ssyncadd.s32 $0xFFFFFF80  }
0xd2: {  	[tilespmem:s19], [sflag:$0x1] =	stream.indirect.gather [hbm4b:s5+s23], $0x80, s0, s23, $0xb8;
	[tilespmem:$0x1ED80] =	vst v63  }
0xd3: {  	_ =	swait.ge [sflag:s28], $0x4000  }
0xd4: {  	[sflag:s28] =	ssyncset.done $0x0  }
0xd5: {  	[sflag:s28] =	ssyncadd.s32 $0xFFFFC000  }
0xd6: {  	[spmem:s1] =	stream.indirect.scatter.add.f32 [tilespmem:s24], [sflag:$0x3], $0x80, s3, s23, $0xb8;
	[tilespmem:$0x1ED80] =	vst v63  }
0xd7: {  	_ =	swait.ge [sflag:s20], $0x4000  }
0xd8: {  	[sflag:s20] =	ssyncset.done $0x0  }
0xd9: {  	[sflag:s20] =	ssyncadd.s32 $0xFFFFC000  }
0xda: {  	[spmem:s2] =	stream.indirect.scatter.add.f32 [tilespmem:s26], [sflag:$0x3], $0x1, s3, s23, $0xb8;
	[tilespmem:$0x1ED80] =	vst v63  }
0xdb: {  	_ =	swait.ge [sflag:s20], $0x80  }
0xdc: {  	[sflag:s20] =	ssyncset.done $0x0  }
0xdd: {  	[sflag:s20] =	ssyncadd.s32 $0xFFFFFF80  }
0xde: {  	[tilespmem:s24], [sflag:$0x2] =	stream.indirect.gather [hbm4b:s5+s23], $0x80, s0, s23, $0xb8;
	[tilespmem:$0x1ED80] =	vst v63  }
0xdf: {  	_ =	swait.ge [sflag:s25], $0x4000  }
0xe0: {  	[sflag:s25] =	ssyncset.done $0x0  }
0xe1: {  	[sflag:s25] =	ssyncadd.s32 $0xFFFFC000  }
0xe2: {  	_ =	swait.ge [sflag:s28], $0x4000  }
0xe3: {  	[sflag:s28] =	ssyncset.done $0x0  }
0xe4: {  	s7 =	simm.s32 $0x0;
	[sflag:s28] =	ssyncadd.s32 $0xFFFFC000  }
0xe5: {  	[tilespmem:s7], [sflag:$0x3] =	stream.linear.gather [hbm4b:s14+s7], $0x1400, $0x38;
	[tilespmem:$0x1ED80] =	vst v63  }
0xe6: {  	_ =	swait.ge [sflag:s20], $0x1400  }
0xe7: {  	[sflag:s20] =	ssyncset.done $0x0  }
0xe8: {  	[sflag:s20] =	ssyncadd.s32 $0xFFFFEC00  }
0xe9: {  	[tilespmem:s22], [sflag:$0x3] =	stream.linear.gather [hbm4b:s15+s7], $0x1400, $0x38;
	[tilespmem:$0x1ED80] =	vst v63  }
0xea: {  	_ =	swait.ge [sflag:s20], $0x1400  }
0xeb: {  	[sflag:s20] =	ssyncset.done $0x0  }
0xec: {  	[sflag:s20] =	ssyncadd.s32 $0xFFFFEC00  }
0xed: {  	[tilespmem:s19], [sflag:$0x1] =	stream.indirect.gather [hbm4b:s5+s23], $0x80, s7, s23, $0xb8;
	[tilespmem:$0x1ED80] =	vst v63  }
0xee: {  	_ = 	snop  }
0xef: {  	[tilespmem:s24], [sflag:$0x2] =	stream.indirect.gather [hbm4b:s5+s23], $0x80, s23, s23, $0xb8;
	[tilespmem:$0x1ED80] =	vst v63  }
0xf0: {  	_ =	swait.ge [sflag:s25], $0x4000  }
0xf1: {  	[sflag:s25] =	ssyncset.done $0x0  }
0xf2: {  	s9 =	simm.s32 $0x1400;
	[sflag:s25] =	ssyncadd.s32 $0xFFFFC000  }
0xf3: {  	[spmem:s1] =	stream.indirect.scatter.add.f32 [tilespmem:s19], [sflag:$0x3], $0x80, s9, s23, $0xb8;
	[tilespmem:$0x1ED80] =	vst v63  }
0xf4: {  	_ =	swait.ge [sflag:s20], $0x4000  }
0xf5: {  	[sflag:s20] =	ssyncset.done $0x0  }
0xf6: {  	[sflag:s20] =	ssyncadd.s32 $0xFFFFC000  }
0xf7: {  	[spmem:s2] =	stream.indirect.scatter.add.f32 [tilespmem:s26], [sflag:$0x3], $0x1, s9, s23, $0xb8;
	[tilespmem:$0x1ED80] =	vst v63  }
0xf8: {  	_ =	swait.ge [sflag:s20], $0x80  }
0xf9: {  	[sflag:s20] =	ssyncset.done $0x0  }
0xfa: {  	s8 =	simm.s32 $0x100;
	[sflag:s20] =	ssyncadd.s32 $0xFFFFFF80  }
0xfb: {  	[tilespmem:s19], [sflag:$0x1] =	stream.indirect.gather [hbm4b:s5+s23], $0x80, s8, s23, $0xb8;
	[tilespmem:$0x1ED80] =	vst v63  }
0xfc: {  	_ =	swait.ge [sflag:s28], $0x4000  }
0xfd: {  	[sflag:s28] =	ssyncset.done $0x0  }
0xfe: {  	s9 =	simm.s32 $0x1480;
	[sflag:s28] =	ssyncadd.s32 $0xFFFFC000  }
0xff: {  	[spmem:s1] =	stream.indirect.scatter.add.f32 [tilespmem:s24], [sflag:$0x3], $0x80, s9, s23, $0xb8;
	[tilespmem:$0x1ED80] =	vst v63  }
0x100: {  	_ =	swait.ge [sflag:s20], $0x4000  }
0x101: {  	[sflag:s20] =	ssyncset.done $0x0  }
0x102: {  	[sflag:s20] =	ssyncadd.s32 $0xFFFFC000  }
0x103: {  	[spmem:s2] =	stream.indirect.scatter.add.f32 [tilespmem:s26], [sflag:$0x3], $0x1, s9, s23, $0xb8;
	[tilespmem:$0x1ED80] =	vst v63  }
0x104: {  	_ =	swait.ge [sflag:s20], $0x80  }
0x105: {  	[sflag:s20] =	ssyncset.done $0x0  }
0x106: {  	s7 =	simm.s32 $0x400;
	s8 =	simm.s32 $0x180;
	[sflag:s20] =	ssyncadd.s32 $0xFFFFFF80  }
.LBB2_6:
0x107: {  	[tilespmem:s24], [sflag:$0x2] =	stream.indirect.gather [hbm4b:s5+s23], $0x80, s8, s23, $0xb8;
	[tilespmem:$0x1ED80] =	vst v63  }
0x108: {  	s8 =	smov.u32 s7  }
0x109: {  	p0 =	sne.s32 s7, $0x4400;
	s7 =	sadd.s32 $0x400, s7;
	_ =	swait.ge [sflag:s25], $0x4000  }
0x10a: {  	s8 =	sshra.s32 s8, $0x2;
	[sflag:s25] =	ssyncset.done $0x0  }
0x10b: {  	s9 =	sadd.s32 $0x1400, s8;
	[sflag:s25] =	ssyncadd.s32 $0xFFFFC000  }
0x10c: {  	[spmem:s1] =	stream.indirect.scatter.add.f32 [tilespmem:s19], [sflag:$0x3], $0x80, s9, s23, $0xb8;
	[tilespmem:$0x1ED80] =	vst v63  }
0x10d: {  	_ =	swait.ge [sflag:s20], $0x4000  }
0x10e: {  	[sflag:s20] =	ssyncset.done $0x0  }
0x10f: {  	[sflag:s20] =	ssyncadd.s32 $0xFFFFC000  }
0x110: {  	[spmem:s2] =	stream.indirect.scatter.add.f32 [tilespmem:s26], [sflag:$0x3], $0x1, s9, s23, $0xb8;
	[tilespmem:$0x1ED80] =	vst v63  }
0x111: {  	_ =	swait.ge [sflag:s20], $0x80  }
0x112: {  	[sflag:s20] =	ssyncset.done $0x0  }
0x113: {  	s9 =	sadd.s32 $0x100, s8;
	[sflag:s20] =	ssyncadd.s32 $0xFFFFFF80  }
0x114: {  	[tilespmem:s19], [sflag:$0x1] =	stream.indirect.gather [hbm4b:s5+s23], $0x80, s9, s23, $0xb8;
	[tilespmem:$0x1ED80] =	vst v63  }
0x115: {  	_ =	swait.ge [sflag:s28], $0x4000  }
0x116: {  	[sflag:s28] =	ssyncset.done $0x0  }
0x117: {  	s9 =	sadd.s32 $0x1480, s8;
	[sflag:s28] =	ssyncadd.s32 $0xFFFFC000  }
0x118: {  	[spmem:s1] =	stream.indirect.scatter.add.f32 [tilespmem:s24], [sflag:$0x3], $0x80, s9, s23, $0xb8;
	[tilespmem:$0x1ED80] =	vst v63  }
0x119: {  	_ =	swait.ge [sflag:s20], $0x4000  }
0x11a: {  	[sflag:s20] =	ssyncset.done $0x0  }
.Ltmp2:
0x11b: {  	[sflag:s20] =	ssyncadd.s32 $0xFFFFC000;
	(pc) =	sbr.rel @p0 .LBB2_6-.Ltmp2, $4  }
0x11c: {  	[spmem:s2] =	stream.indirect.scatter.add.f32 [tilespmem:s26], [sflag:$0x3], $0x1, s9, s23, $0xb8;
	[tilespmem:$0x1ED80] =	vst v63  }
0x11d: {  	_ =	swait.ge [sflag:s20], $0x80  }
0x11e: {  	[sflag:s20] =	ssyncset.done $0x0  }
0x11f: {  	s8 =	sadd.s32 $0x180, s8;
	[sflag:s20] =	ssyncadd.s32 $0xFFFFFF80  }
0x120: {  	[tilespmem:s24], [sflag:$0x2] =	stream.indirect.gather [hbm4b:s5+s23], $0x80, s8, s23, $0xb8;
	[tilespmem:$0x1ED80] =	vst v63  }
0x121: {  	_ =	swait.ge [sflag:s25], $0x4000  }
0x122: {  	[sflag:s25] =	ssyncset.done $0x0  }
0x123: {  	[sflag:s25] =	ssyncadd.s32 $0xFFFFC000  }
0x124: {  	[spmem:s1] =	stream.indirect.scatter.add.f32 [tilespmem:s19], [sflag:$0x3], $0x80, s29, s23, $0xb8;
	[tilespmem:$0x1ED80] =	vst v63  }
0x125: {  	_ =	swait.ge [sflag:s20], $0x4000  }
0x126: {  	[sflag:s20] =	ssyncset.done $0x0  }
0x127: {  	[sflag:s20] =	ssyncadd.s32 $0xFFFFC000  }
0x128: {  	[spmem:s2] =	stream.indirect.scatter.add.f32 [tilespmem:s26], [sflag:$0x3], $0x1, s29, s23, $0xb8;
	[tilespmem:$0x1ED80] =	vst v63  }
0x129: {  	_ =	swait.ge [sflag:s20], $0x80  }
0x12a: {  	[sflag:s20] =	ssyncset.done $0x0  }
0x12b: {  	[sflag:s20] =	ssyncadd.s32 $0xFFFFFF80  }
0x12c: {  	[tilespmem:s19], [sflag:$0x1] =	stream.indirect.gather [hbm4b:s5+s23], $0x80, s30, s23, $0xb8;
	[tilespmem:$0x1ED80] =	vst v63  }
0x12d: {  	_ =	swait.ge [sflag:s28], $0x4000  }
0x12e: {  	[sflag:s28] =	ssyncset.done $0x0  }
0x12f: {  	[sflag:s28] =	ssyncadd.s32 $0xFFFFC000  }
0x130: {  	[spmem:s1] =	stream.indirect.scatter.add.f32 [tilespmem:s24], [sflag:$0x3], $0x80, s31, s23, $0xb8;
	[tilespmem:$0x1ED80] =	vst v63  }
0x131: {  	_ =	swait.ge [sflag:s20], $0x4000  }
0x132: {  	[sflag:s20] =	ssyncset.done $0x0  }
0x133: {  	[sflag:s20] =	ssyncadd.s32 $0xFFFFC000  }
0x134: {  	[spmem:s2] =	stream.indirect.scatter.add.f32 [tilespmem:s26], [sflag:$0x3], $0x1, s31, s23, $0xb8;
	[tilespmem:$0x1ED80] =	vst v63  }
0x135: {  	_ =	swait.ge [sflag:s20], $0x80  }
0x136: {  	[sflag:s20] =	ssyncset.done $0x0  }
0x137: {  	[sflag:s20] =	ssyncadd.s32 $0xFFFFFF80  }
0x138: {  	[tilespmem:s24], [sflag:$0x2] =	stream.indirect.gather [hbm4b:s5+s23], $0x80, s0, s23, $0xb8;
	[tilespmem:$0x1ED80] =	vst v63  }
0x139: {  	_ =	swait.ge [sflag:s25], $0x4000  }
0x13a: {  	[sflag:s25] =	ssyncset.done $0x0  }
0x13b: {  	[sflag:s25] =	ssyncadd.s32 $0xFFFFC000  }
0x13c: {  	[spmem:s1] =	stream.indirect.scatter.add.f32 [tilespmem:s19], [sflag:$0x3], $0x80, s21, s23, $0xb8;
	[tilespmem:$0x1ED80] =	vst v63  }
0x13d: {  	_ =	swait.ge [sflag:s20], $0x4000  }
0x13e: {  	[sflag:s20] =	ssyncset.done $0x0  }
0x13f: {  	[sflag:s20] =	ssyncadd.s32 $0xFFFFC000  }
0x140: {  	[spmem:s2] =	stream.indirect.scatter.add.f32 [tilespmem:s26], [sflag:$0x3], $0x1, s21, s23, $0xb8;
	[tilespmem:$0x1ED80] =	vst v63  }
0x141: {  	_ =	swait.ge [sflag:s20], $0x80  }
0x142: {  	[sflag:s20] =	ssyncset.done $0x0  }
0x143: {  	[sflag:s20] =	ssyncadd.s32 $0xFFFFFF80  }
0x144: {  	[tilespmem:s19], [sflag:$0x1] =	stream.indirect.gather [hbm4b:s5+s23], $0x80, s0, s23, $0xb8;
	[tilespmem:$0x1ED80] =	vst v63  }
0x145: {  	_ =	swait.ge [sflag:s28], $0x4000  }
0x146: {  	[sflag:s28] =	ssyncset.done $0x0  }
0x147: {  	[sflag:s28] =	ssyncadd.s32 $0xFFFFC000  }
0x148: {  	[spmem:s1] =	stream.indirect.scatter.add.f32 [tilespmem:s24], [sflag:$0x3], $0x80, s3, s23, $0xb8;
	[tilespmem:$0x1ED80] =	vst v63  }
0x149: {  	_ =	swait.ge [sflag:s20], $0x4000  }
0x14a: {  	[sflag:s20] =	ssyncset.done $0x0  }
0x14b: {  	[sflag:s20] =	ssyncadd.s32 $0xFFFFC000  }
0x14c: {  	[spmem:s2] =	stream.indirect.scatter.add.f32 [tilespmem:s26], [sflag:$0x3], $0x1, s3, s23, $0xb8;
	[tilespmem:$0x1ED80] =	vst v63  }
0x14d: {  	_ =	swait.ge [sflag:s20], $0x80  }
0x14e: {  	[sflag:s20] =	ssyncset.done $0x0  }
0x14f: {  	[sflag:s20] =	ssyncadd.s32 $0xFFFFFF80  }
0x150: {  	[tilespmem:s24], [sflag:$0x2] =	stream.indirect.gather [hbm4b:s5+s23], $0x80, s0, s23, $0xb8;
	[tilespmem:$0x1ED80] =	vst v63  }
0x151: {  	_ =	swait.ge [sflag:s25], $0x4000  }
0x152: {  	[sflag:s25] =	ssyncset.done $0x0  }
0x153: {  	[sflag:s25] =	ssyncadd.s32 $0xFFFFC000  }
0x154: {  	_ =	swait.ge [sflag:s28], $0x4000  }
0x155: {  	s7 =	stileid.u32;
	[sflag:s28] =	ssyncset.done $0x0  }
0x156: {  	s7 =	sshll.u32 s7, $0x6;
	[sflag:s28] =	ssyncadd.s32 $0xFFFFC000  }
0x157: {  	s9 =	sshrl.u32 s6, $0x3;
	s7 =	sor.u32 $0x1C03, s7;
	[bflag:$0x0] =	sbarrier.arrive $0xFFFF  }
0x158: {  	[hbm:s16], [sflag:s7] =	dma.local [spmem:s9], $0x2800  }
0x159: {  	s4 =	sadd.s32 $0x1, s4;
	_ =	swait.ge [sflag:s20], $0x2800  }
0x15a: {  	s8 =	sshrl.u32 s11, $0x3;
	p0 =	sne.s32 s4, s18;
	[sflag:s20] =	ssyncset.done $0x0  }
.Ltmp3:
0x15b: {  	s9 =	simm.s32 $0x20;
	[sflag:s20] =	ssyncadd.s32 $0xFFFFD800;
	(pc) =	sbr.rel @p0 .LBB2_1-.Ltmp3, $4  }
0x15c: {  	[hbm:s17@s9], [sflag:s7] =	dma.strided [spmem:s8@s10], $0x50, s25, $0x10   }
0x15d: {  	_ =	swait.ge [sflag:s20], $0x50  }
0x15e: {  	[sflag:s20] =	ssyncset.done $0x0  }
0x15f: {  	[sflag:s20] =	ssyncadd.s32 $0xFFFFFFB0  }
0x160: {  	_ =	sfence.sel $0x180000  }
0x161: {  	[bflag:$0x0] =	sbarrier.arrive $0xFFFF  }
0x162: {  	_ =	strace $0x90000047  }
0x163: {  	s0 =	stileid.u32;
	[bflag:$0x2] =	sbarrier.arrive $0xFFFF  }
0x164: {  	p0 =	sne.s32 s0, $0x0;
	s0 =	rddreg [dreg:$0x3]  }
0x165: {  	s0 =	sadd.s32 @!p0 $0x100000, s0  }
0x166: {  	[sflag:s0] =	ssyncadd.tile.s32 @!p0 $0x1;
	_ =	shalt  }
.Lfunc_end2:
_tile_overlayer_lowered:
.L_overlay_start_2:
0x167: {  	(tag) =	ssettag $0x2  }
0x168: {  	s0 =	rddreg [dreg:$0x0];
	s2 =	stileid.u32  }
0x169: {  	s1 =	rddreg [dreg:$0x1];
	p0 =	sne.s32 s2, $0x0  }
0x16a: {  	s3 =	rddreg [dreg:$0x2];
	[bflag:$0x3] =	sbarrier.arrive $0xFFFF;
	s2 =	simm.s32 @!p0 $0x1C03  }
0x16b: {  	[timem:s3], [sflag:s2] =	dma.local @!p0 [hbm:s0], s1  }
0x16c: {  	s0 =	simm.s32 @!p0 $0x3  }
0x16d: {  	_ =	swait.ge @!p0 [sflag:s0], s1  }
0x16e: {  	s1 =	ssub.s32 @!p0 $0x0, s1;
	[sflag:s0] =	ssyncset.done @!p0 $0x0  }
0x16f: {  	[sflag:s0] =	ssyncadd.s32 @!p0 s1  }
0x170: {  	[bflag:$0x3] =	sbarrier.arrive $0xFFFF  }
0x171: {  	_ =	shalt  }

</sc_bundles>
